<compile_context>
chip_gen: v7x
topology: tpu7x:2x2x1
jax: 0.10.2.dev20260603
libtpu: 0.0.44.dev20260713+nightly
codegen_flags: <defaults>
</compile_context>

<pallas_src>
import jax
import jax.numpy as jnp
from jax import lax
from jax.experimental import pallas as pl
from jax.experimental.pallas import tpu as pltpu
from jax.experimental.pallas import tpu_sc as plsc

D = 64
SCALE = 8.0
NC, NS, L = 2, 16, 16
NW = NC * NS
BW = 128
NBUF = 4


def _emb_body(S, idx_hbm, table_hbm, out_hbm, idx_v, rowbufs, tbufs, gsems, wsems):
    wid = lax.axis_index("s") * NC + lax.axis_index("c")
    b0 = wid * BW
    pltpu.sync_copy(idx_hbm.at[:, pl.ds(b0, BW)], idx_v)

    iota = lax.iota(jnp.int32, L)
    dvecs = [jnp.full((L,), 16 * k, jnp.int32) + iota for k in range(4)]

    def fire(s, slot):
        pltpu.async_copy(table_hbm.at[idx_v.at[s]], rowbufs[slot], gsems[slot])

    for slot in range(NBUF):
        fire(slot, slot)

    def round_body(g, carry):
        for u in range(NBUF):
            s = g * NBUF + u
            slot = u
            tsl = u % 2
            pltpu.make_async_copy(
                table_hbm.at[pl.ds(0, BW)], rowbufs[slot], gsems[slot]
            ).wait()

            if u >= 2:
                for i in range(D // 8):
                    pltpu.make_async_copy(
                        tbufs[tsl].at[pl.ds(8 * i, 8), pl.ds(0, BW)],
                        out_hbm.at[s - 2, i, wid],
                        wsems[tsl],
                    ).wait()
            else:

                @pl.when(g > 0)
                def _():
                    for i in range(D // 8):
                        pltpu.make_async_copy(
                            tbufs[tsl].at[pl.ds(8 * i, 8), pl.ds(0, BW)],
                            out_hbm.at[s - 2, i, wid],
                            wsems[tsl],
                        ).wait()

            @plsc.parallel_loop(0, BW, unroll=8)
            def transpose_scale(b):
                colv = jnp.full((L,), b, jnp.int32)
                for k in range(4):
                    v = rowbufs[slot][b, pl.ds(16 * k, L)] * SCALE
                    plsc.store_scatter(tbufs[tsl], [dvecs[k], colv], v)

            for i in range(D // 8):
                pltpu.async_copy(
                    tbufs[tsl].at[pl.ds(8 * i, 8), pl.ds(0, BW)],
                    out_hbm.at[s, i, wid],
                    wsems[tsl],
                )

            @pl.when(s + NBUF < S)
            def _():
                fire(s + NBUF, slot)

        return carry

    lax.fori_loop(0, S // NBUF, round_body, 0)

    for tsl in range(2):
        for i in range(D // 8):
            pltpu.make_async_copy(
                tbufs[tsl].at[pl.ds(8 * i, 8), pl.ds(0, BW)],
                out_hbm.at[S - 2 + tsl, i, wid],
                wsems[tsl],
            ).wait()


def kernel(tokens, table):
    B, S = tokens.shape
    assert B == NW * BW and S % NBUF == 0
    idx = tokens.T.astype(jnp.int32)
    mesh = plsc.VectorSubcoreMesh(core_axis_name="c", subcore_axis_name="s")
    out5 = pl.kernel(
        lambda *refs: _emb_body(S, *refs),
        out_type=jax.ShapeDtypeStruct((S, D // 8, B // 128, 8, 128), jnp.float32),
        mesh=mesh,
        compiler_params=pltpu.CompilerParams(
            use_tc_tiling_on_sc=False, needs_layout_passes=False
        ),
        scratch_types=[
            pltpu.VMEM((S, BW), jnp.int32),
            [pltpu.VMEM((BW, D), jnp.float32) for _ in range(NBUF)],
            [pltpu.VMEM((D, 129), jnp.float32) for _ in range(2)],
            [pltpu.SemaphoreType.DMA for _ in range(NBUF)],
            [pltpu.SemaphoreType.DMA for _ in range(2)],
        ],
    )(idx, table)
    return out5.transpose(2, 4, 0, 1, 3).reshape(B, S, D)

# --- scband reference (transcript-rebuilt; emitter-appended) ---
"""Pipeline reference for scband-token-embedding-40561671143805 (READ-ONLY COPY).

The authoritative reference and input builder live on the scoring server;
editing this copy changes nothing except your own understanding.
"""

import jax, jax.numpy as jnp
import numpy as np

VOCAB_SIZE = 1000000
EMBED_DIM = 64

def setup_inputs(seed: int = 0) -> dict:
    key = jax.random.key(seed)
    k_idx, k_tab = jax.random.split(key)
    tokens = jax.random.randint(k_idx, (4096, 200), 0, VOCAB_SIZE, dtype=jnp.int64) if jax.config.jax_enable_x64 else jax.random.randint(k_idx, (4096, 200), 0, VOCAB_SIZE, dtype=jnp.int32)
    table = jax.random.normal(k_tab, (VOCAB_SIZE, EMBED_DIM), dtype=jnp.float32)
    return {"tokens": tokens, "table": table}

def reference(tokens, table) -> jnp.ndarray:
    # TokenEmbedding.forward: embedding(tokens.long()) * embed_dim ** 0.5
    emb = jnp.take(table, tokens, axis=0)
    return emb * (EMBED_DIM ** 0.5)

if __name__ == "__main__":
    import jax
    _d = setup_inputs()
    print(jax.jit(kernel)(*tuple(_d.values())))

</pallas_src>

<mosaic_0001>
#map = affine_map<(d0, d1) -> (0, 0)>
#map1 = affine_map<(d0, d1) -> (0, 0, 0, 0, 0)>
module attributes {stable_mosaic.version = 14 : i64} {
  func.func @_lambda_(%arg0: i32, %arg1: i32, %arg2: memref<200x4096xi32, #tpu.memory_space<hbm>>, %arg3: memref<1000000x64xf32, #tpu.memory_space<hbm>>, %arg4: memref<200x8x32x8x128xf32, #tpu.memory_space<hbm>>, %arg5: memref<200x128xi32, #tpu.memory_space<vmem>>, %arg6: memref<128x64xf32, #tpu.memory_space<vmem>>, %arg7: memref<128x64xf32, #tpu.memory_space<vmem>>, %arg8: memref<128x64xf32, #tpu.memory_space<vmem>>, %arg9: memref<128x64xf32, #tpu.memory_space<vmem>>, %arg10: memref<64x129xf32, #tpu.memory_space<vmem>>, %arg11: memref<64x129xf32, #tpu.memory_space<vmem>>, %arg12: memref<!tpu.dma_semaphore, #tpu.memory_space<semaphore_mem>>, %arg13: memref<!tpu.dma_semaphore, #tpu.memory_space<semaphore_mem>>, %arg14: memref<!tpu.dma_semaphore, #tpu.memory_space<semaphore_mem>>, %arg15: memref<!tpu.dma_semaphore, #tpu.memory_space<semaphore_mem>>, %arg16: memref<!tpu.dma_semaphore, #tpu.memory_space<semaphore_mem>>, %arg17: memref<!tpu.dma_semaphore, #tpu.memory_space<semaphore_mem>>) attributes {dimension_semantics = [#tpu.dimension_semantics<core_parallel>, #tpu.dimension_semantics<subcore_parallel>], iteration_bounds = array<i64: 2, 16>, scalar_prefetch = 0 : i64, scratch_operands = 13 : i64, tpu.core_type = #tpu.core_type<sc_vector_subcore>, window_params = [{transform_indices = #map}, {transform_indices = #map}, {transform_indices = #map1}]} {
    %mul3A = arith.constant 2 : i32
    %mul3A_0 = arith.muli %arg1, %mul3A : i32
    %add3A = arith.addi %mul3A_0, %arg0 : i32
    %mul3A_1 = arith.constant 128 : i32
    %mul3A_2 = arith.muli %add3A, %mul3A_1 : i32
    "tpu.region"() ({
      %run_scoped3A = tpu.sem_alloc : memref<!tpu.dma_semaphore, #tpu.memory_space<semaphore_mem>>
      %dma_start3A_301 = arith.constant 0 : i32
      %dma_start3A_302 = tpu.memref_slice %arg2[%dma_start3A_301, %mul3A_2] : memref<200x4096xi32, #tpu.memory_space<hbm>> -> memref<200x128xi32, #tpu.memory_space<hbm>>
      %dma_start3A_303 = arith.constant 0 : i32
      %dma_start3A_304 = tpu.memref_slice %arg2[%dma_start3A_303, %mul3A_2] : memref<200x4096xi32, #tpu.memory_space<hbm>> -> memref<200x128xi32, #tpu.memory_space<hbm>>
      tpu.enqueue_dma source(%dma_start3A_304 : memref<200x128xi32, #tpu.memory_space<hbm>>) target(%arg5 : memref<200x128xi32, #tpu.memory_space<vmem>>) target_semaphore(%run_scoped3A : memref<!tpu.dma_semaphore, #tpu.memory_space<semaphore_mem>>)
      %dma_wait3A_305 = arith.constant 0 : i32
      %dma_wait3A_306 = tpu.memref_slice %arg2[%dma_wait3A_305, %mul3A_2] : memref<200x4096xi32, #tpu.memory_space<hbm>> -> memref<200x128xi32, #tpu.memory_space<hbm>>
      %dma_wait3A_307 = arith.constant 0 : i32
      %dma_wait3A_308 = tpu.memref_slice %arg2[%dma_wait3A_307, %mul3A_2] : memref<200x4096xi32, #tpu.memory_space<hbm>> -> memref<200x128xi32, #tpu.memory_space<hbm>>
      tpu.wait_dma2 semaphore(%run_scoped3A : memref<!tpu.dma_semaphore, #tpu.memory_space<semaphore_mem>>) src(%dma_wait3A_308 : memref<200x128xi32, #tpu.memory_space<hbm>>) dst(%arg5 : memref<200x128xi32, #tpu.memory_space<vmem>>)
      tpu.yield
    }) : () -> ()
    %iota3A = tpu.iota {dimensions = array<i32: 0>} : vector<16xi32>
    %broadcast_in_dim3A = arith.constant 0 : i32
    %broadcast_in_dim3A_3 = vector.broadcast %broadcast_in_dim3A : i32 to vector<16xi32>
    %add3A_4 = arith.addi %broadcast_in_dim3A_3, %iota3A : vector<16xi32>
    %broadcast_in_dim3A_5 = arith.constant 16 : i32
    %broadcast_in_dim3A_6 = vector.broadcast %broadcast_in_dim3A_5 : i32 to vector<16xi32>
    %add3A_7 = arith.addi %broadcast_in_dim3A_6, %iota3A : vector<16xi32>
    %broadcast_in_dim3A_8 = arith.constant 32 : i32
    %broadcast_in_dim3A_9 = vector.broadcast %broadcast_in_dim3A_8 : i32 to vector<16xi32>
    %add3A_10 = arith.addi %broadcast_in_dim3A_9, %iota3A : vector<16xi32>
    %broadcast_in_dim3A_11 = arith.constant 48 : i32
    %broadcast_in_dim3A_12 = vector.broadcast %broadcast_in_dim3A_11 : i32 to vector<16xi32>
    %add3A_13 = arith.addi %broadcast_in_dim3A_12, %iota3A : vector<16xi32>
    %dma_start3A = arith.constant 0 : i32
    %dma_start3A_14 = arith.constant 0 : i32
    %dma_start3A_15 = tpu.memref_slice %arg5[%dma_start3A, %dma_start3A_14] : memref<200x128xi32, #tpu.memory_space<vmem>> -> memref<1x128xi32, #tpu.memory_space<vmem>>
    %dma_start3A_16 = tpu.memref_squeeze %dma_start3A_15 : memref<1x128xi32, #tpu.memory_space<vmem>> -> memref<128xi32, #tpu.memory_space<vmem>>
    %dma_start3A_17 = arith.constant 0 : i32
    %dma_start3A_18 = arith.constant 0 : i32
    %dma_start3A_19 = tpu.memref_slice %arg3[%dma_start3A_17, %dma_start3A_18] : memref<1000000x64xf32, #tpu.memory_space<hbm>> -> memref<1000000x64xf32, #tpu.memory_space<hbm>>
    tpu.enqueue_indirect_dma source(%dma_start3A_19 : memref<1000000x64xf32, #tpu.memory_space<hbm>>) target(%arg6 : memref<128x64xf32, #tpu.memory_space<vmem>>) offsets(%dma_start3A_16 : memref<128xi32, #tpu.memory_space<vmem>>) semaphore(%arg12 : memref<!tpu.dma_semaphore, #tpu.memory_space<semaphore_mem>>)
    %dma_start3A_20 = arith.constant 1 : i32
    %dma_start3A_21 = arith.constant 0 : i32
    %dma_start3A_22 = tpu.memref_slice %arg5[%dma_start3A_20, %dma_start3A_21] : memref<200x128xi32, #tpu.memory_space<vmem>> -> memref<1x128xi32, #tpu.memory_space<vmem>>
    %dma_start3A_23 = tpu.memref_squeeze %dma_start3A_22 : memref<1x128xi32, #tpu.memory_space<vmem>> -> memref<128xi32, #tpu.memory_space<vmem>>
    %dma_start3A_24 = arith.constant 0 : i32
    %dma_start3A_25 = arith.constant 0 : i32
    %dma_start3A_26 = tpu.memref_slice %arg3[%dma_start3A_24, %dma_start3A_25] : memref<1000000x64xf32, #tpu.memory_space<hbm>> -> memref<1000000x64xf32, #tpu.memory_space<hbm>>
    tpu.enqueue_indirect_dma source(%dma_start3A_26 : memref<1000000x64xf32, #tpu.memory_space<hbm>>) target(%arg7 : memref<128x64xf32, #tpu.memory_space<vmem>>) offsets(%dma_start3A_23 : memref<128xi32, #tpu.memory_space<vmem>>) semaphore(%arg13 : memref<!tpu.dma_semaphore, #tpu.memory_space<semaphore_mem>>)
    %dma_start3A_27 = arith.constant 2 : i32
    %dma_start3A_28 = arith.constant 0 : i32
    %dma_start3A_29 = tpu.memref_slice %arg5[%dma_start3A_27, %dma_start3A_28] : memref<200x128xi32, #tpu.memory_space<vmem>> -> memref<1x128xi32, #tpu.memory_space<vmem>>
    %dma_start3A_30 = tpu.memref_squeeze %dma_start3A_29 : memref<1x128xi32, #tpu.memory_space<vmem>> -> memref<128xi32, #tpu.memory_space<vmem>>
    %dma_start3A_31 = arith.constant 0 : i32
    %dma_start3A_32 = arith.constant 0 : i32
    %dma_start3A_33 = tpu.memref_slice %arg3[%dma_start3A_31, %dma_start3A_32] : memref<1000000x64xf32, #tpu.memory_space<hbm>> -> memref<1000000x64xf32, #tpu.memory_space<hbm>>
    tpu.enqueue_indirect_dma source(%dma_start3A_33 : memref<1000000x64xf32, #tpu.memory_space<hbm>>) target(%arg8 : memref<128x64xf32, #tpu.memory_space<vmem>>) offsets(%dma_start3A_30 : memref<128xi32, #tpu.memory_space<vmem>>) semaphore(%arg14 : memref<!tpu.dma_semaphore, #tpu.memory_space<semaphore_mem>>)
    %dma_start3A_34 = arith.constant 3 : i32
    %dma_start3A_35 = arith.constant 0 : i32
    %dma_start3A_36 = tpu.memref_slice %arg5[%dma_start3A_34, %dma_start3A_35] : memref<200x128xi32, #tpu.memory_space<vmem>> -> memref<1x128xi32, #tpu.memory_space<vmem>>
    %dma_start3A_37 = tpu.memref_squeeze %dma_start3A_36 : memref<1x128xi32, #tpu.memory_space<vmem>> -> memref<128xi32, #tpu.memory_space<vmem>>
    %dma_start3A_38 = arith.constant 0 : i32
    %dma_start3A_39 = arith.constant 0 : i32
    %dma_start3A_40 = tpu.memref_slice %arg3[%dma_start3A_38, %dma_start3A_39] : memref<1000000x64xf32, #tpu.memory_space<hbm>> -> memref<1000000x64xf32, #tpu.memory_space<hbm>>
    tpu.enqueue_indirect_dma source(%dma_start3A_40 : memref<1000000x64xf32, #tpu.memory_space<hbm>>) target(%arg9 : memref<128x64xf32, #tpu.memory_space<vmem>>) offsets(%dma_start3A_37 : memref<128xi32, #tpu.memory_space<vmem>>) semaphore(%arg15 : memref<!tpu.dma_semaphore, #tpu.memory_space<semaphore_mem>>)
    %scan3A = arith.constant 0 : i32
    %scan3A_41 = arith.constant 0 : i32
    %scan3A_42 = arith.constant 50 : i32
    %scan3A_43 = arith.addi %scan3A_41, %scan3A_42 : i32
    %scan3A_44 = arith.constant 1 : i32
    scf.for %scan3A_301 = %scan3A_41 to %scan3A_43 step %scan3A_44  : i32 {
      %mul3A_302 = arith.constant 4 : i32
      %mul3A_303 = arith.muli %scan3A_301, %mul3A_302 : i32
      %add3A_304 = arith.constant 0 : i32
      %add3A_305 = arith.addi %mul3A_303, %add3A_304 : i32
      %dma_wait3A_306 = arith.constant 0 : i32
      %dma_wait3A_307 = arith.constant 0 : i32
      %dma_wait3A_308 = tpu.memref_slice %arg3[%dma_wait3A_306, %dma_wait3A_307] : memref<1000000x64xf32, #tpu.memory_space<hbm>> -> memref<128x64xf32, #tpu.memory_space<hbm>>
      %dma_wait3A_309 = arith.constant 0 : i32
      %dma_wait3A_310 = arith.constant 0 : i32
      %dma_wait3A_311 = tpu.memref_slice %arg3[%dma_wait3A_309, %dma_wait3A_310] : memref<1000000x64xf32, #tpu.memory_space<hbm>> -> memref<128x64xf32, #tpu.memory_space<hbm>>
      tpu.wait_dma2 semaphore(%arg12 : memref<!tpu.dma_semaphore, #tpu.memory_space<semaphore_mem>>) src(%dma_wait3A_311 : memref<128x64xf32, #tpu.memory_space<hbm>>) dst(%arg6 : memref<128x64xf32, #tpu.memory_space<vmem>>)
      %gt3A = arith.constant 0 : i32
      %gt3A_312 = arith.cmpi sgt, %scan3A_301, %gt3A : i32
      %convert_element_type3A = arith.extui %gt3A_312 : i1 to i32
      %cond3A = arith.constant 0 : i32
      %cond3A_313 = arith.cmpi ne, %convert_element_type3A, %cond3A : i32
      scf.if %cond3A_313 {
        %sub3A_1138 = arith.constant 2 : i32
        %sub3A_1139 = arith.subi %add3A_305, %sub3A_1138 : i32
        %dma_wait3A_1140 = arith.constant 0 : i32
        %dma_wait3A_1141 = arith.constant 0 : i32
        %dma_wait3A_1142 = arith.constant 0 : i32
        %dma_wait3A_1143 = tpu.memref_slice %arg10[%dma_wait3A_1141, %dma_wait3A_1142] : memref<64x129xf32, #tpu.memory_space<vmem>> -> memref<8x128xf32, #tpu.memory_space<vmem>>
        %dma_wait3A_1144 = arith.constant 0 : i32
        %dma_wait3A_1145 = arith.constant 0 : i32
        %dma_wait3A_1146 = tpu.memref_slice %arg4[%sub3A_1139, %dma_wait3A_1140, %add3A, %dma_wait3A_1144, %dma_wait3A_1145] : memref<200x8x32x8x128xf32, #tpu.memory_space<hbm>> -> memref<1x1x1x8x128xf32, #tpu.memory_space<hbm>>
        %dma_wait3A_1147 = tpu.memref_squeeze %dma_wait3A_1146 : memref<1x1x1x8x128xf32, #tpu.memory_space<hbm>> -> memref<8x128xf32, #tpu.memory_space<hbm>>
        %dma_wait3A_1148 = arith.constant 0 : i32
        %dma_wait3A_1149 = arith.constant 0 : i32
        %dma_wait3A_1150 = tpu.memref_slice %arg4[%sub3A_1139, %dma_wait3A_1140, %add3A, %dma_wait3A_1148, %dma_wait3A_1149] : memref<200x8x32x8x128xf32, #tpu.memory_space<hbm>> -> memref<1x1x1x8x128xf32, #tpu.memory_space<hbm>>
        %dma_wait3A_1151 = tpu.memref_squeeze %dma_wait3A_1150 : memref<1x1x1x8x128xf32, #tpu.memory_space<hbm>> -> memref<8x128xf32, #tpu.memory_space<hbm>>
        %dma_wait3A_1152 = arith.constant 0 : i32
        %dma_wait3A_1153 = arith.constant 0 : i32
        %dma_wait3A_1154 = tpu.memref_slice %arg10[%dma_wait3A_1152, %dma_wait3A_1153] : memref<64x129xf32, #tpu.memory_space<vmem>> -> memref<8x128xf32, #tpu.memory_space<vmem>>
        tpu.wait_dma2 semaphore(%arg16 : memref<!tpu.dma_semaphore, #tpu.memory_space<semaphore_mem>>) src(%dma_wait3A_1154 : memref<8x128xf32, #tpu.memory_space<vmem>>) dst(%dma_wait3A_1151 : memref<8x128xf32, #tpu.memory_space<hbm>>)
        %sub3A_1155 = arith.constant 2 : i32
        %sub3A_1156 = arith.subi %add3A_305, %sub3A_1155 : i32
        %dma_wait3A_1157 = arith.constant 1 : i32
        %dma_wait3A_1158 = arith.constant 8 : i32
        %dma_wait3A_1159 = arith.constant 0 : i32
        %dma_wait3A_1160 = tpu.memref_slice %arg10[%dma_wait3A_1158, %dma_wait3A_1159] : memref<64x129xf32, #tpu.memory_space<vmem>> -> memref<8x128xf32, #tpu.memory_space<vmem>>
        %dma_wait3A_1161 = arith.constant 0 : i32
        %dma_wait3A_1162 = arith.constant 0 : i32
        %dma_wait3A_1163 = tpu.memref_slice %arg4[%sub3A_1156, %dma_wait3A_1157, %add3A, %dma_wait3A_1161, %dma_wait3A_1162] : memref<200x8x32x8x128xf32, #tpu.memory_space<hbm>> -> memref<1x1x1x8x128xf32, #tpu.memory_space<hbm>>
        %dma_wait3A_1164 = tpu.memref_squeeze %dma_wait3A_1163 : memref<1x1x1x8x128xf32, #tpu.memory_space<hbm>> -> memref<8x128xf32, #tpu.memory_space<hbm>>
        %dma_wait3A_1165 = arith.constant 0 : i32
        %dma_wait3A_1166 = arith.constant 0 : i32
        %dma_wait3A_1167 = tpu.memref_slice %arg4[%sub3A_1156, %dma_wait3A_1157, %add3A, %dma_wait3A_1165, %dma_wait3A_1166] : memref<200x8x32x8x128xf32, #tpu.memory_space<hbm>> -> memref<1x1x1x8x128xf32, #tpu.memory_space<hbm>>
        %dma_wait3A_1168 = tpu.memref_squeeze %dma_wait3A_1167 : memref<1x1x1x8x128xf32, #tpu.memory_space<hbm>> -> memref<8x128xf32, #tpu.memory_space<hbm>>
        %dma_wait3A_1169 = arith.constant 8 : i32
        %dma_wait3A_1170 = arith.constant 0 : i32
        %dma_wait3A_1171 = tpu.memref_slice %arg10[%dma_wait3A_1169, %dma_wait3A_1170] : memref<64x129xf32, #tpu.memory_space<vmem>> -> memref<8x128xf32, #tpu.memory_space<vmem>>
        tpu.wait_dma2 semaphore(%arg16 : memref<!tpu.dma_semaphore, #tpu.memory_space<semaphore_mem>>) src(%dma_wait3A_1171 : memref<8x128xf32, #tpu.memory_space<vmem>>) dst(%dma_wait3A_1168 : memref<8x128xf32, #tpu.memory_space<hbm>>)
        %sub3A_1172 = arith.constant 2 : i32
        %sub3A_1173 = arith.subi %add3A_305, %sub3A_1172 : i32
        %dma_wait3A_1174 = arith.constant 2 : i32
        %dma_wait3A_1175 = arith.constant 16 : i32
        %dma_wait3A_1176 = arith.constant 0 : i32
        %dma_wait3A_1177 = tpu.memref_slice %arg10[%dma_wait3A_1175, %dma_wait3A_1176] : memref<64x129xf32, #tpu.memory_space<vmem>> -> memref<8x128xf32, #tpu.memory_space<vmem>>
        %dma_wait3A_1178 = arith.constant 0 : i32
        %dma_wait3A_1179 = arith.constant 0 : i32
        %dma_wait3A_1180 = tpu.memref_slice %arg4[%sub3A_1173, %dma_wait3A_1174, %add3A, %dma_wait3A_1178, %dma_wait3A_1179] : memref<200x8x32x8x128xf32, #tpu.memory_space<hbm>> -> memref<1x1x1x8x128xf32, #tpu.memory_space<hbm>>
        %dma_wait3A_1181 = tpu.memref_squeeze %dma_wait3A_1180 : memref<1x1x1x8x128xf32, #tpu.memory_space<hbm>> -> memref<8x128xf32, #tpu.memory_space<hbm>>
        %dma_wait3A_1182 = arith.constant 0 : i32
        %dma_wait3A_1183 = arith.constant 0 : i32
        %dma_wait3A_1184 = tpu.memref_slice %arg4[%sub3A_1173, %dma_wait3A_1174, %add3A, %dma_wait3A_1182, %dma_wait3A_1183] : memref<200x8x32x8x128xf32, #tpu.memory_space<hbm>> -> memref<1x1x1x8x128xf32, #tpu.memory_space<hbm>>
        %dma_wait3A_1185 = tpu.memref_squeeze %dma_wait3A_1184 : memref<1x1x1x8x128xf32, #tpu.memory_space<hbm>> -> memref<8x128xf32, #tpu.memory_space<hbm>>
        %dma_wait3A_1186 = arith.constant 16 : i32
        %dma_wait3A_1187 = arith.constant 0 : i32
        %dma_wait3A_1188 = tpu.memref_slice %arg10[%dma_wait3A_1186, %dma_wait3A_1187] : memref<64x129xf32, #tpu.memory_space<vmem>> -> memref<8x128xf32, #tpu.memory_space<vmem>>
        tpu.wait_dma2 semaphore(%arg16 : memref<!tpu.dma_semaphore, #tpu.memory_space<semaphore_mem>>) src(%dma_wait3A_1188 : memref<8x128xf32, #tpu.memory_space<vmem>>) dst(%dma_wait3A_1185 : memref<8x128xf32, #tpu.memory_space<hbm>>)
        %sub3A_1189 = arith.constant 2 : i32
        %sub3A_1190 = arith.subi %add3A_305, %sub3A_1189 : i32
        %dma_wait3A_1191 = arith.constant 3 : i32
        %dma_wait3A_1192 = arith.constant 24 : i32
        %dma_wait3A_1193 = arith.constant 0 : i32
        %dma_wait3A_1194 = tpu.memref_slice %arg10[%dma_wait3A_1192, %dma_wait3A_1193] : memref<64x129xf32, #tpu.memory_space<vmem>> -> memref<8x128xf32, #tpu.memory_space<vmem>>
        %dma_wait3A_1195 = arith.constant 0 : i32
        %dma_wait3A_1196 = arith.constant 0 : i32
        %dma_wait3A_1197 = tpu.memref_slice %arg4[%sub3A_1190, %dma_wait3A_1191, %add3A, %dma_wait3A_1195, %dma_wait3A_1196] : memref<200x8x32x8x128xf32, #tpu.memory_space<hbm>> -> memref<1x1x1x8x128xf32, #tpu.memory_space<hbm>>
        %dma_wait3A_1198 = tpu.memref_squeeze %dma_wait3A_1197 : memref<1x1x1x8x128xf32, #tpu.memory_space<hbm>> -> memref<8x128xf32, #tpu.memory_space<hbm>>
        %dma_wait3A_1199 = arith.constant 0 : i32
        %dma_wait3A_1200 = arith.constant 0 : i32
        %dma_wait3A_1201 = tpu.memref_slice %arg4[%sub3A_1190, %dma_wait3A_1191, %add3A, %dma_wait3A_1199, %dma_wait3A_1200] : memref<200x8x32x8x128xf32, #tpu.memory_space<hbm>> -> memref<1x1x1x8x128xf32, #tpu.memory_space<hbm>>
        %dma_wait3A_1202 = tpu.memref_squeeze %dma_wait3A_1201 : memref<1x1x1x8x128xf32, #tpu.memory_space<hbm>> -> memref<8x128xf32, #tpu.memory_space<hbm>>
        %dma_wait3A_1203 = arith.constant 24 : i32
        %dma_wait3A_1204 = arith.constant 0 : i32
        %dma_wait3A_1205 = tpu.memref_slice %arg10[%dma_wait3A_1203, %dma_wait3A_1204] : memref<64x129xf32, #tpu.memory_space<vmem>> -> memref<8x128xf32, #tpu.memory_space<vmem>>
        tpu.wait_dma2 semaphore(%arg16 : memref<!tpu.dma_semaphore, #tpu.memory_space<semaphore_mem>>) src(%dma_wait3A_1205 : memref<8x128xf32, #tpu.memory_space<vmem>>) dst(%dma_wait3A_1202 : memref<8x128xf32, #tpu.memory_space<hbm>>)
        %sub3A_1206 = arith.constant 2 : i32
        %sub3A_1207 = arith.subi %add3A_305, %sub3A_1206 : i32
        %dma_wait3A_1208 = arith.constant 4 : i32
        %dma_wait3A_1209 = arith.constant 32 : i32
        %dma_wait3A_1210 = arith.constant 0 : i32
        %dma_wait3A_1211 = tpu.memref_slice %arg10[%dma_wait3A_1209, %dma_wait3A_1210] : memref<64x129xf32, #tpu.memory_space<vmem>> -> memref<8x128xf32, #tpu.memory_space<vmem>>
        %dma_wait3A_1212 = arith.constant 0 : i32
        %dma_wait3A_1213 = arith.constant 0 : i32
        %dma_wait3A_1214 = tpu.memref_slice %arg4[%sub3A_1207, %dma_wait3A_1208, %add3A, %dma_wait3A_1212, %dma_wait3A_1213] : memref<200x8x32x8x128xf32, #tpu.memory_space<hbm>> -> memref<1x1x1x8x128xf32, #tpu.memory_space<hbm>>
        %dma_wait3A_1215 = tpu.memref_squeeze %dma_wait3A_1214 : memref<1x1x1x8x128xf32, #tpu.memory_space<hbm>> -> memref<8x128xf32, #tpu.memory_space<hbm>>
        %dma_wait3A_1216 = arith.constant 0 : i32
        %dma_wait3A_1217 = arith.constant 0 : i32
        %dma_wait3A_1218 = tpu.memref_slice %arg4[%sub3A_1207, %dma_wait3A_1208, %add3A, %dma_wait3A_1216, %dma_wait3A_1217] : memref<200x8x32x8x128xf32, #tpu.memory_space<hbm>> -> memref<1x1x1x8x128xf32, #tpu.memory_space<hbm>>
        %dma_wait3A_1219 = tpu.memref_squeeze %dma_wait3A_1218 : memref<1x1x1x8x128xf32, #tpu.memory_space<hbm>> -> memref<8x128xf32, #tpu.memory_space<hbm>>
        %dma_wait3A_1220 = arith.constant 32 : i32
        %dma_wait3A_1221 = arith.constant 0 : i32
        %dma_wait3A_1222 = tpu.memref_slice %arg10[%dma_wait3A_1220, %dma_wait3A_1221] : memref<64x129xf32, #tpu.memory_space<vmem>> -> memref<8x128xf32, #tpu.memory_space<vmem>>
        tpu.wait_dma2 semaphore(%arg16 : memref<!tpu.dma_semaphore, #tpu.memory_space<semaphore_mem>>) src(%dma_wait3A_1222 : memref<8x128xf32, #tpu.memory_space<vmem>>) dst(%dma_wait3A_1219 : memref<8x128xf32, #tpu.memory_space<hbm>>)
        %sub3A_1223 = arith.constant 2 : i32
        %sub3A_1224 = arith.subi %add3A_305, %sub3A_1223 : i32
        %dma_wait3A_1225 = arith.constant 5 : i32
        %dma_wait3A_1226 = arith.constant 40 : i32
        %dma_wait3A_1227 = arith.constant 0 : i32
        %dma_wait3A_1228 = tpu.memref_slice %arg10[%dma_wait3A_1226, %dma_wait3A_1227] : memref<64x129xf32, #tpu.memory_space<vmem>> -> memref<8x128xf32, #tpu.memory_space<vmem>>
        %dma_wait3A_1229 = arith.constant 0 : i32
        %dma_wait3A_1230 = arith.constant 0 : i32
        %dma_wait3A_1231 = tpu.memref_slice %arg4[%sub3A_1224, %dma_wait3A_1225, %add3A, %dma_wait3A_1229, %dma_wait3A_1230] : memref<200x8x32x8x128xf32, #tpu.memory_space<hbm>> -> memref<1x1x1x8x128xf32, #tpu.memory_space<hbm>>
        %dma_wait3A_1232 = tpu.memref_squeeze %dma_wait3A_1231 : memref<1x1x1x8x128xf32, #tpu.memory_space<hbm>> -> memref<8x128xf32, #tpu.memory_space<hbm>>
        %dma_wait3A_1233 = arith.constant 0 : i32
        %dma_wait3A_1234 = arith.constant 0 : i32
        %dma_wait3A_1235 = tpu.memref_slice %arg4[%sub3A_1224, %dma_wait3A_1225, %add3A, %dma_wait3A_1233, %dma_wait3A_1234] : memref<200x8x32x8x128xf32, #tpu.memory_space<hbm>> -> memref<1x1x1x8x128xf32, #tpu.memory_space<hbm>>
        %dma_wait3A_1236 = tpu.memref_squeeze %dma_wait3A_1235 : memref<1x1x1x8x128xf32, #tpu.memory_space<hbm>> -> memref<8x128xf32, #tpu.memory_space<hbm>>
        %dma_wait3A_1237 = arith.constant 40 : i32
        %dma_wait3A_1238 = arith.constant 0 : i32
        %dma_wait3A_1239 = tpu.memref_slice %arg10[%dma_wait3A_1237, %dma_wait3A_1238] : memref<64x129xf32, #tpu.memory_space<vmem>> -> memref<8x128xf32, #tpu.memory_space<vmem>>
        tpu.wait_dma2 semaphore(%arg16 : memref<!tpu.dma_semaphore, #tpu.memory_space<semaphore_mem>>) src(%dma_wait3A_1239 : memref<8x128xf32, #tpu.memory_space<vmem>>) dst(%dma_wait3A_1236 : memref<8x128xf32, #tpu.memory_space<hbm>>)
        %sub3A_1240 = arith.constant 2 : i32
        %sub3A_1241 = arith.subi %add3A_305, %sub3A_1240 : i32
        %dma_wait3A_1242 = arith.constant 6 : i32
        %dma_wait3A_1243 = arith.constant 48 : i32
        %dma_wait3A_1244 = arith.constant 0 : i32
        %dma_wait3A_1245 = tpu.memref_slice %arg10[%dma_wait3A_1243, %dma_wait3A_1244] : memref<64x129xf32, #tpu.memory_space<vmem>> -> memref<8x128xf32, #tpu.memory_space<vmem>>
        %dma_wait3A_1246 = arith.constant 0 : i32
        %dma_wait3A_1247 = arith.constant 0 : i32
        %dma_wait3A_1248 = tpu.memref_slice %arg4[%sub3A_1241, %dma_wait3A_1242, %add3A, %dma_wait3A_1246, %dma_wait3A_1247] : memref<200x8x32x8x128xf32, #tpu.memory_space<hbm>> -> memref<1x1x1x8x128xf32, #tpu.memory_space<hbm>>
        %dma_wait3A_1249 = tpu.memref_squeeze %dma_wait3A_1248 : memref<1x1x1x8x128xf32, #tpu.memory_space<hbm>> -> memref<8x128xf32, #tpu.memory_space<hbm>>
        %dma_wait3A_1250 = arith.constant 0 : i32
        %dma_wait3A_1251 = arith.constant 0 : i32
        %dma_wait3A_1252 = tpu.memref_slice %arg4[%sub3A_1241, %dma_wait3A_1242, %add3A, %dma_wait3A_1250, %dma_wait3A_1251] : memref<200x8x32x8x128xf32, #tpu.memory_space<hbm>> -> memref<1x1x1x8x128xf32, #tpu.memory_space<hbm>>
        %dma_wait3A_1253 = tpu.memref_squeeze %dma_wait3A_1252 : memref<1x1x1x8x128xf32, #tpu.memory_space<hbm>> -> memref<8x128xf32, #tpu.memory_space<hbm>>
        %dma_wait3A_1254 = arith.constant 48 : i32
        %dma_wait3A_1255 = arith.constant 0 : i32
        %dma_wait3A_1256 = tpu.memref_slice %arg10[%dma_wait3A_1254, %dma_wait3A_1255] : memref<64x129xf32, #tpu.memory_space<vmem>> -> memref<8x128xf32, #tpu.memory_space<vmem>>
        tpu.wait_dma2 semaphore(%arg16 : memref<!tpu.dma_semaphore, #tpu.memory_space<semaphore_mem>>) src(%dma_wait3A_1256 : memref<8x128xf32, #tpu.memory_space<vmem>>) dst(%dma_wait3A_1253 : memref<8x128xf32, #tpu.memory_space<hbm>>)
        %sub3A_1257 = arith.constant 2 : i32
        %sub3A_1258 = arith.subi %add3A_305, %sub3A_1257 : i32
        %dma_wait3A_1259 = arith.constant 7 : i32
        %dma_wait3A_1260 = arith.constant 56 : i32
        %dma_wait3A_1261 = arith.constant 0 : i32
        %dma_wait3A_1262 = tpu.memref_slice %arg10[%dma_wait3A_1260, %dma_wait3A_1261] : memref<64x129xf32, #tpu.memory_space<vmem>> -> memref<8x128xf32, #tpu.memory_space<vmem>>
        %dma_wait3A_1263 = arith.constant 0 : i32
        %dma_wait3A_1264 = arith.constant 0 : i32
        %dma_wait3A_1265 = tpu.memref_slice %arg4[%sub3A_1258, %dma_wait3A_1259, %add3A, %dma_wait3A_1263, %dma_wait3A_1264] : memref<200x8x32x8x128xf32, #tpu.memory_space<hbm>> -> memref<1x1x1x8x128xf32, #tpu.memory_space<hbm>>
        %dma_wait3A_1266 = tpu.memref_squeeze %dma_wait3A_1265 : memref<1x1x1x8x128xf32, #tpu.memory_space<hbm>> -> memref<8x128xf32, #tpu.memory_space<hbm>>
        %dma_wait3A_1267 = arith.constant 0 : i32
        %dma_wait3A_1268 = arith.constant 0 : i32
        %dma_wait3A_1269 = tpu.memref_slice %arg4[%sub3A_1258, %dma_wait3A_1259, %add3A, %dma_wait3A_1267, %dma_wait3A_1268] : memref<200x8x32x8x128xf32, #tpu.memory_space<hbm>> -> memref<1x1x1x8x128xf32, #tpu.memory_space<hbm>>
        %dma_wait3A_1270 = tpu.memref_squeeze %dma_wait3A_1269 : memref<1x1x1x8x128xf32, #tpu.memory_space<hbm>> -> memref<8x128xf32, #tpu.memory_space<hbm>>
        %dma_wait3A_1271 = arith.constant 56 : i32
        %dma_wait3A_1272 = arith.constant 0 : i32
        %dma_wait3A_1273 = tpu.memref_slice %arg10[%dma_wait3A_1271, %dma_wait3A_1272] : memref<64x129xf32, #tpu.memory_space<vmem>> -> memref<8x128xf32, #tpu.memory_space<vmem>>
        tpu.wait_dma2 semaphore(%arg16 : memref<!tpu.dma_semaphore, #tpu.memory_space<semaphore_mem>>) src(%dma_wait3A_1273 : memref<8x128xf32, #tpu.memory_space<vmem>>) dst(%dma_wait3A_1270 : memref<8x128xf32, #tpu.memory_space<hbm>>)
      } else {
      }
      %parallel_loop3A = arith.constant 0 : i32
      %parallel_loop3A_314 = arith.constant 128 : i32
      %parallel_loop3A_315 = arith.constant 1 : i32
      scf.for %parallel_loop3A_1138 = %parallel_loop3A to %parallel_loop3A_314 step %parallel_loop3A_315  : i32 {
        %parallel_loop3A_1139 = vector.broadcast %parallel_loop3A_1138 : i32 to vector<16xi32>
        %parallel_loop3A_1140 = arith.index_cast %parallel_loop3A_1138 : i32 to index
        %parallel_loop3A_1141 = arith.constant 0 : index
        %parallel_loop3A_1142 = tpu.vector_load %arg6[%parallel_loop3A_1140, %parallel_loop3A_1141] {strides = array<i32>} : memref<128x64xf32, #tpu.memory_space<vmem>>, vector<16xf32>,
        %parallel_loop3A_1143 = arith.constant 8.000000e+00 : f32
        %parallel_loop3A_1144 = vector.broadcast %parallel_loop3A_1143 : f32 to vector<16xf32>
        %parallel_loop3A_1145 = arith.mulf %parallel_loop3A_1142, %parallel_loop3A_1144 : vector<16xf32>
        tpu.vector_store_idx %arg10[%add3A_4, %parallel_loop3A_1139], %parallel_loop3A_1145 : memref<64x129xf32, #tpu.memory_space<vmem>>[vector<16xi32>, vector<16xi32>], vector<16xf32>,
        %parallel_loop3A_1146 = arith.index_cast %parallel_loop3A_1138 : i32 to index
        %parallel_loop3A_1147 = arith.constant 16 : index
        %parallel_loop3A_1148 = tpu.vector_load %arg6[%parallel_loop3A_1146, %parallel_loop3A_1147] {strides = array<i32>} : memref<128x64xf32, #tpu.memory_space<vmem>>, vector<16xf32>,
        %parallel_loop3A_1149 = arith.constant 8.000000e+00 : f32
        %parallel_loop3A_1150 = vector.broadcast %parallel_loop3A_1149 : f32 to vector<16xf32>
        %parallel_loop3A_1151 = arith.mulf %parallel_loop3A_1148, %parallel_loop3A_1150 : vector<16xf32>
        tpu.vector_store_idx %arg10[%add3A_7, %parallel_loop3A_1139], %parallel_loop3A_1151 : memref<64x129xf32, #tpu.memory_space<vmem>>[vector<16xi32>, vector<16xi32>], vector<16xf32>,
        %parallel_loop3A_1152 = arith.index_cast %parallel_loop3A_1138 : i32 to index
        %parallel_loop3A_1153 = arith.constant 32 : index
        %parallel_loop3A_1154 = tpu.vector_load %arg6[%parallel_loop3A_1152, %parallel_loop3A_1153] {strides = array<i32>} : memref<128x64xf32, #tpu.memory_space<vmem>>, vector<16xf32>,
        %parallel_loop3A_1155 = arith.constant 8.000000e+00 : f32
        %parallel_loop3A_1156 = vector.broadcast %parallel_loop3A_1155 : f32 to vector<16xf32>
        %parallel_loop3A_1157 = arith.mulf %parallel_loop3A_1154, %parallel_loop3A_1156 : vector<16xf32>
        tpu.vector_store_idx %arg10[%add3A_10, %parallel_loop3A_1139], %parallel_loop3A_1157 : memref<64x129xf32, #tpu.memory_space<vmem>>[vector<16xi32>, vector<16xi32>], vector<16xf32>,
        %parallel_loop3A_1158 = arith.index_cast %parallel_loop3A_1138 : i32 to index
        %parallel_loop3A_1159 = arith.constant 48 : index
        %parallel_loop3A_1160 = tpu.vector_load %arg6[%parallel_loop3A_1158, %parallel_loop3A_1159] {strides = array<i32>} : memref<128x64xf32, #tpu.memory_space<vmem>>, vector<16xf32>,
        %parallel_loop3A_1161 = arith.constant 8.000000e+00 : f32
        %parallel_loop3A_1162 = vector.broadcast %parallel_loop3A_1161 : f32 to vector<16xf32>
        %parallel_loop3A_1163 = arith.mulf %parallel_loop3A_1160, %parallel_loop3A_1162 : vector<16xf32>
        tpu.vector_store_idx %arg10[%add3A_13, %parallel_loop3A_1139], %parallel_loop3A_1163 : memref<64x129xf32, #tpu.memory_space<vmem>>[vector<16xi32>, vector<16xi32>], vector<16xf32>,
      } {sc.loop_unroll_factor = 8 : i64, sc.parallel_access}
      %dma_start3A_316 = arith.constant 0 : i32
      %dma_start3A_317 = arith.constant 0 : i32
      %dma_start3A_318 = arith.constant 0 : i32
      %dma_start3A_319 = tpu.memref_slice %arg10[%dma_start3A_317, %dma_start3A_318] : memref<64x129xf32, #tpu.memory_space<vmem>> -> memref<8x128xf32, #tpu.memory_space<vmem>>
      %dma_start3A_320 = arith.constant 0 : i32
      %dma_start3A_321 = arith.constant 0 : i32
      %dma_start3A_322 = tpu.memref_slice %arg4[%add3A_305, %dma_start3A_316, %add3A, %dma_start3A_320, %dma_start3A_321] : memref<200x8x32x8x128xf32, #tpu.memory_space<hbm>> -> memref<1x1x1x8x128xf32, #tpu.memory_space<hbm>>
      %dma_start3A_323 = tpu.memref_squeeze %dma_start3A_322 : memref<1x1x1x8x128xf32, #tpu.memory_space<hbm>> -> memref<8x128xf32, #tpu.memory_space<hbm>>
      %dma_start3A_324 = arith.constant 0 : i32
      %dma_start3A_325 = arith.constant 0 : i32
      %dma_start3A_326 = tpu.memref_slice %arg4[%add3A_305, %dma_start3A_316, %add3A, %dma_start3A_324, %dma_start3A_325] : memref<200x8x32x8x128xf32, #tpu.memory_space<hbm>> -> memref<1x1x1x8x128xf32, #tpu.memory_space<hbm>>
      %dma_start3A_327 = tpu.memref_squeeze %dma_start3A_326 : memref<1x1x1x8x128xf32, #tpu.memory_space<hbm>> -> memref<8x128xf32, #tpu.memory_space<hbm>>
      %dma_start3A_328 = arith.constant 0 : i32
      %dma_start3A_329 = arith.constant 0 : i32
      %dma_start3A_330 = tpu.memref_slice %arg10[%dma_start3A_328, %dma_start3A_329] : memref<64x129xf32, #tpu.memory_space<vmem>> -> memref<8x128xf32, #tpu.memory_space<vmem>>
      tpu.enqueue_dma source(%dma_start3A_330 : memref<8x128xf32, #tpu.memory_space<vmem>>) target(%dma_start3A_327 : memref<8x128xf32, #tpu.memory_space<hbm>>) target_semaphore(%arg16 : memref<!tpu.dma_semaphore, #tpu.memory_space<semaphore_mem>>)
      %dma_start3A_331 = arith.constant 1 : i32
      %dma_start3A_332 = arith.constant 8 : i32
      %dma_start3A_333 = arith.constant 0 : i32
      %dma_start3A_334 = tpu.memref_slice %arg10[%dma_start3A_332, %dma_start3A_333] : memref<64x129xf32, #tpu.memory_space<vmem>> -> memref<8x128xf32, #tpu.memory_space<vmem>>
      %dma_start3A_335 = arith.constant 0 : i32
      %dma_start3A_336 = arith.constant 0 : i32
      %dma_start3A_337 = tpu.memref_slice %arg4[%add3A_305, %dma_start3A_331, %add3A, %dma_start3A_335, %dma_start3A_336] : memref<200x8x32x8x128xf32, #tpu.memory_space<hbm>> -> memref<1x1x1x8x128xf32, #tpu.memory_space<hbm>>
      %dma_start3A_338 = tpu.memref_squeeze %dma_start3A_337 : memref<1x1x1x8x128xf32, #tpu.memory_space<hbm>> -> memref<8x128xf32, #tpu.memory_space<hbm>>
      %dma_start3A_339 = arith.constant 0 : i32
      %dma_start3A_340 = arith.constant 0 : i32
      %dma_start3A_341 = tpu.memref_slice %arg4[%add3A_305, %dma_start3A_331, %add3A, %dma_start3A_339, %dma_start3A_340] : memref<200x8x32x8x128xf32, #tpu.memory_space<hbm>> -> memref<1x1x1x8x128xf32, #tpu.memory_space<hbm>>
      %dma_start3A_342 = tpu.memref_squeeze %dma_start3A_341 : memref<1x1x1x8x128xf32, #tpu.memory_space<hbm>> -> memref<8x128xf32, #tpu.memory_space<hbm>>
      %dma_start3A_343 = arith.constant 8 : i32
      %dma_start3A_344 = arith.constant 0 : i32
      %dma_start3A_345 = tpu.memref_slice %arg10[%dma_start3A_343, %dma_start3A_344] : memref<64x129xf32, #tpu.memory_space<vmem>> -> memref<8x128xf32, #tpu.memory_space<vmem>>
      tpu.enqueue_dma source(%dma_start3A_345 : memref<8x128xf32, #tpu.memory_space<vmem>>) target(%dma_start3A_342 : memref<8x128xf32, #tpu.memory_space<hbm>>) target_semaphore(%arg16 : memref<!tpu.dma_semaphore, #tpu.memory_space<semaphore_mem>>)
      %dma_start3A_346 = arith.constant 2 : i32
      %dma_start3A_347 = arith.constant 16 : i32
      %dma_start3A_348 = arith.constant 0 : i32
      %dma_start3A_349 = tpu.memref_slice %arg10[%dma_start3A_347, %dma_start3A_348] : memref<64x129xf32, #tpu.memory_space<vmem>> -> memref<8x128xf32, #tpu.memory_space<vmem>>
      %dma_start3A_350 = arith.constant 0 : i32
      %dma_start3A_351 = arith.constant 0 : i32
      %dma_start3A_352 = tpu.memref_slice %arg4[%add3A_305, %dma_start3A_346, %add3A, %dma_start3A_350, %dma_start3A_351] : memref<200x8x32x8x128xf32, #tpu.memory_space<hbm>> -> memref<1x1x1x8x128xf32, #tpu.memory_space<hbm>>
      %dma_start3A_353 = tpu.memref_squeeze %dma_start3A_352 : memref<1x1x1x8x128xf32, #tpu.memory_space<hbm>> -> memref<8x128xf32, #tpu.memory_space<hbm>>
      %dma_start3A_354 = arith.constant 0 : i32
      %dma_start3A_355 = arith.constant 0 : i32
      %dma_start3A_356 = tpu.memref_slice %arg4[%add3A_305, %dma_start3A_346, %add3A, %dma_start3A_354, %dma_start3A_355] : memref<200x8x32x8x128xf32, #tpu.memory_space<hbm>> -> memref<1x1x1x8x128xf32, #tpu.memory_space<hbm>>
      %dma_start3A_357 = tpu.memref_squeeze %dma_start3A_356 : memref<1x1x1x8x128xf32, #tpu.memory_space<hbm>> -> memref<8x128xf32, #tpu.memory_space<hbm>>
      %dma_start3A_358 = arith.constant 16 : i32
      %dma_start3A_359 = arith.constant 0 : i32
      %dma_start3A_360 = tpu.memref_slice %arg10[%dma_start3A_358, %dma_start3A_359] : memref<64x129xf32, #tpu.memory_space<vmem>> -> memref<8x128xf32, #tpu.memory_space<vmem>>
      tpu.enqueue_dma source(%dma_start3A_360 : memref<8x128xf32, #tpu.memory_space<vmem>>) target(%dma_start3A_357 : memref<8x128xf32, #tpu.memory_space<hbm>>) target_semaphore(%arg16 : memref<!tpu.dma_semaphore, #tpu.memory_space<semaphore_mem>>)
      %dma_start3A_361 = arith.constant 3 : i32
      %dma_start3A_362 = arith.constant 24 : i32
      %dma_start3A_363 = arith.constant 0 : i32
      %dma_start3A_364 = tpu.memref_slice %arg10[%dma_start3A_362, %dma_start3A_363] : memref<64x129xf32, #tpu.memory_space<vmem>> -> memref<8x128xf32, #tpu.memory_space<vmem>>
      %dma_start3A_365 = arith.constant 0 : i32
      %dma_start3A_366 = arith.constant 0 : i32
      %dma_start3A_367 = tpu.memref_slice %arg4[%add3A_305, %dma_start3A_361, %add3A, %dma_start3A_365, %dma_start3A_366] : memref<200x8x32x8x128xf32, #tpu.memory_space<hbm>> -> memref<1x1x1x8x128xf32, #tpu.memory_space<hbm>>
      %dma_start3A_368 = tpu.memref_squeeze %dma_start3A_367 : memref<1x1x1x8x128xf32, #tpu.memory_space<hbm>> -> memref<8x128xf32, #tpu.memory_space<hbm>>
      %dma_start3A_369 = arith.constant 0 : i32
      %dma_start3A_370 = arith.constant 0 : i32
      %dma_start3A_371 = tpu.memref_slice %arg4[%add3A_305, %dma_start3A_361, %add3A, %dma_start3A_369, %dma_start3A_370] : memref<200x8x32x8x128xf32, #tpu.memory_space<hbm>> -> memref<1x1x1x8x128xf32, #tpu.memory_space<hbm>>
      %dma_start3A_372 = tpu.memref_squeeze %dma_start3A_371 : memref<1x1x1x8x128xf32, #tpu.memory_space<hbm>> -> memref<8x128xf32, #tpu.memory_space<hbm>>
      %dma_start3A_373 = arith.constant 24 : i32
      %dma_start3A_374 = arith.constant 0 : i32
      %dma_start3A_375 = tpu.memref_slice %arg10[%dma_start3A_373, %dma_start3A_374] : memref<64x129xf32, #tpu.memory_space<vmem>> -> memref<8x128xf32, #tpu.memory_space<vmem>>
      tpu.enqueue_dma source(%dma_start3A_375 : memref<8x128xf32, #tpu.memory_space<vmem>>) target(%dma_start3A_372 : memref<8x128xf32, #tpu.memory_space<hbm>>) target_semaphore(%arg16 : memref<!tpu.dma_semaphore, #tpu.memory_space<semaphore_mem>>)
      %dma_start3A_376 = arith.constant 4 : i32
      %dma_start3A_377 = arith.constant 32 : i32
      %dma_start3A_378 = arith.constant 0 : i32
      %dma_start3A_379 = tpu.memref_slice %arg10[%dma_start3A_377, %dma_start3A_378] : memref<64x129xf32, #tpu.memory_space<vmem>> -> memref<8x128xf32, #tpu.memory_space<vmem>>
      %dma_start3A_380 = arith.constant 0 : i32
      %dma_start3A_381 = arith.constant 0 : i32
      %dma_start3A_382 = tpu.memref_slice %arg4[%add3A_305, %dma_start3A_376, %add3A, %dma_start3A_380, %dma_start3A_381] : memref<200x8x32x8x128xf32, #tpu.memory_space<hbm>> -> memref<1x1x1x8x128xf32, #tpu.memory_space<hbm>>
      %dma_start3A_383 = tpu.memref_squeeze %dma_start3A_382 : memref<1x1x1x8x128xf32, #tpu.memory_space<hbm>> -> memref<8x128xf32, #tpu.memory_space<hbm>>
      %dma_start3A_384 = arith.constant 0 : i32
      %dma_start3A_385 = arith.constant 0 : i32
      %dma_start3A_386 = tpu.memref_slice %arg4[%add3A_305, %dma_start3A_376, %add3A, %dma_start3A_384, %dma_start3A_385] : memref<200x8x32x8x128xf32, #tpu.memory_space<hbm>> -> memref<1x1x1x8x128xf32, #tpu.memory_space<hbm>>
      %dma_start3A_387 = tpu.memref_squeeze %dma_start3A_386 : memref<1x1x1x8x128xf32, #tpu.memory_space<hbm>> -> memref<8x128xf32, #tpu.memory_space<hbm>>
      %dma_start3A_388 = arith.constant 32 : i32
      %dma_start3A_389 = arith.constant 0 : i32
      %dma_start3A_390 = tpu.memref_slice %arg10[%dma_start3A_388, %dma_start3A_389] : memref<64x129xf32, #tpu.memory_space<vmem>> -> memref<8x128xf32, #tpu.memory_space<vmem>>
      tpu.enqueue_dma source(%dma_start3A_390 : memref<8x128xf32, #tpu.memory_space<vmem>>) target(%dma_start3A_387 : memref<8x128xf32, #tpu.memory_space<hbm>>) target_semaphore(%arg16 : memref<!tpu.dma_semaphore, #tpu.memory_space<semaphore_mem>>)
      %dma_start3A_391 = arith.constant 5 : i32
      %dma_start3A_392 = arith.constant 40 : i32
      %dma_start3A_393 = arith.constant 0 : i32
      %dma_start3A_394 = tpu.memref_slice %arg10[%dma_start3A_392, %dma_start3A_393] : memref<64x129xf32, #tpu.memory_space<vmem>> -> memref<8x128xf32, #tpu.memory_space<vmem>>
      %dma_start3A_395 = arith.constant 0 : i32
      %dma_start3A_396 = arith.constant 0 : i32
      %dma_start3A_397 = tpu.memref_slice %arg4[%add3A_305, %dma_start3A_391, %add3A, %dma_start3A_395, %dma_start3A_396] : memref<200x8x32x8x128xf32, #tpu.memory_space<hbm>> -> memref<1x1x1x8x128xf32, #tpu.memory_space<hbm>>
      %dma_start3A_398 = tpu.memref_squeeze %dma_start3A_397 : memref<1x1x1x8x128xf32, #tpu.memory_space<hbm>> -> memref<8x128xf32, #tpu.memory_space<hbm>>
      %dma_start3A_399 = arith.constant 0 : i32
      %dma_start3A_400 = arith.constant 0 : i32
      %dma_start3A_401 = tpu.memref_slice %arg4[%add3A_305, %dma_start3A_391, %add3A, %dma_start3A_399, %dma_start3A_400] : memref<200x8x32x8x128xf32, #tpu.memory_space<hbm>> -> memref<1x1x1x8x128xf32, #tpu.memory_space<hbm>>
      %dma_start3A_402 = tpu.memref_squeeze %dma_start3A_401 : memref<1x1x1x8x128xf32, #tpu.memory_space<hbm>> -> memref<8x128xf32, #tpu.memory_space<hbm>>
      %dma_start3A_403 = arith.constant 40 : i32
      %dma_start3A_404 = arith.constant 0 : i32
      %dma_start3A_405 = tpu.memref_slice %arg10[%dma_start3A_403, %dma_start3A_404] : memref<64x129xf32, #tpu.memory_space<vmem>> -> memref<8x128xf32, #tpu.memory_space<vmem>>
      tpu.enqueue_dma source(%dma_start3A_405 : memref<8x128xf32, #tpu.memory_space<vmem>>) target(%dma_start3A_402 : memref<8x128xf32, #tpu.memory_space<hbm>>) target_semaphore(%arg16 : memref<!tpu.dma_semaphore, #tpu.memory_space<semaphore_mem>>)
      %dma_start3A_406 = arith.constant 6 : i32
      %dma_start3A_407 = arith.constant 48 : i32
      %dma_start3A_408 = arith.constant 0 : i32
      %dma_start3A_409 = tpu.memref_slice %arg10[%dma_start3A_407, %dma_start3A_408] : memref<64x129xf32, #tpu.memory_space<vmem>> -> memref<8x128xf32, #tpu.memory_space<vmem>>
      %dma_start3A_410 = arith.constant 0 : i32
      %dma_start3A_411 = arith.constant 0 : i32
      %dma_start3A_412 = tpu.memref_slice %arg4[%add3A_305, %dma_start3A_406, %add3A, %dma_start3A_410, %dma_start3A_411] : memref<200x8x32x8x128xf32, #tpu.memory_space<hbm>> -> memref<1x1x1x8x128xf32, #tpu.memory_space<hbm>>
      %dma_start3A_413 = tpu.memref_squeeze %dma_start3A_412 : memref<1x1x1x8x128xf32, #tpu.memory_space<hbm>> -> memref<8x128xf32, #tpu.memory_space<hbm>>
      %dma_start3A_414 = arith.constant 0 : i32
      %dma_start3A_415 = arith.constant 0 : i32
      %dma_start3A_416 = tpu.memref_slice %arg4[%add3A_305, %dma_start3A_406, %add3A, %dma_start3A_414, %dma_start3A_415] : memref<200x8x32x8x128xf32, #tpu.memory_space<hbm>> -> memref<1x1x1x8x128xf32, #tpu.memory_space<hbm>>
      %dma_start3A_417 = tpu.memref_squeeze %dma_start3A_416 : memref<1x1x1x8x128xf32, #tpu.memory_space<hbm>> -> memref<8x128xf32, #tpu.memory_space<hbm>>
      %dma_start3A_418 = arith.constant 48 : i32
      %dma_start3A_419 = arith.constant 0 : i32
      %dma_start3A_420 = tpu.memref_slice %arg10[%dma_start3A_418, %dma_start3A_419] : memref<64x129xf32, #tpu.memory_space<vmem>> -> memref<8x128xf32, #tpu.memory_space<vmem>>
      tpu.enqueue_dma source(%dma_start3A_420 : memref<8x128xf32, #tpu.memory_space<vmem>>) target(%dma_start3A_417 : memref<8x128xf32, #tpu.memory_space<hbm>>) target_semaphore(%arg16 : memref<!tpu.dma_semaphore, #tpu.memory_space<semaphore_mem>>)
      %dma_start3A_421 = arith.constant 7 : i32
      %dma_start3A_422 = arith.constant 56 : i32
      %dma_start3A_423 = arith.constant 0 : i32
      %dma_start3A_424 = tpu.memref_slice %arg10[%dma_start3A_422, %dma_start3A_423] : memref<64x129xf32, #tpu.memory_space<vmem>> -> memref<8x128xf32, #tpu.memory_space<vmem>>
      %dma_start3A_425 = arith.constant 0 : i32
      %dma_start3A_426 = arith.constant 0 : i32
      %dma_start3A_427 = tpu.memref_slice %arg4[%add3A_305, %dma_start3A_421, %add3A, %dma_start3A_425, %dma_start3A_426] : memref<200x8x32x8x128xf32, #tpu.memory_space<hbm>> -> memref<1x1x1x8x128xf32, #tpu.memory_space<hbm>>
      %dma_start3A_428 = tpu.memref_squeeze %dma_start3A_427 : memref<1x1x1x8x128xf32, #tpu.memory_space<hbm>> -> memref<8x128xf32, #tpu.memory_space<hbm>>
      %dma_start3A_429 = arith.constant 0 : i32
      %dma_start3A_430 = arith.constant 0 : i32
      %dma_start3A_431 = tpu.memref_slice %arg4[%add3A_305, %dma_start3A_421, %add3A, %dma_start3A_429, %dma_start3A_430] : memref<200x8x32x8x128xf32, #tpu.memory_space<hbm>> -> memref<1x1x1x8x128xf32, #tpu.memory_space<hbm>>
      %dma_start3A_432 = tpu.memref_squeeze %dma_start3A_431 : memref<1x1x1x8x128xf32, #tpu.memory_space<hbm>> -> memref<8x128xf32, #tpu.memory_space<hbm>>
      %dma_start3A_433 = arith.constant 56 : i32
      %dma_start3A_434 = arith.constant 0 : i32
      %dma_start3A_435 = tpu.memref_slice %arg10[%dma_start3A_433, %dma_start3A_434] : memref<64x129xf32, #tpu.memory_space<vmem>> -> memref<8x128xf32, #tpu.memory_space<vmem>>
      tpu.enqueue_dma source(%dma_start3A_435 : memref<8x128xf32, #tpu.memory_space<vmem>>) target(%dma_start3A_432 : memref<8x128xf32, #tpu.memory_space<hbm>>) target_semaphore(%arg16 : memref<!tpu.dma_semaphore, #tpu.memory_space<semaphore_mem>>)
      %add3A_436 = arith.constant 4 : i32
      %add3A_437 = arith.addi %add3A_305, %add3A_436 : i32
      %lt3A = arith.constant 200 : i32
      %lt3A_438 = arith.cmpi slt, %add3A_437, %lt3A : i32
      %convert_element_type3A_439 = arith.extui %lt3A_438 : i1 to i32
      %cond3A_440 = arith.constant 0 : i32
      %cond3A_441 = arith.cmpi ne, %convert_element_type3A_439, %cond3A_440 : i32
      scf.if %cond3A_441 {
        %add3A_1138 = arith.constant 4 : i32
        %add3A_1139 = arith.addi %add3A_305, %add3A_1138 : i32
        %dma_start3A_1140 = arith.constant 0 : i32
        %dma_start3A_1141 = tpu.memref_slice %arg5[%add3A_1139, %dma_start3A_1140] : memref<200x128xi32, #tpu.memory_space<vmem>> -> memref<1x128xi32, #tpu.memory_space<vmem>>
        %dma_start3A_1142 = tpu.memref_squeeze %dma_start3A_1141 : memref<1x128xi32, #tpu.memory_space<vmem>> -> memref<128xi32, #tpu.memory_space<vmem>>
        %dma_start3A_1143 = arith.constant 0 : i32
        %dma_start3A_1144 = arith.constant 0 : i32
        %dma_start3A_1145 = tpu.memref_slice %arg3[%dma_start3A_1143, %dma_start3A_1144] : memref<1000000x64xf32, #tpu.memory_space<hbm>> -> memref<1000000x64xf32, #tpu.memory_space<hbm>>
        tpu.enqueue_indirect_dma source(%dma_start3A_1145 : memref<1000000x64xf32, #tpu.memory_space<hbm>>) target(%arg6 : memref<128x64xf32, #tpu.memory_space<vmem>>) offsets(%dma_start3A_1142 : memref<128xi32, #tpu.memory_space<vmem>>) semaphore(%arg12 : memref<!tpu.dma_semaphore, #tpu.memory_space<semaphore_mem>>)
      } else {
      }
      %mul3A_442 = arith.constant 4 : i32
      %mul3A_443 = arith.muli %scan3A_301, %mul3A_442 : i32
      %add3A_444 = arith.constant 1 : i32
      %add3A_445 = arith.addi %mul3A_443, %add3A_444 : i32
      %dma_wait3A_446 = arith.constant 0 : i32
      %dma_wait3A_447 = arith.constant 0 : i32
      %dma_wait3A_448 = tpu.memref_slice %arg3[%dma_wait3A_446, %dma_wait3A_447] : memref<1000000x64xf32, #tpu.memory_space<hbm>> -> memref<128x64xf32, #tpu.memory_space<hbm>>
      %dma_wait3A_449 = arith.constant 0 : i32
      %dma_wait3A_450 = arith.constant 0 : i32
      %dma_wait3A_451 = tpu.memref_slice %arg3[%dma_wait3A_449, %dma_wait3A_450] : memref<1000000x64xf32, #tpu.memory_space<hbm>> -> memref<128x64xf32, #tpu.memory_space<hbm>>
      tpu.wait_dma2 semaphore(%arg13 : memref<!tpu.dma_semaphore, #tpu.memory_space<semaphore_mem>>) src(%dma_wait3A_451 : memref<128x64xf32, #tpu.memory_space<hbm>>) dst(%arg7 : memref<128x64xf32, #tpu.memory_space<vmem>>)
      %gt3A_452 = arith.constant 0 : i32
      %gt3A_453 = arith.cmpi sgt, %scan3A_301, %gt3A_452 : i32
      %convert_element_type3A_454 = arith.extui %gt3A_453 : i1 to i32
      %cond3A_455 = arith.constant 0 : i32
      %cond3A_456 = arith.cmpi ne, %convert_element_type3A_454, %cond3A_455 : i32
      scf.if %cond3A_456 {
        %sub3A_1138 = arith.constant 2 : i32
        %sub3A_1139 = arith.subi %add3A_445, %sub3A_1138 : i32
        %dma_wait3A_1140 = arith.constant 0 : i32
        %dma_wait3A_1141 = arith.constant 0 : i32
        %dma_wait3A_1142 = arith.constant 0 : i32
        %dma_wait3A_1143 = tpu.memref_slice %arg11[%dma_wait3A_1141, %dma_wait3A_1142] : memref<64x129xf32, #tpu.memory_space<vmem>> -> memref<8x128xf32, #tpu.memory_space<vmem>>
        %dma_wait3A_1144 = arith.constant 0 : i32
        %dma_wait3A_1145 = arith.constant 0 : i32
        %dma_wait3A_1146 = tpu.memref_slice %arg4[%sub3A_1139, %dma_wait3A_1140, %add3A, %dma_wait3A_1144, %dma_wait3A_1145] : memref<200x8x32x8x128xf32, #tpu.memory_space<hbm>> -> memref<1x1x1x8x128xf32, #tpu.memory_space<hbm>>
        %dma_wait3A_1147 = tpu.memref_squeeze %dma_wait3A_1146 : memref<1x1x1x8x128xf32, #tpu.memory_space<hbm>> -> memref<8x128xf32, #tpu.memory_space<hbm>>
        %dma_wait3A_1148 = arith.constant 0 : i32
        %dma_wait3A_1149 = arith.constant 0 : i32
        %dma_wait3A_1150 = tpu.memref_slice %arg4[%sub3A_1139, %dma_wait3A_1140, %add3A, %dma_wait3A_1148, %dma_wait3A_1149] : memref<200x8x32x8x128xf32, #tpu.memory_space<hbm>> -> memref<1x1x1x8x128xf32, #tpu.memory_space<hbm>>
        %dma_wait3A_1151 = tpu.memref_squeeze %dma_wait3A_1150 : memref<1x1x1x8x128xf32, #tpu.memory_space<hbm>> -> memref<8x128xf32, #tpu.memory_space<hbm>>
        %dma_wait3A_1152 = arith.constant 0 : i32
        %dma_wait3A_1153 = arith.constant 0 : i32
        %dma_wait3A_1154 = tpu.memref_slice %arg11[%dma_wait3A_1152, %dma_wait3A_1153] : memref<64x129xf32, #tpu.memory_space<vmem>> -> memref<8x128xf32, #tpu.memory_space<vmem>>
        tpu.wait_dma2 semaphore(%arg17 : memref<!tpu.dma_semaphore, #tpu.memory_space<semaphore_mem>>) src(%dma_wait3A_1154 : memref<8x128xf32, #tpu.memory_space<vmem>>) dst(%dma_wait3A_1151 : memref<8x128xf32, #tpu.memory_space<hbm>>)
        %sub3A_1155 = arith.constant 2 : i32
        %sub3A_1156 = arith.subi %add3A_445, %sub3A_1155 : i32
        %dma_wait3A_1157 = arith.constant 1 : i32
        %dma_wait3A_1158 = arith.constant 8 : i32
        %dma_wait3A_1159 = arith.constant 0 : i32
        %dma_wait3A_1160 = tpu.memref_slice %arg11[%dma_wait3A_1158, %dma_wait3A_1159] : memref<64x129xf32, #tpu.memory_space<vmem>> -> memref<8x128xf32, #tpu.memory_space<vmem>>
        %dma_wait3A_1161 = arith.constant 0 : i32
        %dma_wait3A_1162 = arith.constant 0 : i32
        %dma_wait3A_1163 = tpu.memref_slice %arg4[%sub3A_1156, %dma_wait3A_1157, %add3A, %dma_wait3A_1161, %dma_wait3A_1162] : memref<200x8x32x8x128xf32, #tpu.memory_space<hbm>> -> memref<1x1x1x8x128xf32, #tpu.memory_space<hbm>>
        %dma_wait3A_1164 = tpu.memref_squeeze %dma_wait3A_1163 : memref<1x1x1x8x128xf32, #tpu.memory_space<hbm>> -> memref<8x128xf32, #tpu.memory_space<hbm>>
        %dma_wait3A_1165 = arith.constant 0 : i32
        %dma_wait3A_1166 = arith.constant 0 : i32
        %dma_wait3A_1167 = tpu.memref_slice %arg4[%sub3A_1156, %dma_wait3A_1157, %add3A, %dma_wait3A_1165, %dma_wait3A_1166] : memref<200x8x32x8x128xf32, #tpu.memory_space<hbm>> -> memref<1x1x1x8x128xf32, #tpu.memory_space<hbm>>
        %dma_wait3A_1168 = tpu.memref_squeeze %dma_wait3A_1167 : memref<1x1x1x8x128xf32, #tpu.memory_space<hbm>> -> memref<8x128xf32, #tpu.memory_space<hbm>>
        %dma_wait3A_1169 = arith.constant 8 : i32
        %dma_wait3A_1170 = arith.constant 0 : i32
        %dma_wait3A_1171 = tpu.memref_slice %arg11[%dma_wait3A_1169, %dma_wait3A_1170] : memref<64x129xf32, #tpu.memory_space<vmem>> -> memref<8x128xf32, #tpu.memory_space<vmem>>
        tpu.wait_dma2 semaphore(%arg17 : memref<!tpu.dma_semaphore, #tpu.memory_space<semaphore_mem>>) src(%dma_wait3A_1171 : memref<8x128xf32, #tpu.memory_space<vmem>>) dst(%dma_wait3A_1168 : memref<8x128xf32, #tpu.memory_space<hbm>>)
        %sub3A_1172 = arith.constant 2 : i32
        %sub3A_1173 = arith.subi %add3A_445, %sub3A_1172 : i32
        %dma_wait3A_1174 = arith.constant 2 : i32
        %dma_wait3A_1175 = arith.constant 16 : i32
        %dma_wait3A_1176 = arith.constant 0 : i32
        %dma_wait3A_1177 = tpu.memref_slice %arg11[%dma_wait3A_1175, %dma_wait3A_1176] : memref<64x129xf32, #tpu.memory_space<vmem>> -> memref<8x128xf32, #tpu.memory_space<vmem>>
        %dma_wait3A_1178 = arith.constant 0 : i32
        %dma_wait3A_1179 = arith.constant 0 : i32
        %dma_wait3A_1180 = tpu.memref_slice %arg4[%sub3A_1173, %dma_wait3A_1174, %add3A, %dma_wait3A_1178, %dma_wait3A_1179] : memref<200x8x32x8x128xf32, #tpu.memory_space<hbm>> -> memref<1x1x1x8x128xf32, #tpu.memory_space<hbm>>
        %dma_wait3A_1181 = tpu.memref_squeeze %dma_wait3A_1180 : memref<1x1x1x8x128xf32, #tpu.memory_space<hbm>> -> memref<8x128xf32, #tpu.memory_space<hbm>>
        %dma_wait3A_1182 = arith.constant 0 : i32
        %dma_wait3A_1183 = arith.constant 0 : i32
        %dma_wait3A_1184 = tpu.memref_slice %arg4[%sub3A_1173, %dma_wait3A_1174, %add3A, %dma_wait3A_1182, %dma_wait3A_1183] : memref<200x8x32x8x128xf32, #tpu.memory_space<hbm>> -> memref<1x1x1x8x128xf32, #tpu.memory_space<hbm>>
        %dma_wait3A_1185 = tpu.memref_squeeze %dma_wait3A_1184 : memref<1x1x1x8x128xf32, #tpu.memory_space<hbm>> -> memref<8x128xf32, #tpu.memory_space<hbm>>
        %dma_wait3A_1186 = arith.constant 16 : i32
        %dma_wait3A_1187 = arith.constant 0 : i32
        %dma_wait3A_1188 = tpu.memref_slice %arg11[%dma_wait3A_1186, %dma_wait3A_1187] : memref<64x129xf32, #tpu.memory_space<vmem>> -> memref<8x128xf32, #tpu.memory_space<vmem>>
        tpu.wait_dma2 semaphore(%arg17 : memref<!tpu.dma_semaphore, #tpu.memory_space<semaphore_mem>>) src(%dma_wait3A_1188 : memref<8x128xf32, #tpu.memory_space<vmem>>) dst(%dma_wait3A_1185 : memref<8x128xf32, #tpu.memory_space<hbm>>)
        %sub3A_1189 = arith.constant 2 : i32
        %sub3A_1190 = arith.subi %add3A_445, %sub3A_1189 : i32
        %dma_wait3A_1191 = arith.constant 3 : i32
        %dma_wait3A_1192 = arith.constant 24 : i32
        %dma_wait3A_1193 = arith.constant 0 : i32
        %dma_wait3A_1194 = tpu.memref_slice %arg11[%dma_wait3A_1192, %dma_wait3A_1193] : memref<64x129xf32, #tpu.memory_space<vmem>> -> memref<8x128xf32, #tpu.memory_space<vmem>>
        %dma_wait3A_1195 = arith.constant 0 : i32
        %dma_wait3A_1196 = arith.constant 0 : i32
        %dma_wait3A_1197 = tpu.memref_slice %arg4[%sub3A_1190, %dma_wait3A_1191, %add3A, %dma_wait3A_1195, %dma_wait3A_1196] : memref<200x8x32x8x128xf32, #tpu.memory_space<hbm>> -> memref<1x1x1x8x128xf32, #tpu.memory_space<hbm>>
        %dma_wait3A_1198 = tpu.memref_squeeze %dma_wait3A_1197 : memref<1x1x1x8x128xf32, #tpu.memory_space<hbm>> -> memref<8x128xf32, #tpu.memory_space<hbm>>
        %dma_wait3A_1199 = arith.constant 0 : i32
        %dma_wait3A_1200 = arith.constant 0 : i32
        %dma_wait3A_1201 = tpu.memref_slice %arg4[%sub3A_1190, %dma_wait3A_1191, %add3A, %dma_wait3A_1199, %dma_wait3A_1200] : memref<200x8x32x8x128xf32, #tpu.memory_space<hbm>> -> memref<1x1x1x8x128xf32, #tpu.memory_space<hbm>>
        %dma_wait3A_1202 = tpu.memref_squeeze %dma_wait3A_1201 : memref<1x1x1x8x128xf32, #tpu.memory_space<hbm>> -> memref<8x128xf32, #tpu.memory_space<hbm>>
        %dma_wait3A_1203 = arith.constant 24 : i32
        %dma_wait3A_1204 = arith.constant 0 : i32
        %dma_wait3A_1205 = tpu.memref_slice %arg11[%dma_wait3A_1203, %dma_wait3A_1204] : memref<64x129xf32, #tpu.memory_space<vmem>> -> memref<8x128xf32, #tpu.memory_space<vmem>>
        tpu.wait_dma2 semaphore(%arg17 : memref<!tpu.dma_semaphore, #tpu.memory_space<semaphore_mem>>) src(%dma_wait3A_1205 : memref<8x128xf32, #tpu.memory_space<vmem>>) dst(%dma_wait3A_1202 : memref<8x128xf32, #tpu.memory_space<hbm>>)
        %sub3A_1206 = arith.constant 2 : i32
        %sub3A_1207 = arith.subi %add3A_445, %sub3A_1206 : i32
        %dma_wait3A_1208 = arith.constant 4 : i32
        %dma_wait3A_1209 = arith.constant 32 : i32
        %dma_wait3A_1210 = arith.constant 0 : i32
        %dma_wait3A_1211 = tpu.memref_slice %arg11[%dma_wait3A_1209, %dma_wait3A_1210] : memref<64x129xf32, #tpu.memory_space<vmem>> -> memref<8x128xf32, #tpu.memory_space<vmem>>
        %dma_wait3A_1212 = arith.constant 0 : i32
        %dma_wait3A_1213 = arith.constant 0 : i32
        %dma_wait3A_1214 = tpu.memref_slice %arg4[%sub3A_1207, %dma_wait3A_1208, %add3A, %dma_wait3A_1212, %dma_wait3A_1213] : memref<200x8x32x8x128xf32, #tpu.memory_space<hbm>> -> memref<1x1x1x8x128xf32, #tpu.memory_space<hbm>>
        %dma_wait3A_1215 = tpu.memref_squeeze %dma_wait3A_1214 : memref<1x1x1x8x128xf32, #tpu.memory_space<hbm>> -> memref<8x128xf32, #tpu.memory_space<hbm>>
        %dma_wait3A_1216 = arith.constant 0 : i32
        %dma_wait3A_1217 = arith.constant 0 : i32
        %dma_wait3A_1218 = tpu.memref_slice %arg4[%sub3A_1207, %dma_wait3A_1208, %add3A, %dma_wait3A_1216, %dma_wait3A_1217] : memref<200x8x32x8x128xf32, #tpu.memory_space<hbm>> -> memref<1x1x1x8x128xf32, #tpu.memory_space<hbm>>
        %dma_wait3A_1219 = tpu.memref_squeeze %dma_wait3A_1218 : memref<1x1x1x8x128xf32, #tpu.memory_space<hbm>> -> memref<8x128xf32, #tpu.memory_space<hbm>>
        %dma_wait3A_1220 = arith.constant 32 : i32
        %dma_wait3A_1221 = arith.constant 0 : i32
        %dma_wait3A_1222 = tpu.memref_slice %arg11[%dma_wait3A_1220, %dma_wait3A_1221] : memref<64x129xf32, #tpu.memory_space<vmem>> -> memref<8x128xf32, #tpu.memory_space<vmem>>
        tpu.wait_dma2 semaphore(%arg17 : memref<!tpu.dma_semaphore, #tpu.memory_space<semaphore_mem>>) src(%dma_wait3A_1222 : memref<8x128xf32, #tpu.memory_space<vmem>>) dst(%dma_wait3A_1219 : memref<8x128xf32, #tpu.memory_space<hbm>>)
        %sub3A_1223 = arith.constant 2 : i32
        %sub3A_1224 = arith.subi %add3A_445, %sub3A_1223 : i32
        %dma_wait3A_1225 = arith.constant 5 : i32
        %dma_wait3A_1226 = arith.constant 40 : i32
        %dma_wait3A_1227 = arith.constant 0 : i32
        %dma_wait3A_1228 = tpu.memref_slice %arg11[%dma_wait3A_1226, %dma_wait3A_1227] : memref<64x129xf32, #tpu.memory_space<vmem>> -> memref<8x128xf32, #tpu.memory_space<vmem>>
        %dma_wait3A_1229 = arith.constant 0 : i32
        %dma_wait3A_1230 = arith.constant 0 : i32
        %dma_wait3A_1231 = tpu.memref_slice %arg4[%sub3A_1224, %dma_wait3A_1225, %add3A, %dma_wait3A_1229, %dma_wait3A_1230] : memref<200x8x32x8x128xf32, #tpu.memory_space<hbm>> -> memref<1x1x1x8x128xf32, #tpu.memory_space<hbm>>
        %dma_wait3A_1232 = tpu.memref_squeeze %dma_wait3A_1231 : memref<1x1x1x8x128xf32, #tpu.memory_space<hbm>> -> memref<8x128xf32, #tpu.memory_space<hbm>>
        %dma_wait3A_1233 = arith.constant 0 : i32
        %dma_wait3A_1234 = arith.constant 0 : i32
        %dma_wait3A_1235 = tpu.memref_slice %arg4[%sub3A_1224, %dma_wait3A_1225, %add3A, %dma_wait3A_1233, %dma_wait3A_1234] : memref<200x8x32x8x128xf32, #tpu.memory_space<hbm>> -> memref<1x1x1x8x128xf32, #tpu.memory_space<hbm>>
        %dma_wait3A_1236 = tpu.memref_squeeze %dma_wait3A_1235 : memref<1x1x1x8x128xf32, #tpu.memory_space<hbm>> -> memref<8x128xf32, #tpu.memory_space<hbm>>
        %dma_wait3A_1237 = arith.constant 40 : i32
        %dma_wait3A_1238 = arith.constant 0 : i32
        %dma_wait3A_1239 = tpu.memref_slice %arg11[%dma_wait3A_1237, %dma_wait3A_1238] : memref<64x129xf32, #tpu.memory_space<vmem>> -> memref<8x128xf32, #tpu.memory_space<vmem>>
        tpu.wait_dma2 semaphore(%arg17 : memref<!tpu.dma_semaphore, #tpu.memory_space<semaphore_mem>>) src(%dma_wait3A_1239 : memref<8x128xf32, #tpu.memory_space<vmem>>) dst(%dma_wait3A_1236 : memref<8x128xf32, #tpu.memory_space<hbm>>)
        %sub3A_1240 = arith.constant 2 : i32
        %sub3A_1241 = arith.subi %add3A_445, %sub3A_1240 : i32
        %dma_wait3A_1242 = arith.constant 6 : i32
        %dma_wait3A_1243 = arith.constant 48 : i32
        %dma_wait3A_1244 = arith.constant 0 : i32
        %dma_wait3A_1245 = tpu.memref_slice %arg11[%dma_wait3A_1243, %dma_wait3A_1244] : memref<64x129xf32, #tpu.memory_space<vmem>> -> memref<8x128xf32, #tpu.memory_space<vmem>>
        %dma_wait3A_1246 = arith.constant 0 : i32
        %dma_wait3A_1247 = arith.constant 0 : i32
        %dma_wait3A_1248 = tpu.memref_slice %arg4[%sub3A_1241, %dma_wait3A_1242, %add3A, %dma_wait3A_1246, %dma_wait3A_1247] : memref<200x8x32x8x128xf32, #tpu.memory_space<hbm>> -> memref<1x1x1x8x128xf32, #tpu.memory_space<hbm>>
        %dma_wait3A_1249 = tpu.memref_squeeze %dma_wait3A_1248 : memref<1x1x1x8x128xf32, #tpu.memory_space<hbm>> -> memref<8x128xf32, #tpu.memory_space<hbm>>
        %dma_wait3A_1250 = arith.constant 0 : i32
        %dma_wait3A_1251 = arith.constant 0 : i32
        %dma_wait3A_1252 = tpu.memref_slice %arg4[%sub3A_1241, %dma_wait3A_1242, %add3A, %dma_wait3A_1250, %dma_wait3A_1251] : memref<200x8x32x8x128xf32, #tpu.memory_space<hbm>> -> memref<1x1x1x8x128xf32, #tpu.memory_space<hbm>>
        %dma_wait3A_1253 = tpu.memref_squeeze %dma_wait3A_1252 : memref<1x1x1x8x128xf32, #tpu.memory_space<hbm>> -> memref<8x128xf32, #tpu.memory_space<hbm>>
        %dma_wait3A_1254 = arith.constant 48 : i32
        %dma_wait3A_1255 = arith.constant 0 : i32
        %dma_wait3A_1256 = tpu.memref_slice %arg11[%dma_wait3A_1254, %dma_wait3A_1255] : memref<64x129xf32, #tpu.memory_space<vmem>> -> memref<8x128xf32, #tpu.memory_space<vmem>>
        tpu.wait_dma2 semaphore(%arg17 : memref<!tpu.dma_semaphore, #tpu.memory_space<semaphore_mem>>) src(%dma_wait3A_1256 : memref<8x128xf32, #tpu.memory_space<vmem>>) dst(%dma_wait3A_1253 : memref<8x128xf32, #tpu.memory_space<hbm>>)
        %sub3A_1257 = arith.constant 2 : i32
        %sub3A_1258 = arith.subi %add3A_445, %sub3A_1257 : i32
        %dma_wait3A_1259 = arith.constant 7 : i32
        %dma_wait3A_1260 = arith.constant 56 : i32
        %dma_wait3A_1261 = arith.constant 0 : i32
        %dma_wait3A_1262 = tpu.memref_slice %arg11[%dma_wait3A_1260, %dma_wait3A_1261] : memref<64x129xf32, #tpu.memory_space<vmem>> -> memref<8x128xf32, #tpu.memory_space<vmem>>
        %dma_wait3A_1263 = arith.constant 0 : i32
        %dma_wait3A_1264 = arith.constant 0 : i32
        %dma_wait3A_1265 = tpu.memref_slice %arg4[%sub3A_1258, %dma_wait3A_1259, %add3A, %dma_wait3A_1263, %dma_wait3A_1264] : memref<200x8x32x8x128xf32, #tpu.memory_space<hbm>> -> memref<1x1x1x8x128xf32, #tpu.memory_space<hbm>>
        %dma_wait3A_1266 = tpu.memref_squeeze %dma_wait3A_1265 : memref<1x1x1x8x128xf32, #tpu.memory_space<hbm>> -> memref<8x128xf32, #tpu.memory_space<hbm>>
        %dma_wait3A_1267 = arith.constant 0 : i32
        %dma_wait3A_1268 = arith.constant 0 : i32
        %dma_wait3A_1269 = tpu.memref_slice %arg4[%sub3A_1258, %dma_wait3A_1259, %add3A, %dma_wait3A_1267, %dma_wait3A_1268] : memref<200x8x32x8x128xf32, #tpu.memory_space<hbm>> -> memref<1x1x1x8x128xf32, #tpu.memory_space<hbm>>
        %dma_wait3A_1270 = tpu.memref_squeeze %dma_wait3A_1269 : memref<1x1x1x8x128xf32, #tpu.memory_space<hbm>> -> memref<8x128xf32, #tpu.memory_space<hbm>>
        %dma_wait3A_1271 = arith.constant 56 : i32
        %dma_wait3A_1272 = arith.constant 0 : i32
        %dma_wait3A_1273 = tpu.memref_slice %arg11[%dma_wait3A_1271, %dma_wait3A_1272] : memref<64x129xf32, #tpu.memory_space<vmem>> -> memref<8x128xf32, #tpu.memory_space<vmem>>
        tpu.wait_dma2 semaphore(%arg17 : memref<!tpu.dma_semaphore, #tpu.memory_space<semaphore_mem>>) src(%dma_wait3A_1273 : memref<8x128xf32, #tpu.memory_space<vmem>>) dst(%dma_wait3A_1270 : memref<8x128xf32, #tpu.memory_space<hbm>>)
      } else {
      }
      %parallel_loop3A_457 = arith.constant 0 : i32
      %parallel_loop3A_458 = arith.constant 128 : i32
      %parallel_loop3A_459 = arith.constant 1 : i32
      scf.for %parallel_loop3A_1138 = %parallel_loop3A_457 to %parallel_loop3A_458 step %parallel_loop3A_459  : i32 {
        %parallel_loop3A_1139 = vector.broadcast %parallel_loop3A_1138 : i32 to vector<16xi32>
        %parallel_loop3A_1140 = arith.index_cast %parallel_loop3A_1138 : i32 to index
        %parallel_loop3A_1141 = arith.constant 0 : index
        %parallel_loop3A_1142 = tpu.vector_load %arg7[%parallel_loop3A_1140, %parallel_loop3A_1141] {strides = array<i32>} : memref<128x64xf32, #tpu.memory_space<vmem>>, vector<16xf32>,
        %parallel_loop3A_1143 = arith.constant 8.000000e+00 : f32
        %parallel_loop3A_1144 = vector.broadcast %parallel_loop3A_1143 : f32 to vector<16xf32>
        %parallel_loop3A_1145 = arith.mulf %parallel_loop3A_1142, %parallel_loop3A_1144 : vector<16xf32>
        tpu.vector_store_idx %arg11[%add3A_4, %parallel_loop3A_1139], %parallel_loop3A_1145 : memref<64x129xf32, #tpu.memory_space<vmem>>[vector<16xi32>, vector<16xi32>], vector<16xf32>,
        %parallel_loop3A_1146 = arith.index_cast %parallel_loop3A_1138 : i32 to index
        %parallel_loop3A_1147 = arith.constant 16 : index
        %parallel_loop3A_1148 = tpu.vector_load %arg7[%parallel_loop3A_1146, %parallel_loop3A_1147] {strides = array<i32>} : memref<128x64xf32, #tpu.memory_space<vmem>>, vector<16xf32>,
        %parallel_loop3A_1149 = arith.constant 8.000000e+00 : f32
        %parallel_loop3A_1150 = vector.broadcast %parallel_loop3A_1149 : f32 to vector<16xf32>
        %parallel_loop3A_1151 = arith.mulf %parallel_loop3A_1148, %parallel_loop3A_1150 : vector<16xf32>
        tpu.vector_store_idx %arg11[%add3A_7, %parallel_loop3A_1139], %parallel_loop3A_1151 : memref<64x129xf32, #tpu.memory_space<vmem>>[vector<16xi32>, vector<16xi32>], vector<16xf32>,
        %parallel_loop3A_1152 = arith.index_cast %parallel_loop3A_1138 : i32 to index
        %parallel_loop3A_1153 = arith.constant 32 : index
        %parallel_loop3A_1154 = tpu.vector_load %arg7[%parallel_loop3A_1152, %parallel_loop3A_1153] {strides = array<i32>} : memref<128x64xf32, #tpu.memory_space<vmem>>, vector<16xf32>,
        %parallel_loop3A_1155 = arith.constant 8.000000e+00 : f32
        %parallel_loop3A_1156 = vector.broadcast %parallel_loop3A_1155 : f32 to vector<16xf32>
        %parallel_loop3A_1157 = arith.mulf %parallel_loop3A_1154, %parallel_loop3A_1156 : vector<16xf32>
        tpu.vector_store_idx %arg11[%add3A_10, %parallel_loop3A_1139], %parallel_loop3A_1157 : memref<64x129xf32, #tpu.memory_space<vmem>>[vector<16xi32>, vector<16xi32>], vector<16xf32>,
        %parallel_loop3A_1158 = arith.index_cast %parallel_loop3A_1138 : i32 to index
        %parallel_loop3A_1159 = arith.constant 48 : index
        %parallel_loop3A_1160 = tpu.vector_load %arg7[%parallel_loop3A_1158, %parallel_loop3A_1159] {strides = array<i32>} : memref<128x64xf32, #tpu.memory_space<vmem>>, vector<16xf32>,
        %parallel_loop3A_1161 = arith.constant 8.000000e+00 : f32
        %parallel_loop3A_1162 = vector.broadcast %parallel_loop3A_1161 : f32 to vector<16xf32>
        %parallel_loop3A_1163 = arith.mulf %parallel_loop3A_1160, %parallel_loop3A_1162 : vector<16xf32>
        tpu.vector_store_idx %arg11[%add3A_13, %parallel_loop3A_1139], %parallel_loop3A_1163 : memref<64x129xf32, #tpu.memory_space<vmem>>[vector<16xi32>, vector<16xi32>], vector<16xf32>,
      } {sc.loop_unroll_factor = 8 : i64, sc.parallel_access}
      %dma_start3A_460 = arith.constant 0 : i32
      %dma_start3A_461 = arith.constant 0 : i32
      %dma_start3A_462 = arith.constant 0 : i32
      %dma_start3A_463 = tpu.memref_slice %arg11[%dma_start3A_461, %dma_start3A_462] : memref<64x129xf32, #tpu.memory_space<vmem>> -> memref<8x128xf32, #tpu.memory_space<vmem>>
      %dma_start3A_464 = arith.constant 0 : i32
      %dma_start3A_465 = arith.constant 0 : i32
      %dma_start3A_466 = tpu.memref_slice %arg4[%add3A_445, %dma_start3A_460, %add3A, %dma_start3A_464, %dma_start3A_465] : memref<200x8x32x8x128xf32, #tpu.memory_space<hbm>> -> memref<1x1x1x8x128xf32, #tpu.memory_space<hbm>>
      %dma_start3A_467 = tpu.memref_squeeze %dma_start3A_466 : memref<1x1x1x8x128xf32, #tpu.memory_space<hbm>> -> memref<8x128xf32, #tpu.memory_space<hbm>>
      %dma_start3A_468 = arith.constant 0 : i32
      %dma_start3A_469 = arith.constant 0 : i32
      %dma_start3A_470 = tpu.memref_slice %arg4[%add3A_445, %dma_start3A_460, %add3A, %dma_start3A_468, %dma_start3A_469] : memref<200x8x32x8x128xf32, #tpu.memory_space<hbm>> -> memref<1x1x1x8x128xf32, #tpu.memory_space<hbm>>
      %dma_start3A_471 = tpu.memref_squeeze %dma_start3A_470 : memref<1x1x1x8x128xf32, #tpu.memory_space<hbm>> -> memref<8x128xf32, #tpu.memory_space<hbm>>
      %dma_start3A_472 = arith.constant 0 : i32
      %dma_start3A_473 = arith.constant 0 : i32
      %dma_start3A_474 = tpu.memref_slice %arg11[%dma_start3A_472, %dma_start3A_473] : memref<64x129xf32, #tpu.memory_space<vmem>> -> memref<8x128xf32, #tpu.memory_space<vmem>>
      tpu.enqueue_dma source(%dma_start3A_474 : memref<8x128xf32, #tpu.memory_space<vmem>>) target(%dma_start3A_471 : memref<8x128xf32, #tpu.memory_space<hbm>>) target_semaphore(%arg17 : memref<!tpu.dma_semaphore, #tpu.memory_space<semaphore_mem>>)
      %dma_start3A_475 = arith.constant 1 : i32
      %dma_start3A_476 = arith.constant 8 : i32
      %dma_start3A_477 = arith.constant 0 : i32
      %dma_start3A_478 = tpu.memref_slice %arg11[%dma_start3A_476, %dma_start3A_477] : memref<64x129xf32, #tpu.memory_space<vmem>> -> memref<8x128xf32, #tpu.memory_space<vmem>>
      %dma_start3A_479 = arith.constant 0 : i32
      %dma_start3A_480 = arith.constant 0 : i32
      %dma_start3A_481 = tpu.memref_slice %arg4[%add3A_445, %dma_start3A_475, %add3A, %dma_start3A_479, %dma_start3A_480] : memref<200x8x32x8x128xf32, #tpu.memory_space<hbm>> -> memref<1x1x1x8x128xf32, #tpu.memory_space<hbm>>
      %dma_start3A_482 = tpu.memref_squeeze %dma_start3A_481 : memref<1x1x1x8x128xf32, #tpu.memory_space<hbm>> -> memref<8x128xf32, #tpu.memory_space<hbm>>
      %dma_start3A_483 = arith.constant 0 : i32
      %dma_start3A_484 = arith.constant 0 : i32
      %dma_start3A_485 = tpu.memref_slice %arg4[%add3A_445, %dma_start3A_475, %add3A, %dma_start3A_483, %dma_start3A_484] : memref<200x8x32x8x128xf32, #tpu.memory_space<hbm>> -> memref<1x1x1x8x128xf32, #tpu.memory_space<hbm>>
      %dma_start3A_486 = tpu.memref_squeeze %dma_start3A_485 : memref<1x1x1x8x128xf32, #tpu.memory_space<hbm>> -> memref<8x128xf32, #tpu.memory_space<hbm>>
      %dma_start3A_487 = arith.constant 8 : i32
      %dma_start3A_488 = arith.constant 0 : i32
      %dma_start3A_489 = tpu.memref_slice %arg11[%dma_start3A_487, %dma_start3A_488] : memref<64x129xf32, #tpu.memory_space<vmem>> -> memref<8x128xf32, #tpu.memory_space<vmem>>
      tpu.enqueue_dma source(%dma_start3A_489 : memref<8x128xf32, #tpu.memory_space<vmem>>) target(%dma_start3A_486 : memref<8x128xf32, #tpu.memory_space<hbm>>) target_semaphore(%arg17 : memref<!tpu.dma_semaphore, #tpu.memory_space<semaphore_mem>>)
      %dma_start3A_490 = arith.constant 2 : i32
      %dma_start3A_491 = arith.constant 16 : i32
      %dma_start3A_492 = arith.constant 0 : i32
      %dma_start3A_493 = tpu.memref_slice %arg11[%dma_start3A_491, %dma_start3A_492] : memref<64x129xf32, #tpu.memory_space<vmem>> -> memref<8x128xf32, #tpu.memory_space<vmem>>
      %dma_start3A_494 = arith.constant 0 : i32
      %dma_start3A_495 = arith.constant 0 : i32
      %dma_start3A_496 = tpu.memref_slice %arg4[%add3A_445, %dma_start3A_490, %add3A, %dma_start3A_494, %dma_start3A_495] : memref<200x8x32x8x128xf32, #tpu.memory_space<hbm>> -> memref<1x1x1x8x128xf32, #tpu.memory_space<hbm>>
      %dma_start3A_497 = tpu.memref_squeeze %dma_start3A_496 : memref<1x1x1x8x128xf32, #tpu.memory_space<hbm>> -> memref<8x128xf32, #tpu.memory_space<hbm>>
      %dma_start3A_498 = arith.constant 0 : i32
      %dma_start3A_499 = arith.constant 0 : i32
      %dma_start3A_500 = tpu.memref_slice %arg4[%add3A_445, %dma_start3A_490, %add3A, %dma_start3A_498, %dma_start3A_499] : memref<200x8x32x8x128xf32, #tpu.memory_space<hbm>> -> memref<1x1x1x8x128xf32, #tpu.memory_space<hbm>>
      %dma_start3A_501 = tpu.memref_squeeze %dma_start3A_500 : memref<1x1x1x8x128xf32, #tpu.memory_space<hbm>> -> memref<8x128xf32, #tpu.memory_space<hbm>>
      %dma_start3A_502 = arith.constant 16 : i32
      %dma_start3A_503 = arith.constant 0 : i32
      %dma_start3A_504 = tpu.memref_slice %arg11[%dma_start3A_502, %dma_start3A_503] : memref<64x129xf32, #tpu.memory_space<vmem>> -> memref<8x128xf32, #tpu.memory_space<vmem>>
      tpu.enqueue_dma source(%dma_start3A_504 : memref<8x128xf32, #tpu.memory_space<vmem>>) target(%dma_start3A_501 : memref<8x128xf32, #tpu.memory_space<hbm>>) target_semaphore(%arg17 : memref<!tpu.dma_semaphore, #tpu.memory_space<semaphore_mem>>)
      %dma_start3A_505 = arith.constant 3 : i32
      %dma_start3A_506 = arith.constant 24 : i32
      %dma_start3A_507 = arith.constant 0 : i32
      %dma_start3A_508 = tpu.memref_slice %arg11[%dma_start3A_506, %dma_start3A_507] : memref<64x129xf32, #tpu.memory_space<vmem>> -> memref<8x128xf32, #tpu.memory_space<vmem>>
      %dma_start3A_509 = arith.constant 0 : i32
      %dma_start3A_510 = arith.constant 0 : i32
      %dma_start3A_511 = tpu.memref_slice %arg4[%add3A_445, %dma_start3A_505, %add3A, %dma_start3A_509, %dma_start3A_510] : memref<200x8x32x8x128xf32, #tpu.memory_space<hbm>> -> memref<1x1x1x8x128xf32, #tpu.memory_space<hbm>>
      %dma_start3A_512 = tpu.memref_squeeze %dma_start3A_511 : memref<1x1x1x8x128xf32, #tpu.memory_space<hbm>> -> memref<8x128xf32, #tpu.memory_space<hbm>>
      %dma_start3A_513 = arith.constant 0 : i32
      %dma_start3A_514 = arith.constant 0 : i32
      %dma_start3A_515 = tpu.memref_slice %arg4[%add3A_445, %dma_start3A_505, %add3A, %dma_start3A_513, %dma_start3A_514] : memref<200x8x32x8x128xf32, #tpu.memory_space<hbm>> -> memref<1x1x1x8x128xf32, #tpu.memory_space<hbm>>
      %dma_start3A_516 = tpu.memref_squeeze %dma_start3A_515 : memref<1x1x1x8x128xf32, #tpu.memory_space<hbm>> -> memref<8x128xf32, #tpu.memory_space<hbm>>
      %dma_start3A_517 = arith.constant 24 : i32
      %dma_start3A_518 = arith.constant 0 : i32
      %dma_start3A_519 = tpu.memref_slice %arg11[%dma_start3A_517, %dma_start3A_518] : memref<64x129xf32, #tpu.memory_space<vmem>> -> memref<8x128xf32, #tpu.memory_space<vmem>>
      tpu.enqueue_dma source(%dma_start3A_519 : memref<8x128xf32, #tpu.memory_space<vmem>>) target(%dma_start3A_516 : memref<8x128xf32, #tpu.memory_space<hbm>>) target_semaphore(%arg17 : memref<!tpu.dma_semaphore, #tpu.memory_space<semaphore_mem>>)
      %dma_start3A_520 = arith.constant 4 : i32
      %dma_start3A_521 = arith.constant 32 : i32
      %dma_start3A_522 = arith.constant 0 : i32
      %dma_start3A_523 = tpu.memref_slice %arg11[%dma_start3A_521, %dma_start3A_522] : memref<64x129xf32, #tpu.memory_space<vmem>> -> memref<8x128xf32, #tpu.memory_space<vmem>>
      %dma_start3A_524 = arith.constant 0 : i32
      %dma_start3A_525 = arith.constant 0 : i32
      %dma_start3A_526 = tpu.memref_slice %arg4[%add3A_445, %dma_start3A_520, %add3A, %dma_start3A_524, %dma_start3A_525] : memref<200x8x32x8x128xf32, #tpu.memory_space<hbm>> -> memref<1x1x1x8x128xf32, #tpu.memory_space<hbm>>
      %dma_start3A_527 = tpu.memref_squeeze %dma_start3A_526 : memref<1x1x1x8x128xf32, #tpu.memory_space<hbm>> -> memref<8x128xf32, #tpu.memory_space<hbm>>
      %dma_start3A_528 = arith.constant 0 : i32
      %dma_start3A_529 = arith.constant 0 : i32
      %dma_start3A_530 = tpu.memref_slice %arg4[%add3A_445, %dma_start3A_520, %add3A, %dma_start3A_528, %dma_start3A_529] : memref<200x8x32x8x128xf32, #tpu.memory_space<hbm>> -> memref<1x1x1x8x128xf32, #tpu.memory_space<hbm>>
      %dma_start3A_531 = tpu.memref_squeeze %dma_start3A_530 : memref<1x1x1x8x128xf32, #tpu.memory_space<hbm>> -> memref<8x128xf32, #tpu.memory_space<hbm>>
      %dma_start3A_532 = arith.constant 32 : i32
      %dma_start3A_533 = arith.constant 0 : i32
      %dma_start3A_534 = tpu.memref_slice %arg11[%dma_start3A_532, %dma_start3A_533] : memref<64x129xf32, #tpu.memory_space<vmem>> -> memref<8x128xf32, #tpu.memory_space<vmem>>
      tpu.enqueue_dma source(%dma_start3A_534 : memref<8x128xf32, #tpu.memory_space<vmem>>) target(%dma_start3A_531 : memref<8x128xf32, #tpu.memory_space<hbm>>) target_semaphore(%arg17 : memref<!tpu.dma_semaphore, #tpu.memory_space<semaphore_mem>>)
      %dma_start3A_535 = arith.constant 5 : i32
      %dma_start3A_536 = arith.constant 40 : i32
      %dma_start3A_537 = arith.constant 0 : i32
      %dma_start3A_538 = tpu.memref_slice %arg11[%dma_start3A_536, %dma_start3A_537] : memref<64x129xf32, #tpu.memory_space<vmem>> -> memref<8x128xf32, #tpu.memory_space<vmem>>
      %dma_start3A_539 = arith.constant 0 : i32
      %dma_start3A_540 = arith.constant 0 : i32
      %dma_start3A_541 = tpu.memref_slice %arg4[%add3A_445, %dma_start3A_535, %add3A, %dma_start3A_539, %dma_start3A_540] : memref<200x8x32x8x128xf32, #tpu.memory_space<hbm>> -> memref<1x1x1x8x128xf32, #tpu.memory_space<hbm>>
      %dma_start3A_542 = tpu.memref_squeeze %dma_start3A_541 : memref<1x1x1x8x128xf32, #tpu.memory_space<hbm>> -> memref<8x128xf32, #tpu.memory_space<hbm>>
      %dma_start3A_543 = arith.constant 0 : i32
      %dma_start3A_544 = arith.constant 0 : i32
      %dma_start3A_545 = tpu.memref_slice %arg4[%add3A_445, %dma_start3A_535, %add3A, %dma_start3A_543, %dma_start3A_544] : memref<200x8x32x8x128xf32, #tpu.memory_space<hbm>> -> memref<1x1x1x8x128xf32, #tpu.memory_space<hbm>>
      %dma_start3A_546 = tpu.memref_squeeze %dma_start3A_545 : memref<1x1x1x8x128xf32, #tpu.memory_space<hbm>> -> memref<8x128xf32, #tpu.memory_space<hbm>>
      %dma_start3A_547 = arith.constant 40 : i32
      %dma_start3A_548 = arith.constant 0 : i32
      %dma_start3A_549 = tpu.memref_slice %arg11[%dma_start3A_547, %dma_start3A_548] : memref<64x129xf32, #tpu.memory_space<vmem>> -> memref<8x128xf32, #tpu.memory_space<vmem>>
      tpu.enqueue_dma source(%dma_start3A_549 : memref<8x128xf32, #tpu.memory_space<vmem>>) target(%dma_start3A_546 : memref<8x128xf32, #tpu.memory_space<hbm>>) target_semaphore(%arg17 : memref<!tpu.dma_semaphore, #tpu.memory_space<semaphore_mem>>)
      %dma_start3A_550 = arith.constant 6 : i32
      %dma_start3A_551 = arith.constant 48 : i32
      %dma_start3A_552 = arith.constant 0 : i32
      %dma_start3A_553 = tpu.memref_slice %arg11[%dma_start3A_551, %dma_start3A_552] : memref<64x129xf32, #tpu.memory_space<vmem>> -> memref<8x128xf32, #tpu.memory_space<vmem>>
      %dma_start3A_554 = arith.constant 0 : i32
      %dma_start3A_555 = arith.constant 0 : i32
      %dma_start3A_556 = tpu.memref_slice %arg4[%add3A_445, %dma_start3A_550, %add3A, %dma_start3A_554, %dma_start3A_555] : memref<200x8x32x8x128xf32, #tpu.memory_space<hbm>> -> memref<1x1x1x8x128xf32, #tpu.memory_space<hbm>>
      %dma_start3A_557 = tpu.memref_squeeze %dma_start3A_556 : memref<1x1x1x8x128xf32, #tpu.memory_space<hbm>> -> memref<8x128xf32, #tpu.memory_space<hbm>>
      %dma_start3A_558 = arith.constant 0 : i32
      %dma_start3A_559 = arith.constant 0 : i32
      %dma_start3A_560 = tpu.memref_slice %arg4[%add3A_445, %dma_start3A_550, %add3A, %dma_start3A_558, %dma_start3A_559] : memref<200x8x32x8x128xf32, #tpu.memory_space<hbm>> -> memref<1x1x1x8x128xf32, #tpu.memory_space<hbm>>
      %dma_start3A_561 = tpu.memref_squeeze %dma_start3A_560 : memref<1x1x1x8x128xf32, #tpu.memory_space<hbm>> -> memref<8x128xf32, #tpu.memory_space<hbm>>
      %dma_start3A_562 = arith.constant 48 : i32
      %dma_start3A_563 = arith.constant 0 : i32
      %dma_start3A_564 = tpu.memref_slice %arg11[%dma_start3A_562, %dma_start3A_563] : memref<64x129xf32, #tpu.memory_space<vmem>> -> memref<8x128xf32, #tpu.memory_space<vmem>>
      tpu.enqueue_dma source(%dma_start3A_564 : memref<8x128xf32, #tpu.memory_space<vmem>>) target(%dma_start3A_561 : memref<8x128xf32, #tpu.memory_space<hbm>>) target_semaphore(%arg17 : memref<!tpu.dma_semaphore, #tpu.memory_space<semaphore_mem>>)
      %dma_start3A_565 = arith.constant 7 : i32
      %dma_start3A_566 = arith.constant 56 : i32
      %dma_start3A_567 = arith.constant 0 : i32
      %dma_start3A_568 = tpu.memref_slice %arg11[%dma_start3A_566, %dma_start3A_567] : memref<64x129xf32, #tpu.memory_space<vmem>> -> memref<8x128xf32, #tpu.memory_space<vmem>>
      %dma_start3A_569 = arith.constant 0 : i32
      %dma_start3A_570 = arith.constant 0 : i32
      %dma_start3A_571 = tpu.memref_slice %arg4[%add3A_445, %dma_start3A_565, %add3A, %dma_start3A_569, %dma_start3A_570] : memref<200x8x32x8x128xf32, #tpu.memory_space<hbm>> -> memref<1x1x1x8x128xf32, #tpu.memory_space<hbm>>
      %dma_start3A_572 = tpu.memref_squeeze %dma_start3A_571 : memref<1x1x1x8x128xf32, #tpu.memory_space<hbm>> -> memref<8x128xf32, #tpu.memory_space<hbm>>
      %dma_start3A_573 = arith.constant 0 : i32
      %dma_start3A_574 = arith.constant 0 : i32
      %dma_start3A_575 = tpu.memref_slice %arg4[%add3A_445, %dma_start3A_565, %add3A, %dma_start3A_573, %dma_start3A_574] : memref<200x8x32x8x128xf32, #tpu.memory_space<hbm>> -> memref<1x1x1x8x128xf32, #tpu.memory_space<hbm>>
      %dma_start3A_576 = tpu.memref_squeeze %dma_start3A_575 : memref<1x1x1x8x128xf32, #tpu.memory_space<hbm>> -> memref<8x128xf32, #tpu.memory_space<hbm>>
      %dma_start3A_577 = arith.constant 56 : i32
      %dma_start3A_578 = arith.constant 0 : i32
      %dma_start3A_579 = tpu.memref_slice %arg11[%dma_start3A_577, %dma_start3A_578] : memref<64x129xf32, #tpu.memory_space<vmem>> -> memref<8x128xf32, #tpu.memory_space<vmem>>
      tpu.enqueue_dma source(%dma_start3A_579 : memref<8x128xf32, #tpu.memory_space<vmem>>) target(%dma_start3A_576 : memref<8x128xf32, #tpu.memory_space<hbm>>) target_semaphore(%arg17 : memref<!tpu.dma_semaphore, #tpu.memory_space<semaphore_mem>>)
      %add3A_580 = arith.constant 4 : i32
      %add3A_581 = arith.addi %add3A_445, %add3A_580 : i32
      %lt3A_582 = arith.constant 200 : i32
      %lt3A_583 = arith.cmpi slt, %add3A_581, %lt3A_582 : i32
      %convert_element_type3A_584 = arith.extui %lt3A_583 : i1 to i32
      %cond3A_585 = arith.constant 0 : i32
      %cond3A_586 = arith.cmpi ne, %convert_element_type3A_584, %cond3A_585 : i32
      scf.if %cond3A_586 {
        %add3A_1138 = arith.constant 4 : i32
        %add3A_1139 = arith.addi %add3A_445, %add3A_1138 : i32
        %dma_start3A_1140 = arith.constant 0 : i32
        %dma_start3A_1141 = tpu.memref_slice %arg5[%add3A_1139, %dma_start3A_1140] : memref<200x128xi32, #tpu.memory_space<vmem>> -> memref<1x128xi32, #tpu.memory_space<vmem>>
        %dma_start3A_1142 = tpu.memref_squeeze %dma_start3A_1141 : memref<1x128xi32, #tpu.memory_space<vmem>> -> memref<128xi32, #tpu.memory_space<vmem>>
        %dma_start3A_1143 = arith.constant 0 : i32
        %dma_start3A_1144 = arith.constant 0 : i32
        %dma_start3A_1145 = tpu.memref_slice %arg3[%dma_start3A_1143, %dma_start3A_1144] : memref<1000000x64xf32, #tpu.memory_space<hbm>> -> memref<1000000x64xf32, #tpu.memory_space<hbm>>
        tpu.enqueue_indirect_dma source(%dma_start3A_1145 : memref<1000000x64xf32, #tpu.memory_space<hbm>>) target(%arg7 : memref<128x64xf32, #tpu.memory_space<vmem>>) offsets(%dma_start3A_1142 : memref<128xi32, #tpu.memory_space<vmem>>) semaphore(%arg13 : memref<!tpu.dma_semaphore, #tpu.memory_space<semaphore_mem>>)
      } else {
      }
      %mul3A_587 = arith.constant 4 : i32
      %mul3A_588 = arith.muli %scan3A_301, %mul3A_587 : i32
      %add3A_589 = arith.constant 2 : i32
      %add3A_590 = arith.addi %mul3A_588, %add3A_589 : i32
      %dma_wait3A_591 = arith.constant 0 : i32
      %dma_wait3A_592 = arith.constant 0 : i32
      %dma_wait3A_593 = tpu.memref_slice %arg3[%dma_wait3A_591, %dma_wait3A_592] : memref<1000000x64xf32, #tpu.memory_space<hbm>> -> memref<128x64xf32, #tpu.memory_space<hbm>>
      %dma_wait3A_594 = arith.constant 0 : i32
      %dma_wait3A_595 = arith.constant 0 : i32
      %dma_wait3A_596 = tpu.memref_slice %arg3[%dma_wait3A_594, %dma_wait3A_595] : memref<1000000x64xf32, #tpu.memory_space<hbm>> -> memref<128x64xf32, #tpu.memory_space<hbm>>
      tpu.wait_dma2 semaphore(%arg14 : memref<!tpu.dma_semaphore, #tpu.memory_space<semaphore_mem>>) src(%dma_wait3A_596 : memref<128x64xf32, #tpu.memory_space<hbm>>) dst(%arg8 : memref<128x64xf32, #tpu.memory_space<vmem>>)
      %sub3A = arith.constant 2 : i32
      %sub3A_597 = arith.subi %add3A_590, %sub3A : i32
      %dma_wait3A_598 = arith.constant 0 : i32
      %dma_wait3A_599 = arith.constant 0 : i32
      %dma_wait3A_600 = arith.constant 0 : i32
      %dma_wait3A_601 = tpu.memref_slice %arg10[%dma_wait3A_599, %dma_wait3A_600] : memref<64x129xf32, #tpu.memory_space<vmem>> -> memref<8x128xf32, #tpu.memory_space<vmem>>
      %dma_wait3A_602 = arith.constant 0 : i32
      %dma_wait3A_603 = arith.constant 0 : i32
      %dma_wait3A_604 = tpu.memref_slice %arg4[%sub3A_597, %dma_wait3A_598, %add3A, %dma_wait3A_602, %dma_wait3A_603] : memref<200x8x32x8x128xf32, #tpu.memory_space<hbm>> -> memref<1x1x1x8x128xf32, #tpu.memory_space<hbm>>
      %dma_wait3A_605 = tpu.memref_squeeze %dma_wait3A_604 : memref<1x1x1x8x128xf32, #tpu.memory_space<hbm>> -> memref<8x128xf32, #tpu.memory_space<hbm>>
      %dma_wait3A_606 = arith.constant 0 : i32
      %dma_wait3A_607 = arith.constant 0 : i32
      %dma_wait3A_608 = tpu.memref_slice %arg4[%sub3A_597, %dma_wait3A_598, %add3A, %dma_wait3A_606, %dma_wait3A_607] : memref<200x8x32x8x128xf32, #tpu.memory_space<hbm>> -> memref<1x1x1x8x128xf32, #tpu.memory_space<hbm>>
      %dma_wait3A_609 = tpu.memref_squeeze %dma_wait3A_608 : memref<1x1x1x8x128xf32, #tpu.memory_space<hbm>> -> memref<8x128xf32, #tpu.memory_space<hbm>>
      %dma_wait3A_610 = arith.constant 0 : i32
      %dma_wait3A_611 = arith.constant 0 : i32
      %dma_wait3A_612 = tpu.memref_slice %arg10[%dma_wait3A_610, %dma_wait3A_611] : memref<64x129xf32, #tpu.memory_space<vmem>> -> memref<8x128xf32, #tpu.memory_space<vmem>>
      tpu.wait_dma2 semaphore(%arg16 : memref<!tpu.dma_semaphore, #tpu.memory_space<semaphore_mem>>) src(%dma_wait3A_612 : memref<8x128xf32, #tpu.memory_space<vmem>>) dst(%dma_wait3A_609 : memref<8x128xf32, #tpu.memory_space<hbm>>)
      %sub3A_613 = arith.constant 2 : i32
      %sub3A_614 = arith.subi %add3A_590, %sub3A_613 : i32
      %dma_wait3A_615 = arith.constant 1 : i32
      %dma_wait3A_616 = arith.constant 8 : i32
      %dma_wait3A_617 = arith.constant 0 : i32
      %dma_wait3A_618 = tpu.memref_slice %arg10[%dma_wait3A_616, %dma_wait3A_617] : memref<64x129xf32, #tpu.memory_space<vmem>> -> memref<8x128xf32, #tpu.memory_space<vmem>>
      %dma_wait3A_619 = arith.constant 0 : i32
      %dma_wait3A_620 = arith.constant 0 : i32
      %dma_wait3A_621 = tpu.memref_slice %arg4[%sub3A_614, %dma_wait3A_615, %add3A, %dma_wait3A_619, %dma_wait3A_620] : memref<200x8x32x8x128xf32, #tpu.memory_space<hbm>> -> memref<1x1x1x8x128xf32, #tpu.memory_space<hbm>>
      %dma_wait3A_622 = tpu.memref_squeeze %dma_wait3A_621 : memref<1x1x1x8x128xf32, #tpu.memory_space<hbm>> -> memref<8x128xf32, #tpu.memory_space<hbm>>
      %dma_wait3A_623 = arith.constant 0 : i32
      %dma_wait3A_624 = arith.constant 0 : i32
      %dma_wait3A_625 = tpu.memref_slice %arg4[%sub3A_614, %dma_wait3A_615, %add3A, %dma_wait3A_623, %dma_wait3A_624] : memref<200x8x32x8x128xf32, #tpu.memory_space<hbm>> -> memref<1x1x1x8x128xf32, #tpu.memory_space<hbm>>
      %dma_wait3A_626 = tpu.memref_squeeze %dma_wait3A_625 : memref<1x1x1x8x128xf32, #tpu.memory_space<hbm>> -> memref<8x128xf32, #tpu.memory_space<hbm>>
      %dma_wait3A_627 = arith.constant 8 : i32
      %dma_wait3A_628 = arith.constant 0 : i32
      %dma_wait3A_629 = tpu.memref_slice %arg10[%dma_wait3A_627, %dma_wait3A_628] : memref<64x129xf32, #tpu.memory_space<vmem>> -> memref<8x128xf32, #tpu.memory_space<vmem>>
      tpu.wait_dma2 semaphore(%arg16 : memref<!tpu.dma_semaphore, #tpu.memory_space<semaphore_mem>>) src(%dma_wait3A_629 : memref<8x128xf32, #tpu.memory_space<vmem>>) dst(%dma_wait3A_626 : memref<8x128xf32, #tpu.memory_space<hbm>>)
      %sub3A_630 = arith.constant 2 : i32
      %sub3A_631 = arith.subi %add3A_590, %sub3A_630 : i32
      %dma_wait3A_632 = arith.constant 2 : i32
      %dma_wait3A_633 = arith.constant 16 : i32
      %dma_wait3A_634 = arith.constant 0 : i32
      %dma_wait3A_635 = tpu.memref_slice %arg10[%dma_wait3A_633, %dma_wait3A_634] : memref<64x129xf32, #tpu.memory_space<vmem>> -> memref<8x128xf32, #tpu.memory_space<vmem>>
      %dma_wait3A_636 = arith.constant 0 : i32
      %dma_wait3A_637 = arith.constant 0 : i32
      %dma_wait3A_638 = tpu.memref_slice %arg4[%sub3A_631, %dma_wait3A_632, %add3A, %dma_wait3A_636, %dma_wait3A_637] : memref<200x8x32x8x128xf32, #tpu.memory_space<hbm>> -> memref<1x1x1x8x128xf32, #tpu.memory_space<hbm>>
      %dma_wait3A_639 = tpu.memref_squeeze %dma_wait3A_638 : memref<1x1x1x8x128xf32, #tpu.memory_space<hbm>> -> memref<8x128xf32, #tpu.memory_space<hbm>>
      %dma_wait3A_640 = arith.constant 0 : i32
      %dma_wait3A_641 = arith.constant 0 : i32
      %dma_wait3A_642 = tpu.memref_slice %arg4[%sub3A_631, %dma_wait3A_632, %add3A, %dma_wait3A_640, %dma_wait3A_641] : memref<200x8x32x8x128xf32, #tpu.memory_space<hbm>> -> memref<1x1x1x8x128xf32, #tpu.memory_space<hbm>>
      %dma_wait3A_643 = tpu.memref_squeeze %dma_wait3A_642 : memref<1x1x1x8x128xf32, #tpu.memory_space<hbm>> -> memref<8x128xf32, #tpu.memory_space<hbm>>
      %dma_wait3A_644 = arith.constant 16 : i32
      %dma_wait3A_645 = arith.constant 0 : i32
      %dma_wait3A_646 = tpu.memref_slice %arg10[%dma_wait3A_644, %dma_wait3A_645] : memref<64x129xf32, #tpu.memory_space<vmem>> -> memref<8x128xf32, #tpu.memory_space<vmem>>
      tpu.wait_dma2 semaphore(%arg16 : memref<!tpu.dma_semaphore, #tpu.memory_space<semaphore_mem>>) src(%dma_wait3A_646 : memref<8x128xf32, #tpu.memory_space<vmem>>) dst(%dma_wait3A_643 : memref<8x128xf32, #tpu.memory_space<hbm>>)
      %sub3A_647 = arith.constant 2 : i32
      %sub3A_648 = arith.subi %add3A_590, %sub3A_647 : i32
      %dma_wait3A_649 = arith.constant 3 : i32
      %dma_wait3A_650 = arith.constant 24 : i32
      %dma_wait3A_651 = arith.constant 0 : i32
      %dma_wait3A_652 = tpu.memref_slice %arg10[%dma_wait3A_650, %dma_wait3A_651] : memref<64x129xf32, #tpu.memory_space<vmem>> -> memref<8x128xf32, #tpu.memory_space<vmem>>
      %dma_wait3A_653 = arith.constant 0 : i32
      %dma_wait3A_654 = arith.constant 0 : i32
      %dma_wait3A_655 = tpu.memref_slice %arg4[%sub3A_648, %dma_wait3A_649, %add3A, %dma_wait3A_653, %dma_wait3A_654] : memref<200x8x32x8x128xf32, #tpu.memory_space<hbm>> -> memref<1x1x1x8x128xf32, #tpu.memory_space<hbm>>
      %dma_wait3A_656 = tpu.memref_squeeze %dma_wait3A_655 : memref<1x1x1x8x128xf32, #tpu.memory_space<hbm>> -> memref<8x128xf32, #tpu.memory_space<hbm>>
      %dma_wait3A_657 = arith.constant 0 : i32
      %dma_wait3A_658 = arith.constant 0 : i32
      %dma_wait3A_659 = tpu.memref_slice %arg4[%sub3A_648, %dma_wait3A_649, %add3A, %dma_wait3A_657, %dma_wait3A_658] : memref<200x8x32x8x128xf32, #tpu.memory_space<hbm>> -> memref<1x1x1x8x128xf32, #tpu.memory_space<hbm>>
      %dma_wait3A_660 = tpu.memref_squeeze %dma_wait3A_659 : memref<1x1x1x8x128xf32, #tpu.memory_space<hbm>> -> memref<8x128xf32, #tpu.memory_space<hbm>>
      %dma_wait3A_661 = arith.constant 24 : i32
      %dma_wait3A_662 = arith.constant 0 : i32
      %dma_wait3A_663 = tpu.memref_slice %arg10[%dma_wait3A_661, %dma_wait3A_662] : memref<64x129xf32, #tpu.memory_space<vmem>> -> memref<8x128xf32, #tpu.memory_space<vmem>>
      tpu.wait_dma2 semaphore(%arg16 : memref<!tpu.dma_semaphore, #tpu.memory_space<semaphore_mem>>) src(%dma_wait3A_663 : memref<8x128xf32, #tpu.memory_space<vmem>>) dst(%dma_wait3A_660 : memref<8x128xf32, #tpu.memory_space<hbm>>)
      %sub3A_664 = arith.constant 2 : i32
      %sub3A_665 = arith.subi %add3A_590, %sub3A_664 : i32
      %dma_wait3A_666 = arith.constant 4 : i32
      %dma_wait3A_667 = arith.constant 32 : i32
      %dma_wait3A_668 = arith.constant 0 : i32
      %dma_wait3A_669 = tpu.memref_slice %arg10[%dma_wait3A_667, %dma_wait3A_668] : memref<64x129xf32, #tpu.memory_space<vmem>> -> memref<8x128xf32, #tpu.memory_space<vmem>>
      %dma_wait3A_670 = arith.constant 0 : i32
      %dma_wait3A_671 = arith.constant 0 : i32
      %dma_wait3A_672 = tpu.memref_slice %arg4[%sub3A_665, %dma_wait3A_666, %add3A, %dma_wait3A_670, %dma_wait3A_671] : memref<200x8x32x8x128xf32, #tpu.memory_space<hbm>> -> memref<1x1x1x8x128xf32, #tpu.memory_space<hbm>>
      %dma_wait3A_673 = tpu.memref_squeeze %dma_wait3A_672 : memref<1x1x1x8x128xf32, #tpu.memory_space<hbm>> -> memref<8x128xf32, #tpu.memory_space<hbm>>
      %dma_wait3A_674 = arith.constant 0 : i32
      %dma_wait3A_675 = arith.constant 0 : i32
      %dma_wait3A_676 = tpu.memref_slice %arg4[%sub3A_665, %dma_wait3A_666, %add3A, %dma_wait3A_674, %dma_wait3A_675] : memref<200x8x32x8x128xf32, #tpu.memory_space<hbm>> -> memref<1x1x1x8x128xf32, #tpu.memory_space<hbm>>
      %dma_wait3A_677 = tpu.memref_squeeze %dma_wait3A_676 : memref<1x1x1x8x128xf32, #tpu.memory_space<hbm>> -> memref<8x128xf32, #tpu.memory_space<hbm>>
      %dma_wait3A_678 = arith.constant 32 : i32
      %dma_wait3A_679 = arith.constant 0 : i32
      %dma_wait3A_680 = tpu.memref_slice %arg10[%dma_wait3A_678, %dma_wait3A_679] : memref<64x129xf32, #tpu.memory_space<vmem>> -> memref<8x128xf32, #tpu.memory_space<vmem>>
      tpu.wait_dma2 semaphore(%arg16 : memref<!tpu.dma_semaphore, #tpu.memory_space<semaphore_mem>>) src(%dma_wait3A_680 : memref<8x128xf32, #tpu.memory_space<vmem>>) dst(%dma_wait3A_677 : memref<8x128xf32, #tpu.memory_space<hbm>>)
      %sub3A_681 = arith.constant 2 : i32
      %sub3A_682 = arith.subi %add3A_590, %sub3A_681 : i32
      %dma_wait3A_683 = arith.constant 5 : i32
      %dma_wait3A_684 = arith.constant 40 : i32
      %dma_wait3A_685 = arith.constant 0 : i32
      %dma_wait3A_686 = tpu.memref_slice %arg10[%dma_wait3A_684, %dma_wait3A_685] : memref<64x129xf32, #tpu.memory_space<vmem>> -> memref<8x128xf32, #tpu.memory_space<vmem>>
      %dma_wait3A_687 = arith.constant 0 : i32
      %dma_wait3A_688 = arith.constant 0 : i32
      %dma_wait3A_689 = tpu.memref_slice %arg4[%sub3A_682, %dma_wait3A_683, %add3A, %dma_wait3A_687, %dma_wait3A_688] : memref<200x8x32x8x128xf32, #tpu.memory_space<hbm>> -> memref<1x1x1x8x128xf32, #tpu.memory_space<hbm>>
      %dma_wait3A_690 = tpu.memref_squeeze %dma_wait3A_689 : memref<1x1x1x8x128xf32, #tpu.memory_space<hbm>> -> memref<8x128xf32, #tpu.memory_space<hbm>>
      %dma_wait3A_691 = arith.constant 0 : i32
      %dma_wait3A_692 = arith.constant 0 : i32
      %dma_wait3A_693 = tpu.memref_slice %arg4[%sub3A_682, %dma_wait3A_683, %add3A, %dma_wait3A_691, %dma_wait3A_692] : memref<200x8x32x8x128xf32, #tpu.memory_space<hbm>> -> memref<1x1x1x8x128xf32, #tpu.memory_space<hbm>>
      %dma_wait3A_694 = tpu.memref_squeeze %dma_wait3A_693 : memref<1x1x1x8x128xf32, #tpu.memory_space<hbm>> -> memref<8x128xf32, #tpu.memory_space<hbm>>
      %dma_wait3A_695 = arith.constant 40 : i32
      %dma_wait3A_696 = arith.constant 0 : i32
      %dma_wait3A_697 = tpu.memref_slice %arg10[%dma_wait3A_695, %dma_wait3A_696] : memref<64x129xf32, #tpu.memory_space<vmem>> -> memref<8x128xf32, #tpu.memory_space<vmem>>
      tpu.wait_dma2 semaphore(%arg16 : memref<!tpu.dma_semaphore, #tpu.memory_space<semaphore_mem>>) src(%dma_wait3A_697 : memref<8x128xf32, #tpu.memory_space<vmem>>) dst(%dma_wait3A_694 : memref<8x128xf32, #tpu.memory_space<hbm>>)
      %sub3A_698 = arith.constant 2 : i32
      %sub3A_699 = arith.subi %add3A_590, %sub3A_698 : i32
      %dma_wait3A_700 = arith.constant 6 : i32
      %dma_wait3A_701 = arith.constant 48 : i32
      %dma_wait3A_702 = arith.constant 0 : i32
      %dma_wait3A_703 = tpu.memref_slice %arg10[%dma_wait3A_701, %dma_wait3A_702] : memref<64x129xf32, #tpu.memory_space<vmem>> -> memref<8x128xf32, #tpu.memory_space<vmem>>
      %dma_wait3A_704 = arith.constant 0 : i32
      %dma_wait3A_705 = arith.constant 0 : i32
      %dma_wait3A_706 = tpu.memref_slice %arg4[%sub3A_699, %dma_wait3A_700, %add3A, %dma_wait3A_704, %dma_wait3A_705] : memref<200x8x32x8x128xf32, #tpu.memory_space<hbm>> -> memref<1x1x1x8x128xf32, #tpu.memory_space<hbm>>
      %dma_wait3A_707 = tpu.memref_squeeze %dma_wait3A_706 : memref<1x1x1x8x128xf32, #tpu.memory_space<hbm>> -> memref<8x128xf32, #tpu.memory_space<hbm>>
      %dma_wait3A_708 = arith.constant 0 : i32
      %dma_wait3A_709 = arith.constant 0 : i32
      %dma_wait3A_710 = tpu.memref_slice %arg4[%sub3A_699, %dma_wait3A_700, %add3A, %dma_wait3A_708, %dma_wait3A_709] : memref<200x8x32x8x128xf32, #tpu.memory_space<hbm>> -> memref<1x1x1x8x128xf32, #tpu.memory_space<hbm>>
      %dma_wait3A_711 = tpu.memref_squeeze %dma_wait3A_710 : memref<1x1x1x8x128xf32, #tpu.memory_space<hbm>> -> memref<8x128xf32, #tpu.memory_space<hbm>>
      %dma_wait3A_712 = arith.constant 48 : i32
      %dma_wait3A_713 = arith.constant 0 : i32
      %dma_wait3A_714 = tpu.memref_slice %arg10[%dma_wait3A_712, %dma_wait3A_713] : memref<64x129xf32, #tpu.memory_space<vmem>> -> memref<8x128xf32, #tpu.memory_space<vmem>>
      tpu.wait_dma2 semaphore(%arg16 : memref<!tpu.dma_semaphore, #tpu.memory_space<semaphore_mem>>) src(%dma_wait3A_714 : memref<8x128xf32, #tpu.memory_space<vmem>>) dst(%dma_wait3A_711 : memref<8x128xf32, #tpu.memory_space<hbm>>)
      %sub3A_715 = arith.constant 2 : i32
      %sub3A_716 = arith.subi %add3A_590, %sub3A_715 : i32
      %dma_wait3A_717 = arith.constant 7 : i32
      %dma_wait3A_718 = arith.constant 56 : i32
      %dma_wait3A_719 = arith.constant 0 : i32
      %dma_wait3A_720 = tpu.memref_slice %arg10[%dma_wait3A_718, %dma_wait3A_719] : memref<64x129xf32, #tpu.memory_space<vmem>> -> memref<8x128xf32, #tpu.memory_space<vmem>>
      %dma_wait3A_721 = arith.constant 0 : i32
      %dma_wait3A_722 = arith.constant 0 : i32
      %dma_wait3A_723 = tpu.memref_slice %arg4[%sub3A_716, %dma_wait3A_717, %add3A, %dma_wait3A_721, %dma_wait3A_722] : memref<200x8x32x8x128xf32, #tpu.memory_space<hbm>> -> memref<1x1x1x8x128xf32, #tpu.memory_space<hbm>>
      %dma_wait3A_724 = tpu.memref_squeeze %dma_wait3A_723 : memref<1x1x1x8x128xf32, #tpu.memory_space<hbm>> -> memref<8x128xf32, #tpu.memory_space<hbm>>
      %dma_wait3A_725 = arith.constant 0 : i32
      %dma_wait3A_726 = arith.constant 0 : i32
      %dma_wait3A_727 = tpu.memref_slice %arg4[%sub3A_716, %dma_wait3A_717, %add3A, %dma_wait3A_725, %dma_wait3A_726] : memref<200x8x32x8x128xf32, #tpu.memory_space<hbm>> -> memref<1x1x1x8x128xf32, #tpu.memory_space<hbm>>
      %dma_wait3A_728 = tpu.memref_squeeze %dma_wait3A_727 : memref<1x1x1x8x128xf32, #tpu.memory_space<hbm>> -> memref<8x128xf32, #tpu.memory_space<hbm>>
      %dma_wait3A_729 = arith.constant 56 : i32
      %dma_wait3A_730 = arith.constant 0 : i32
      %dma_wait3A_731 = tpu.memref_slice %arg10[%dma_wait3A_729, %dma_wait3A_730] : memref<64x129xf32, #tpu.memory_space<vmem>> -> memref<8x128xf32, #tpu.memory_space<vmem>>
      tpu.wait_dma2 semaphore(%arg16 : memref<!tpu.dma_semaphore, #tpu.memory_space<semaphore_mem>>) src(%dma_wait3A_731 : memref<8x128xf32, #tpu.memory_space<vmem>>) dst(%dma_wait3A_728 : memref<8x128xf32, #tpu.memory_space<hbm>>)
      %parallel_loop3A_732 = arith.constant 0 : i32
      %parallel_loop3A_733 = arith.constant 128 : i32
      %parallel_loop3A_734 = arith.constant 1 : i32
      scf.for %parallel_loop3A_1138 = %parallel_loop3A_732 to %parallel_loop3A_733 step %parallel_loop3A_734  : i32 {
        %parallel_loop3A_1139 = vector.broadcast %parallel_loop3A_1138 : i32 to vector<16xi32>
        %parallel_loop3A_1140 = arith.index_cast %parallel_loop3A_1138 : i32 to index
        %parallel_loop3A_1141 = arith.constant 0 : index
        %parallel_loop3A_1142 = tpu.vector_load %arg8[%parallel_loop3A_1140, %parallel_loop3A_1141] {strides = array<i32>} : memref<128x64xf32, #tpu.memory_space<vmem>>, vector<16xf32>,
        %parallel_loop3A_1143 = arith.constant 8.000000e+00 : f32
        %parallel_loop3A_1144 = vector.broadcast %parallel_loop3A_1143 : f32 to vector<16xf32>
        %parallel_loop3A_1145 = arith.mulf %parallel_loop3A_1142, %parallel_loop3A_1144 : vector<16xf32>
        tpu.vector_store_idx %arg10[%add3A_4, %parallel_loop3A_1139], %parallel_loop3A_1145 : memref<64x129xf32, #tpu.memory_space<vmem>>[vector<16xi32>, vector<16xi32>], vector<16xf32>,
        %parallel_loop3A_1146 = arith.index_cast %parallel_loop3A_1138 : i32 to index
        %parallel_loop3A_1147 = arith.constant 16 : index
        %parallel_loop3A_1148 = tpu.vector_load %arg8[%parallel_loop3A_1146, %parallel_loop3A_1147] {strides = array<i32>} : memref<128x64xf32, #tpu.memory_space<vmem>>, vector<16xf32>,
        %parallel_loop3A_1149 = arith.constant 8.000000e+00 : f32
        %parallel_loop3A_1150 = vector.broadcast %parallel_loop3A_1149 : f32 to vector<16xf32>
        %parallel_loop3A_1151 = arith.mulf %parallel_loop3A_1148, %parallel_loop3A_1150 : vector<16xf32>
        tpu.vector_store_idx %arg10[%add3A_7, %parallel_loop3A_1139], %parallel_loop3A_1151 : memref<64x129xf32, #tpu.memory_space<vmem>>[vector<16xi32>, vector<16xi32>], vector<16xf32>,
        %parallel_loop3A_1152 = arith.index_cast %parallel_loop3A_1138 : i32 to index
        %parallel_loop3A_1153 = arith.constant 32 : index
        %parallel_loop3A_1154 = tpu.vector_load %arg8[%parallel_loop3A_1152, %parallel_loop3A_1153] {strides = array<i32>} : memref<128x64xf32, #tpu.memory_space<vmem>>, vector<16xf32>,
        %parallel_loop3A_1155 = arith.constant 8.000000e+00 : f32
        %parallel_loop3A_1156 = vector.broadcast %parallel_loop3A_1155 : f32 to vector<16xf32>
        %parallel_loop3A_1157 = arith.mulf %parallel_loop3A_1154, %parallel_loop3A_1156 : vector<16xf32>
        tpu.vector_store_idx %arg10[%add3A_10, %parallel_loop3A_1139], %parallel_loop3A_1157 : memref<64x129xf32, #tpu.memory_space<vmem>>[vector<16xi32>, vector<16xi32>], vector<16xf32>,
        %parallel_loop3A_1158 = arith.index_cast %parallel_loop3A_1138 : i32 to index
        %parallel_loop3A_1159 = arith.constant 48 : index
        %parallel_loop3A_1160 = tpu.vector_load %arg8[%parallel_loop3A_1158, %parallel_loop3A_1159] {strides = array<i32>} : memref<128x64xf32, #tpu.memory_space<vmem>>, vector<16xf32>,
        %parallel_loop3A_1161 = arith.constant 8.000000e+00 : f32
        %parallel_loop3A_1162 = vector.broadcast %parallel_loop3A_1161 : f32 to vector<16xf32>
        %parallel_loop3A_1163 = arith.mulf %parallel_loop3A_1160, %parallel_loop3A_1162 : vector<16xf32>
        tpu.vector_store_idx %arg10[%add3A_13, %parallel_loop3A_1139], %parallel_loop3A_1163 : memref<64x129xf32, #tpu.memory_space<vmem>>[vector<16xi32>, vector<16xi32>], vector<16xf32>,
      } {sc.loop_unroll_factor = 8 : i64, sc.parallel_access}
      %dma_start3A_735 = arith.constant 0 : i32
      %dma_start3A_736 = arith.constant 0 : i32
      %dma_start3A_737 = arith.constant 0 : i32
      %dma_start3A_738 = tpu.memref_slice %arg10[%dma_start3A_736, %dma_start3A_737] : memref<64x129xf32, #tpu.memory_space<vmem>> -> memref<8x128xf32, #tpu.memory_space<vmem>>
      %dma_start3A_739 = arith.constant 0 : i32
      %dma_start3A_740 = arith.constant 0 : i32
      %dma_start3A_741 = tpu.memref_slice %arg4[%add3A_590, %dma_start3A_735, %add3A, %dma_start3A_739, %dma_start3A_740] : memref<200x8x32x8x128xf32, #tpu.memory_space<hbm>> -> memref<1x1x1x8x128xf32, #tpu.memory_space<hbm>>
      %dma_start3A_742 = tpu.memref_squeeze %dma_start3A_741 : memref<1x1x1x8x128xf32, #tpu.memory_space<hbm>> -> memref<8x128xf32, #tpu.memory_space<hbm>>
      %dma_start3A_743 = arith.constant 0 : i32
      %dma_start3A_744 = arith.constant 0 : i32
      %dma_start3A_745 = tpu.memref_slice %arg4[%add3A_590, %dma_start3A_735, %add3A, %dma_start3A_743, %dma_start3A_744] : memref<200x8x32x8x128xf32, #tpu.memory_space<hbm>> -> memref<1x1x1x8x128xf32, #tpu.memory_space<hbm>>
      %dma_start3A_746 = tpu.memref_squeeze %dma_start3A_745 : memref<1x1x1x8x128xf32, #tpu.memory_space<hbm>> -> memref<8x128xf32, #tpu.memory_space<hbm>>
      %dma_start3A_747 = arith.constant 0 : i32
      %dma_start3A_748 = arith.constant 0 : i32
      %dma_start3A_749 = tpu.memref_slice %arg10[%dma_start3A_747, %dma_start3A_748] : memref<64x129xf32, #tpu.memory_space<vmem>> -> memref<8x128xf32, #tpu.memory_space<vmem>>
      tpu.enqueue_dma source(%dma_start3A_749 : memref<8x128xf32, #tpu.memory_space<vmem>>) target(%dma_start3A_746 : memref<8x128xf32, #tpu.memory_space<hbm>>) target_semaphore(%arg16 : memref<!tpu.dma_semaphore, #tpu.memory_space<semaphore_mem>>)
      %dma_start3A_750 = arith.constant 1 : i32
      %dma_start3A_751 = arith.constant 8 : i32
      %dma_start3A_752 = arith.constant 0 : i32
      %dma_start3A_753 = tpu.memref_slice %arg10[%dma_start3A_751, %dma_start3A_752] : memref<64x129xf32, #tpu.memory_space<vmem>> -> memref<8x128xf32, #tpu.memory_space<vmem>>
      %dma_start3A_754 = arith.constant 0 : i32
      %dma_start3A_755 = arith.constant 0 : i32
      %dma_start3A_756 = tpu.memref_slice %arg4[%add3A_590, %dma_start3A_750, %add3A, %dma_start3A_754, %dma_start3A_755] : memref<200x8x32x8x128xf32, #tpu.memory_space<hbm>> -> memref<1x1x1x8x128xf32, #tpu.memory_space<hbm>>
      %dma_start3A_757 = tpu.memref_squeeze %dma_start3A_756 : memref<1x1x1x8x128xf32, #tpu.memory_space<hbm>> -> memref<8x128xf32, #tpu.memory_space<hbm>>
      %dma_start3A_758 = arith.constant 0 : i32
      %dma_start3A_759 = arith.constant 0 : i32
      %dma_start3A_760 = tpu.memref_slice %arg4[%add3A_590, %dma_start3A_750, %add3A, %dma_start3A_758, %dma_start3A_759] : memref<200x8x32x8x128xf32, #tpu.memory_space<hbm>> -> memref<1x1x1x8x128xf32, #tpu.memory_space<hbm>>
      %dma_start3A_761 = tpu.memref_squeeze %dma_start3A_760 : memref<1x1x1x8x128xf32, #tpu.memory_space<hbm>> -> memref<8x128xf32, #tpu.memory_space<hbm>>
      %dma_start3A_762 = arith.constant 8 : i32
      %dma_start3A_763 = arith.constant 0 : i32
      %dma_start3A_764 = tpu.memref_slice %arg10[%dma_start3A_762, %dma_start3A_763] : memref<64x129xf32, #tpu.memory_space<vmem>> -> memref<8x128xf32, #tpu.memory_space<vmem>>
      tpu.enqueue_dma source(%dma_start3A_764 : memref<8x128xf32, #tpu.memory_space<vmem>>) target(%dma_start3A_761 : memref<8x128xf32, #tpu.memory_space<hbm>>) target_semaphore(%arg16 : memref<!tpu.dma_semaphore, #tpu.memory_space<semaphore_mem>>)
      %dma_start3A_765 = arith.constant 2 : i32
      %dma_start3A_766 = arith.constant 16 : i32
      %dma_start3A_767 = arith.constant 0 : i32
      %dma_start3A_768 = tpu.memref_slice %arg10[%dma_start3A_766, %dma_start3A_767] : memref<64x129xf32, #tpu.memory_space<vmem>> -> memref<8x128xf32, #tpu.memory_space<vmem>>
      %dma_start3A_769 = arith.constant 0 : i32
      %dma_start3A_770 = arith.constant 0 : i32
      %dma_start3A_771 = tpu.memref_slice %arg4[%add3A_590, %dma_start3A_765, %add3A, %dma_start3A_769, %dma_start3A_770] : memref<200x8x32x8x128xf32, #tpu.memory_space<hbm>> -> memref<1x1x1x8x128xf32, #tpu.memory_space<hbm>>
      %dma_start3A_772 = tpu.memref_squeeze %dma_start3A_771 : memref<1x1x1x8x128xf32, #tpu.memory_space<hbm>> -> memref<8x128xf32, #tpu.memory_space<hbm>>
      %dma_start3A_773 = arith.constant 0 : i32
      %dma_start3A_774 = arith.constant 0 : i32
      %dma_start3A_775 = tpu.memref_slice %arg4[%add3A_590, %dma_start3A_765, %add3A, %dma_start3A_773, %dma_start3A_774] : memref<200x8x32x8x128xf32, #tpu.memory_space<hbm>> -> memref<1x1x1x8x128xf32, #tpu.memory_space<hbm>>
      %dma_start3A_776 = tpu.memref_squeeze %dma_start3A_775 : memref<1x1x1x8x128xf32, #tpu.memory_space<hbm>> -> memref<8x128xf32, #tpu.memory_space<hbm>>
      %dma_start3A_777 = arith.constant 16 : i32
      %dma_start3A_778 = arith.constant 0 : i32
      %dma_start3A_779 = tpu.memref_slice %arg10[%dma_start3A_777, %dma_start3A_778] : memref<64x129xf32, #tpu.memory_space<vmem>> -> memref<8x128xf32, #tpu.memory_space<vmem>>
      tpu.enqueue_dma source(%dma_start3A_779 : memref<8x128xf32, #tpu.memory_space<vmem>>) target(%dma_start3A_776 : memref<8x128xf32, #tpu.memory_space<hbm>>) target_semaphore(%arg16 : memref<!tpu.dma_semaphore, #tpu.memory_space<semaphore_mem>>)
      %dma_start3A_780 = arith.constant 3 : i32
      %dma_start3A_781 = arith.constant 24 : i32
      %dma_start3A_782 = arith.constant 0 : i32
      %dma_start3A_783 = tpu.memref_slice %arg10[%dma_start3A_781, %dma_start3A_782] : memref<64x129xf32, #tpu.memory_space<vmem>> -> memref<8x128xf32, #tpu.memory_space<vmem>>
      %dma_start3A_784 = arith.constant 0 : i32
      %dma_start3A_785 = arith.constant 0 : i32
      %dma_start3A_786 = tpu.memref_slice %arg4[%add3A_590, %dma_start3A_780, %add3A, %dma_start3A_784, %dma_start3A_785] : memref<200x8x32x8x128xf32, #tpu.memory_space<hbm>> -> memref<1x1x1x8x128xf32, #tpu.memory_space<hbm>>
      %dma_start3A_787 = tpu.memref_squeeze %dma_start3A_786 : memref<1x1x1x8x128xf32, #tpu.memory_space<hbm>> -> memref<8x128xf32, #tpu.memory_space<hbm>>
      %dma_start3A_788 = arith.constant 0 : i32
      %dma_start3A_789 = arith.constant 0 : i32
      %dma_start3A_790 = tpu.memref_slice %arg4[%add3A_590, %dma_start3A_780, %add3A, %dma_start3A_788, %dma_start3A_789] : memref<200x8x32x8x128xf32, #tpu.memory_space<hbm>> -> memref<1x1x1x8x128xf32, #tpu.memory_space<hbm>>
      %dma_start3A_791 = tpu.memref_squeeze %dma_start3A_790 : memref<1x1x1x8x128xf32, #tpu.memory_space<hbm>> -> memref<8x128xf32, #tpu.memory_space<hbm>>
      %dma_start3A_792 = arith.constant 24 : i32
      %dma_start3A_793 = arith.constant 0 : i32
      %dma_start3A_794 = tpu.memref_slice %arg10[%dma_start3A_792, %dma_start3A_793] : memref<64x129xf32, #tpu.memory_space<vmem>> -> memref<8x128xf32, #tpu.memory_space<vmem>>
      tpu.enqueue_dma source(%dma_start3A_794 : memref<8x128xf32, #tpu.memory_space<vmem>>) target(%dma_start3A_791 : memref<8x128xf32, #tpu.memory_space<hbm>>) target_semaphore(%arg16 : memref<!tpu.dma_semaphore, #tpu.memory_space<semaphore_mem>>)
      %dma_start3A_795 = arith.constant 4 : i32
      %dma_start3A_796 = arith.constant 32 : i32
      %dma_start3A_797 = arith.constant 0 : i32
      %dma_start3A_798 = tpu.memref_slice %arg10[%dma_start3A_796, %dma_start3A_797] : memref<64x129xf32, #tpu.memory_space<vmem>> -> memref<8x128xf32, #tpu.memory_space<vmem>>
      %dma_start3A_799 = arith.constant 0 : i32
      %dma_start3A_800 = arith.constant 0 : i32
      %dma_start3A_801 = tpu.memref_slice %arg4[%add3A_590, %dma_start3A_795, %add3A, %dma_start3A_799, %dma_start3A_800] : memref<200x8x32x8x128xf32, #tpu.memory_space<hbm>> -> memref<1x1x1x8x128xf32, #tpu.memory_space<hbm>>
      %dma_start3A_802 = tpu.memref_squeeze %dma_start3A_801 : memref<1x1x1x8x128xf32, #tpu.memory_space<hbm>> -> memref<8x128xf32, #tpu.memory_space<hbm>>
      %dma_start3A_803 = arith.constant 0 : i32
      %dma_start3A_804 = arith.constant 0 : i32
      %dma_start3A_805 = tpu.memref_slice %arg4[%add3A_590, %dma_start3A_795, %add3A, %dma_start3A_803, %dma_start3A_804] : memref<200x8x32x8x128xf32, #tpu.memory_space<hbm>> -> memref<1x1x1x8x128xf32, #tpu.memory_space<hbm>>
      %dma_start3A_806 = tpu.memref_squeeze %dma_start3A_805 : memref<1x1x1x8x128xf32, #tpu.memory_space<hbm>> -> memref<8x128xf32, #tpu.memory_space<hbm>>
      %dma_start3A_807 = arith.constant 32 : i32
      %dma_start3A_808 = arith.constant 0 : i32
      %dma_start3A_809 = tpu.memref_slice %arg10[%dma_start3A_807, %dma_start3A_808] : memref<64x129xf32, #tpu.memory_space<vmem>> -> memref<8x128xf32, #tpu.memory_space<vmem>>
      tpu.enqueue_dma source(%dma_start3A_809 : memref<8x128xf32, #tpu.memory_space<vmem>>) target(%dma_start3A_806 : memref<8x128xf32, #tpu.memory_space<hbm>>) target_semaphore(%arg16 : memref<!tpu.dma_semaphore, #tpu.memory_space<semaphore_mem>>)
      %dma_start3A_810 = arith.constant 5 : i32
      %dma_start3A_811 = arith.constant 40 : i32
      %dma_start3A_812 = arith.constant 0 : i32
      %dma_start3A_813 = tpu.memref_slice %arg10[%dma_start3A_811, %dma_start3A_812] : memref<64x129xf32, #tpu.memory_space<vmem>> -> memref<8x128xf32, #tpu.memory_space<vmem>>
      %dma_start3A_814 = arith.constant 0 : i32
      %dma_start3A_815 = arith.constant 0 : i32
      %dma_start3A_816 = tpu.memref_slice %arg4[%add3A_590, %dma_start3A_810, %add3A, %dma_start3A_814, %dma_start3A_815] : memref<200x8x32x8x128xf32, #tpu.memory_space<hbm>> -> memref<1x1x1x8x128xf32, #tpu.memory_space<hbm>>
      %dma_start3A_817 = tpu.memref_squeeze %dma_start3A_816 : memref<1x1x1x8x128xf32, #tpu.memory_space<hbm>> -> memref<8x128xf32, #tpu.memory_space<hbm>>
      %dma_start3A_818 = arith.constant 0 : i32
      %dma_start3A_819 = arith.constant 0 : i32
      %dma_start3A_820 = tpu.memref_slice %arg4[%add3A_590, %dma_start3A_810, %add3A, %dma_start3A_818, %dma_start3A_819] : memref<200x8x32x8x128xf32, #tpu.memory_space<hbm>> -> memref<1x1x1x8x128xf32, #tpu.memory_space<hbm>>
      %dma_start3A_821 = tpu.memref_squeeze %dma_start3A_820 : memref<1x1x1x8x128xf32, #tpu.memory_space<hbm>> -> memref<8x128xf32, #tpu.memory_space<hbm>>
      %dma_start3A_822 = arith.constant 40 : i32
      %dma_start3A_823 = arith.constant 0 : i32
      %dma_start3A_824 = tpu.memref_slice %arg10[%dma_start3A_822, %dma_start3A_823] : memref<64x129xf32, #tpu.memory_space<vmem>> -> memref<8x128xf32, #tpu.memory_space<vmem>>
      tpu.enqueue_dma source(%dma_start3A_824 : memref<8x128xf32, #tpu.memory_space<vmem>>) target(%dma_start3A_821 : memref<8x128xf32, #tpu.memory_space<hbm>>) target_semaphore(%arg16 : memref<!tpu.dma_semaphore, #tpu.memory_space<semaphore_mem>>)
      %dma_start3A_825 = arith.constant 6 : i32
      %dma_start3A_826 = arith.constant 48 : i32
      %dma_start3A_827 = arith.constant 0 : i32
      %dma_start3A_828 = tpu.memref_slice %arg10[%dma_start3A_826, %dma_start3A_827] : memref<64x129xf32, #tpu.memory_space<vmem>> -> memref<8x128xf32, #tpu.memory_space<vmem>>
      %dma_start3A_829 = arith.constant 0 : i32
      %dma_start3A_830 = arith.constant 0 : i32
      %dma_start3A_831 = tpu.memref_slice %arg4[%add3A_590, %dma_start3A_825, %add3A, %dma_start3A_829, %dma_start3A_830] : memref<200x8x32x8x128xf32, #tpu.memory_space<hbm>> -> memref<1x1x1x8x128xf32, #tpu.memory_space<hbm>>
      %dma_start3A_832 = tpu.memref_squeeze %dma_start3A_831 : memref<1x1x1x8x128xf32, #tpu.memory_space<hbm>> -> memref<8x128xf32, #tpu.memory_space<hbm>>
      %dma_start3A_833 = arith.constant 0 : i32
      %dma_start3A_834 = arith.constant 0 : i32
      %dma_start3A_835 = tpu.memref_slice %arg4[%add3A_590, %dma_start3A_825, %add3A, %dma_start3A_833, %dma_start3A_834] : memref<200x8x32x8x128xf32, #tpu.memory_space<hbm>> -> memref<1x1x1x8x128xf32, #tpu.memory_space<hbm>>
      %dma_start3A_836 = tpu.memref_squeeze %dma_start3A_835 : memref<1x1x1x8x128xf32, #tpu.memory_space<hbm>> -> memref<8x128xf32, #tpu.memory_space<hbm>>
      %dma_start3A_837 = arith.constant 48 : i32
      %dma_start3A_838 = arith.constant 0 : i32
      %dma_start3A_839 = tpu.memref_slice %arg10[%dma_start3A_837, %dma_start3A_838] : memref<64x129xf32, #tpu.memory_space<vmem>> -> memref<8x128xf32, #tpu.memory_space<vmem>>
      tpu.enqueue_dma source(%dma_start3A_839 : memref<8x128xf32, #tpu.memory_space<vmem>>) target(%dma_start3A_836 : memref<8x128xf32, #tpu.memory_space<hbm>>) target_semaphore(%arg16 : memref<!tpu.dma_semaphore, #tpu.memory_space<semaphore_mem>>)
      %dma_start3A_840 = arith.constant 7 : i32
      %dma_start3A_841 = arith.constant 56 : i32
      %dma_start3A_842 = arith.constant 0 : i32
      %dma_start3A_843 = tpu.memref_slice %arg10[%dma_start3A_841, %dma_start3A_842] : memref<64x129xf32, #tpu.memory_space<vmem>> -> memref<8x128xf32, #tpu.memory_space<vmem>>
      %dma_start3A_844 = arith.constant 0 : i32
      %dma_start3A_845 = arith.constant 0 : i32
      %dma_start3A_846 = tpu.memref_slice %arg4[%add3A_590, %dma_start3A_840, %add3A, %dma_start3A_844, %dma_start3A_845] : memref<200x8x32x8x128xf32, #tpu.memory_space<hbm>> -> memref<1x1x1x8x128xf32, #tpu.memory_space<hbm>>
      %dma_start3A_847 = tpu.memref_squeeze %dma_start3A_846 : memref<1x1x1x8x128xf32, #tpu.memory_space<hbm>> -> memref<8x128xf32, #tpu.memory_space<hbm>>
      %dma_start3A_848 = arith.constant 0 : i32
      %dma_start3A_849 = arith.constant 0 : i32
      %dma_start3A_850 = tpu.memref_slice %arg4[%add3A_590, %dma_start3A_840, %add3A, %dma_start3A_848, %dma_start3A_849] : memref<200x8x32x8x128xf32, #tpu.memory_space<hbm>> -> memref<1x1x1x8x128xf32, #tpu.memory_space<hbm>>
      %dma_start3A_851 = tpu.memref_squeeze %dma_start3A_850 : memref<1x1x1x8x128xf32, #tpu.memory_space<hbm>> -> memref<8x128xf32, #tpu.memory_space<hbm>>
      %dma_start3A_852 = arith.constant 56 : i32
      %dma_start3A_853 = arith.constant 0 : i32
      %dma_start3A_854 = tpu.memref_slice %arg10[%dma_start3A_852, %dma_start3A_853] : memref<64x129xf32, #tpu.memory_space<vmem>> -> memref<8x128xf32, #tpu.memory_space<vmem>>
      tpu.enqueue_dma source(%dma_start3A_854 : memref<8x128xf32, #tpu.memory_space<vmem>>) target(%dma_start3A_851 : memref<8x128xf32, #tpu.memory_space<hbm>>) target_semaphore(%arg16 : memref<!tpu.dma_semaphore, #tpu.memory_space<semaphore_mem>>)
      %add3A_855 = arith.constant 4 : i32
      %add3A_856 = arith.addi %add3A_590, %add3A_855 : i32
      %lt3A_857 = arith.constant 200 : i32
      %lt3A_858 = arith.cmpi slt, %add3A_856, %lt3A_857 : i32
      %convert_element_type3A_859 = arith.extui %lt3A_858 : i1 to i32
      %cond3A_860 = arith.constant 0 : i32
      %cond3A_861 = arith.cmpi ne, %convert_element_type3A_859, %cond3A_860 : i32
      scf.if %cond3A_861 {
        %add3A_1138 = arith.constant 4 : i32
        %add3A_1139 = arith.addi %add3A_590, %add3A_1138 : i32
        %dma_start3A_1140 = arith.constant 0 : i32
        %dma_start3A_1141 = tpu.memref_slice %arg5[%add3A_1139, %dma_start3A_1140] : memref<200x128xi32, #tpu.memory_space<vmem>> -> memref<1x128xi32, #tpu.memory_space<vmem>>
        %dma_start3A_1142 = tpu.memref_squeeze %dma_start3A_1141 : memref<1x128xi32, #tpu.memory_space<vmem>> -> memref<128xi32, #tpu.memory_space<vmem>>
        %dma_start3A_1143 = arith.constant 0 : i32
        %dma_start3A_1144 = arith.constant 0 : i32
        %dma_start3A_1145 = tpu.memref_slice %arg3[%dma_start3A_1143, %dma_start3A_1144] : memref<1000000x64xf32, #tpu.memory_space<hbm>> -> memref<1000000x64xf32, #tpu.memory_space<hbm>>
        tpu.enqueue_indirect_dma source(%dma_start3A_1145 : memref<1000000x64xf32, #tpu.memory_space<hbm>>) target(%arg8 : memref<128x64xf32, #tpu.memory_space<vmem>>) offsets(%dma_start3A_1142 : memref<128xi32, #tpu.memory_space<vmem>>) semaphore(%arg14 : memref<!tpu.dma_semaphore, #tpu.memory_space<semaphore_mem>>)
      } else {
      }
      %mul3A_862 = arith.constant 4 : i32
      %mul3A_863 = arith.muli %scan3A_301, %mul3A_862 : i32
      %add3A_864 = arith.constant 3 : i32
      %add3A_865 = arith.addi %mul3A_863, %add3A_864 : i32
      %dma_wait3A_866 = arith.constant 0 : i32
      %dma_wait3A_867 = arith.constant 0 : i32
      %dma_wait3A_868 = tpu.memref_slice %arg3[%dma_wait3A_866, %dma_wait3A_867] : memref<1000000x64xf32, #tpu.memory_space<hbm>> -> memref<128x64xf32, #tpu.memory_space<hbm>>
      %dma_wait3A_869 = arith.constant 0 : i32
      %dma_wait3A_870 = arith.constant 0 : i32
      %dma_wait3A_871 = tpu.memref_slice %arg3[%dma_wait3A_869, %dma_wait3A_870] : memref<1000000x64xf32, #tpu.memory_space<hbm>> -> memref<128x64xf32, #tpu.memory_space<hbm>>
      tpu.wait_dma2 semaphore(%arg15 : memref<!tpu.dma_semaphore, #tpu.memory_space<semaphore_mem>>) src(%dma_wait3A_871 : memref<128x64xf32, #tpu.memory_space<hbm>>) dst(%arg9 : memref<128x64xf32, #tpu.memory_space<vmem>>)
      %sub3A_872 = arith.constant 2 : i32
      %sub3A_873 = arith.subi %add3A_865, %sub3A_872 : i32
      %dma_wait3A_874 = arith.constant 0 : i32
      %dma_wait3A_875 = arith.constant 0 : i32
      %dma_wait3A_876 = arith.constant 0 : i32
      %dma_wait3A_877 = tpu.memref_slice %arg11[%dma_wait3A_875, %dma_wait3A_876] : memref<64x129xf32, #tpu.memory_space<vmem>> -> memref<8x128xf32, #tpu.memory_space<vmem>>
      %dma_wait3A_878 = arith.constant 0 : i32
      %dma_wait3A_879 = arith.constant 0 : i32
      %dma_wait3A_880 = tpu.memref_slice %arg4[%sub3A_873, %dma_wait3A_874, %add3A, %dma_wait3A_878, %dma_wait3A_879] : memref<200x8x32x8x128xf32, #tpu.memory_space<hbm>> -> memref<1x1x1x8x128xf32, #tpu.memory_space<hbm>>
      %dma_wait3A_881 = tpu.memref_squeeze %dma_wait3A_880 : memref<1x1x1x8x128xf32, #tpu.memory_space<hbm>> -> memref<8x128xf32, #tpu.memory_space<hbm>>
      %dma_wait3A_882 = arith.constant 0 : i32
      %dma_wait3A_883 = arith.constant 0 : i32
      %dma_wait3A_884 = tpu.memref_slice %arg4[%sub3A_873, %dma_wait3A_874, %add3A, %dma_wait3A_882, %dma_wait3A_883] : memref<200x8x32x8x128xf32, #tpu.memory_space<hbm>> -> memref<1x1x1x8x128xf32, #tpu.memory_space<hbm>>
      %dma_wait3A_885 = tpu.memref_squeeze %dma_wait3A_884 : memref<1x1x1x8x128xf32, #tpu.memory_space<hbm>> -> memref<8x128xf32, #tpu.memory_space<hbm>>
      %dma_wait3A_886 = arith.constant 0 : i32
      %dma_wait3A_887 = arith.constant 0 : i32
      %dma_wait3A_888 = tpu.memref_slice %arg11[%dma_wait3A_886, %dma_wait3A_887] : memref<64x129xf32, #tpu.memory_space<vmem>> -> memref<8x128xf32, #tpu.memory_space<vmem>>
      tpu.wait_dma2 semaphore(%arg17 : memref<!tpu.dma_semaphore, #tpu.memory_space<semaphore_mem>>) src(%dma_wait3A_888 : memref<8x128xf32, #tpu.memory_space<vmem>>) dst(%dma_wait3A_885 : memref<8x128xf32, #tpu.memory_space<hbm>>)
      %sub3A_889 = arith.constant 2 : i32
      %sub3A_890 = arith.subi %add3A_865, %sub3A_889 : i32
      %dma_wait3A_891 = arith.constant 1 : i32
      %dma_wait3A_892 = arith.constant 8 : i32
      %dma_wait3A_893 = arith.constant 0 : i32
      %dma_wait3A_894 = tpu.memref_slice %arg11[%dma_wait3A_892, %dma_wait3A_893] : memref<64x129xf32, #tpu.memory_space<vmem>> -> memref<8x128xf32, #tpu.memory_space<vmem>>
      %dma_wait3A_895 = arith.constant 0 : i32
      %dma_wait3A_896 = arith.constant 0 : i32
      %dma_wait3A_897 = tpu.memref_slice %arg4[%sub3A_890, %dma_wait3A_891, %add3A, %dma_wait3A_895, %dma_wait3A_896] : memref<200x8x32x8x128xf32, #tpu.memory_space<hbm>> -> memref<1x1x1x8x128xf32, #tpu.memory_space<hbm>>
      %dma_wait3A_898 = tpu.memref_squeeze %dma_wait3A_897 : memref<1x1x1x8x128xf32, #tpu.memory_space<hbm>> -> memref<8x128xf32, #tpu.memory_space<hbm>>
      %dma_wait3A_899 = arith.constant 0 : i32
      %dma_wait3A_900 = arith.constant 0 : i32
      %dma_wait3A_901 = tpu.memref_slice %arg4[%sub3A_890, %dma_wait3A_891, %add3A, %dma_wait3A_899, %dma_wait3A_900] : memref<200x8x32x8x128xf32, #tpu.memory_space<hbm>> -> memref<1x1x1x8x128xf32, #tpu.memory_space<hbm>>
      %dma_wait3A_902 = tpu.memref_squeeze %dma_wait3A_901 : memref<1x1x1x8x128xf32, #tpu.memory_space<hbm>> -> memref<8x128xf32, #tpu.memory_space<hbm>>
      %dma_wait3A_903 = arith.constant 8 : i32
      %dma_wait3A_904 = arith.constant 0 : i32
      %dma_wait3A_905 = tpu.memref_slice %arg11[%dma_wait3A_903, %dma_wait3A_904] : memref<64x129xf32, #tpu.memory_space<vmem>> -> memref<8x128xf32, #tpu.memory_space<vmem>>
      tpu.wait_dma2 semaphore(%arg17 : memref<!tpu.dma_semaphore, #tpu.memory_space<semaphore_mem>>) src(%dma_wait3A_905 : memref<8x128xf32, #tpu.memory_space<vmem>>) dst(%dma_wait3A_902 : memref<8x128xf32, #tpu.memory_space<hbm>>)
      %sub3A_906 = arith.constant 2 : i32
      %sub3A_907 = arith.subi %add3A_865, %sub3A_906 : i32
      %dma_wait3A_908 = arith.constant 2 : i32
      %dma_wait3A_909 = arith.constant 16 : i32
      %dma_wait3A_910 = arith.constant 0 : i32
      %dma_wait3A_911 = tpu.memref_slice %arg11[%dma_wait3A_909, %dma_wait3A_910] : memref<64x129xf32, #tpu.memory_space<vmem>> -> memref<8x128xf32, #tpu.memory_space<vmem>>
      %dma_wait3A_912 = arith.constant 0 : i32
      %dma_wait3A_913 = arith.constant 0 : i32
      %dma_wait3A_914 = tpu.memref_slice %arg4[%sub3A_907, %dma_wait3A_908, %add3A, %dma_wait3A_912, %dma_wait3A_913] : memref<200x8x32x8x128xf32, #tpu.memory_space<hbm>> -> memref<1x1x1x8x128xf32, #tpu.memory_space<hbm>>
      %dma_wait3A_915 = tpu.memref_squeeze %dma_wait3A_914 : memref<1x1x1x8x128xf32, #tpu.memory_space<hbm>> -> memref<8x128xf32, #tpu.memory_space<hbm>>
      %dma_wait3A_916 = arith.constant 0 : i32
      %dma_wait3A_917 = arith.constant 0 : i32
      %dma_wait3A_918 = tpu.memref_slice %arg4[%sub3A_907, %dma_wait3A_908, %add3A, %dma_wait3A_916, %dma_wait3A_917] : memref<200x8x32x8x128xf32, #tpu.memory_space<hbm>> -> memref<1x1x1x8x128xf32, #tpu.memory_space<hbm>>
      %dma_wait3A_919 = tpu.memref_squeeze %dma_wait3A_918 : memref<1x1x1x8x128xf32, #tpu.memory_space<hbm>> -> memref<8x128xf32, #tpu.memory_space<hbm>>
      %dma_wait3A_920 = arith.constant 16 : i32
      %dma_wait3A_921 = arith.constant 0 : i32
      %dma_wait3A_922 = tpu.memref_slice %arg11[%dma_wait3A_920, %dma_wait3A_921] : memref<64x129xf32, #tpu.memory_space<vmem>> -> memref<8x128xf32, #tpu.memory_space<vmem>>
      tpu.wait_dma2 semaphore(%arg17 : memref<!tpu.dma_semaphore, #tpu.memory_space<semaphore_mem>>) src(%dma_wait3A_922 : memref<8x128xf32, #tpu.memory_space<vmem>>) dst(%dma_wait3A_919 : memref<8x128xf32, #tpu.memory_space<hbm>>)
      %sub3A_923 = arith.constant 2 : i32
      %sub3A_924 = arith.subi %add3A_865, %sub3A_923 : i32
      %dma_wait3A_925 = arith.constant 3 : i32
      %dma_wait3A_926 = arith.constant 24 : i32
      %dma_wait3A_927 = arith.constant 0 : i32
      %dma_wait3A_928 = tpu.memref_slice %arg11[%dma_wait3A_926, %dma_wait3A_927] : memref<64x129xf32, #tpu.memory_space<vmem>> -> memref<8x128xf32, #tpu.memory_space<vmem>>
      %dma_wait3A_929 = arith.constant 0 : i32
      %dma_wait3A_930 = arith.constant 0 : i32
      %dma_wait3A_931 = tpu.memref_slice %arg4[%sub3A_924, %dma_wait3A_925, %add3A, %dma_wait3A_929, %dma_wait3A_930] : memref<200x8x32x8x128xf32, #tpu.memory_space<hbm>> -> memref<1x1x1x8x128xf32, #tpu.memory_space<hbm>>
      %dma_wait3A_932 = tpu.memref_squeeze %dma_wait3A_931 : memref<1x1x1x8x128xf32, #tpu.memory_space<hbm>> -> memref<8x128xf32, #tpu.memory_space<hbm>>
      %dma_wait3A_933 = arith.constant 0 : i32
      %dma_wait3A_934 = arith.constant 0 : i32
      %dma_wait3A_935 = tpu.memref_slice %arg4[%sub3A_924, %dma_wait3A_925, %add3A, %dma_wait3A_933, %dma_wait3A_934] : memref<200x8x32x8x128xf32, #tpu.memory_space<hbm>> -> memref<1x1x1x8x128xf32, #tpu.memory_space<hbm>>
      %dma_wait3A_936 = tpu.memref_squeeze %dma_wait3A_935 : memref<1x1x1x8x128xf32, #tpu.memory_space<hbm>> -> memref<8x128xf32, #tpu.memory_space<hbm>>
      %dma_wait3A_937 = arith.constant 24 : i32
      %dma_wait3A_938 = arith.constant 0 : i32
      %dma_wait3A_939 = tpu.memref_slice %arg11[%dma_wait3A_937, %dma_wait3A_938] : memref<64x129xf32, #tpu.memory_space<vmem>> -> memref<8x128xf32, #tpu.memory_space<vmem>>
      tpu.wait_dma2 semaphore(%arg17 : memref<!tpu.dma_semaphore, #tpu.memory_space<semaphore_mem>>) src(%dma_wait3A_939 : memref<8x128xf32, #tpu.memory_space<vmem>>) dst(%dma_wait3A_936 : memref<8x128xf32, #tpu.memory_space<hbm>>)
      %sub3A_940 = arith.constant 2 : i32
      %sub3A_941 = arith.subi %add3A_865, %sub3A_940 : i32
      %dma_wait3A_942 = arith.constant 4 : i32
      %dma_wait3A_943 = arith.constant 32 : i32
      %dma_wait3A_944 = arith.constant 0 : i32
      %dma_wait3A_945 = tpu.memref_slice %arg11[%dma_wait3A_943, %dma_wait3A_944] : memref<64x129xf32, #tpu.memory_space<vmem>> -> memref<8x128xf32, #tpu.memory_space<vmem>>
      %dma_wait3A_946 = arith.constant 0 : i32
      %dma_wait3A_947 = arith.constant 0 : i32
      %dma_wait3A_948 = tpu.memref_slice %arg4[%sub3A_941, %dma_wait3A_942, %add3A, %dma_wait3A_946, %dma_wait3A_947] : memref<200x8x32x8x128xf32, #tpu.memory_space<hbm>> -> memref<1x1x1x8x128xf32, #tpu.memory_space<hbm>>
      %dma_wait3A_949 = tpu.memref_squeeze %dma_wait3A_948 : memref<1x1x1x8x128xf32, #tpu.memory_space<hbm>> -> memref<8x128xf32, #tpu.memory_space<hbm>>
      %dma_wait3A_950 = arith.constant 0 : i32
      %dma_wait3A_951 = arith.constant 0 : i32
      %dma_wait3A_952 = tpu.memref_slice %arg4[%sub3A_941, %dma_wait3A_942, %add3A, %dma_wait3A_950, %dma_wait3A_951] : memref<200x8x32x8x128xf32, #tpu.memory_space<hbm>> -> memref<1x1x1x8x128xf32, #tpu.memory_space<hbm>>
      %dma_wait3A_953 = tpu.memref_squeeze %dma_wait3A_952 : memref<1x1x1x8x128xf32, #tpu.memory_space<hbm>> -> memref<8x128xf32, #tpu.memory_space<hbm>>
      %dma_wait3A_954 = arith.constant 32 : i32
      %dma_wait3A_955 = arith.constant 0 : i32
      %dma_wait3A_956 = tpu.memref_slice %arg11[%dma_wait3A_954, %dma_wait3A_955] : memref<64x129xf32, #tpu.memory_space<vmem>> -> memref<8x128xf32, #tpu.memory_space<vmem>>
      tpu.wait_dma2 semaphore(%arg17 : memref<!tpu.dma_semaphore, #tpu.memory_space<semaphore_mem>>) src(%dma_wait3A_956 : memref<8x128xf32, #tpu.memory_space<vmem>>) dst(%dma_wait3A_953 : memref<8x128xf32, #tpu.memory_space<hbm>>)
      %sub3A_957 = arith.constant 2 : i32
      %sub3A_958 = arith.subi %add3A_865, %sub3A_957 : i32
      %dma_wait3A_959 = arith.constant 5 : i32
      %dma_wait3A_960 = arith.constant 40 : i32
      %dma_wait3A_961 = arith.constant 0 : i32
      %dma_wait3A_962 = tpu.memref_slice %arg11[%dma_wait3A_960, %dma_wait3A_961] : memref<64x129xf32, #tpu.memory_space<vmem>> -> memref<8x128xf32, #tpu.memory_space<vmem>>
      %dma_wait3A_963 = arith.constant 0 : i32
      %dma_wait3A_964 = arith.constant 0 : i32
      %dma_wait3A_965 = tpu.memref_slice %arg4[%sub3A_958, %dma_wait3A_959, %add3A, %dma_wait3A_963, %dma_wait3A_964] : memref<200x8x32x8x128xf32, #tpu.memory_space<hbm>> -> memref<1x1x1x8x128xf32, #tpu.memory_space<hbm>>
      %dma_wait3A_966 = tpu.memref_squeeze %dma_wait3A_965 : memref<1x1x1x8x128xf32, #tpu.memory_space<hbm>> -> memref<8x128xf32, #tpu.memory_space<hbm>>
      %dma_wait3A_967 = arith.constant 0 : i32
      %dma_wait3A_968 = arith.constant 0 : i32
      %dma_wait3A_969 = tpu.memref_slice %arg4[%sub3A_958, %dma_wait3A_959, %add3A, %dma_wait3A_967, %dma_wait3A_968] : memref<200x8x32x8x128xf32, #tpu.memory_space<hbm>> -> memref<1x1x1x8x128xf32, #tpu.memory_space<hbm>>
      %dma_wait3A_970 = tpu.memref_squeeze %dma_wait3A_969 : memref<1x1x1x8x128xf32, #tpu.memory_space<hbm>> -> memref<8x128xf32, #tpu.memory_space<hbm>>
      %dma_wait3A_971 = arith.constant 40 : i32
      %dma_wait3A_972 = arith.constant 0 : i32
      %dma_wait3A_973 = tpu.memref_slice %arg11[%dma_wait3A_971, %dma_wait3A_972] : memref<64x129xf32, #tpu.memory_space<vmem>> -> memref<8x128xf32, #tpu.memory_space<vmem>>
      tpu.wait_dma2 semaphore(%arg17 : memref<!tpu.dma_semaphore, #tpu.memory_space<semaphore_mem>>) src(%dma_wait3A_973 : memref<8x128xf32, #tpu.memory_space<vmem>>) dst(%dma_wait3A_970 : memref<8x128xf32, #tpu.memory_space<hbm>>)
      %sub3A_974 = arith.constant 2 : i32
      %sub3A_975 = arith.subi %add3A_865, %sub3A_974 : i32
      %dma_wait3A_976 = arith.constant 6 : i32
      %dma_wait3A_977 = arith.constant 48 : i32
      %dma_wait3A_978 = arith.constant 0 : i32
      %dma_wait3A_979 = tpu.memref_slice %arg11[%dma_wait3A_977, %dma_wait3A_978] : memref<64x129xf32, #tpu.memory_space<vmem>> -> memref<8x128xf32, #tpu.memory_space<vmem>>
      %dma_wait3A_980 = arith.constant 0 : i32
      %dma_wait3A_981 = arith.constant 0 : i32
      %dma_wait3A_982 = tpu.memref_slice %arg4[%sub3A_975, %dma_wait3A_976, %add3A, %dma_wait3A_980, %dma_wait3A_981] : memref<200x8x32x8x128xf32, #tpu.memory_space<hbm>> -> memref<1x1x1x8x128xf32, #tpu.memory_space<hbm>>
      %dma_wait3A_983 = tpu.memref_squeeze %dma_wait3A_982 : memref<1x1x1x8x128xf32, #tpu.memory_space<hbm>> -> memref<8x128xf32, #tpu.memory_space<hbm>>
      %dma_wait3A_984 = arith.constant 0 : i32
      %dma_wait3A_985 = arith.constant 0 : i32
      %dma_wait3A_986 = tpu.memref_slice %arg4[%sub3A_975, %dma_wait3A_976, %add3A, %dma_wait3A_984, %dma_wait3A_985] : memref<200x8x32x8x128xf32, #tpu.memory_space<hbm>> -> memref<1x1x1x8x128xf32, #tpu.memory_space<hbm>>
      %dma_wait3A_987 = tpu.memref_squeeze %dma_wait3A_986 : memref<1x1x1x8x128xf32, #tpu.memory_space<hbm>> -> memref<8x128xf32, #tpu.memory_space<hbm>>
      %dma_wait3A_988 = arith.constant 48 : i32
      %dma_wait3A_989 = arith.constant 0 : i32
      %dma_wait3A_990 = tpu.memref_slice %arg11[%dma_wait3A_988, %dma_wait3A_989] : memref<64x129xf32, #tpu.memory_space<vmem>> -> memref<8x128xf32, #tpu.memory_space<vmem>>
      tpu.wait_dma2 semaphore(%arg17 : memref<!tpu.dma_semaphore, #tpu.memory_space<semaphore_mem>>) src(%dma_wait3A_990 : memref<8x128xf32, #tpu.memory_space<vmem>>) dst(%dma_wait3A_987 : memref<8x128xf32, #tpu.memory_space<hbm>>)
      %sub3A_991 = arith.constant 2 : i32
      %sub3A_992 = arith.subi %add3A_865, %sub3A_991 : i32
      %dma_wait3A_993 = arith.constant 7 : i32
      %dma_wait3A_994 = arith.constant 56 : i32
      %dma_wait3A_995 = arith.constant 0 : i32
      %dma_wait3A_996 = tpu.memref_slice %arg11[%dma_wait3A_994, %dma_wait3A_995] : memref<64x129xf32, #tpu.memory_space<vmem>> -> memref<8x128xf32, #tpu.memory_space<vmem>>
      %dma_wait3A_997 = arith.constant 0 : i32
      %dma_wait3A_998 = arith.constant 0 : i32
      %dma_wait3A_999 = tpu.memref_slice %arg4[%sub3A_992, %dma_wait3A_993, %add3A, %dma_wait3A_997, %dma_wait3A_998] : memref<200x8x32x8x128xf32, #tpu.memory_space<hbm>> -> memref<1x1x1x8x128xf32, #tpu.memory_space<hbm>>
      %dma_wait3A_1000 = tpu.memref_squeeze %dma_wait3A_999 : memref<1x1x1x8x128xf32, #tpu.memory_space<hbm>> -> memref<8x128xf32, #tpu.memory_space<hbm>>
      %dma_wait3A_1001 = arith.constant 0 : i32
      %dma_wait3A_1002 = arith.constant 0 : i32
      %dma_wait3A_1003 = tpu.memref_slice %arg4[%sub3A_992, %dma_wait3A_993, %add3A, %dma_wait3A_1001, %dma_wait3A_1002] : memref<200x8x32x8x128xf32, #tpu.memory_space<hbm>> -> memref<1x1x1x8x128xf32, #tpu.memory_space<hbm>>
      %dma_wait3A_1004 = tpu.memref_squeeze %dma_wait3A_1003 : memref<1x1x1x8x128xf32, #tpu.memory_space<hbm>> -> memref<8x128xf32, #tpu.memory_space<hbm>>
      %dma_wait3A_1005 = arith.constant 56 : i32
      %dma_wait3A_1006 = arith.constant 0 : i32
      %dma_wait3A_1007 = tpu.memref_slice %arg11[%dma_wait3A_1005, %dma_wait3A_1006] : memref<64x129xf32, #tpu.memory_space<vmem>> -> memref<8x128xf32, #tpu.memory_space<vmem>>
      tpu.wait_dma2 semaphore(%arg17 : memref<!tpu.dma_semaphore, #tpu.memory_space<semaphore_mem>>) src(%dma_wait3A_1007 : memref<8x128xf32, #tpu.memory_space<vmem>>) dst(%dma_wait3A_1004 : memref<8x128xf32, #tpu.memory_space<hbm>>)
      %parallel_loop3A_1008 = arith.constant 0 : i32
      %parallel_loop3A_1009 = arith.constant 128 : i32
      %parallel_loop3A_1010 = arith.constant 1 : i32
      scf.for %parallel_loop3A_1138 = %parallel_loop3A_1008 to %parallel_loop3A_1009 step %parallel_loop3A_1010  : i32 {
        %parallel_loop3A_1139 = vector.broadcast %parallel_loop3A_1138 : i32 to vector<16xi32>
        %parallel_loop3A_1140 = arith.index_cast %parallel_loop3A_1138 : i32 to index
        %parallel_loop3A_1141 = arith.constant 0 : index
        %parallel_loop3A_1142 = tpu.vector_load %arg9[%parallel_loop3A_1140, %parallel_loop3A_1141] {strides = array<i32>} : memref<128x64xf32, #tpu.memory_space<vmem>>, vector<16xf32>,
        %parallel_loop3A_1143 = arith.constant 8.000000e+00 : f32
        %parallel_loop3A_1144 = vector.broadcast %parallel_loop3A_1143 : f32 to vector<16xf32>
        %parallel_loop3A_1145 = arith.mulf %parallel_loop3A_1142, %parallel_loop3A_1144 : vector<16xf32>
        tpu.vector_store_idx %arg11[%add3A_4, %parallel_loop3A_1139], %parallel_loop3A_1145 : memref<64x129xf32, #tpu.memory_space<vmem>>[vector<16xi32>, vector<16xi32>], vector<16xf32>,
        %parallel_loop3A_1146 = arith.index_cast %parallel_loop3A_1138 : i32 to index
        %parallel_loop3A_1147 = arith.constant 16 : index
        %parallel_loop3A_1148 = tpu.vector_load %arg9[%parallel_loop3A_1146, %parallel_loop3A_1147] {strides = array<i32>} : memref<128x64xf32, #tpu.memory_space<vmem>>, vector<16xf32>,
        %parallel_loop3A_1149 = arith.constant 8.000000e+00 : f32
        %parallel_loop3A_1150 = vector.broadcast %parallel_loop3A_1149 : f32 to vector<16xf32>
        %parallel_loop3A_1151 = arith.mulf %parallel_loop3A_1148, %parallel_loop3A_1150 : vector<16xf32>
        tpu.vector_store_idx %arg11[%add3A_7, %parallel_loop3A_1139], %parallel_loop3A_1151 : memref<64x129xf32, #tpu.memory_space<vmem>>[vector<16xi32>, vector<16xi32>], vector<16xf32>,
        %parallel_loop3A_1152 = arith.index_cast %parallel_loop3A_1138 : i32 to index
        %parallel_loop3A_1153 = arith.constant 32 : index
        %parallel_loop3A_1154 = tpu.vector_load %arg9[%parallel_loop3A_1152, %parallel_loop3A_1153] {strides = array<i32>} : memref<128x64xf32, #tpu.memory_space<vmem>>, vector<16xf32>,
        %parallel_loop3A_1155 = arith.constant 8.000000e+00 : f32
        %parallel_loop3A_1156 = vector.broadcast %parallel_loop3A_1155 : f32 to vector<16xf32>
        %parallel_loop3A_1157 = arith.mulf %parallel_loop3A_1154, %parallel_loop3A_1156 : vector<16xf32>
        tpu.vector_store_idx %arg11[%add3A_10, %parallel_loop3A_1139], %parallel_loop3A_1157 : memref<64x129xf32, #tpu.memory_space<vmem>>[vector<16xi32>, vector<16xi32>], vector<16xf32>,
        %parallel_loop3A_1158 = arith.index_cast %parallel_loop3A_1138 : i32 to index
        %parallel_loop3A_1159 = arith.constant 48 : index
        %parallel_loop3A_1160 = tpu.vector_load %arg9[%parallel_loop3A_1158, %parallel_loop3A_1159] {strides = array<i32>} : memref<128x64xf32, #tpu.memory_space<vmem>>, vector<16xf32>,
        %parallel_loop3A_1161 = arith.constant 8.000000e+00 : f32
        %parallel_loop3A_1162 = vector.broadcast %parallel_loop3A_1161 : f32 to vector<16xf32>
        %parallel_loop3A_1163 = arith.mulf %parallel_loop3A_1160, %parallel_loop3A_1162 : vector<16xf32>
        tpu.vector_store_idx %arg11[%add3A_13, %parallel_loop3A_1139], %parallel_loop3A_1163 : memref<64x129xf32, #tpu.memory_space<vmem>>[vector<16xi32>, vector<16xi32>], vector<16xf32>,
      } {sc.loop_unroll_factor = 8 : i64, sc.parallel_access}
      %dma_start3A_1011 = arith.constant 0 : i32
      %dma_start3A_1012 = arith.constant 0 : i32
      %dma_start3A_1013 = arith.constant 0 : i32
      %dma_start3A_1014 = tpu.memref_slice %arg11[%dma_start3A_1012, %dma_start3A_1013] : memref<64x129xf32, #tpu.memory_space<vmem>> -> memref<8x128xf32, #tpu.memory_space<vmem>>
      %dma_start3A_1015 = arith.constant 0 : i32
      %dma_start3A_1016 = arith.constant 0 : i32
      %dma_start3A_1017 = tpu.memref_slice %arg4[%add3A_865, %dma_start3A_1011, %add3A, %dma_start3A_1015, %dma_start3A_1016] : memref<200x8x32x8x128xf32, #tpu.memory_space<hbm>> -> memref<1x1x1x8x128xf32, #tpu.memory_space<hbm>>
      %dma_start3A_1018 = tpu.memref_squeeze %dma_start3A_1017 : memref<1x1x1x8x128xf32, #tpu.memory_space<hbm>> -> memref<8x128xf32, #tpu.memory_space<hbm>>
      %dma_start3A_1019 = arith.constant 0 : i32
      %dma_start3A_1020 = arith.constant 0 : i32
      %dma_start3A_1021 = tpu.memref_slice %arg4[%add3A_865, %dma_start3A_1011, %add3A, %dma_start3A_1019, %dma_start3A_1020] : memref<200x8x32x8x128xf32, #tpu.memory_space<hbm>> -> memref<1x1x1x8x128xf32, #tpu.memory_space<hbm>>
      %dma_start3A_1022 = tpu.memref_squeeze %dma_start3A_1021 : memref<1x1x1x8x128xf32, #tpu.memory_space<hbm>> -> memref<8x128xf32, #tpu.memory_space<hbm>>
      %dma_start3A_1023 = arith.constant 0 : i32
      %dma_start3A_1024 = arith.constant 0 : i32
      %dma_start3A_1025 = tpu.memref_slice %arg11[%dma_start3A_1023, %dma_start3A_1024] : memref<64x129xf32, #tpu.memory_space<vmem>> -> memref<8x128xf32, #tpu.memory_space<vmem>>
      tpu.enqueue_dma source(%dma_start3A_1025 : memref<8x128xf32, #tpu.memory_space<vmem>>) target(%dma_start3A_1022 : memref<8x128xf32, #tpu.memory_space<hbm>>) target_semaphore(%arg17 : memref<!tpu.dma_semaphore, #tpu.memory_space<semaphore_mem>>)
      %dma_start3A_1026 = arith.constant 1 : i32
      %dma_start3A_1027 = arith.constant 8 : i32
      %dma_start3A_1028 = arith.constant 0 : i32
      %dma_start3A_1029 = tpu.memref_slice %arg11[%dma_start3A_1027, %dma_start3A_1028] : memref<64x129xf32, #tpu.memory_space<vmem>> -> memref<8x128xf32, #tpu.memory_space<vmem>>
      %dma_start3A_1030 = arith.constant 0 : i32
      %dma_start3A_1031 = arith.constant 0 : i32
      %dma_start3A_1032 = tpu.memref_slice %arg4[%add3A_865, %dma_start3A_1026, %add3A, %dma_start3A_1030, %dma_start3A_1031] : memref<200x8x32x8x128xf32, #tpu.memory_space<hbm>> -> memref<1x1x1x8x128xf32, #tpu.memory_space<hbm>>
      %dma_start3A_1033 = tpu.memref_squeeze %dma_start3A_1032 : memref<1x1x1x8x128xf32, #tpu.memory_space<hbm>> -> memref<8x128xf32, #tpu.memory_space<hbm>>
      %dma_start3A_1034 = arith.constant 0 : i32
      %dma_start3A_1035 = arith.constant 0 : i32
      %dma_start3A_1036 = tpu.memref_slice %arg4[%add3A_865, %dma_start3A_1026, %add3A, %dma_start3A_1034, %dma_start3A_1035] : memref<200x8x32x8x128xf32, #tpu.memory_space<hbm>> -> memref<1x1x1x8x128xf32, #tpu.memory_space<hbm>>
      %dma_start3A_1037 = tpu.memref_squeeze %dma_start3A_1036 : memref<1x1x1x8x128xf32, #tpu.memory_space<hbm>> -> memref<8x128xf32, #tpu.memory_space<hbm>>
      %dma_start3A_1038 = arith.constant 8 : i32
      %dma_start3A_1039 = arith.constant 0 : i32
      %dma_start3A_1040 = tpu.memref_slice %arg11[%dma_start3A_1038, %dma_start3A_1039] : memref<64x129xf32, #tpu.memory_space<vmem>> -> memref<8x128xf32, #tpu.memory_space<vmem>>
      tpu.enqueue_dma source(%dma_start3A_1040 : memref<8x128xf32, #tpu.memory_space<vmem>>) target(%dma_start3A_1037 : memref<8x128xf32, #tpu.memory_space<hbm>>) target_semaphore(%arg17 : memref<!tpu.dma_semaphore, #tpu.memory_space<semaphore_mem>>)
      %dma_start3A_1041 = arith.constant 2 : i32
      %dma_start3A_1042 = arith.constant 16 : i32
      %dma_start3A_1043 = arith.constant 0 : i32
      %dma_start3A_1044 = tpu.memref_slice %arg11[%dma_start3A_1042, %dma_start3A_1043] : memref<64x129xf32, #tpu.memory_space<vmem>> -> memref<8x128xf32, #tpu.memory_space<vmem>>
      %dma_start3A_1045 = arith.constant 0 : i32
      %dma_start3A_1046 = arith.constant 0 : i32
      %dma_start3A_1047 = tpu.memref_slice %arg4[%add3A_865, %dma_start3A_1041, %add3A, %dma_start3A_1045, %dma_start3A_1046] : memref<200x8x32x8x128xf32, #tpu.memory_space<hbm>> -> memref<1x1x1x8x128xf32, #tpu.memory_space<hbm>>
      %dma_start3A_1048 = tpu.memref_squeeze %dma_start3A_1047 : memref<1x1x1x8x128xf32, #tpu.memory_space<hbm>> -> memref<8x128xf32, #tpu.memory_space<hbm>>
      %dma_start3A_1049 = arith.constant 0 : i32
      %dma_start3A_1050 = arith.constant 0 : i32
      %dma_start3A_1051 = tpu.memref_slice %arg4[%add3A_865, %dma_start3A_1041, %add3A, %dma_start3A_1049, %dma_start3A_1050] : memref<200x8x32x8x128xf32, #tpu.memory_space<hbm>> -> memref<1x1x1x8x128xf32, #tpu.memory_space<hbm>>
      %dma_start3A_1052 = tpu.memref_squeeze %dma_start3A_1051 : memref<1x1x1x8x128xf32, #tpu.memory_space<hbm>> -> memref<8x128xf32, #tpu.memory_space<hbm>>
      %dma_start3A_1053 = arith.constant 16 : i32
      %dma_start3A_1054 = arith.constant 0 : i32
      %dma_start3A_1055 = tpu.memref_slice %arg11[%dma_start3A_1053, %dma_start3A_1054] : memref<64x129xf32, #tpu.memory_space<vmem>> -> memref<8x128xf32, #tpu.memory_space<vmem>>
      tpu.enqueue_dma source(%dma_start3A_1055 : memref<8x128xf32, #tpu.memory_space<vmem>>) target(%dma_start3A_1052 : memref<8x128xf32, #tpu.memory_space<hbm>>) target_semaphore(%arg17 : memref<!tpu.dma_semaphore, #tpu.memory_space<semaphore_mem>>)
      %dma_start3A_1056 = arith.constant 3 : i32
      %dma_start3A_1057 = arith.constant 24 : i32
      %dma_start3A_1058 = arith.constant 0 : i32
      %dma_start3A_1059 = tpu.memref_slice %arg11[%dma_start3A_1057, %dma_start3A_1058] : memref<64x129xf32, #tpu.memory_space<vmem>> -> memref<8x128xf32, #tpu.memory_space<vmem>>
      %dma_start3A_1060 = arith.constant 0 : i32
      %dma_start3A_1061 = arith.constant 0 : i32
      %dma_start3A_1062 = tpu.memref_slice %arg4[%add3A_865, %dma_start3A_1056, %add3A, %dma_start3A_1060, %dma_start3A_1061] : memref<200x8x32x8x128xf32, #tpu.memory_space<hbm>> -> memref<1x1x1x8x128xf32, #tpu.memory_space<hbm>>
      %dma_start3A_1063 = tpu.memref_squeeze %dma_start3A_1062 : memref<1x1x1x8x128xf32, #tpu.memory_space<hbm>> -> memref<8x128xf32, #tpu.memory_space<hbm>>
      %dma_start3A_1064 = arith.constant 0 : i32
      %dma_start3A_1065 = arith.constant 0 : i32
      %dma_start3A_1066 = tpu.memref_slice %arg4[%add3A_865, %dma_start3A_1056, %add3A, %dma_start3A_1064, %dma_start3A_1065] : memref<200x8x32x8x128xf32, #tpu.memory_space<hbm>> -> memref<1x1x1x8x128xf32, #tpu.memory_space<hbm>>
      %dma_start3A_1067 = tpu.memref_squeeze %dma_start3A_1066 : memref<1x1x1x8x128xf32, #tpu.memory_space<hbm>> -> memref<8x128xf32, #tpu.memory_space<hbm>>
      %dma_start3A_1068 = arith.constant 24 : i32
      %dma_start3A_1069 = arith.constant 0 : i32
      %dma_start3A_1070 = tpu.memref_slice %arg11[%dma_start3A_1068, %dma_start3A_1069] : memref<64x129xf32, #tpu.memory_space<vmem>> -> memref<8x128xf32, #tpu.memory_space<vmem>>
      tpu.enqueue_dma source(%dma_start3A_1070 : memref<8x128xf32, #tpu.memory_space<vmem>>) target(%dma_start3A_1067 : memref<8x128xf32, #tpu.memory_space<hbm>>) target_semaphore(%arg17 : memref<!tpu.dma_semaphore, #tpu.memory_space<semaphore_mem>>)
      %dma_start3A_1071 = arith.constant 4 : i32
      %dma_start3A_1072 = arith.constant 32 : i32
      %dma_start3A_1073 = arith.constant 0 : i32
      %dma_start3A_1074 = tpu.memref_slice %arg11[%dma_start3A_1072, %dma_start3A_1073] : memref<64x129xf32, #tpu.memory_space<vmem>> -> memref<8x128xf32, #tpu.memory_space<vmem>>
      %dma_start3A_1075 = arith.constant 0 : i32
      %dma_start3A_1076 = arith.constant 0 : i32
      %dma_start3A_1077 = tpu.memref_slice %arg4[%add3A_865, %dma_start3A_1071, %add3A, %dma_start3A_1075, %dma_start3A_1076] : memref<200x8x32x8x128xf32, #tpu.memory_space<hbm>> -> memref<1x1x1x8x128xf32, #tpu.memory_space<hbm>>
      %dma_start3A_1078 = tpu.memref_squeeze %dma_start3A_1077 : memref<1x1x1x8x128xf32, #tpu.memory_space<hbm>> -> memref<8x128xf32, #tpu.memory_space<hbm>>
      %dma_start3A_1079 = arith.constant 0 : i32
      %dma_start3A_1080 = arith.constant 0 : i32
      %dma_start3A_1081 = tpu.memref_slice %arg4[%add3A_865, %dma_start3A_1071, %add3A, %dma_start3A_1079, %dma_start3A_1080] : memref<200x8x32x8x128xf32, #tpu.memory_space<hbm>> -> memref<1x1x1x8x128xf32, #tpu.memory_space<hbm>>
      %dma_start3A_1082 = tpu.memref_squeeze %dma_start3A_1081 : memref<1x1x1x8x128xf32, #tpu.memory_space<hbm>> -> memref<8x128xf32, #tpu.memory_space<hbm>>
      %dma_start3A_1083 = arith.constant 32 : i32
      %dma_start3A_1084 = arith.constant 0 : i32
      %dma_start3A_1085 = tpu.memref_slice %arg11[%dma_start3A_1083, %dma_start3A_1084] : memref<64x129xf32, #tpu.memory_space<vmem>> -> memref<8x128xf32, #tpu.memory_space<vmem>>
      tpu.enqueue_dma source(%dma_start3A_1085 : memref<8x128xf32, #tpu.memory_space<vmem>>) target(%dma_start3A_1082 : memref<8x128xf32, #tpu.memory_space<hbm>>) target_semaphore(%arg17 : memref<!tpu.dma_semaphore, #tpu.memory_space<semaphore_mem>>)
      %dma_start3A_1086 = arith.constant 5 : i32
      %dma_start3A_1087 = arith.constant 40 : i32
      %dma_start3A_1088 = arith.constant 0 : i32
      %dma_start3A_1089 = tpu.memref_slice %arg11[%dma_start3A_1087, %dma_start3A_1088] : memref<64x129xf32, #tpu.memory_space<vmem>> -> memref<8x128xf32, #tpu.memory_space<vmem>>
      %dma_start3A_1090 = arith.constant 0 : i32
      %dma_start3A_1091 = arith.constant 0 : i32
      %dma_start3A_1092 = tpu.memref_slice %arg4[%add3A_865, %dma_start3A_1086, %add3A, %dma_start3A_1090, %dma_start3A_1091] : memref<200x8x32x8x128xf32, #tpu.memory_space<hbm>> -> memref<1x1x1x8x128xf32, #tpu.memory_space<hbm>>
      %dma_start3A_1093 = tpu.memref_squeeze %dma_start3A_1092 : memref<1x1x1x8x128xf32, #tpu.memory_space<hbm>> -> memref<8x128xf32, #tpu.memory_space<hbm>>
      %dma_start3A_1094 = arith.constant 0 : i32
      %dma_start3A_1095 = arith.constant 0 : i32
      %dma_start3A_1096 = tpu.memref_slice %arg4[%add3A_865, %dma_start3A_1086, %add3A, %dma_start3A_1094, %dma_start3A_1095] : memref<200x8x32x8x128xf32, #tpu.memory_space<hbm>> -> memref<1x1x1x8x128xf32, #tpu.memory_space<hbm>>
      %dma_start3A_1097 = tpu.memref_squeeze %dma_start3A_1096 : memref<1x1x1x8x128xf32, #tpu.memory_space<hbm>> -> memref<8x128xf32, #tpu.memory_space<hbm>>
      %dma_start3A_1098 = arith.constant 40 : i32
      %dma_start3A_1099 = arith.constant 0 : i32
      %dma_start3A_1100 = tpu.memref_slice %arg11[%dma_start3A_1098, %dma_start3A_1099] : memref<64x129xf32, #tpu.memory_space<vmem>> -> memref<8x128xf32, #tpu.memory_space<vmem>>
      tpu.enqueue_dma source(%dma_start3A_1100 : memref<8x128xf32, #tpu.memory_space<vmem>>) target(%dma_start3A_1097 : memref<8x128xf32, #tpu.memory_space<hbm>>) target_semaphore(%arg17 : memref<!tpu.dma_semaphore, #tpu.memory_space<semaphore_mem>>)
      %dma_start3A_1101 = arith.constant 6 : i32
      %dma_start3A_1102 = arith.constant 48 : i32
      %dma_start3A_1103 = arith.constant 0 : i32
      %dma_start3A_1104 = tpu.memref_slice %arg11[%dma_start3A_1102, %dma_start3A_1103] : memref<64x129xf32, #tpu.memory_space<vmem>> -> memref<8x128xf32, #tpu.memory_space<vmem>>
      %dma_start3A_1105 = arith.constant 0 : i32
      %dma_start3A_1106 = arith.constant 0 : i32
      %dma_start3A_1107 = tpu.memref_slice %arg4[%add3A_865, %dma_start3A_1101, %add3A, %dma_start3A_1105, %dma_start3A_1106] : memref<200x8x32x8x128xf32, #tpu.memory_space<hbm>> -> memref<1x1x1x8x128xf32, #tpu.memory_space<hbm>>
      %dma_start3A_1108 = tpu.memref_squeeze %dma_start3A_1107 : memref<1x1x1x8x128xf32, #tpu.memory_space<hbm>> -> memref<8x128xf32, #tpu.memory_space<hbm>>
      %dma_start3A_1109 = arith.constant 0 : i32
      %dma_start3A_1110 = arith.constant 0 : i32
      %dma_start3A_1111 = tpu.memref_slice %arg4[%add3A_865, %dma_start3A_1101, %add3A, %dma_start3A_1109, %dma_start3A_1110] : memref<200x8x32x8x128xf32, #tpu.memory_space<hbm>> -> memref<1x1x1x8x128xf32, #tpu.memory_space<hbm>>
      %dma_start3A_1112 = tpu.memref_squeeze %dma_start3A_1111 : memref<1x1x1x8x128xf32, #tpu.memory_space<hbm>> -> memref<8x128xf32, #tpu.memory_space<hbm>>
      %dma_start3A_1113 = arith.constant 48 : i32
      %dma_start3A_1114 = arith.constant 0 : i32
      %dma_start3A_1115 = tpu.memref_slice %arg11[%dma_start3A_1113, %dma_start3A_1114] : memref<64x129xf32, #tpu.memory_space<vmem>> -> memref<8x128xf32, #tpu.memory_space<vmem>>
      tpu.enqueue_dma source(%dma_start3A_1115 : memref<8x128xf32, #tpu.memory_space<vmem>>) target(%dma_start3A_1112 : memref<8x128xf32, #tpu.memory_space<hbm>>) target_semaphore(%arg17 : memref<!tpu.dma_semaphore, #tpu.memory_space<semaphore_mem>>)
      %dma_start3A_1116 = arith.constant 7 : i32
      %dma_start3A_1117 = arith.constant 56 : i32
      %dma_start3A_1118 = arith.constant 0 : i32
      %dma_start3A_1119 = tpu.memref_slice %arg11[%dma_start3A_1117, %dma_start3A_1118] : memref<64x129xf32, #tpu.memory_space<vmem>> -> memref<8x128xf32, #tpu.memory_space<vmem>>
      %dma_start3A_1120 = arith.constant 0 : i32
      %dma_start3A_1121 = arith.constant 0 : i32
      %dma_start3A_1122 = tpu.memref_slice %arg4[%add3A_865, %dma_start3A_1116, %add3A, %dma_start3A_1120, %dma_start3A_1121] : memref<200x8x32x8x128xf32, #tpu.memory_space<hbm>> -> memref<1x1x1x8x128xf32, #tpu.memory_space<hbm>>
      %dma_start3A_1123 = tpu.memref_squeeze %dma_start3A_1122 : memref<1x1x1x8x128xf32, #tpu.memory_space<hbm>> -> memref<8x128xf32, #tpu.memory_space<hbm>>
      %dma_start3A_1124 = arith.constant 0 : i32
      %dma_start3A_1125 = arith.constant 0 : i32
      %dma_start3A_1126 = tpu.memref_slice %arg4[%add3A_865, %dma_start3A_1116, %add3A, %dma_start3A_1124, %dma_start3A_1125] : memref<200x8x32x8x128xf32, #tpu.memory_space<hbm>> -> memref<1x1x1x8x128xf32, #tpu.memory_space<hbm>>
      %dma_start3A_1127 = tpu.memref_squeeze %dma_start3A_1126 : memref<1x1x1x8x128xf32, #tpu.memory_space<hbm>> -> memref<8x128xf32, #tpu.memory_space<hbm>>
      %dma_start3A_1128 = arith.constant 56 : i32
      %dma_start3A_1129 = arith.constant 0 : i32
      %dma_start3A_1130 = tpu.memref_slice %arg11[%dma_start3A_1128, %dma_start3A_1129] : memref<64x129xf32, #tpu.memory_space<vmem>> -> memref<8x128xf32, #tpu.memory_space<vmem>>
      tpu.enqueue_dma source(%dma_start3A_1130 : memref<8x128xf32, #tpu.memory_space<vmem>>) target(%dma_start3A_1127 : memref<8x128xf32, #tpu.memory_space<hbm>>) target_semaphore(%arg17 : memref<!tpu.dma_semaphore, #tpu.memory_space<semaphore_mem>>)
      %add3A_1131 = arith.constant 4 : i32
      %add3A_1132 = arith.addi %add3A_865, %add3A_1131 : i32
      %lt3A_1133 = arith.constant 200 : i32
      %lt3A_1134 = arith.cmpi slt, %add3A_1132, %lt3A_1133 : i32
      %convert_element_type3A_1135 = arith.extui %lt3A_1134 : i1 to i32
      %cond3A_1136 = arith.constant 0 : i32
      %cond3A_1137 = arith.cmpi ne, %convert_element_type3A_1135, %cond3A_1136 : i32
      scf.if %cond3A_1137 {
        %add3A_1138 = arith.constant 4 : i32
        %add3A_1139 = arith.addi %add3A_865, %add3A_1138 : i32
        %dma_start3A_1140 = arith.constant 0 : i32
        %dma_start3A_1141 = tpu.memref_slice %arg5[%add3A_1139, %dma_start3A_1140] : memref<200x128xi32, #tpu.memory_space<vmem>> -> memref<1x128xi32, #tpu.memory_space<vmem>>
        %dma_start3A_1142 = tpu.memref_squeeze %dma_start3A_1141 : memref<1x128xi32, #tpu.memory_space<vmem>> -> memref<128xi32, #tpu.memory_space<vmem>>
        %dma_start3A_1143 = arith.constant 0 : i32
        %dma_start3A_1144 = arith.constant 0 : i32
        %dma_start3A_1145 = tpu.memref_slice %arg3[%dma_start3A_1143, %dma_start3A_1144] : memref<1000000x64xf32, #tpu.memory_space<hbm>> -> memref<1000000x64xf32, #tpu.memory_space<hbm>>
        tpu.enqueue_indirect_dma source(%dma_start3A_1145 : memref<1000000x64xf32, #tpu.memory_space<hbm>>) target(%arg9 : memref<128x64xf32, #tpu.memory_space<vmem>>) offsets(%dma_start3A_1142 : memref<128xi32, #tpu.memory_space<vmem>>) semaphore(%arg15 : memref<!tpu.dma_semaphore, #tpu.memory_space<semaphore_mem>>)
      } else {
      }
    }
    %scan3A_45 = arith.constant 50 : i32
    %dma_wait3A = arith.constant 198 : i32
    %dma_wait3A_46 = arith.constant 0 : i32
    %dma_wait3A_47 = arith.constant 0 : i32
    %dma_wait3A_48 = arith.constant 0 : i32
    %dma_wait3A_49 = tpu.memref_slice %arg10[%dma_wait3A_47, %dma_wait3A_48] : memref<64x129xf32, #tpu.memory_space<vmem>> -> memref<8x128xf32, #tpu.memory_space<vmem>>
    %dma_wait3A_50 = arith.constant 0 : i32
    %dma_wait3A_51 = arith.constant 0 : i32
    %dma_wait3A_52 = tpu.memref_slice %arg4[%dma_wait3A, %dma_wait3A_46, %add3A, %dma_wait3A_50, %dma_wait3A_51] : memref<200x8x32x8x128xf32, #tpu.memory_space<hbm>> -> memref<1x1x1x8x128xf32, #tpu.memory_space<hbm>>
    %dma_wait3A_53 = tpu.memref_squeeze %dma_wait3A_52 : memref<1x1x1x8x128xf32, #tpu.memory_space<hbm>> -> memref<8x128xf32, #tpu.memory_space<hbm>>
    %dma_wait3A_54 = arith.constant 0 : i32
    %dma_wait3A_55 = arith.constant 0 : i32
    %dma_wait3A_56 = tpu.memref_slice %arg4[%dma_wait3A, %dma_wait3A_46, %add3A, %dma_wait3A_54, %dma_wait3A_55] : memref<200x8x32x8x128xf32, #tpu.memory_space<hbm>> -> memref<1x1x1x8x128xf32, #tpu.memory_space<hbm>>
    %dma_wait3A_57 = tpu.memref_squeeze %dma_wait3A_56 : memref<1x1x1x8x128xf32, #tpu.memory_space<hbm>> -> memref<8x128xf32, #tpu.memory_space<hbm>>
    %dma_wait3A_58 = arith.constant 0 : i32
    %dma_wait3A_59 = arith.constant 0 : i32
    %dma_wait3A_60 = tpu.memref_slice %arg10[%dma_wait3A_58, %dma_wait3A_59] : memref<64x129xf32, #tpu.memory_space<vmem>> -> memref<8x128xf32, #tpu.memory_space<vmem>>
    tpu.wait_dma2 semaphore(%arg16 : memref<!tpu.dma_semaphore, #tpu.memory_space<semaphore_mem>>) src(%dma_wait3A_60 : memref<8x128xf32, #tpu.memory_space<vmem>>) dst(%dma_wait3A_57 : memref<8x128xf32, #tpu.memory_space<hbm>>)
    %dma_wait3A_61 = arith.constant 198 : i32
    %dma_wait3A_62 = arith.constant 1 : i32
    %dma_wait3A_63 = arith.constant 8 : i32
    %dma_wait3A_64 = arith.constant 0 : i32
    %dma_wait3A_65 = tpu.memref_slice %arg10[%dma_wait3A_63, %dma_wait3A_64] : memref<64x129xf32, #tpu.memory_space<vmem>> -> memref<8x128xf32, #tpu.memory_space<vmem>>
    %dma_wait3A_66 = arith.constant 0 : i32
    %dma_wait3A_67 = arith.constant 0 : i32
    %dma_wait3A_68 = tpu.memref_slice %arg4[%dma_wait3A_61, %dma_wait3A_62, %add3A, %dma_wait3A_66, %dma_wait3A_67] : memref<200x8x32x8x128xf32, #tpu.memory_space<hbm>> -> memref<1x1x1x8x128xf32, #tpu.memory_space<hbm>>
    %dma_wait3A_69 = tpu.memref_squeeze %dma_wait3A_68 : memref<1x1x1x8x128xf32, #tpu.memory_space<hbm>> -> memref<8x128xf32, #tpu.memory_space<hbm>>
    %dma_wait3A_70 = arith.constant 0 : i32
    %dma_wait3A_71 = arith.constant 0 : i32
    %dma_wait3A_72 = tpu.memref_slice %arg4[%dma_wait3A_61, %dma_wait3A_62, %add3A, %dma_wait3A_70, %dma_wait3A_71] : memref<200x8x32x8x128xf32, #tpu.memory_space<hbm>> -> memref<1x1x1x8x128xf32, #tpu.memory_space<hbm>>
    %dma_wait3A_73 = tpu.memref_squeeze %dma_wait3A_72 : memref<1x1x1x8x128xf32, #tpu.memory_space<hbm>> -> memref<8x128xf32, #tpu.memory_space<hbm>>
    %dma_wait3A_74 = arith.constant 8 : i32
    %dma_wait3A_75 = arith.constant 0 : i32
    %dma_wait3A_76 = tpu.memref_slice %arg10[%dma_wait3A_74, %dma_wait3A_75] : memref<64x129xf32, #tpu.memory_space<vmem>> -> memref<8x128xf32, #tpu.memory_space<vmem>>
    tpu.wait_dma2 semaphore(%arg16 : memref<!tpu.dma_semaphore, #tpu.memory_space<semaphore_mem>>) src(%dma_wait3A_76 : memref<8x128xf32, #tpu.memory_space<vmem>>) dst(%dma_wait3A_73 : memref<8x128xf32, #tpu.memory_space<hbm>>)
    %dma_wait3A_77 = arith.constant 198 : i32
    %dma_wait3A_78 = arith.constant 2 : i32
    %dma_wait3A_79 = arith.constant 16 : i32
    %dma_wait3A_80 = arith.constant 0 : i32
    %dma_wait3A_81 = tpu.memref_slice %arg10[%dma_wait3A_79, %dma_wait3A_80] : memref<64x129xf32, #tpu.memory_space<vmem>> -> memref<8x128xf32, #tpu.memory_space<vmem>>
    %dma_wait3A_82 = arith.constant 0 : i32
    %dma_wait3A_83 = arith.constant 0 : i32
    %dma_wait3A_84 = tpu.memref_slice %arg4[%dma_wait3A_77, %dma_wait3A_78, %add3A, %dma_wait3A_82, %dma_wait3A_83] : memref<200x8x32x8x128xf32, #tpu.memory_space<hbm>> -> memref<1x1x1x8x128xf32, #tpu.memory_space<hbm>>
    %dma_wait3A_85 = tpu.memref_squeeze %dma_wait3A_84 : memref<1x1x1x8x128xf32, #tpu.memory_space<hbm>> -> memref<8x128xf32, #tpu.memory_space<hbm>>
    %dma_wait3A_86 = arith.constant 0 : i32
    %dma_wait3A_87 = arith.constant 0 : i32
    %dma_wait3A_88 = tpu.memref_slice %arg4[%dma_wait3A_77, %dma_wait3A_78, %add3A, %dma_wait3A_86, %dma_wait3A_87] : memref<200x8x32x8x128xf32, #tpu.memory_space<hbm>> -> memref<1x1x1x8x128xf32, #tpu.memory_space<hbm>>
    %dma_wait3A_89 = tpu.memref_squeeze %dma_wait3A_88 : memref<1x1x1x8x128xf32, #tpu.memory_space<hbm>> -> memref<8x128xf32, #tpu.memory_space<hbm>>
    %dma_wait3A_90 = arith.constant 16 : i32
    %dma_wait3A_91 = arith.constant 0 : i32
    %dma_wait3A_92 = tpu.memref_slice %arg10[%dma_wait3A_90, %dma_wait3A_91] : memref<64x129xf32, #tpu.memory_space<vmem>> -> memref<8x128xf32, #tpu.memory_space<vmem>>
    tpu.wait_dma2 semaphore(%arg16 : memref<!tpu.dma_semaphore, #tpu.memory_space<semaphore_mem>>) src(%dma_wait3A_92 : memref<8x128xf32, #tpu.memory_space<vmem>>) dst(%dma_wait3A_89 : memref<8x128xf32, #tpu.memory_space<hbm>>)
    %dma_wait3A_93 = arith.constant 198 : i32
    %dma_wait3A_94 = arith.constant 3 : i32
    %dma_wait3A_95 = arith.constant 24 : i32
    %dma_wait3A_96 = arith.constant 0 : i32
    %dma_wait3A_97 = tpu.memref_slice %arg10[%dma_wait3A_95, %dma_wait3A_96] : memref<64x129xf32, #tpu.memory_space<vmem>> -> memref<8x128xf32, #tpu.memory_space<vmem>>
    %dma_wait3A_98 = arith.constant 0 : i32
    %dma_wait3A_99 = arith.constant 0 : i32
    %dma_wait3A_100 = tpu.memref_slice %arg4[%dma_wait3A_93, %dma_wait3A_94, %add3A, %dma_wait3A_98, %dma_wait3A_99] : memref<200x8x32x8x128xf32, #tpu.memory_space<hbm>> -> memref<1x1x1x8x128xf32, #tpu.memory_space<hbm>>
    %dma_wait3A_101 = tpu.memref_squeeze %dma_wait3A_100 : memref<1x1x1x8x128xf32, #tpu.memory_space<hbm>> -> memref<8x128xf32, #tpu.memory_space<hbm>>
    %dma_wait3A_102 = arith.constant 0 : i32
    %dma_wait3A_103 = arith.constant 0 : i32
    %dma_wait3A_104 = tpu.memref_slice %arg4[%dma_wait3A_93, %dma_wait3A_94, %add3A, %dma_wait3A_102, %dma_wait3A_103] : memref<200x8x32x8x128xf32, #tpu.memory_space<hbm>> -> memref<1x1x1x8x128xf32, #tpu.memory_space<hbm>>
    %dma_wait3A_105 = tpu.memref_squeeze %dma_wait3A_104 : memref<1x1x1x8x128xf32, #tpu.memory_space<hbm>> -> memref<8x128xf32, #tpu.memory_space<hbm>>
    %dma_wait3A_106 = arith.constant 24 : i32
    %dma_wait3A_107 = arith.constant 0 : i32
    %dma_wait3A_108 = tpu.memref_slice %arg10[%dma_wait3A_106, %dma_wait3A_107] : memref<64x129xf32, #tpu.memory_space<vmem>> -> memref<8x128xf32, #tpu.memory_space<vmem>>
    tpu.wait_dma2 semaphore(%arg16 : memref<!tpu.dma_semaphore, #tpu.memory_space<semaphore_mem>>) src(%dma_wait3A_108 : memref<8x128xf32, #tpu.memory_space<vmem>>) dst(%dma_wait3A_105 : memref<8x128xf32, #tpu.memory_space<hbm>>)
    %dma_wait3A_109 = arith.constant 198 : i32
    %dma_wait3A_110 = arith.constant 4 : i32
    %dma_wait3A_111 = arith.constant 32 : i32
    %dma_wait3A_112 = arith.constant 0 : i32
    %dma_wait3A_113 = tpu.memref_slice %arg10[%dma_wait3A_111, %dma_wait3A_112] : memref<64x129xf32, #tpu.memory_space<vmem>> -> memref<8x128xf32, #tpu.memory_space<vmem>>
    %dma_wait3A_114 = arith.constant 0 : i32
    %dma_wait3A_115 = arith.constant 0 : i32
    %dma_wait3A_116 = tpu.memref_slice %arg4[%dma_wait3A_109, %dma_wait3A_110, %add3A, %dma_wait3A_114, %dma_wait3A_115] : memref<200x8x32x8x128xf32, #tpu.memory_space<hbm>> -> memref<1x1x1x8x128xf32, #tpu.memory_space<hbm>>
    %dma_wait3A_117 = tpu.memref_squeeze %dma_wait3A_116 : memref<1x1x1x8x128xf32, #tpu.memory_space<hbm>> -> memref<8x128xf32, #tpu.memory_space<hbm>>
    %dma_wait3A_118 = arith.constant 0 : i32
    %dma_wait3A_119 = arith.constant 0 : i32
    %dma_wait3A_120 = tpu.memref_slice %arg4[%dma_wait3A_109, %dma_wait3A_110, %add3A, %dma_wait3A_118, %dma_wait3A_119] : memref<200x8x32x8x128xf32, #tpu.memory_space<hbm>> -> memref<1x1x1x8x128xf32, #tpu.memory_space<hbm>>
    %dma_wait3A_121 = tpu.memref_squeeze %dma_wait3A_120 : memref<1x1x1x8x128xf32, #tpu.memory_space<hbm>> -> memref<8x128xf32, #tpu.memory_space<hbm>>
    %dma_wait3A_122 = arith.constant 32 : i32
    %dma_wait3A_123 = arith.constant 0 : i32
    %dma_wait3A_124 = tpu.memref_slice %arg10[%dma_wait3A_122, %dma_wait3A_123] : memref<64x129xf32, #tpu.memory_space<vmem>> -> memref<8x128xf32, #tpu.memory_space<vmem>>
    tpu.wait_dma2 semaphore(%arg16 : memref<!tpu.dma_semaphore, #tpu.memory_space<semaphore_mem>>) src(%dma_wait3A_124 : memref<8x128xf32, #tpu.memory_space<vmem>>) dst(%dma_wait3A_121 : memref<8x128xf32, #tpu.memory_space<hbm>>)
    %dma_wait3A_125 = arith.constant 198 : i32
    %dma_wait3A_126 = arith.constant 5 : i32
    %dma_wait3A_127 = arith.constant 40 : i32
    %dma_wait3A_128 = arith.constant 0 : i32
    %dma_wait3A_129 = tpu.memref_slice %arg10[%dma_wait3A_127, %dma_wait3A_128] : memref<64x129xf32, #tpu.memory_space<vmem>> -> memref<8x128xf32, #tpu.memory_space<vmem>>
    %dma_wait3A_130 = arith.constant 0 : i32
    %dma_wait3A_131 = arith.constant 0 : i32
    %dma_wait3A_132 = tpu.memref_slice %arg4[%dma_wait3A_125, %dma_wait3A_126, %add3A, %dma_wait3A_130, %dma_wait3A_131] : memref<200x8x32x8x128xf32, #tpu.memory_space<hbm>> -> memref<1x1x1x8x128xf32, #tpu.memory_space<hbm>>
    %dma_wait3A_133 = tpu.memref_squeeze %dma_wait3A_132 : memref<1x1x1x8x128xf32, #tpu.memory_space<hbm>> -> memref<8x128xf32, #tpu.memory_space<hbm>>
    %dma_wait3A_134 = arith.constant 0 : i32
    %dma_wait3A_135 = arith.constant 0 : i32
    %dma_wait3A_136 = tpu.memref_slice %arg4[%dma_wait3A_125, %dma_wait3A_126, %add3A, %dma_wait3A_134, %dma_wait3A_135] : memref<200x8x32x8x128xf32, #tpu.memory_space<hbm>> -> memref<1x1x1x8x128xf32, #tpu.memory_space<hbm>>
    %dma_wait3A_137 = tpu.memref_squeeze %dma_wait3A_136 : memref<1x1x1x8x128xf32, #tpu.memory_space<hbm>> -> memref<8x128xf32, #tpu.memory_space<hbm>>
    %dma_wait3A_138 = arith.constant 40 : i32
    %dma_wait3A_139 = arith.constant 0 : i32
    %dma_wait3A_140 = tpu.memref_slice %arg10[%dma_wait3A_138, %dma_wait3A_139] : memref<64x129xf32, #tpu.memory_space<vmem>> -> memref<8x128xf32, #tpu.memory_space<vmem>>
    tpu.wait_dma2 semaphore(%arg16 : memref<!tpu.dma_semaphore, #tpu.memory_space<semaphore_mem>>) src(%dma_wait3A_140 : memref<8x128xf32, #tpu.memory_space<vmem>>) dst(%dma_wait3A_137 : memref<8x128xf32, #tpu.memory_space<hbm>>)
    %dma_wait3A_141 = arith.constant 198 : i32
    %dma_wait3A_142 = arith.constant 6 : i32
    %dma_wait3A_143 = arith.constant 48 : i32
    %dma_wait3A_144 = arith.constant 0 : i32
    %dma_wait3A_145 = tpu.memref_slice %arg10[%dma_wait3A_143, %dma_wait3A_144] : memref<64x129xf32, #tpu.memory_space<vmem>> -> memref<8x128xf32, #tpu.memory_space<vmem>>
    %dma_wait3A_146 = arith.constant 0 : i32
    %dma_wait3A_147 = arith.constant 0 : i32
    %dma_wait3A_148 = tpu.memref_slice %arg4[%dma_wait3A_141, %dma_wait3A_142, %add3A, %dma_wait3A_146, %dma_wait3A_147] : memref<200x8x32x8x128xf32, #tpu.memory_space<hbm>> -> memref<1x1x1x8x128xf32, #tpu.memory_space<hbm>>
    %dma_wait3A_149 = tpu.memref_squeeze %dma_wait3A_148 : memref<1x1x1x8x128xf32, #tpu.memory_space<hbm>> -> memref<8x128xf32, #tpu.memory_space<hbm>>
    %dma_wait3A_150 = arith.constant 0 : i32
    %dma_wait3A_151 = arith.constant 0 : i32
    %dma_wait3A_152 = tpu.memref_slice %arg4[%dma_wait3A_141, %dma_wait3A_142, %add3A, %dma_wait3A_150, %dma_wait3A_151] : memref<200x8x32x8x128xf32, #tpu.memory_space<hbm>> -> memref<1x1x1x8x128xf32, #tpu.memory_space<hbm>>
    %dma_wait3A_153 = tpu.memref_squeeze %dma_wait3A_152 : memref<1x1x1x8x128xf32, #tpu.memory_space<hbm>> -> memref<8x128xf32, #tpu.memory_space<hbm>>
    %dma_wait3A_154 = arith.constant 48 : i32
    %dma_wait3A_155 = arith.constant 0 : i32
    %dma_wait3A_156 = tpu.memref_slice %arg10[%dma_wait3A_154, %dma_wait3A_155] : memref<64x129xf32, #tpu.memory_space<vmem>> -> memref<8x128xf32, #tpu.memory_space<vmem>>
    tpu.wait_dma2 semaphore(%arg16 : memref<!tpu.dma_semaphore, #tpu.memory_space<semaphore_mem>>) src(%dma_wait3A_156 : memref<8x128xf32, #tpu.memory_space<vmem>>) dst(%dma_wait3A_153 : memref<8x128xf32, #tpu.memory_space<hbm>>)
    %dma_wait3A_157 = arith.constant 198 : i32
    %dma_wait3A_158 = arith.constant 7 : i32
    %dma_wait3A_159 = arith.constant 56 : i32
    %dma_wait3A_160 = arith.constant 0 : i32
    %dma_wait3A_161 = tpu.memref_slice %arg10[%dma_wait3A_159, %dma_wait3A_160] : memref<64x129xf32, #tpu.memory_space<vmem>> -> memref<8x128xf32, #tpu.memory_space<vmem>>
    %dma_wait3A_162 = arith.constant 0 : i32
    %dma_wait3A_163 = arith.constant 0 : i32
    %dma_wait3A_164 = tpu.memref_slice %arg4[%dma_wait3A_157, %dma_wait3A_158, %add3A, %dma_wait3A_162, %dma_wait3A_163] : memref<200x8x32x8x128xf32, #tpu.memory_space<hbm>> -> memref<1x1x1x8x128xf32, #tpu.memory_space<hbm>>
    %dma_wait3A_165 = tpu.memref_squeeze %dma_wait3A_164 : memref<1x1x1x8x128xf32, #tpu.memory_space<hbm>> -> memref<8x128xf32, #tpu.memory_space<hbm>>
    %dma_wait3A_166 = arith.constant 0 : i32
    %dma_wait3A_167 = arith.constant 0 : i32
    %dma_wait3A_168 = tpu.memref_slice %arg4[%dma_wait3A_157, %dma_wait3A_158, %add3A, %dma_wait3A_166, %dma_wait3A_167] : memref<200x8x32x8x128xf32, #tpu.memory_space<hbm>> -> memref<1x1x1x8x128xf32, #tpu.memory_space<hbm>>
    %dma_wait3A_169 = tpu.memref_squeeze %dma_wait3A_168 : memref<1x1x1x8x128xf32, #tpu.memory_space<hbm>> -> memref<8x128xf32, #tpu.memory_space<hbm>>
    %dma_wait3A_170 = arith.constant 56 : i32
    %dma_wait3A_171 = arith.constant 0 : i32
    %dma_wait3A_172 = tpu.memref_slice %arg10[%dma_wait3A_170, %dma_wait3A_171] : memref<64x129xf32, #tpu.memory_space<vmem>> -> memref<8x128xf32, #tpu.memory_space<vmem>>
    tpu.wait_dma2 semaphore(%arg16 : memref<!tpu.dma_semaphore, #tpu.memory_space<semaphore_mem>>) src(%dma_wait3A_172 : memref<8x128xf32, #tpu.memory_space<vmem>>) dst(%dma_wait3A_169 : memref<8x128xf32, #tpu.memory_space<hbm>>)
    %dma_wait3A_173 = arith.constant 199 : i32
    %dma_wait3A_174 = arith.constant 0 : i32
    %dma_wait3A_175 = arith.constant 0 : i32
    %dma_wait3A_176 = arith.constant 0 : i32
    %dma_wait3A_177 = tpu.memref_slice %arg11[%dma_wait3A_175, %dma_wait3A_176] : memref<64x129xf32, #tpu.memory_space<vmem>> -> memref<8x128xf32, #tpu.memory_space<vmem>>
    %dma_wait3A_178 = arith.constant 0 : i32
    %dma_wait3A_179 = arith.constant 0 : i32
    %dma_wait3A_180 = tpu.memref_slice %arg4[%dma_wait3A_173, %dma_wait3A_174, %add3A, %dma_wait3A_178, %dma_wait3A_179] : memref<200x8x32x8x128xf32, #tpu.memory_space<hbm>> -> memref<1x1x1x8x128xf32, #tpu.memory_space<hbm>>
    %dma_wait3A_181 = tpu.memref_squeeze %dma_wait3A_180 : memref<1x1x1x8x128xf32, #tpu.memory_space<hbm>> -> memref<8x128xf32, #tpu.memory_space<hbm>>
    %dma_wait3A_182 = arith.constant 0 : i32
    %dma_wait3A_183 = arith.constant 0 : i32
    %dma_wait3A_184 = tpu.memref_slice %arg4[%dma_wait3A_173, %dma_wait3A_174, %add3A, %dma_wait3A_182, %dma_wait3A_183] : memref<200x8x32x8x128xf32, #tpu.memory_space<hbm>> -> memref<1x1x1x8x128xf32, #tpu.memory_space<hbm>>
    %dma_wait3A_185 = tpu.memref_squeeze %dma_wait3A_184 : memref<1x1x1x8x128xf32, #tpu.memory_space<hbm>> -> memref<8x128xf32, #tpu.memory_space<hbm>>
    %dma_wait3A_186 = arith.constant 0 : i32
    %dma_wait3A_187 = arith.constant 0 : i32
    %dma_wait3A_188 = tpu.memref_slice %arg11[%dma_wait3A_186, %dma_wait3A_187] : memref<64x129xf32, #tpu.memory_space<vmem>> -> memref<8x128xf32, #tpu.memory_space<vmem>>
    tpu.wait_dma2 semaphore(%arg17 : memref<!tpu.dma_semaphore, #tpu.memory_space<semaphore_mem>>) src(%dma_wait3A_188 : memref<8x128xf32, #tpu.memory_space<vmem>>) dst(%dma_wait3A_185 : memref<8x128xf32, #tpu.memory_space<hbm>>)
    %dma_wait3A_189 = arith.constant 199 : i32
    %dma_wait3A_190 = arith.constant 1 : i32
    %dma_wait3A_191 = arith.constant 8 : i32
    %dma_wait3A_192 = arith.constant 0 : i32
    %dma_wait3A_193 = tpu.memref_slice %arg11[%dma_wait3A_191, %dma_wait3A_192] : memref<64x129xf32, #tpu.memory_space<vmem>> -> memref<8x128xf32, #tpu.memory_space<vmem>>
    %dma_wait3A_194 = arith.constant 0 : i32
    %dma_wait3A_195 = arith.constant 0 : i32
    %dma_wait3A_196 = tpu.memref_slice %arg4[%dma_wait3A_189, %dma_wait3A_190, %add3A, %dma_wait3A_194, %dma_wait3A_195] : memref<200x8x32x8x128xf32, #tpu.memory_space<hbm>> -> memref<1x1x1x8x128xf32, #tpu.memory_space<hbm>>
    %dma_wait3A_197 = tpu.memref_squeeze %dma_wait3A_196 : memref<1x1x1x8x128xf32, #tpu.memory_space<hbm>> -> memref<8x128xf32, #tpu.memory_space<hbm>>
    %dma_wait3A_198 = arith.constant 0 : i32
    %dma_wait3A_199 = arith.constant 0 : i32
    %dma_wait3A_200 = tpu.memref_slice %arg4[%dma_wait3A_189, %dma_wait3A_190, %add3A, %dma_wait3A_198, %dma_wait3A_199] : memref<200x8x32x8x128xf32, #tpu.memory_space<hbm>> -> memref<1x1x1x8x128xf32, #tpu.memory_space<hbm>>
    %dma_wait3A_201 = tpu.memref_squeeze %dma_wait3A_200 : memref<1x1x1x8x128xf32, #tpu.memory_space<hbm>> -> memref<8x128xf32, #tpu.memory_space<hbm>>
    %dma_wait3A_202 = arith.constant 8 : i32
    %dma_wait3A_203 = arith.constant 0 : i32
    %dma_wait3A_204 = tpu.memref_slice %arg11[%dma_wait3A_202, %dma_wait3A_203] : memref<64x129xf32, #tpu.memory_space<vmem>> -> memref<8x128xf32, #tpu.memory_space<vmem>>
    tpu.wait_dma2 semaphore(%arg17 : memref<!tpu.dma_semaphore, #tpu.memory_space<semaphore_mem>>) src(%dma_wait3A_204 : memref<8x128xf32, #tpu.memory_space<vmem>>) dst(%dma_wait3A_201 : memref<8x128xf32, #tpu.memory_space<hbm>>)
    %dma_wait3A_205 = arith.constant 199 : i32
    %dma_wait3A_206 = arith.constant 2 : i32
    %dma_wait3A_207 = arith.constant 16 : i32
    %dma_wait3A_208 = arith.constant 0 : i32
    %dma_wait3A_209 = tpu.memref_slice %arg11[%dma_wait3A_207, %dma_wait3A_208] : memref<64x129xf32, #tpu.memory_space<vmem>> -> memref<8x128xf32, #tpu.memory_space<vmem>>
    %dma_wait3A_210 = arith.constant 0 : i32
    %dma_wait3A_211 = arith.constant 0 : i32
    %dma_wait3A_212 = tpu.memref_slice %arg4[%dma_wait3A_205, %dma_wait3A_206, %add3A, %dma_wait3A_210, %dma_wait3A_211] : memref<200x8x32x8x128xf32, #tpu.memory_space<hbm>> -> memref<1x1x1x8x128xf32, #tpu.memory_space<hbm>>
    %dma_wait3A_213 = tpu.memref_squeeze %dma_wait3A_212 : memref<1x1x1x8x128xf32, #tpu.memory_space<hbm>> -> memref<8x128xf32, #tpu.memory_space<hbm>>
    %dma_wait3A_214 = arith.constant 0 : i32
    %dma_wait3A_215 = arith.constant 0 : i32
    %dma_wait3A_216 = tpu.memref_slice %arg4[%dma_wait3A_205, %dma_wait3A_206, %add3A, %dma_wait3A_214, %dma_wait3A_215] : memref<200x8x32x8x128xf32, #tpu.memory_space<hbm>> -> memref<1x1x1x8x128xf32, #tpu.memory_space<hbm>>
    %dma_wait3A_217 = tpu.memref_squeeze %dma_wait3A_216 : memref<1x1x1x8x128xf32, #tpu.memory_space<hbm>> -> memref<8x128xf32, #tpu.memory_space<hbm>>
    %dma_wait3A_218 = arith.constant 16 : i32
    %dma_wait3A_219 = arith.constant 0 : i32
    %dma_wait3A_220 = tpu.memref_slice %arg11[%dma_wait3A_218, %dma_wait3A_219] : memref<64x129xf32, #tpu.memory_space<vmem>> -> memref<8x128xf32, #tpu.memory_space<vmem>>
    tpu.wait_dma2 semaphore(%arg17 : memref<!tpu.dma_semaphore, #tpu.memory_space<semaphore_mem>>) src(%dma_wait3A_220 : memref<8x128xf32, #tpu.memory_space<vmem>>) dst(%dma_wait3A_217 : memref<8x128xf32, #tpu.memory_space<hbm>>)
    %dma_wait3A_221 = arith.constant 199 : i32
    %dma_wait3A_222 = arith.constant 3 : i32
    %dma_wait3A_223 = arith.constant 24 : i32
    %dma_wait3A_224 = arith.constant 0 : i32
    %dma_wait3A_225 = tpu.memref_slice %arg11[%dma_wait3A_223, %dma_wait3A_224] : memref<64x129xf32, #tpu.memory_space<vmem>> -> memref<8x128xf32, #tpu.memory_space<vmem>>
    %dma_wait3A_226 = arith.constant 0 : i32
    %dma_wait3A_227 = arith.constant 0 : i32
    %dma_wait3A_228 = tpu.memref_slice %arg4[%dma_wait3A_221, %dma_wait3A_222, %add3A, %dma_wait3A_226, %dma_wait3A_227] : memref<200x8x32x8x128xf32, #tpu.memory_space<hbm>> -> memref<1x1x1x8x128xf32, #tpu.memory_space<hbm>>
    %dma_wait3A_229 = tpu.memref_squeeze %dma_wait3A_228 : memref<1x1x1x8x128xf32, #tpu.memory_space<hbm>> -> memref<8x128xf32, #tpu.memory_space<hbm>>
    %dma_wait3A_230 = arith.constant 0 : i32
    %dma_wait3A_231 = arith.constant 0 : i32
    %dma_wait3A_232 = tpu.memref_slice %arg4[%dma_wait3A_221, %dma_wait3A_222, %add3A, %dma_wait3A_230, %dma_wait3A_231] : memref<200x8x32x8x128xf32, #tpu.memory_space<hbm>> -> memref<1x1x1x8x128xf32, #tpu.memory_space<hbm>>
    %dma_wait3A_233 = tpu.memref_squeeze %dma_wait3A_232 : memref<1x1x1x8x128xf32, #tpu.memory_space<hbm>> -> memref<8x128xf32, #tpu.memory_space<hbm>>
    %dma_wait3A_234 = arith.constant 24 : i32
    %dma_wait3A_235 = arith.constant 0 : i32
    %dma_wait3A_236 = tpu.memref_slice %arg11[%dma_wait3A_234, %dma_wait3A_235] : memref<64x129xf32, #tpu.memory_space<vmem>> -> memref<8x128xf32, #tpu.memory_space<vmem>>
    tpu.wait_dma2 semaphore(%arg17 : memref<!tpu.dma_semaphore, #tpu.memory_space<semaphore_mem>>) src(%dma_wait3A_236 : memref<8x128xf32, #tpu.memory_space<vmem>>) dst(%dma_wait3A_233 : memref<8x128xf32, #tpu.memory_space<hbm>>)
    %dma_wait3A_237 = arith.constant 199 : i32
    %dma_wait3A_238 = arith.constant 4 : i32
    %dma_wait3A_239 = arith.constant 32 : i32
    %dma_wait3A_240 = arith.constant 0 : i32
    %dma_wait3A_241 = tpu.memref_slice %arg11[%dma_wait3A_239, %dma_wait3A_240] : memref<64x129xf32, #tpu.memory_space<vmem>> -> memref<8x128xf32, #tpu.memory_space<vmem>>
    %dma_wait3A_242 = arith.constant 0 : i32
    %dma_wait3A_243 = arith.constant 0 : i32
    %dma_wait3A_244 = tpu.memref_slice %arg4[%dma_wait3A_237, %dma_wait3A_238, %add3A, %dma_wait3A_242, %dma_wait3A_243] : memref<200x8x32x8x128xf32, #tpu.memory_space<hbm>> -> memref<1x1x1x8x128xf32, #tpu.memory_space<hbm>>
    %dma_wait3A_245 = tpu.memref_squeeze %dma_wait3A_244 : memref<1x1x1x8x128xf32, #tpu.memory_space<hbm>> -> memref<8x128xf32, #tpu.memory_space<hbm>>
    %dma_wait3A_246 = arith.constant 0 : i32
    %dma_wait3A_247 = arith.constant 0 : i32
    %dma_wait3A_248 = tpu.memref_slice %arg4[%dma_wait3A_237, %dma_wait3A_238, %add3A, %dma_wait3A_246, %dma_wait3A_247] : memref<200x8x32x8x128xf32, #tpu.memory_space<hbm>> -> memref<1x1x1x8x128xf32, #tpu.memory_space<hbm>>
    %dma_wait3A_249 = tpu.memref_squeeze %dma_wait3A_248 : memref<1x1x1x8x128xf32, #tpu.memory_space<hbm>> -> memref<8x128xf32, #tpu.memory_space<hbm>>
    %dma_wait3A_250 = arith.constant 32 : i32
    %dma_wait3A_251 = arith.constant 0 : i32
    %dma_wait3A_252 = tpu.memref_slice %arg11[%dma_wait3A_250, %dma_wait3A_251] : memref<64x129xf32, #tpu.memory_space<vmem>> -> memref<8x128xf32, #tpu.memory_space<vmem>>
    tpu.wait_dma2 semaphore(%arg17 : memref<!tpu.dma_semaphore, #tpu.memory_space<semaphore_mem>>) src(%dma_wait3A_252 : memref<8x128xf32, #tpu.memory_space<vmem>>) dst(%dma_wait3A_249 : memref<8x128xf32, #tpu.memory_space<hbm>>)
    %dma_wait3A_253 = arith.constant 199 : i32
    %dma_wait3A_254 = arith.constant 5 : i32
    %dma_wait3A_255 = arith.constant 40 : i32
    %dma_wait3A_256 = arith.constant 0 : i32
    %dma_wait3A_257 = tpu.memref_slice %arg11[%dma_wait3A_255, %dma_wait3A_256] : memref<64x129xf32, #tpu.memory_space<vmem>> -> memref<8x128xf32, #tpu.memory_space<vmem>>
    %dma_wait3A_258 = arith.constant 0 : i32
    %dma_wait3A_259 = arith.constant 0 : i32
    %dma_wait3A_260 = tpu.memref_slice %arg4[%dma_wait3A_253, %dma_wait3A_254, %add3A, %dma_wait3A_258, %dma_wait3A_259] : memref<200x8x32x8x128xf32, #tpu.memory_space<hbm>> -> memref<1x1x1x8x128xf32, #tpu.memory_space<hbm>>
    %dma_wait3A_261 = tpu.memref_squeeze %dma_wait3A_260 : memref<1x1x1x8x128xf32, #tpu.memory_space<hbm>> -> memref<8x128xf32, #tpu.memory_space<hbm>>
    %dma_wait3A_262 = arith.constant 0 : i32
    %dma_wait3A_263 = arith.constant 0 : i32
    %dma_wait3A_264 = tpu.memref_slice %arg4[%dma_wait3A_253, %dma_wait3A_254, %add3A, %dma_wait3A_262, %dma_wait3A_263] : memref<200x8x32x8x128xf32, #tpu.memory_space<hbm>> -> memref<1x1x1x8x128xf32, #tpu.memory_space<hbm>>
    %dma_wait3A_265 = tpu.memref_squeeze %dma_wait3A_264 : memref<1x1x1x8x128xf32, #tpu.memory_space<hbm>> -> memref<8x128xf32, #tpu.memory_space<hbm>>
    %dma_wait3A_266 = arith.constant 40 : i32
    %dma_wait3A_267 = arith.constant 0 : i32
    %dma_wait3A_268 = tpu.memref_slice %arg11[%dma_wait3A_266, %dma_wait3A_267] : memref<64x129xf32, #tpu.memory_space<vmem>> -> memref<8x128xf32, #tpu.memory_space<vmem>>
    tpu.wait_dma2 semaphore(%arg17 : memref<!tpu.dma_semaphore, #tpu.memory_space<semaphore_mem>>) src(%dma_wait3A_268 : memref<8x128xf32, #tpu.memory_space<vmem>>) dst(%dma_wait3A_265 : memref<8x128xf32, #tpu.memory_space<hbm>>)
    %dma_wait3A_269 = arith.constant 199 : i32
    %dma_wait3A_270 = arith.constant 6 : i32
    %dma_wait3A_271 = arith.constant 48 : i32
    %dma_wait3A_272 = arith.constant 0 : i32
    %dma_wait3A_273 = tpu.memref_slice %arg11[%dma_wait3A_271, %dma_wait3A_272] : memref<64x129xf32, #tpu.memory_space<vmem>> -> memref<8x128xf32, #tpu.memory_space<vmem>>
    %dma_wait3A_274 = arith.constant 0 : i32
    %dma_wait3A_275 = arith.constant 0 : i32
    %dma_wait3A_276 = tpu.memref_slice %arg4[%dma_wait3A_269, %dma_wait3A_270, %add3A, %dma_wait3A_274, %dma_wait3A_275] : memref<200x8x32x8x128xf32, #tpu.memory_space<hbm>> -> memref<1x1x1x8x128xf32, #tpu.memory_space<hbm>>
    %dma_wait3A_277 = tpu.memref_squeeze %dma_wait3A_276 : memref<1x1x1x8x128xf32, #tpu.memory_space<hbm>> -> memref<8x128xf32, #tpu.memory_space<hbm>>
    %dma_wait3A_278 = arith.constant 0 : i32
    %dma_wait3A_279 = arith.constant 0 : i32
    %dma_wait3A_280 = tpu.memref_slice %arg4[%dma_wait3A_269, %dma_wait3A_270, %add3A, %dma_wait3A_278, %dma_wait3A_279] : memref<200x8x32x8x128xf32, #tpu.memory_space<hbm>> -> memref<1x1x1x8x128xf32, #tpu.memory_space<hbm>>
    %dma_wait3A_281 = tpu.memref_squeeze %dma_wait3A_280 : memref<1x1x1x8x128xf32, #tpu.memory_space<hbm>> -> memref<8x128xf32, #tpu.memory_space<hbm>>
    %dma_wait3A_282 = arith.constant 48 : i32
    %dma_wait3A_283 = arith.constant 0 : i32
    %dma_wait3A_284 = tpu.memref_slice %arg11[%dma_wait3A_282, %dma_wait3A_283] : memref<64x129xf32, #tpu.memory_space<vmem>> -> memref<8x128xf32, #tpu.memory_space<vmem>>
    tpu.wait_dma2 semaphore(%arg17 : memref<!tpu.dma_semaphore, #tpu.memory_space<semaphore_mem>>) src(%dma_wait3A_284 : memref<8x128xf32, #tpu.memory_space<vmem>>) dst(%dma_wait3A_281 : memref<8x128xf32, #tpu.memory_space<hbm>>)
    %dma_wait3A_285 = arith.constant 199 : i32
    %dma_wait3A_286 = arith.constant 7 : i32
    %dma_wait3A_287 = arith.constant 56 : i32
    %dma_wait3A_288 = arith.constant 0 : i32
    %dma_wait3A_289 = tpu.memref_slice %arg11[%dma_wait3A_287, %dma_wait3A_288] : memref<64x129xf32, #tpu.memory_space<vmem>> -> memref<8x128xf32, #tpu.memory_space<vmem>>
    %dma_wait3A_290 = arith.constant 0 : i32
    %dma_wait3A_291 = arith.constant 0 : i32
    %dma_wait3A_292 = tpu.memref_slice %arg4[%dma_wait3A_285, %dma_wait3A_286, %add3A, %dma_wait3A_290, %dma_wait3A_291] : memref<200x8x32x8x128xf32, #tpu.memory_space<hbm>> -> memref<1x1x1x8x128xf32, #tpu.memory_space<hbm>>
    %dma_wait3A_293 = tpu.memref_squeeze %dma_wait3A_292 : memref<1x1x1x8x128xf32, #tpu.memory_space<hbm>> -> memref<8x128xf32, #tpu.memory_space<hbm>>
    %dma_wait3A_294 = arith.constant 0 : i32
    %dma_wait3A_295 = arith.constant 0 : i32
    %dma_wait3A_296 = tpu.memref_slice %arg4[%dma_wait3A_285, %dma_wait3A_286, %add3A, %dma_wait3A_294, %dma_wait3A_295] : memref<200x8x32x8x128xf32, #tpu.memory_space<hbm>> -> memref<1x1x1x8x128xf32, #tpu.memory_space<hbm>>
    %dma_wait3A_297 = tpu.memref_squeeze %dma_wait3A_296 : memref<1x1x1x8x128xf32, #tpu.memory_space<hbm>> -> memref<8x128xf32, #tpu.memory_space<hbm>>
    %dma_wait3A_298 = arith.constant 56 : i32
    %dma_wait3A_299 = arith.constant 0 : i32
    %dma_wait3A_300 = tpu.memref_slice %arg11[%dma_wait3A_298, %dma_wait3A_299] : memref<64x129xf32, #tpu.memory_space<vmem>> -> memref<8x128xf32, #tpu.memory_space<vmem>>
    tpu.wait_dma2 semaphore(%arg17 : memref<!tpu.dma_semaphore, #tpu.memory_space<semaphore_mem>>) src(%dma_wait3A_300 : memref<8x128xf32, #tpu.memory_space<vmem>>) dst(%dma_wait3A_297 : memref<8x128xf32, #tpu.memory_space<hbm>>)
    return
  }
}

</mosaic_0001>

<sc_bundles>
// kernel: kernel.3.cloned.1.call-start
scs
__scs_entry_jumppad:
0x0: {  	(pc) =	sbr.rel $0x88, $3  }
0x1: {  	(tag) =	ssettag $0x0;
	lr =	simm.s32 $0x1  }
0x2: {  	[smem:$0x3F9F] =	sst lr;
	_ =	strace $0xD0000000  }
0x3: {  	_ = 	snop  }
0x4: {  	_ = 	snop  }
0x5: {  	_ = 	snop  }
0x6: {  	_ = 	snop  }
0x7: {  	_ = 	snop  }
__scs_overlays_trampoline_lowered:
0x8: {  	[smem:$0x3FAE] =	sst s0  }
0x9: {  	[smem:$0x3FAF] =	sst s1  }
0xa: {  	[smem:$0x3FB0] =	sst s2  }
0xb: {  	[smem:$0x3FB1] =	sst s3  }
0xc: {  	[smem:$0x3FB2] =	sst s4  }
0xd: {  	[smem:$0x3FB3] =	sst s5  }
0xe: {  	[smem:$0x3FB4] =	sst s6  }
0xf: {  	[smem:$0x3FB5] =	sst s7  }
0x10: {  	[smem:$0x3FB6] =	sst s8  }
0x11: {  	[smem:$0x3FB7] =	sst s9;
	s0 =	simm.s32 @!p0 $0x0  }
0x12: {  	s1 =	sld [smem:$0x3F9D];
	s0 =	simm.s32 @p0 $0x1  }
0x13: {  	[smem:$0x3FB8] =	sst s0;
	s0 =	simm.s32 @!p1 $0x0  }
0x14: {  	s2 =	sld [smem:$0x3F9C];
	s0 =	simm.s32 @p1 $0x1  }
0x15: {  	[smem:$0x3FB9] =	sst s0;
	s0 =	simm.s32 @!p2 $0x0  }
0x16: {  	s3 =	sld [smem:$0x3FDB];
	s0 =	simm.s32 @p2 $0x1  }
0x17: {  	s4 =	simm.s32 $0x1BF5;
	[smem:$0x3FBB] =	sst s0  }
0x18: {  	s0 =	sld [smem:$0x3F9E];
	_ =	swait.ge [sflag:s4], $0x0  }
0x19: {  	s7 =	sld [smem:$0x3F9F]  }
0x1a: {  	s8 =	sadd.s32 $0xFFFFE003, lr  }
0x1b: {  	s9 =	sadd.s32 $0xFFFFFEF7, lr;
	s5 =	simm.s32 $0xFFFFFFFF;
	p2 =	slt.u32 s8, $0xFFFFF086  }
0x1c: {  	p1 =	slt.u32 s9, $0xF7A;
	s5 =	simm.s32 @!p2 $0x0  }
0x1d: {  	s5 =	simm.s32 @p1 $0x1;
	p0 =	seq.s32 s7, s2  }
0x1e: {  	s7 =	smul.u32 @!p0 $0xF7A, s2;
	p2 =	seq.s32 @!p0 s5, $0x0  }
0x1f: {  	s9 =	smul.u32 $0xF7A, s1;
	s8 =	simm.s32 @!p0 $0x1BF5;
	p2 =	por !p2, p0  }
0x20: {  	[sflag:s8] =	ssyncset.s32 @!p0 $0xFFFFF086;
	s6 =	sadd.s32 @!p0 s3, s7;
	s7 =	simm.s32 @!p0 $0x108  }
0x21: {  	s3 =	sadd.s32 s3, s9;
	s6 =	sadd.s32 @!p0 $0x88, s6;
	s7 =	simm.s32 @p2 $0x1082  }
0x22: {  	[simem:s7], [sflag:s8] =	dma.local @!p0 [hbm:s6], $0xF7A  }
0x23: {  	s9 =	sor.u32 $0xD0000000, s2;
	s6 =	simm.s32 $0x108;
	_ =	swait.ge @!p0 [sflag:s8], $0x0  }
0x24: {  	s3 =	sadd.s32 $0x88, s3;
	s6 =	simm.s32 @!p1 $0x1082;
	[sflag:s4] =	ssyncset.s32 $0xFFFFF086  }
0x25: {  	[simem:s6], [sflag:s4] =	dma.local [hbm:s3], $0xF7A  }
0x26: {  	[smem:$0x3F9F] =	sst s1;
	(tag) =	ssettag s2;
	_ =	strace s9  }
0x27: {  	s1 =	sld [smem:$0x3FAF]  }
0x28: {  	s2 =	sld [smem:$0x3FB0]  }
0x29: {  	s4 =	sld [smem:$0x3FB2]  }
0x2a: {  	p0 =	seq.s32 s5, $0x0;
	s5 =	sld [smem:$0x3FB3]  }
0x2b: {  	s6 =	sld [smem:$0x3FB4]  }
0x2c: {  	s7 =	sld [smem:$0x3FB5]  }
0x2d: {  	s3 =	simm.s32 $0x108;
	s8 =	sld [smem:$0x3FB6]  }
0x2e: {  	s3 =	simm.s32 @!p0 $0x1082;
	s9 =	sld [smem:$0x3FB7]  }
0x2f: {  	lr =	sadd.s32 s0, s3;
	s0 =	sld [smem:$0x3FAE]  }
0x30: {  	s3 =	sld [smem:$0x3FB1]  }
0x31: {  	[smem:$0x3FBA] =	sst s10  }
0x32: {  	s10 =	sld [smem:$0x3FB8];
	_ =	sdelay $0x3  }
0x33: {  	p0 =	seq.s32 s10, $0x1;
	s10 =	sld [smem:$0x3FBA];
	_ =	sdelay $0x3  }
0x34: {  	[smem:$0x3FBA] =	sst s10  }
0x35: {  	s10 =	sld [smem:$0x3FB9];
	_ =	sdelay $0x3  }
0x36: {  	p1 =	seq.s32 s10, $0x1;
	s10 =	sld [smem:$0x3FBA];
	_ =	sdelay $0x3  }
0x37: {  	[smem:$0x3FBA] =	sst s10  }
0x38: {  	s10 =	sld [smem:$0x3FBB]  }
0x39: {  	_ = 	snop;
	(pc) =	sbr.ind lr, $3  }
0x3a: {  	_ = 	snop  }
0x3b: {  	_ = 	snop  }
0x3c: {  	p2 =	seq.s32 s10, $0x1;
	s10 =	sld [smem:$0x3FBA]  }
0x3d: {  	_ =	shalt  }
0x3e: {  	_ =	shalt  }
0x3f: {  	_ =	shalt  }
0x40: {  	_ =	shalt  }
0x41: {  	_ =	shalt  }
0x42: {  	_ =	shalt  }
0x43: {  	_ =	shalt  }
0x44: {  	_ =	shalt  }
0x45: {  	_ =	shalt  }
0x46: {  	_ =	shalt  }
0x47: {  	_ =	shalt  }
0x48: {  	_ =	shalt  }
0x49: {  	_ =	shalt  }
0x4a: {  	_ =	shalt  }
0x4b: {  	_ =	shalt  }
0x4c: {  	_ =	shalt  }
0x4d: {  	_ =	shalt  }
0x4e: {  	_ =	shalt  }
0x4f: {  	_ =	shalt  }
0x50: {  	_ =	shalt  }
0x51: {  	_ =	shalt  }
0x52: {  	_ =	shalt  }
0x53: {  	_ =	shalt  }
0x54: {  	_ =	shalt  }
0x55: {  	_ =	shalt  }
0x56: {  	_ =	shalt  }
0x57: {  	_ =	shalt  }
0x58: {  	_ =	shalt  }
0x59: {  	_ =	shalt  }
0x5a: {  	_ =	shalt  }
0x5b: {  	_ =	shalt  }
0x5c: {  	_ =	shalt  }
0x5d: {  	_ =	shalt  }
0x5e: {  	_ =	shalt  }
0x5f: {  	_ =	shalt  }
0x60: {  	_ =	shalt  }
0x61: {  	_ =	shalt  }
0x62: {  	_ =	shalt  }
0x63: {  	_ =	shalt  }
0x64: {  	_ =	shalt  }
0x65: {  	_ =	shalt  }
0x66: {  	_ =	shalt  }
0x67: {  	_ =	shalt  }
0x68: {  	_ =	shalt  }
0x69: {  	_ =	shalt  }
0x6a: {  	_ =	shalt  }
0x6b: {  	_ =	shalt  }
0x6c: {  	_ =	shalt  }
0x6d: {  	_ =	shalt  }
0x6e: {  	_ =	shalt  }
0x6f: {  	_ =	shalt  }
0x70: {  	_ =	shalt  }
0x71: {  	_ =	shalt  }
0x72: {  	_ =	shalt  }
0x73: {  	_ =	shalt  }
0x74: {  	_ =	shalt  }
0x75: {  	_ =	shalt  }
0x76: {  	_ =	shalt  }
0x77: {  	_ =	shalt  }
0x78: {  	_ =	shalt  }
0x79: {  	_ =	shalt  }
0x7a: {  	_ =	shalt  }
0x7b: {  	_ =	shalt  }
0x7c: {  	_ =	shalt  }
0x7d: {  	_ =	shalt  }
0x7e: {  	_ =	shalt  }
0x7f: {  	_ =	shalt  }
0x80: {  	_ =	shalt  }
0x81: {  	_ =	shalt  }
0x82: {  	_ =	shalt  }
0x83: {  	_ =	shalt  }
0x84: {  	_ =	shalt  }
0x85: {  	_ =	shalt  }
0x86: {  	_ =	shalt  }
0x87: {  	_ =	shalt  }
.Lfunc_end0:
.L_simem_size_0:
called_computation_lowered:
.L_overlay_start_0:
0x88: {  	s2 =	sld [smem:$0x3FD9]  }
0x89: {  	s3 =	sld [smem:$0x3FFE];
	_ =	sdelay $0x1  }
0x8a: {  	s1 =	srdreg.scid  }
0x8b: {  	s0 =	sand.u32 $0x1, s1  }
0x8c: {  	s17 =	sshll.u32 s0, $0xA;
	s2 =	sadd.s32 s3, s2  }
0x8d: {  	s2 =	sadd.s32 s2, s17  }
0x8e: {  	[smem:$0x3FC6] =	sst s2  }
0x8f: {  	_ = 	snop  }
0x90: {  	s2 =	sld [smem:$0x3FD0];
	(tm) =	ssettm $0x1  }
0x91: {  	s18 =	sld [smem:$0x3FFB];
	_ =	sdelay $0x3  }
0x92: {  	_ =	strace s18  }
0x93: {  	s3 =	sld [smem:$0x3FFC];
	_ =	sdelay $0x3  }
0x94: {  	_ =	strace s3  }
0x95: {  	s3 =	sld [smem:$0x3FFD];
	_ =	sdelay $0x3  }
0x96: {  	_ =	strace s3  }
0x97: {  	_ =	strace $0x8FFFFFFF  }
0x98: {  	s19 =	sld [smem:$0x3FDB];
	_ =	sdelay $0x1  }
0x99: {  	s4 =	simm.s32 $_scs_section_size  }
0x9a: {  	s5 =	simm.s32 $_size__tile_overlayer_lowered;
	s6 =	simm.s32 $_tile_overlayer_lowered  }
0x9b: {  	s22 =	simm.s32 $0x1BFF;
	s21 =	sshll.u32 s6, $0x1;
	s3 =	sadd.s32 s4, s19  }
0x9c: {  	s7 =	simm.s32 $0x0;
	s20 =	sshll.u32 s5, $0x1;
	s5 =	sadd.s32 s21, s3  }
0x9d: {  	[timem:s7], [sflag:s22] =	dma.local [hbm:s5], s20  }
0x9e: {  	_ =	swait.ge [sflag:s22], s20  }
0x9f: {  	s4 =	ssub.s32 $0x0, s20;
	[sflag:s22] =	ssyncset.done $0x0  }
0xa0: {  	[sflag:s22] =	ssyncadd.s32 s4;
	_ =	sdelay $0x1  }
0xa1: {  	s23 =	simm.s32 $0x1B8B  }
0xa2: {  	_ =	swait.ge [sflag:s23], $0x1  }
0xa3: {  	[sflag:s23] =	ssyncset.done $0x0  }
0xa4: {  	s25 =	simm.s32 $0x1B8E;
	s24 =	sld [smem:$0x3FFE];
	[sflag:s23] =	ssyncadd.s32 $0xFFFFFFFF  }
0xa5: {  	s26 =	simm.s32 $execute0_lowered;
	[smem:$0x3FD2] =	sst s25  }
0xa6: {  	s5 =	sshll.u32 s26, $0x1;
	_ =	strace $0x80000046;
	[dreg:$0x1] =	wrdreg $0xFFFFFFFF  }
0xa7: {  	s28 =	simm.s32 $_size_execute0_lowered;
	s3 =	sadd.s32 s3, s5;
	[dreg:$0x0] =	wrdreg $0x0  }
0xa8: {  	s5 =	sshll.u32 s28, $0x1;
	[dreg:$0x2] =	wrdreg s3  }
0xa9: {  	[dreg:$0x3] =	wrdreg s5  }
0xaa: {  	[dreg:$0x4] =	wrdreg $0xC0  }
0xab: {  	_ =	task [dreg:s7], $0x5FFFF  }
0xac: {  	[dreg:$0x1] =	wrdreg $0xFFFFFFFF  }
0xad: {  	[dreg:$0x0] =	wrdreg $0x60  }
0xae: {  	[dreg:$0x2] =	wrdreg s24  }
0xaf: {  	[dreg:$0x3] =	wrdreg s2  }
0xb0: {  	[dreg:$0x4] =	wrdreg $0x9  }
0xb1: {  	_ =	task.clear_ibuf [dreg:s7], $0x5FFFF;
	_ =	strace $0x90000046  }
0xb2: {  	s29 =	simm.s32 $0x9;
	_ =	strace $0x80000048  }
0xb3: {  	_ =	swait.ge [sflag:s29], $0x1  }
0xb4: {  	[sflag:s29] =	ssyncadd.s32 $0xFFFFFFFF  }
0xb5: {  	_ =	strace $0x90000048  }
0xb6: {  	_ =	sfence  }
0xb7: {  	s30 =	sld [smem:$0x0];
	_ =	sdelay $0x2  }
0xb8: {  	s31 =	sshll.u32 s1, $0xD;
	s1 =	sshrl.u32 s1, $0x2  }
0xb9: {  	s3 =	sand.u32 $0x4000, s31;
	s1 =	sadd.s32 s1, s30  }
0xba: {  	s0 =	sor.u32 s3, s0;
	s1 =	sshll.u32 s1, $0x11  }
0xbb: {  	s0 =	sor.u32 s1, s0  }
0xbc: {  	s0 =	sadd.s32 $0x8F2B, s0  }
0xbd: {  	[sflag:s0] =	ssyncadd.remote.s32 $0x1  }
0xbe: {  	_ =	sfence.sel $0xFFFF  }
0xbf: {  	[dreg:$0x0] =	wrdreg $0xFFFFFFFF;
	(pc) =	sbr.abs _section_cstart, $3  }
0xc0: {  	[dreg:$0x1] =	wrdreg $0xFFFFFFFF  }
0xc1: {  	_ =	task.clear_ibuf [dreg:s7], $0x2FFFF;
	_ =	strace $0x9FFFFFFF  }
0xc2: {  	(tm) =	ssettm $0x7FFFFFFF  }
0xc3: {  	_ =	shalt  }
tec
execute0_lowered:
.L_overlay_start_1:
0x0: {  	(tag) =	ssettag $0x1  }
0x1: {  	s0 =	rddreg [dreg:$0x0]  }
0x2: {  	s7 =	rddreg [dreg:$0x1];
	s3 =	simm.s32 $0x0  }
0x3: {  	[smem:$0x7FF] =	sst s3;
	s18 =	sadd.s32 $0x1000, s7  }
0x4: {  	s19 =	sadd.s32 $0x2000, s7;
	_ =	strace $0x80000047;
	[dreg:$0x5] =	wrdreg s18  }
0x5: {  	s20 =	sadd.s32 $0x3000, s7;
	[dreg:$0x6] =	wrdreg s19  }
0x6: {  	s21 =	sadd.s32 $0x4000, s7;
	[dreg:$0x7] =	wrdreg s20  }
0x7: {  	s22 =	sadd.s32 $0x5000, s7;
	[dreg:$0x8] =	wrdreg s21  }
0x8: {  	s23 =	sadd.s32 $0x6000, s7;
	[dreg:$0x9] =	wrdreg s22  }
0x9: {  	s24 =	sadd.s32 $0x7000, s7;
	[dreg:$0xa] =	wrdreg s23  }
0xa: {  	s1 =	srdreg.scid;
	s25 =	sadd.s32 $0x8000, s7;
	[dreg:$0xb] =	wrdreg s24  }
0xb: {  	s2 =	stileid.u32;
	s26 =	sadd.s32 $0x9000, s7;
	[dreg:$0xc] =	wrdreg s25  }
0xc: {  	s28 =	simm.s32 $0xE7B8;
	v0 =	vlaneseq.u32;
	s8 =	sadd.s32 $0xD000, s7;
	[dreg:$0xd] =	wrdreg s26  }
0xd: {  	s29 =	simm.s32 $0xE950;
	s9 =	sadd.s32 $0xE000, s7;
	v6 =	vmul.u32 $0x88, v0;
	[dreg:$0x11] =	wrdreg s8  }
0xe: {  	s30 =	simm.s32 $0xEA60;
	s10 =	sadd.s32 $0xF000, s7;
	[dreg:$0x12] =	wrdreg s9  }
0xf: {  	s31 =	simm.s32 $0xEB70;
	s11 =	sadd.s32 $0x10000, s7;
	[dreg:$0x13] =	wrdreg s10;
	v0 =	vadd.s32 $0x1987, v6;
	[tilespmem:$0x1FE80] =	vst v6  }
0x10: {  	s1 =	sand.u32 $0x1, s1;
	s12 =	sadd.s32 $0x11000, s7;
	[dreg:$0x14] =	wrdreg s11;
	v8 =	vor.u32 $0x1, v6;
	[tilespmem:$0x1FE70] =	vst v0  }
0x11: {  	s2 =	sshll.u32 s2, $0x1;
	s13 =	sadd.s32 $0x12000, s7;
	[dreg:$0x15] =	wrdreg s12;
	v12 =	vor.u32 $0x2, v6;
	[tilespmem:$0x1FE90] =	vst v8  }
0x12: {  	s14 =	sadd.s32 $0x13000, s7;
	s2 =	sor.u32 s1, s2;
	[dreg:$0x16] =	wrdreg s13;
	v16 =	vor.u32 $0x3, v6;
	[tilespmem:$0x1FEA0] =	vst v12  }
0x13: {  	s1 =	ssub.s32 $0x2, s1;
	[dreg:$0x18] =	wrdreg s14;
	s18 =	sadd.s32 $0x17000, s7;
	v20 =	vor.u32 $0x4, v6;
	[tilespmem:$0x1FEB0] =	vst v16  }
0x14: {  	s19 =	sadd.s32 $0x18000, s7;
	s20 =	sadd.s32 $0x19000, s7;
	[dreg:$0x1c] =	wrdreg s18;
	v25 =	vor.u32 $0x5, v6;
	[tilespmem:$0x1FEC0] =	vst v20  }
0x15: {  	s21 =	sadd.s32 $0x1A000, s7;
	s22 =	sadd.s32 $0x1B000, s7;
	[dreg:$0x1d] =	wrdreg s19;
	v3 =	vor.u32 $0x7, v6;
	[tilespmem:$0x1FED0] =	vst v25  }
0x16: {  	s23 =	sadd.s32 $0x1C000, s7;
	s24 =	sadd.s32 $0x1D000, s7;
	[dreg:$0x1e] =	wrdreg s20;
	v11 =	vadd.s32 $0x1981, v6;
	[tilespmem:$0x1FEE0] =	vst v3  }
0x17: {  	s25 =	sadd.s32 $0x1E000, s7;
	s26 =	sadd.s32 $0x1F000, s7;
	[dreg:$0x1f] =	wrdreg s21;
	v47 =	vadd.s32 $0x1982, v6;
	[tilespmem:$0x1FEF0] =	vst v11  }
0x18: {  	s10 =	simm.s32 $0xE400;
	s8 =	simm.s32 $0xF720;
	[smem:$0x7F9] =	sst s22;
	v18 =	vadd.s32 $0x1103, v6;
	[tilespmem:$0x1FF00] =	vst v47  }
0x19: {  	s11 =	simm.s32 $0x3;
	s12 =	simm.s32 $0x5;
	[smem:$0x7FA] =	sst s23;
	v63 =	vadd.s32 $0x1104, v6;
	[tilespmem:$0x1FF10] =	vst v18  }
0x1a: {  	s13 =	simm.s32 $0x4;
	s9 =	simm.s32 $0x0;
	[smem:$0x7FB] =	sst s24;
	v29 =	vadd.s32 $0x887, v6;
	[tilespmem:$0x1FF20] =	vst v63  }
0x1b: {  	s4 =	sshll.u32 s2, $0x4;
	s6 =	sshrl.u32 s1, $0x1;
	[smem:$0x7FC] =	sst s25;
	v45 =	vadd.s32 $0x1984, v6;
	[tilespmem:$0x1FF30] =	vst v29  }
0x1c: {  	s17 =	sshll.u32 s2, $0x7;
	s2 =	sadd.s32 $0xA000, s7;
	[smem:$0x7FD] =	sst s26;
	v26 =	vadd.s32 $0x1105, v6;
	[tilespmem:$0x1FF40] =	vst v45  }
0x1d: {  	s23 =	simm.s32 $0xE488;
	s24 =	simm.s32 $0xE598;
	s26 =	simm.s32 $0xE6A8;
	v14 =	vadd.s32 $0x1102, v6;
	[tilespmem:$0x1FF50] =	vst v26  }
0x1e: {  	s25 =	simm.s32 $0xF1D0;
	s20 =	simm.s32 $0x2;
	s21 =	simm.s32 $0x6;
	v35 =	vadd.s32 $0x1986, v6;
	[tilespmem:$0x1FF60] =	vst v14  }
0x1f: {  	s22 =	simm.s32 $0x10600;
	v7 =	vadd.s32 $0x1980, v6;
	s5 =	sadd.s32 s4, s0;
	[dreg:$0x4] =	wrdreg s17;
	[tilespmem:$0x1FF70] =	vst v35  }
0x20: {  	v50 =	vadd.s32 $0x1106, v6;
	s15 =	ssub.s32 s1, s6;
	[dreg:$0xe] =	wrdreg s2;
	s6 =	sadd.s32 $0xC000, s7;
	[tilespmem:$0x1FF80] =	vst v7  }
0x21: {  	v10 =	vadd.s32 $0x1101, v6;
	s4 =	sadd.s32 $0xF42A00, s0;
	s17 =	sadd.s32 $0x16000, s7;
	[tilespmem:$0x1FF90] =	vst v50;
	[dreg:$0x10] =	wrdreg s6  }
0x22: {  	v22 =	vadd.s32 $0x1983, v6;
	s1 =	simm.s32 $0xED90;
	[tilespmem:$0x1FFA0] =	vst v10;
	s16 =	sadd.s32 $0x600, s5;
	[dreg:$0x1b] =	wrdreg s17  }
.Ltmp0:
0x23: {  	v1 =	vimm.s32 $0x0;
	vm0 =	vcmask $0x300;
	v31 =	vadd.s32 $0x1107, v6;
	[tilespmem:$0x1FFB0] =	vst v22;
	s5 =	sadd.s32 $0xB000, s7;
	[dreg:$0x3] =	wrdreg s16;
	(pc) =	sbr.rel .LBB2_1-.Ltmp0, $4  }
0x24: {  	v1 =	vsel vm0, $0x3, v1;
	v27 =	vadd.s32 $0x1985, v6;
	s2 =	simm.s32 $0xF2E0;
	[tilespmem:$0x1FFC0] =	vst v31;
	s0 =	smax.u32 s15, $0x1;
	[dreg:$0xf] =	wrdreg s5  }
0x25: {  	v2 =	vadd.s32 $0x880, v6;
	v4 =	vadd.s32 $0x1100, v6;
	v9 =	vadd.s32 $0x881, v6;
	[tilespmem:$0x1FFD0] =	vst v27;
	s15 =	sadd.s32 $0x14000, s7;
	s6 =	simm.s32 $0xF3F0;
	[dreg:$0x17] =	wrdreg s0  }
0x26: {  	v13 =	vadd.s32 $0x882, v6;
	v17 =	vadd.s32 $0x883, v6;
	v24 =	vadd.s32 $0x884, v6;
	[tilespmem:$0x1FFE0] =	vst v4;
	[dreg:$0x19] =	wrdreg s15;
	s16 =	sadd.s32 $0x15000, s7;
	s0 =	simm.s32 $0xEEA0  }
0x27: {  	v30 =	vadd.s32 $0x885, v6;
	v32 =	vor.u32 $0x6, v6;
	v5 =	vadd.s32 $0x886, v6;
	[tilespmem:$0x1FFF0] =	vst v2;
	s5 =	simm.s32 $0xEFB0;
	s7 =	simm.s32 $0xF610;
	[dreg:$0x1a] =	wrdreg s16  }
.LBB2_16:
0x28: {  	_ =	swait.ge [sflag:s12], $0x400  }
0x29: {  	[sflag:s12] =	ssyncset.done $0x0  }
0x2a: {  	[sflag:s12] =	ssyncadd.s32 $0xFFFFFC00  }
0x2b: {  	_ =	swait.ge [sflag:s12], $0x400  }
0x2c: {  	[sflag:s12] =	ssyncset.done $0x0  }
0x2d: {  	[sflag:s12] =	ssyncadd.s32 $0xFFFFFC00  }
0x2e: {  	_ =	swait.ge [sflag:s12], $0x400  }
0x2f: {  	[sflag:s12] =	ssyncset.done $0x0  }
0x30: {  	[sflag:s12] =	ssyncadd.s32 $0xFFFFFC00  }
0x31: {  	_ =	swait.ge [sflag:s12], $0x400  }
0x32: {  	[sflag:s12] =	ssyncset.done $0x0  }
0x33: {  	[sflag:s12] =	ssyncadd.s32 $0xFFFFFC00  }
0x34: {  	_ =	swait.ge [sflag:s12], $0x400  }
0x35: {  	[sflag:s12] =	ssyncset.done $0x0  }
0x36: {  	[sflag:s12] =	ssyncadd.s32 $0xFFFFFC00  }
0x37: {  	_ =	swait.ge [sflag:s12], $0x400  }
0x38: {  	[sflag:s12] =	ssyncset.done $0x0  }
0x39: {  	[sflag:s12] =	ssyncadd.s32 $0xFFFFFC00  }
0x3a: {  	_ =	swait.ge [sflag:s12], $0x400  }
0x3b: {  	[sflag:s12] =	ssyncset.done $0x0  }
0x3c: {  	[sflag:s12] =	ssyncadd.s32 $0xFFFFFC00  }
0x3d: {  	_ =	swait.ge [sflag:s12], $0x400  }
0x3e: {  	[sflag:s12] =	ssyncset.done $0x0  }
0x3f: {  	[sflag:s12] =	ssyncadd.s32 $0xFFFFFC00  }
0x40: {  	_ =	swait.ge [sflag:s21], $0x400  }
0x41: {  	[sflag:s21] =	ssyncset.done $0x0  }
0x42: {  	[sflag:s21] =	ssyncadd.s32 $0xFFFFFC00  }
0x43: {  	_ =	swait.ge [sflag:s21], $0x400  }
0x44: {  	[sflag:s21] =	ssyncset.done $0x0  }
0x45: {  	[sflag:s21] =	ssyncadd.s32 $0xFFFFFC00  }
0x46: {  	_ =	swait.ge [sflag:s21], $0x400  }
0x47: {  	[sflag:s21] =	ssyncset.done $0x0  }
0x48: {  	[sflag:s21] =	ssyncadd.s32 $0xFFFFFC00  }
0x49: {  	_ =	swait.ge [sflag:s21], $0x400  }
0x4a: {  	[sflag:s21] =	ssyncset.done $0x0  }
0x4b: {  	[sflag:s21] =	ssyncadd.s32 $0xFFFFFC00  }
0x4c: {  	_ =	swait.ge [sflag:s21], $0x400  }
0x4d: {  	[sflag:s21] =	ssyncset.done $0x0  }
0x4e: {  	[sflag:s21] =	ssyncadd.s32 $0xFFFFFC00  }
0x4f: {  	_ =	swait.ge [sflag:s21], $0x400  }
0x50: {  	[sflag:s21] =	ssyncset.done $0x0  }
0x51: {  	[sflag:s21] =	ssyncadd.s32 $0xFFFFFC00  }
0x52: {  	_ =	swait.ge [sflag:s21], $0x400  }
0x53: {  	[sflag:s21] =	ssyncset.done $0x0  }
0x54: {  	[sflag:s21] =	ssyncadd.s32 $0xFFFFFC00  }
0x55: {  	_ =	swait.ge [sflag:s21], $0x400  }
0x56: {  	s9 =	sld [smem:$0x7F8];
	_ =	sdelay $0x2  }
0x57: {  	s14 =	rddreg [dreg:$0x17];
	v6 =	vld [tilespmem:$0x1FE80];
	s9 =	sadd.s32 $0x1, s9  }
0x58: {  	v8 =	vld [tilespmem:$0x1FE90];
	p0 =	sne.s32 s9, s14  }
.Ltmp1:
0x59: {  	v12 =	vld [tilespmem:$0x1FEA0];
	(pc) =	sbr.rel @!p0 .LBB2_17-.Ltmp1, $4  }
0x5a: {  	v16 =	vld [tilespmem:$0x1FEB0]  }
0x5b: {  	v7 =	vmov v49;
	v20 =	vld [tilespmem:$0x1FEC0]  }
0x5c: {  	v9 =	vmovc v52;
	v10 =	vmovc v53;
	v11 =	vmov v54;
	v13 =	vmov v56;
	v14 =	vmov v57;
	[sflag:s21] =	ssyncset.done $0x0;
	v25 =	vld [tilespmem:$0x1FED0]  }
0x5d: {  	v17 =	vmovc v59;
	v18 =	vmovc v60;
	v30 =	vmov v51;
	v5 =	vmov v61;
	v29 =	vmov v28;
	v3 =	vld [tilespmem:$0x1FEE0];
	[sflag:s21] =	ssyncadd.s32 $0xFFFFFC00  }
.LBB2_1:
0x5e: {  	[smem:$0x7F8] =	sst s9  }
0x5f: {  	s14 =	rddreg [dreg:$0x3]  }
0x60: {  	s15 =	simm.s32 $0x80;
	s16 =	simm.s32 $0x1000;
	s18 =	simm.s32 $0x7  }
0x61: {  	[tilespmem:s3], [sflag:$0x7] =	stream.strided.gather [hbm4b:s14+s15], $0x6400, s16, s15, $0x38;
	[tilespmem:$0x12800] =	vst v63  }
0x62: {  	_ =	swait.ge [sflag:s18], $0x6400  }
0x63: {  	[sflag:s18] =	ssyncset.done $0x0  }
0x64: {  	s19 =	simm.s32 $0x6400;
	[sflag:s18] =	ssyncadd.s32 $0xFFFF9C00  }
0x65: {  	[tilespmem:s19], [sflag:$0x1] =	stream.indirect.gather [hbm4b:s4+s15], $0x40, s3, s15, $0xb8;
	[tilespmem:$0x12800] =	vst v63  }
0x66: {  	s9 =	simm.s32 $0x8400  }
0x67: {  	[tilespmem:s9], [sflag:$0x2] =	stream.indirect.gather [hbm4b:s4+s15], $0x40, s15, s15, $0xb8;
	[tilespmem:$0x12800] =	vst v63  }
0x68: {  	s17 =	simm.s32 $0xA400;
	s16 =	simm.s32 $0x100  }
0x69: {  	[tilespmem:s17], [sflag:$0x3] =	stream.indirect.gather [hbm4b:s4+s15], $0x40, s16, s15, $0xb8;
	[tilespmem:$0x12800] =	vst v63  }
0x6a: {  	s14 =	simm.s32 $0x0;
	s18 =	simm.s32 $0x180;
	s19 =	simm.s32 $0xC400  }
0x6b: {  	[tilespmem:s19], [sflag:$0x4] =	stream.indirect.gather [hbm4b:s4+s15], $0x40, s18, s15, $0xb8;
	[tilespmem:$0x12800] =	vst v63  }
.LBB2_2:
0x6c: {  	s9 =	simm.s32 $0x1  }
0x6d: {  	_ =	swait.ge [sflag:s9], $0x2000  }
0x6e: {  	p0 =	seq.s32 s14, $0x0;
	[sflag:s9] =	ssyncset.done $0x0  }
0x6f: {  	s15 =	simm.s32 @!p0 $0x5;
	[sflag:s9] =	ssyncadd.s32 $0xFFFFE000  }
0x70: {  	_ =	swait.ge @!p0 [sflag:s15], $0x400  }
0x71: {  	[sflag:s15] =	ssyncset.done @!p0 $0x0  }
0x72: {  	[sflag:s15] =	ssyncadd.s32 @!p0 $0xFFFFFC00  }
0x73: {  	_ =	swait.ge @!p0 [sflag:s15], $0x400  }
0x74: {  	[sflag:s15] =	ssyncset.done @!p0 $0x0  }
0x75: {  	[sflag:s15] =	ssyncadd.s32 @!p0 $0xFFFFFC00  }
0x76: {  	_ =	swait.ge @!p0 [sflag:s15], $0x400  }
0x77: {  	[sflag:s15] =	ssyncset.done @!p0 $0x0  }
0x78: {  	[sflag:s15] =	ssyncadd.s32 @!p0 $0xFFFFFC00  }
0x79: {  	_ =	swait.ge @!p0 [sflag:s15], $0x400  }
0x7a: {  	[sflag:s15] =	ssyncset.done @!p0 $0x0  }
0x7b: {  	[sflag:s15] =	ssyncadd.s32 @!p0 $0xFFFFFC00  }
0x7c: {  	_ =	swait.ge @!p0 [sflag:s15], $0x400  }
0x7d: {  	[sflag:s15] =	ssyncset.done @!p0 $0x0  }
0x7e: {  	[sflag:s15] =	ssyncadd.s32 @!p0 $0xFFFFFC00  }
0x7f: {  	_ =	swait.ge @!p0 [sflag:s15], $0x400  }
0x80: {  	s16 =	simm.s32 $0x0;
	[sflag:s15] =	ssyncset.done @!p0 $0x0  }
0x81: {  	s17 =	simm.s32 $0x2;
	s18 =	simm.s32 $0x3;
	[sflag:s15] =	ssyncadd.s32 @!p0 $0xFFFFFC00  }
0x82: {  	s19 =	simm.s32 $0x6;
	v33 =	vmov s16;
	v35 =	vmov s17;
	s17 =	simm.s32 $0x4;
	_ =	swait.ge @!p0 [sflag:s15], $0x400  }
0x83: {  	v36 =	vmov s18;
	s18 =	simm.s32 $0x5;
	v39 =	vmov s19;
	v33 =	vshrl.u32 v33, $0x3;
	s9 =	simm.s32 $0x1;
	[sflag:s15] =	ssyncset.done @!p0 $0x0  }
0x84: {  	v37 =	vmov s17;
	v38 =	vmov s18;
	v34 =	vmov s9;
	s9 =	simm.s32 $0x7;
	[sflag:s15] =	ssyncadd.s32 @!p0 $0xFFFFFC00  }
0x85: {  	v35 =	vshrl.u32 v35, $0x3;
	v36 =	vshrl.u32 v36, $0x3;
	v40 =	vmov s9;
	_ =	swait.ge @!p0 [sflag:s15], $0x400  }
0x86: {  	v42 =	vshrl.u32 v39, $0x3;
	v33 =	vshll.u32 v33, v1;
	v40 =	vshrl.u32 v40, $0x3;
	[sflag:s15] =	ssyncset.done @!p0 $0x0  }
0x87: {  	s16 =	simm.s32 $0x6500;
	v37 =	vshrl.u32 v37, $0x3;
	v38 =	vshrl.u32 v38, $0x3;
	v40 =	vshll.u32 v40, v1;
	[sflag:s15] =	ssyncadd.s32 @!p0 $0xFFFFFC00  }
0x88: {  	v35 =	vshll.u32 v35, v1;
	v34 =	vshrl.u32 v34, $0x3;
	v23 =	vbroadcast v40, $0x0;
	v61 =	vld [tilespmem:s16+$0xC0]  }
0x89: {  	v36 =	vshll.u32 v36, v1;
	v15 =	vbroadcast v33, $0x0;
	v34 =	vshll.u32 v34, v1;
	v43 =	vld [tilespmem:s16+$0xFFFFFF00]  }
0x8a: {  	v42 =	vshll.u32 v42, v1;
	v19 =	vbroadcast v34, $0x0;
	v46 =	vadd.s32 v3, v23;
	v45 =	vld [tilespmem:s16+$0xFFFFFF40]  }
0x8b: {  	v44 =	vshll.u32 v37, v1;
	v37 =	vbroadcast v35, $0x0;
	v63 =	vadd.s32 v6, v15;
	v47 =	vld [tilespmem:s16+$0xFFFFFF80]  }
0x8c: {  	v62 =	vshll.u32 v38, v1;
	v36 =	vbroadcast v36, $0x0;
	v48 =	vadd.s32 v8, v19;
	v49 =	vld [tilespmem:s16+$0xFFFFFFC0]  }
0x8d: {  	v35 =	vbroadcast v44, $0x0;
	v50 =	vadd.s32 v12, v37;
	v51 =	vld [tilespmem:s16+$0x0];
	v57 =	vmul.f32 $8.000000000e+00, v61  }
0x8e: {  	v33 =	vbroadcast v62, $0x0;
	v52 =	vadd.s32 v16, v36;
	v53 =	vld [tilespmem:s16+$0x40];
	v43 =	vmul.f32 $8.000000000e+00, v43  }
0x8f: {  	v54 =	vadd.s32 v20, v35;
	v34 =	vbroadcast v42, $0x0;
	v55 =	vld [tilespmem:s16+$0x80];
	v45 =	vmul.f32 $8.000000000e+00, v45;
	[tilespmem:v46+s10+$0x0] =	vst.idx.msk $0xffff, v57  }
0x90: {  	v59 =	vmul.f32 $8.000000000e+00, v47;
	[tilespmem:v63+s10+$0x0] =	vst.idx.msk $0xffff, v43;
	v43 =	vadd.s32 v25, v33;
	v44 =	vld [tilespmem:s16+$0xD0]  }
0x91: {  	v61 =	vmul.f32 $8.000000000e+00, v49;
	v47 =	vadd.s32 v32, v34;
	[tilespmem:v48+s10+$0x0] =	vst.idx.msk $0xffff, v45;
	v60 =	vld [tilespmem:s16+$0xFFFFFF10]  }
0x92: {  	s17 =	simm.s32 $0x8;
	v62 =	vmul.f32 $8.000000000e+00, v51;
	[tilespmem:v50+s10+$0x0] =	vst.idx.msk $0xffff, v59;
	v50 =	vadd.s32 v29, v23;
	v49 =	vld [tilespmem:s16+$0xFFFFFF50]  }
0x93: {  	v58 =	vmov s17;
	v56 =	vadd.s32 v2, v15;
	[tilespmem:v52+s10+$0x0] =	vst.idx.msk $0xffff, v61;
	v63 =	vmul.f32 $8.000000000e+00, v53;
	v57 =	vld [tilespmem:s16+$0xFFFFFF90]  }
0x94: {  	v42 =	vshrl.u32 v58, $0x3;
	v38 =	vmul.f32 $8.000000000e+00, v55;
	v53 =	vadd.s32 v9, v19;
	[tilespmem:v54+s10+$0x0] =	vst.idx.msk $0xffff, v62;
	v58 =	vld [tilespmem:s16+$0xFFFFFFD0]  }
0x95: {  	v55 =	vadd.s32 v13, v37;
	v59 =	vld [tilespmem:s16+$0x10];
	[tilespmem:v43+s10+$0x0] =	vst.idx.msk $0xffff, v63;
	v43 =	vmul.f32 $8.000000000e+00, v44  }
0x96: {  	v46 =	vadd.s32 v17, v36;
	[tilespmem:v47+s10+$0x0] =	vst.idx.msk $0xffff, v38;
	v45 =	vmul.f32 $8.000000000e+00, v60;
	v60 =	vld [tilespmem:s16+$0x50]  }
0x97: {  	v61 =	vld [tilespmem:s16+$0x90];
	v39 =	vmul.f32 $8.000000000e+00, v49;
	v49 =	vadd.s32 v24, v35;
	[tilespmem:v50+s10+$0x0] =	vst.idx.msk $0xffff, v43  }
0x98: {  	v63 =	vmul.f32 $8.000000000e+00, v57;
	[tilespmem:v56+s10+$0x0] =	vst.idx.msk $0xffff, v45;
	v45 =	vadd.s32 v30, v33  }
0x99: {  	[tilespmem:v53+s10+$0x0] =	vst.idx.msk $0xffff, v39;
	v39 =	vmul.f32 $8.000000000e+00, v58;
	v53 =	vadd.s32 v5, v34  }
0x9a: {  	v43 =	vshll.u32 v42, v1;
	[tilespmem:v55+s10+$0x0] =	vst.idx.msk $0xffff, v63;
	v42 =	vmul.f32 $8.000000000e+00, v59;
	v50 =	vld [tilespmem:s16+$0xE0]  }
0x9b: {  	v56 =	vld [tilespmem:s16+$0xFFFFFF20];
	[tilespmem:v46+s10+$0x0] =	vst.idx.msk $0xffff, v39;
	v46 =	vmul.f32 $8.000000000e+00, v60  }
0x9c: {  	v57 =	vld [tilespmem:s16+$0xFFFFFF60];
	v47 =	vmul.f32 $8.000000000e+00, v61;
	[tilespmem:v49+s10+$0x0] =	vst.idx.msk $0xffff, v42  }
0x9d: {  	s18 =	simm.s32 $0x9;
	v55 =	vadd.s32 v31, v23;
	v59 =	vld [tilespmem:s16+$0xFFFFFFA0];
	[tilespmem:v45+s10+$0x0] =	vst.idx.msk $0xffff, v46  }
0x9e: {  	v48 =	vmov s18;
	s18 =	simm.s32 $0xD;
	v58 =	vadd.s32 v4, v15;
	v63 =	vld [tilespmem:s16+$0xFFFFFFE0];
	[tilespmem:v53+s10+$0x0] =	vst.idx.msk $0xffff, v47  }
0x9f: {  	s19 =	simm.s32 $0xA;
	v62 =	vadd.s32 v10, v19;
	v44 =	vmov s18;
	v0 =	vld [tilespmem:$0x1FF20]  }
0xa0: {  	v51 =	vmov s19;
	s19 =	simm.s32 $0xE;
	v61 =	vshrl.u32 v44, $0x3;
	v39 =	vld [tilespmem:s16+$0x20];
	v44 =	vmul.f32 $8.000000000e+00, v50  }
0xa1: {  	v38 =	vmov s19;
	v49 =	vadd.s32 v14, v37;
	v50 =	vmul.f32 $8.000000000e+00, v56;
	v40 =	vld [tilespmem:s16+$0x60]  }
0xa2: {  	s9 =	simm.s32 $0xB;
	v42 =	vshrl.u32 v38, $0x3;
	v38 =	vbroadcast v43, $0x0;
	v43 =	vmul.f32 $8.000000000e+00, v57;
	v60 =	vld [tilespmem:s16+$0xA0];
	[tilespmem:v55+s10+$0x0] =	vst.idx.msk $0xffff, v44  }
0xa3: {  	v52 =	vmov s9;
	v56 =	vadd.s32 v18, v36;
	[tilespmem:v58+s10+$0x0] =	vst.idx.msk $0xffff, v50;
	v55 =	vld [tilespmem:s16+$0xF0]  }
0xa4: {  	v52 =	vshrl.u32 v52, $0x3;
	v59 =	vmul.f32 $8.000000000e+00, v59;
	[tilespmem:v62+s10+$0x0] =	vst.idx.msk $0xffff, v43;
	v50 =	vld [tilespmem:s16+$0xFFFFFF30];
	v57 =	vadd.s32 v0, v35  }
0xa5: {  	v45 =	vshll.u32 v52, v1;
	v52 =	vld [tilespmem:s16+$0xFFFFFF70]  }
0xa6: {  	v62 =	vmul.f32 $8.000000000e+00, v63;
	v0 =	vld [tilespmem:$0x1FF90];
	[tilespmem:v49+s10+$0x0] =	vst.idx.msk $0xffff, v59  }
0xa7: {  	s17 =	simm.s32 $0xC;
	v63 =	vmul.f32 $8.000000000e+00, v39;
	v21 =	vld [tilespmem:$0x1FE70]  }
0xa8: {  	v51 =	vshrl.u32 v51, $0x3;
	v54 =	vmov s17;
	v48 =	vshrl.u32 v48, $0x3;
	v49 =	vld [tilespmem:s16+$0xFFFFFFB0];
	[tilespmem:v56+s10+$0x0] =	vst.idx.msk $0xffff, v62  }
0xa9: {  	v41 =	vshrl.u32 v54, $0x3;
	v54 =	vadd.s32 v26, v33;
	v47 =	vshll.u32 v48, v1;
	v56 =	vld [tilespmem:s16+$0xFFFFFFF0];
	[tilespmem:v57+s10+$0x0] =	vst.idx.msk $0xffff, v63  }
0xaa: {  	v46 =	vshll.u32 v41, v1;
	v48 =	vadd.s32 v7, v15;
	v41 =	vadd.s32 v11, v19;
	v19 =	vld [tilespmem:$0x1FF00]  }
0xab: {  	v15 =	vmovc v7;
	v44 =	vshll.u32 v51, v1;
	v43 =	vshll.u32 v61, v1;
	v39 =	vmul.f32 $8.000000000e+00, v40;
	v28 =	vld [tilespmem:$0x1FF40]  }
0xac: {  	s15 =	sshll.u32 s14, $0xB;
	s17 =	simm.s32 $0x10;
	s18 =	simm.s32 $0xF;
	v7 =	vmovc v2;
	v40 =	vmul.f32 $8.000000000e+00, v60;
	v51 =	vadd.s32 v0, v34;
	v53 =	vadd.s32 v21, v23;
	v23 =	vmovc v32;
	v32 =	vld [tilespmem:$0x1FF70]  }
.LBB2_3:
0xad: {  	_ =	sdelay $0x1  }
0xae: {  	v57 =	vmov s18  }
0xaf: {  	v37 =	vadd.s32 v19, v37;
	v58 =	vld [tilespmem:s16+$0x30];
	v36 =	vadd.s32 v22, v36;
	[tilespmem:v54+s10+$0x0] =	vst.idx.msk $0xffff, v39;
	v60 =	vmul.f32 $8.000000000e+00, v55  }
0xb0: {  	v35 =	vadd.s32 v28, v35;
	v61 =	vshrl.u32 v57, $0x3;
	[tilespmem:v51+s10+$0x0] =	vst.idx.msk $0xffff, v40;
	v62 =	vld [tilespmem:s16+$0x70];
	v50 =	vmul.f32 $8.000000000e+00, v50  }
0xb1: {  	v39 =	vmov v38;
	v38 =	vshll.u32 v61, v1;
	v63 =	vmul.f32 $8.000000000e+00, v52;
	v52 =	vld [tilespmem:s16+$0xB0];
	s16 =	sadd.s32 $0x200, s16;
	[tilespmem:v53+s10+$0x0] =	vst.idx.msk $0xffff, v60  }
0xb2: {  	v33 =	vadd.s32 v27, v33;
	v40 =	vbroadcast v38, $0x0;
	v54 =	vmul.f32 $8.000000000e+00, v49;
	[tilespmem:v48+s10+$0x0] =	vst.idx.msk $0xffff, v50;
	v53 =	vld [tilespmem:s16+$0xC0]  }
0xb3: {  	v42 =	vshll.u32 v42, v1;
	v34 =	vadd.s32 v32, v34;
	v57 =	vmul.f32 $8.000000000e+00, v56;
	[tilespmem:v41+s10+$0x0] =	vst.idx.msk $0xffff, v63;
	v48 =	vld [tilespmem:s16+$0xFFFFFF00]  }
0xb4: {  	v41 =	vbroadcast v47, $0x0;
	v47 =	vadd.s32 v3, v40;
	[tilespmem:v37+s10+$0x0] =	vst.idx.msk $0xffff, v54;
	v60 =	vmul.f32 $8.000000000e+00, v58;
	v59 =	vld [tilespmem:s16+$0xFFFFFF40]  }
0xb5: {  	v51 =	vadd.s32 v6, v39;
	v37 =	vbroadcast v44, $0x0;
	[tilespmem:v36+s10+$0x0] =	vst.idx.msk $0xffff, v57;
	v61 =	vld [tilespmem:s16+$0xFFFFFF80];
	v62 =	vmul.f32 $8.000000000e+00, v62  }
0xb6: {  	v36 =	vbroadcast v45, $0x0;
	v63 =	vld [tilespmem:s16+$0xFFFFFFC0];
	v49 =	vadd.s32 v8, v41;
	[tilespmem:v35+s10+$0x0] =	vst.idx.msk $0xffff, v60;
	v56 =	vmul.f32 $8.000000000e+00, v52  }
0xb7: {  	v45 =	vadd.s32 v12, v37;
	v35 =	vbroadcast v46, $0x0;
	v52 =	vld [tilespmem:s16+$0x0];
	[tilespmem:v33+s10+$0x0] =	vst.idx.msk $0xffff, v62;
	v57 =	vmul.f32 $8.000000000e+00, v53  }
0xb8: {  	v33 =	vbroadcast v43, $0x0;
	[tilespmem:v34+s10+$0x0] =	vst.idx.msk $0xffff, v56;
	v58 =	vmul.f32 $8.000000000e+00, v48;
	v48 =	vadd.s32 v16, v36;
	v53 =	vld [tilespmem:s16+$0x40]  }
0xb9: {  	v43 =	vadd.s32 v20, v35;
	v34 =	vbroadcast v42, $0x0;
	v59 =	vmul.f32 $8.000000000e+00, v59;
	v50 =	vld [tilespmem:s16+$0x80];
	[tilespmem:v47+s10+$0x0] =	vst.idx.msk $0xffff, v57  }
0xba: {  	v62 =	vadd.s32 v25, v33;
	v61 =	vmul.f32 $8.000000000e+00, v61;
	[tilespmem:v51+s10+$0x0] =	vst.idx.msk $0xffff, v58;
	v47 =	vld [tilespmem:s16+$0xD0]  }
0xbb: {  	v60 =	vmov s17;
	v63 =	vmul.f32 $8.000000000e+00, v63;
	[tilespmem:v49+s10+$0x0] =	vst.idx.msk $0xffff, v59;
	v49 =	vadd.s32 v23, v34;
	v51 =	vld [tilespmem:s16+$0xFFFFFF10]  }
0xbc: {  	v42 =	vshrl.u32 v60, $0x3;
	[tilespmem:v45+s10+$0x0] =	vst.idx.msk $0xffff, v61;
	v60 =	vmul.f32 $8.000000000e+00, v52;
	v45 =	vadd.s32 v29, v40;
	v55 =	vld [tilespmem:s16+$0xFFFFFF50]  }
0xbd: {  	v56 =	vadd.s32 v7, v39;
	v57 =	vld [tilespmem:s16+$0xFFFFFF90];
	[tilespmem:v48+s10+$0x0] =	vst.idx.msk $0xffff, v63;
	v61 =	vmul.f32 $8.000000000e+00, v53  }
0xbe: {  	[tilespmem:v43+s10+$0x0] =	vst.idx.msk $0xffff, v60;
	v53 =	vadd.s32 v9, v41;
	v43 =	vmul.f32 $8.000000000e+00, v50;
	v58 =	vld [tilespmem:s16+$0xFFFFFFD0]  }
0xbf: {  	v2 =	vld [tilespmem:$0x1FF20];
	v50 =	vadd.s32 v13, v37;
	[tilespmem:v62+s10+$0x0] =	vst.idx.msk $0xffff, v61;
	v38 =	vmul.f32 $8.000000000e+00, v47  }
0xc0: {  	s9 =	sadd.s32 $0x1, s17;
	v59 =	vld [tilespmem:s16+$0x10];
	[tilespmem:v49+s10+$0x0] =	vst.idx.msk $0xffff, v43;
	v47 =	vmul.f32 $8.000000000e+00, v51;
	v51 =	vadd.s32 v17, v36  }
0xc1: {  	v54 =	vmov s9;
	v60 =	vld [tilespmem:s16+$0x50];
	v49 =	vmul.f32 $8.000000000e+00, v55;
	[tilespmem:v45+s10+$0x0] =	vst.idx.msk $0xffff, v38  }
0xc2: {  	s19 =	sadd.s32 $0x2, s17;
	v54 =	vshrl.u32 v54, $0x3;
	v55 =	vadd.s32 v24, v35;
	v61 =	vld [tilespmem:s16+$0x90];
	v62 =	vmul.f32 $8.000000000e+00, v57;
	[tilespmem:v56+s10+$0x0] =	vst.idx.msk $0xffff, v47  }
0xc3: {  	s9 =	sadd.s32 $0x3, s17;
	v52 =	vmov s19;
	s19 =	sadd.s32 $0x4, s17;
	v45 =	vadd.s32 v30, v33;
	[tilespmem:v53+s10+$0x0] =	vst.idx.msk $0xffff, v49;
	v47 =	vld [tilespmem:s16+$0xE0];
	v63 =	vmul.f32 $8.000000000e+00, v58  }
0xc4: {  	v44 =	vmov s19;
	v48 =	vmov s9;
	v53 =	vadd.s32 v5, v34;
	[tilespmem:v50+s10+$0x0] =	vst.idx.msk $0xffff, v62;
	v56 =	vld [tilespmem:s16+$0xFFFFFF20]  }
0xc5: {  	s9 =	sadd.s32 $0x5, s17;
	v38 =	vshll.u32 v42, v1;
	v42 =	vmul.f32 $8.000000000e+00, v59;
	v50 =	vadd.s32 v31, v40;
	v57 =	vld [tilespmem:s16+$0xFFFFFF60];
	[tilespmem:v51+s10+$0x0] =	vst.idx.msk $0xffff, v63  }
0xc6: {  	s19 =	sadd.s32 $0x6, s17;
	v46 =	vmov s9;
	v58 =	vadd.s32 v4, v39;
	v49 =	vmul.f32 $8.000000000e+00, v60;
	v62 =	vld [tilespmem:s16+$0xFFFFFFE0]  }
0xc7: {  	v43 =	vmov s19;
	v59 =	vld [tilespmem:s16+$0xFFFFFFA0];
	v60 =	vshrl.u32 v44, $0x3;
	[tilespmem:v55+s10+$0x0] =	vst.idx.msk $0xffff, v42;
	v44 =	vmul.f32 $8.000000000e+00, v61  }
0xc8: {  	v51 =	vadd.s32 v10, v41;
	v61 =	vshrl.u32 v46, $0x3;
	v63 =	vld [tilespmem:s16+$0x20];
	[tilespmem:v45+s10+$0x0] =	vst.idx.msk $0xffff, v49;
	v45 =	vmul.f32 $8.000000000e+00, v47  }
0xc9: {  	v46 =	vadd.s32 v14, v37;
	v42 =	vshrl.u32 v43, $0x3;
	[tilespmem:v53+s10+$0x0] =	vst.idx.msk $0xffff, v44;
	v43 =	vmul.f32 $8.000000000e+00, v56;
	v0 =	vld [tilespmem:s16+$0x60]  }
0xca: {  	v56 =	vadd.s32 v18, v36;
	v49 =	vmul.f32 $8.000000000e+00, v57;
	v57 =	vadd.s32 v2, v35;
	v2 =	vld [tilespmem:s16+$0xA0];
	[tilespmem:v50+s10+$0x0] =	vst.idx.msk $0xffff, v45  }
0xcb: {  	p1 =	slt.u32 s17, $0x78;
	v52 =	vshrl.u32 v52, $0x3;
	v41 =	vadd.s32 v11, v41;
	[tilespmem:v58+s10+$0x0] =	vst.idx.msk $0xffff, v43;
	v58 =	vmul.f32 $8.000000000e+00, v62;
	v62 =	vld [tilespmem:$0x1FF90]  }
.Ltmp2:
0xcc: {  	v44 =	vshll.u32 v52, v1;
	v53 =	vadd.s32 v21, v40;
	v43 =	vmul.f32 $8.000000000e+00, v59;
	v55 =	vld [tilespmem:s16+$0xF0];
	(pc) =	sbr.rel @p1 .LBB2_3-.Ltmp2, $4  }
0xcd: {  	v48 =	vshrl.u32 v48, $0x3;
	v47 =	vshll.u32 v54, v1;
	v54 =	vadd.s32 v26, v33;
	[tilespmem:v51+s10+$0x0] =	vst.idx.msk $0xffff, v49;
	v50 =	vld [tilespmem:s16+$0xFFFFFF30]  }
0xce: {  	v45 =	vshll.u32 v48, v1;
	v48 =	vadd.s32 v15, v39;
	v52 =	vld [tilespmem:s16+$0xFFFFFF70];
	v63 =	vmul.f32 $8.000000000e+00, v63;
	[tilespmem:v46+s10+$0x0] =	vst.idx.msk $0xffff, v43  }
0xcf: {  	v38 =	vbroadcast v38, $0x0;
	v46 =	vshll.u32 v60, v1;
	v43 =	vshll.u32 v61, v1;
	v49 =	vld [tilespmem:s16+$0xFFFFFFB0];
	[tilespmem:v56+s10+$0x0] =	vst.idx.msk $0xffff, v58  }
0xd0: {  	s18 =	sadd.s32 $0x7, s17;
	s17 =	sadd.s32 $0x8, s17;
	v39 =	vmul.f32 $8.000000000e+00, v0;
	[tilespmem:v57+s10+$0x0] =	vst.idx.msk $0xffff, v63;
	v40 =	vmul.f32 $8.000000000e+00, v2;
	v56 =	vld [tilespmem:s16+$0xFFFFFFF0];
	v51 =	vadd.s32 v62, v34  }
0xd1: {  	_ =	sdelay $0x3  }
0xd2: {  	v0 =	vmov s18;
	v2 =	vadd.s32 v19, v37;
	v37 =	vld [tilespmem:s16+$0x30];
	v63 =	vmul.f32 $8.000000000e+00, v55;
	[tilespmem:v54+s10+$0x0] =	vst.idx.msk $0xffff, v39  }
0xd3: {  	v36 =	vadd.s32 v22, v36;
	v0 =	vshrl.u32 v0, $0x3;
	v50 =	vmul.f32 $8.000000000e+00, v50;
	[tilespmem:v51+s10+$0x0] =	vst.idx.msk $0xffff, v40;
	v54 =	vld [tilespmem:s16+$0x70]  }
0xd4: {  	v35 =	vadd.s32 v28, v35;
	s19 =	sadd.s32 $0x200, s16;
	v0 =	vshll.u32 v0, v1;
	v55 =	vmul.f32 $8.000000000e+00, v52;
	v51 =	vld [tilespmem:s16+$0xB0];
	[tilespmem:v53+s10+$0x0] =	vst.idx.msk $0xffff, v63  }
0xd5: {  	v33 =	vadd.s32 v27, v33;
	v39 =	vld [tilespmem:s19+$0xC0];
	v0 =	vbroadcast v0, $0x0;
	[tilespmem:v48+s10+$0x0] =	vst.idx.msk $0xffff, v50;
	v57 =	vmul.f32 $8.000000000e+00, v49  }
0xd6: {  	v42 =	vshll.u32 v42, v1;
	v34 =	vadd.s32 v32, v34;
	v58 =	vld [tilespmem:s19+$0xFFFFFF00];
	[tilespmem:v41+s10+$0x0] =	vst.idx.msk $0xffff, v55;
	v59 =	vmul.f32 $8.000000000e+00, v56  }
0xd7: {  	v47 =	vbroadcast v47, $0x0;
	v41 =	vld [tilespmem:s19+$0xFFFFFF40];
	v50 =	vadd.s32 v3, v0;
	[tilespmem:v2+s10+$0x0] =	vst.idx.msk $0xffff, v57;
	v2 =	vmul.f32 $8.000000000e+00, v37  }
0xd8: {  	v44 =	vbroadcast v44, $0x0;
	v48 =	vld [tilespmem:s19+$0xFFFFFF80];
	v37 =	vadd.s32 v6, v38;
	[tilespmem:v36+s10+$0x0] =	vst.idx.msk $0xffff, v59;
	v63 =	vmul.f32 $8.000000000e+00, v54  }
0xd9: {  	v45 =	vbroadcast v45, $0x0;
	v40 =	vadd.s32 v8, v47;
	v52 =	vld [tilespmem:s19+$0xFFFFFFC0];
	[tilespmem:v35+s10+$0x0] =	vst.idx.msk $0xffff, v2;
	v2 =	vmul.f32 $8.000000000e+00, v51  }
0xda: {  	v46 =	vbroadcast v46, $0x0;
	v55 =	vmovc v12;
	v39 =	vmul.f32 $8.000000000e+00, v39;
	v35 =	vadd.s32 v12, v44;
	v12 =	vld [tilespmem:s19+$0x0];
	[tilespmem:v33+s10+$0x0] =	vst.idx.msk $0xffff, v63  }
0xdb: {  	v43 =	vbroadcast v43, $0x0;
	v57 =	vld [tilespmem:s19+$0x40];
	v36 =	vadd.s32 v16, v45;
	v54 =	vmul.f32 $8.000000000e+00, v58;
	[tilespmem:v34+s10+$0x0] =	vst.idx.msk $0xffff, v2  }
0xdc: {  	v42 =	vbroadcast v42, $0x0;
	v2 =	vmul.f32 $8.000000000e+00, v41;
	v34 =	vadd.s32 v20, v46;
	v41 =	vld [tilespmem:s19+$0x80];
	[tilespmem:v50+s10+$0x0] =	vst.idx.msk $0xffff, v39  }
0xdd: {  	v59 =	vmul.f32 $8.000000000e+00, v48;
	[tilespmem:v37+s10+$0x0] =	vst.idx.msk $0xffff, v54;
	v37 =	vadd.s32 v25, v43;
	v39 =	vld [tilespmem:s19+$0xD0]  }
0xde: {  	v48 =	vld [tilespmem:s19+$0xFFFFFF10];
	[tilespmem:v40+s10+$0x0] =	vst.idx.msk $0xffff, v2;
	v2 =	vmul.f32 $8.000000000e+00, v52;
	v40 =	vadd.s32 v23, v42  }
0xdf: {  	v50 =	vld [tilespmem:s19+$0xFFFFFF50];
	[tilespmem:v35+s10+$0x0] =	vst.idx.msk $0xffff, v59;
	v12 =	vmul.f32 $8.000000000e+00, v12;
	v35 =	vadd.s32 v29, v0  }
0xe0: {  	v51 =	vadd.s32 v7, v38;
	v52 =	vld [tilespmem:s19+$0xFFFFFF90];
	[tilespmem:v36+s10+$0x0] =	vst.idx.msk $0xffff, v2;
	v2 =	vmul.f32 $8.000000000e+00, v57  }
0xe1: {  	v36 =	vadd.s32 v9, v47;
	v49 =	vld [tilespmem:s19+$0xFFFFFFD0];
	[tilespmem:v34+s10+$0x0] =	vst.idx.msk $0xffff, v12;
	v62 =	vmul.f32 $8.000000000e+00, v41  }
0xe2: {  	v34 =	vadd.s32 v13, v44;
	v41 =	vld [tilespmem:s19+$0x10];
	[tilespmem:v37+s10+$0x0] =	vst.idx.msk $0xffff, v2;
	v2 =	vmul.f32 $8.000000000e+00, v39  }
0xe3: {  	v56 =	vmov v9;
	v9 =	vmul.f32 $8.000000000e+00, v48;
	v39 =	vadd.s32 v17, v45;
	v48 =	vld [tilespmem:s19+$0x50];
	[tilespmem:v40+s10+$0x0] =	vst.idx.msk $0xffff, v62  }
0xe4: {  	v40 =	vadd.s32 v24, v46;
	v12 =	vmul.f32 $8.000000000e+00, v50;
	v50 =	vld [tilespmem:s19+$0x90];
	[tilespmem:v35+s10+$0x0] =	vst.idx.msk $0xffff, v2  }
0xe5: {  	[tilespmem:v51+s10+$0x0] =	vst.idx.msk $0xffff, v9;
	v2 =	vmul.f32 $8.000000000e+00, v52;
	v35 =	vadd.s32 v30, v43;
	v37 =	vld [tilespmem:s19+$0xE0]  }
0xe6: {  	v57 =	vmov v13;
	v51 =	vld [tilespmem:s19+$0xFFFFFF20];
	[tilespmem:v36+s10+$0x0] =	vst.idx.msk $0xffff, v12;
	v13 =	vmul.f32 $8.000000000e+00, v49;
	v36 =	vadd.s32 v5, v42  }
0xe7: {  	v9 =	vld [tilespmem:s19+$0xFFFFFF60];
	[tilespmem:v34+s10+$0x0] =	vst.idx.msk $0xffff, v2;
	v2 =	vmul.f32 $8.000000000e+00, v41;
	v34 =	vadd.s32 v31, v0  }
0xe8: {  	v41 =	vadd.s32 v4, v38;
	[tilespmem:v39+s10+$0x0] =	vst.idx.msk $0xffff, v13;
	v12 =	vmul.f32 $8.000000000e+00, v48  }
0xe9: {  	v52 =	vld [tilespmem:s19+$0xFFFFFFA0];
	v39 =	vadd.s32 v10, v47;
	[tilespmem:v40+s10+$0x0] =	vst.idx.msk $0xffff, v2;
	v2 =	vmul.f32 $8.000000000e+00, v50  }
0xea: {  	v48 =	vld [tilespmem:s19+$0xFFFFFFE0];
	[tilespmem:v35+s10+$0x0] =	vst.idx.msk $0xffff, v12;
	v13 =	vmul.f32 $8.000000000e+00, v37  }
0xeb: {  	v40 =	vadd.s32 v14, v44;
	v50 =	vld [tilespmem:s19+$0x20];
	v14 =	vmul.f32 $8.000000000e+00, v51;
	[tilespmem:v36+s10+$0x0] =	vst.idx.msk $0xffff, v2  }
0xec: {  	v60 =	vmov v3;
	v2 =	vmul.f32 $8.000000000e+00, v9;
	v3 =	vld [tilespmem:$0x1FF20];
	[tilespmem:v34+s10+$0x0] =	vst.idx.msk $0xffff, v13  }
0xed: {  	v51 =	vld [tilespmem:s19+$0x60];
	[tilespmem:v41+s10+$0x0] =	vst.idx.msk $0xffff, v14  }
0xee: {  	v37 =	vadd.s32 v18, v45;
	v9 =	vld [tilespmem:s19+$0xA0];
	[tilespmem:v39+s10+$0x0] =	vst.idx.msk $0xffff, v2  }
0xef: {  	v62 =	vmov v24;
	v24 =	vmov v5;
	v5 =	vmov v4;
	v4 =	vld [tilespmem:$0x1FF90]  }
0xf0: {  	v12 =	vadd.s32 v26, v43;
	v10 =	vmul.f32 $8.000000000e+00, v52;
	v13 =	vld [tilespmem:s19+$0xF0]  }
0xf1: {  	v41 =	vld [tilespmem:s19+$0xFFFFFF30];
	v2 =	vmul.f32 $8.000000000e+00, v48;
	v36 =	vadd.s32 v3, v46  }
0xf2: {  	v0 =	vadd.s32 v21, v0;
	[tilespmem:v40+s10+$0x0] =	vst.idx.msk $0xffff, v10  }
0xf3: {  	v38 =	vadd.s32 v15, v38;
	v48 =	vld [tilespmem:s19+$0xFFFFFF70];
	[tilespmem:v37+s10+$0x0] =	vst.idx.msk $0xffff, v2;
	v2 =	vmul.f32 $8.000000000e+00, v51  }
0xf4: {  	v14 =	vmul.f32 $8.000000000e+00, v50;
	v40 =	vld [tilespmem:s19+$0xFFFFFFB0];
	v39 =	vadd.s32 v4, v42  }
0xf5: {  	v50 =	vadd.s32 v11, v47;
	v51 =	vld [tilespmem:s19+$0xFFFFFFF0];
	[tilespmem:v12+s10+$0x0] =	vst.idx.msk $0xffff, v2;
	v2 =	vmul.f32 $8.000000000e+00, v13  }
0xf6: {  	v52 =	vmul.f32 $8.000000000e+00, v9;
	v9 =	vadd.s32 v19, v44;
	v11 =	vmul.f32 $8.000000000e+00, v41;
	v13 =	vld [tilespmem:s19+$0x70];
	[tilespmem:v36+s10+$0x0] =	vst.idx.msk $0xffff, v14  }
0xf7: {  	v12 =	vadd.s32 v22, v45;
	[tilespmem:v0+s10+$0x0] =	vst.idx.msk $0xffff, v2;
	v10 =	vld [tilespmem:s19+$0x30]  }
0xf8: {  	[tilespmem:v38+s10+$0x0] =	vst.idx.msk $0xffff, v11;
	v2 =	vadd.s32 v27, v43;
	v14 =	vmul.f32 $8.000000000e+00, v48  }
0xf9: {  	v0 =	vmul.f32 $8.000000000e+00, v40;
	v48 =	vadd.s32 v28, v46;
	[tilespmem:v39+s10+$0x0] =	vst.idx.msk $0xffff, v52  }
0xfa: {  	[tilespmem:v50+s10+$0x0] =	vst.idx.msk $0xffff, v14;
	v50 =	vmul.f32 $8.000000000e+00, v51;
	v49 =	vld [tilespmem:s19+$0xB0]  }
0xfb: {  	[tilespmem:v9+s10+$0x0] =	vst.idx.msk $0xffff, v0;
	v52 =	vmul.f32 $8.000000000e+00, v13  }
0xfc: {  	v51 =	vadd.s32 v32, v42;
	[tilespmem:v12+s10+$0x0] =	vst.idx.msk $0xffff, v50;
	v0 =	vmul.f32 $8.000000000e+00, v10  }
0xfd: {  	[tilespmem:v2+s10+$0x0] =	vst.idx.msk $0xffff, v52  }
0xfe: {  	[tilespmem:v48+s10+$0x0] =	vst.idx.msk $0xffff, v0  }
0xff: {  	s9 =	sshll.u32 s14, $0x11;
	v0 =	vmul.f32 $8.000000000e+00, v49;
	s17 =	rddreg [dreg:$0x4]  }
0x100: {  	s18 =	rddreg [dreg:$0x1];
	s16 =	sor.u32 s17, s9  }
0x101: {  	[tilespmem:v51+s10+$0x0] =	vst.idx.msk $0xffff, v0;
	s17 =	sadd.s32 s18, s16  }
0x102: {  	[hbm4b:s17+s3] =	stream.linear.scatter [tilespmem:s10], [sflag:$0x5], $0x80, $0x38;
	[tilespmem:$0x12800] =	vst v63  }
0x103: {  	s19 =	sadd.s32 $0x10, s17  }
0x104: {  	[hbm4b:s19+s3] =	stream.linear.scatter [tilespmem:s23], [sflag:$0x5], $0x80, $0x38;
	[tilespmem:$0x12800] =	vst v63  }
0x105: {  	s9 =	sadd.s32 $0x20, s17;
	s19 =	simm.s32 $0xE510  }
0x106: {  	[hbm4b:s9+s3] =	stream.linear.scatter [tilespmem:s19], [sflag:$0x5], $0x80, $0x38;
	[tilespmem:$0x12800] =	vst v63  }
0x107: {  	s19 =	sadd.s32 $0x30, s17  }
0x108: {  	[hbm4b:s19+s3] =	stream.linear.scatter [tilespmem:s24], [sflag:$0x5], $0x80, $0x38;
	[tilespmem:$0x12800] =	vst v63  }
0x109: {  	s23 =	sadd.s32 $0x40, s17;
	s24 =	simm.s32 $0xE620  }
0x10a: {  	[hbm4b:s23+s3] =	stream.linear.scatter [tilespmem:s24], [sflag:$0x5], $0x80, $0x38;
	[tilespmem:$0x12800] =	vst v63  }
0x10b: {  	s9 =	sadd.s32 $0x50, s17  }
0x10c: {  	[hbm4b:s9+s3] =	stream.linear.scatter [tilespmem:s26], [sflag:$0x5], $0x80, $0x38;
	[tilespmem:$0x12800] =	vst v63  }
0x10d: {  	s19 =	sadd.s32 $0x60, s17;
	s23 =	simm.s32 $0xE730  }
0x10e: {  	[hbm4b:s19+s3] =	stream.linear.scatter [tilespmem:s23], [sflag:$0x5], $0x80, $0x38;
	[tilespmem:$0x12800] =	vst v63  }
0x10f: {  	s17 =	sadd.s32 $0x70, s17;
	s24 =	rddreg [dreg:$0x5]  }
0x110: {  	[hbm4b:s17+s3] =	stream.linear.scatter [tilespmem:s28], [sflag:$0x5], $0x80, $0x38;
	[tilespmem:$0x12800] =	vst v63  }
0x111: {  	s26 =	simm.s32 $0xE840;
	s17 =	sadd.s32 s16, s24  }
0x112: {  	[hbm4b:s17+s3] =	stream.linear.scatter [tilespmem:s26], [sflag:$0x5], $0x80, $0x38;
	[tilespmem:$0x12800] =	vst v63  }
0x113: {  	s9 =	simm.s32 $0xE8C8;
	s28 =	sadd.s32 $0x10, s17  }
0x114: {  	[hbm4b:s28+s3] =	stream.linear.scatter [tilespmem:s9], [sflag:$0x5], $0x80, $0x38;
	[tilespmem:$0x12800] =	vst v63  }
0x115: {  	s19 =	sadd.s32 $0x20, s17  }
0x116: {  	[hbm4b:s19+s3] =	stream.linear.scatter [tilespmem:s29], [sflag:$0x5], $0x80, $0x38;
	[tilespmem:$0x12800] =	vst v63  }
0x117: {  	s24 =	simm.s32 $0xE9D8;
	s23 =	sadd.s32 $0x30, s17  }
0x118: {  	[hbm4b:s23+s3] =	stream.linear.scatter [tilespmem:s24], [sflag:$0x5], $0x80, $0x38;
	[tilespmem:$0x12800] =	vst v63  }
0x119: {  	s26 =	sadd.s32 $0x40, s17  }
0x11a: {  	[hbm4b:s26+s3] =	stream.linear.scatter [tilespmem:s30], [sflag:$0x5], $0x80, $0x38;
	[tilespmem:$0x12800] =	vst v63  }
0x11b: {  	s28 =	sadd.s32 $0x50, s17;
	s29 =	simm.s32 $0xEAE8  }
0x11c: {  	[hbm4b:s28+s3] =	stream.linear.scatter [tilespmem:s29], [sflag:$0x5], $0x80, $0x38;
	[tilespmem:$0x12800] =	vst v63  }
0x11d: {  	s30 =	sadd.s32 $0x60, s17  }
0x11e: {  	[hbm4b:s30+s3] =	stream.linear.scatter [tilespmem:s31], [sflag:$0x5], $0x80, $0x38;
	[tilespmem:$0x12800] =	vst v63  }
0x11f: {  	s9 =	simm.s32 $0xEBF8;
	s19 =	rddreg [dreg:$0x6];
	s17 =	sadd.s32 $0x70, s17  }
0x120: {  	[hbm4b:s17+s3] =	stream.linear.scatter [tilespmem:s9], [sflag:$0x5], $0x80, $0x38;
	[tilespmem:$0x12800] =	vst v63  }
0x121: {  	s23 =	simm.s32 $0xEC80;
	s17 =	sadd.s32 s16, s19  }
0x122: {  	[hbm4b:s17+s3] =	stream.linear.scatter [tilespmem:s23], [sflag:$0x5], $0x80, $0x38;
	[tilespmem:$0x12800] =	vst v63  }
0x123: {  	s26 =	simm.s32 $0xED08;
	s24 =	sadd.s32 $0x10, s17  }
0x124: {  	[hbm4b:s24+s3] =	stream.linear.scatter [tilespmem:s26], [sflag:$0x5], $0x80, $0x38;
	[tilespmem:$0x12800] =	vst v63  }
0x125: {  	s28 =	sadd.s32 $0x20, s17  }
0x126: {  	[hbm4b:s28+s3] =	stream.linear.scatter [tilespmem:s1], [sflag:$0x5], $0x80, $0x38;
	[tilespmem:$0x12800] =	vst v63  }
0x127: {  	s30 =	simm.s32 $0xEE18;
	s29 =	sadd.s32 $0x30, s17  }
0x128: {  	[hbm4b:s29+s3] =	stream.linear.scatter [tilespmem:s30], [sflag:$0x5], $0x80, $0x38;
	[tilespmem:$0x12800] =	vst v63  }
0x129: {  	s31 =	sadd.s32 $0x40, s17  }
0x12a: {  	[hbm4b:s31+s3] =	stream.linear.scatter [tilespmem:s0], [sflag:$0x5], $0x80, $0x38;
	[tilespmem:$0x12800] =	vst v63  }
0x12b: {  	s1 =	simm.s32 $0xEF28;
	s0 =	sadd.s32 $0x50, s17  }
0x12c: {  	[hbm4b:s0+s3] =	stream.linear.scatter [tilespmem:s1], [sflag:$0x5], $0x80, $0x38;
	[tilespmem:$0x12800] =	vst v63  }
0x12d: {  	s9 =	sadd.s32 $0x60, s17  }
0x12e: {  	[hbm4b:s9+s3] =	stream.linear.scatter [tilespmem:s5], [sflag:$0x5], $0x80, $0x38;
	[tilespmem:$0x12800] =	vst v63  }
0x12f: {  	s19 =	simm.s32 $0xF038;
	s23 =	rddreg [dreg:$0x7];
	s17 =	sadd.s32 $0x70, s17  }
0x130: {  	[hbm4b:s17+s3] =	stream.linear.scatter [tilespmem:s19], [sflag:$0x5], $0x80, $0x38;
	[tilespmem:$0x12800] =	vst v63  }
0x131: {  	s24 =	simm.s32 $0xF0C0;
	s17 =	sadd.s32 s16, s23  }
0x132: {  	[hbm4b:s17+s3] =	stream.linear.scatter [tilespmem:s24], [sflag:$0x5], $0x80, $0x38;
	[tilespmem:$0x12800] =	vst v63  }
0x133: {  	s28 =	simm.s32 $0xF148;
	s26 =	sadd.s32 $0x10, s17  }
0x134: {  	[hbm4b:s26+s3] =	stream.linear.scatter [tilespmem:s28], [sflag:$0x5], $0x80, $0x38;
	[tilespmem:$0x12800] =	vst v63  }
0x135: {  	s29 =	sadd.s32 $0x20, s17  }
0x136: {  	[hbm4b:s29+s3] =	stream.linear.scatter [tilespmem:s25], [sflag:$0x5], $0x80, $0x38;
	[tilespmem:$0x12800] =	vst v63  }
0x137: {  	s31 =	simm.s32 $0xF258;
	s30 =	sadd.s32 $0x30, s17  }
0x138: {  	[hbm4b:s30+s3] =	stream.linear.scatter [tilespmem:s31], [sflag:$0x5], $0x80, $0x38;
	[tilespmem:$0x12800] =	vst v63  }
0x139: {  	s1 =	sadd.s32 $0x40, s17  }
0x13a: {  	[hbm4b:s1+s3] =	stream.linear.scatter [tilespmem:s2], [sflag:$0x5], $0x80, $0x38;
	[tilespmem:$0x12800] =	vst v63  }
0x13b: {  	s5 =	simm.s32 $0xF368;
	s2 =	sadd.s32 $0x50, s17  }
0x13c: {  	[hbm4b:s2+s3] =	stream.linear.scatter [tilespmem:s5], [sflag:$0x5], $0x80, $0x38;
	[tilespmem:$0x12800] =	vst v63  }
0x13d: {  	s9 =	sadd.s32 $0x60, s17  }
0x13e: {  	[hbm4b:s9+s3] =	stream.linear.scatter [tilespmem:s6], [sflag:$0x5], $0x80, $0x38;
	[tilespmem:$0x12800] =	vst v63  }
0x13f: {  	s19 =	simm.s32 $0xF478;
	s23 =	rddreg [dreg:$0x8];
	s17 =	sadd.s32 $0x70, s17  }
0x140: {  	[hbm4b:s17+s3] =	stream.linear.scatter [tilespmem:s19], [sflag:$0x5], $0x80, $0x38;
	[tilespmem:$0x12800] =	vst v63  }
0x141: {  	s24 =	simm.s32 $0xF500;
	s17 =	sadd.s32 s16, s23  }
0x142: {  	[hbm4b:s17+s3] =	stream.linear.scatter [tilespmem:s24], [sflag:$0x5], $0x80, $0x38;
	[tilespmem:$0x12800] =	vst v63  }
0x143: {  	s26 =	simm.s32 $0xF588;
	s25 =	sadd.s32 $0x10, s17  }
0x144: {  	[hbm4b:s25+s3] =	stream.linear.scatter [tilespmem:s26], [sflag:$0x5], $0x80, $0x38;
	[tilespmem:$0x12800] =	vst v63  }
0x145: {  	s28 =	sadd.s32 $0x20, s17  }
0x146: {  	[hbm4b:s28+s3] =	stream.linear.scatter [tilespmem:s7], [sflag:$0x5], $0x80, $0x38;
	[tilespmem:$0x12800] =	vst v63  }
0x147: {  	s30 =	simm.s32 $0xF698;
	s29 =	sadd.s32 $0x30, s17  }
0x148: {  	[hbm4b:s29+s3] =	stream.linear.scatter [tilespmem:s30], [sflag:$0x5], $0x80, $0x38;
	[tilespmem:$0x12800] =	vst v63  }
0x149: {  	s31 =	sadd.s32 $0x40, s17  }
0x14a: {  	[hbm4b:s31+s3] =	stream.linear.scatter [tilespmem:s8], [sflag:$0x5], $0x80, $0x38;
	[tilespmem:$0x12800] =	vst v63  }
0x14b: {  	s1 =	simm.s32 $0xF7A8;
	s0 =	sadd.s32 $0x50, s17  }
0x14c: {  	[hbm4b:s0+s3] =	stream.linear.scatter [tilespmem:s1], [sflag:$0x5], $0x80, $0x38;
	[tilespmem:$0x12800] =	vst v63  }
0x14d: {  	s5 =	simm.s32 $0xF830;
	s2 =	sadd.s32 $0x60, s17  }
0x14e: {  	[hbm4b:s2+s3] =	stream.linear.scatter [tilespmem:s5], [sflag:$0x5], $0x80, $0x38;
	[tilespmem:$0x12800] =	vst v63  }
0x14f: {  	s6 =	simm.s32 $0xF8B8;
	s17 =	sadd.s32 $0x70, s17;
	s7 =	rddreg [dreg:$0x9]  }
0x150: {  	[hbm4b:s17+s3] =	stream.linear.scatter [tilespmem:s6], [sflag:$0x5], $0x80, $0x38;
	[tilespmem:$0x12800] =	vst v63  }
0x151: {  	s8 =	simm.s32 $0xF940;
	s17 =	sadd.s32 s16, s7  }
0x152: {  	[hbm4b:s17+s3] =	stream.linear.scatter [tilespmem:s8], [sflag:$0x5], $0x80, $0x38;
	[tilespmem:$0x12800] =	vst v63  }
0x153: {  	s19 =	simm.s32 $0xF9C8;
	s9 =	sadd.s32 $0x10, s17  }
0x154: {  	[hbm4b:s9+s3] =	stream.linear.scatter [tilespmem:s19], [sflag:$0x5], $0x80, $0x38;
	[tilespmem:$0x12800] =	vst v63  }
0x155: {  	s24 =	simm.s32 $0xFA50;
	s23 =	sadd.s32 $0x20, s17  }
0x156: {  	[hbm4b:s23+s3] =	stream.linear.scatter [tilespmem:s24], [sflag:$0x5], $0x80, $0x38;
	[tilespmem:$0x12800] =	vst v63  }
0x157: {  	s26 =	simm.s32 $0xFAD8;
	s25 =	sadd.s32 $0x30, s17  }
0x158: {  	[hbm4b:s25+s3] =	stream.linear.scatter [tilespmem:s26], [sflag:$0x5], $0x80, $0x38;
	[tilespmem:$0x12800] =	vst v63  }
0x159: {  	s29 =	simm.s32 $0xFB60;
	s28 =	sadd.s32 $0x40, s17  }
0x15a: {  	[hbm4b:s28+s3] =	stream.linear.scatter [tilespmem:s29], [sflag:$0x5], $0x80, $0x38;
	[tilespmem:$0x12800] =	vst v63  }
0x15b: {  	s31 =	simm.s32 $0xFBE8;
	s30 =	sadd.s32 $0x50, s17  }
0x15c: {  	[hbm4b:s30+s3] =	stream.linear.scatter [tilespmem:s31], [sflag:$0x5], $0x80, $0x38;
	[tilespmem:$0x12800] =	vst v63  }
0x15d: {  	s1 =	simm.s32 $0xFC70;
	s0 =	sadd.s32 $0x60, s17  }
0x15e: {  	[hbm4b:s0+s3] =	stream.linear.scatter [tilespmem:s1], [sflag:$0x5], $0x80, $0x38;
	[tilespmem:$0x12800] =	vst v63  }
0x15f: {  	s2 =	simm.s32 $0xFCF8;
	s5 =	rddreg [dreg:$0xa];
	s17 =	sadd.s32 $0x70, s17  }
0x160: {  	[hbm4b:s17+s3] =	stream.linear.scatter [tilespmem:s2], [sflag:$0x5], $0x80, $0x38;
	[tilespmem:$0x12800] =	vst v63  }
0x161: {  	s6 =	simm.s32 $0xFD80;
	s17 =	sadd.s32 s16, s5  }
0x162: {  	[hbm4b:s17+s3] =	stream.linear.scatter [tilespmem:s6], [sflag:$0x5], $0x80, $0x38;
	[tilespmem:$0x12800] =	vst v63  }
0x163: {  	s8 =	simm.s32 $0xFE08;
	s7 =	sadd.s32 $0x10, s17  }
0x164: {  	[hbm4b:s7+s3] =	stream.linear.scatter [tilespmem:s8], [sflag:$0x5], $0x80, $0x38;
	[tilespmem:$0x12800] =	vst v63  }
0x165: {  	s19 =	simm.s32 $0xFE90;
	s9 =	sadd.s32 $0x20, s17  }
0x166: {  	[hbm4b:s9+s3] =	stream.linear.scatter [tilespmem:s19], [sflag:$0x5], $0x80, $0x38;
	[tilespmem:$0x12800] =	vst v63  }
0x167: {  	s24 =	simm.s32 $0xFF18;
	s23 =	sadd.s32 $0x30, s17  }
0x168: {  	[hbm4b:s23+s3] =	stream.linear.scatter [tilespmem:s24], [sflag:$0x5], $0x80, $0x38;
	[tilespmem:$0x12800] =	vst v63  }
0x169: {  	s26 =	simm.s32 $0xFFA0;
	s25 =	sadd.s32 $0x40, s17  }
0x16a: {  	[hbm4b:s25+s3] =	stream.linear.scatter [tilespmem:s26], [sflag:$0x5], $0x80, $0x38;
	[tilespmem:$0x12800] =	vst v63  }
0x16b: {  	s29 =	simm.s32 $0x10028;
	s28 =	sadd.s32 $0x50, s17  }
0x16c: {  	[hbm4b:s28+s3] =	stream.linear.scatter [tilespmem:s29], [sflag:$0x5], $0x80, $0x38;
	[tilespmem:$0x12800] =	vst v63  }
0x16d: {  	s31 =	simm.s32 $0x100B0;
	s30 =	sadd.s32 $0x60, s17  }
0x16e: {  	[hbm4b:s30+s3] =	stream.linear.scatter [tilespmem:s31], [sflag:$0x5], $0x80, $0x38;
	[tilespmem:$0x12800] =	vst v63  }
0x16f: {  	s1 =	simm.s32 $0x10138;
	s2 =	rddreg [dreg:$0xb];
	s17 =	sadd.s32 $0x70, s17  }
0x170: {  	[hbm4b:s17+s3] =	stream.linear.scatter [tilespmem:s1], [sflag:$0x5], $0x80, $0x38;
	[tilespmem:$0x12800] =	vst v63  }
0x171: {  	s5 =	simm.s32 $0x101C0;
	s17 =	sadd.s32 s16, s2  }
0x172: {  	[hbm4b:s17+s3] =	stream.linear.scatter [tilespmem:s5], [sflag:$0x5], $0x80, $0x38;
	[tilespmem:$0x12800] =	vst v63  }
0x173: {  	s7 =	simm.s32 $0x10248;
	s6 =	sadd.s32 $0x10, s17  }
0x174: {  	[hbm4b:s6+s3] =	stream.linear.scatter [tilespmem:s7], [sflag:$0x5], $0x80, $0x38;
	[tilespmem:$0x12800] =	vst v63  }
0x175: {  	s9 =	simm.s32 $0x102D0;
	s8 =	sadd.s32 $0x20, s17  }
0x176: {  	[hbm4b:s8+s3] =	stream.linear.scatter [tilespmem:s9], [sflag:$0x5], $0x80, $0x38;
	[tilespmem:$0x12800] =	vst v63  }
0x177: {  	s23 =	simm.s32 $0x10358;
	s19 =	sadd.s32 $0x30, s17  }
0x178: {  	[hbm4b:s19+s3] =	stream.linear.scatter [tilespmem:s23], [sflag:$0x5], $0x80, $0x38;
	[tilespmem:$0x12800] =	vst v63  }
0x179: {  	s25 =	simm.s32 $0x103E0;
	s24 =	sadd.s32 $0x40, s17  }
0x17a: {  	[hbm4b:s24+s3] =	stream.linear.scatter [tilespmem:s25], [sflag:$0x5], $0x80, $0x38;
	[tilespmem:$0x12800] =	vst v63  }
0x17b: {  	p1 =	sne.s32 s14, $0x31;
	s28 =	simm.s32 $0x10468;
	s26 =	sadd.s32 $0x50, s17  }
0x17c: {  	[hbm4b:s26+s3] =	stream.linear.scatter [tilespmem:s28], [sflag:$0x5], $0x80, $0x38;
	[tilespmem:$0x12800] =	vst v63  }
.Ltmp3:
0x17d: {  	_ = 	snop;
	(pc) =	sbr.rel @p1 .LBB2_6-.Ltmp3, $4  }
0x17e: {  	s30 =	simm.s32 $0x104F0;
	s29 =	sadd.s32 $0x60, s17  }
0x17f: {  	v61 =	vmov v25;
	v53 =	vmov v6;
	v6 =	vmov v8;
	[hbm4b:s29+s3] =	stream.linear.scatter [tilespmem:s30], [sflag:$0x5], $0x80, $0x38;
	[tilespmem:$0x12800] =	vst v63  }
0x180: {  	v58 =	vmovc v16;
	v25 =	vmovc v23;
	v63 =	vmov v20;
	v23 =	vmov v29;
	v54 =	vmov v7;
	s31 =	simm.s32 $0x10578;
	s17 =	sadd.s32 $0x70, s17  }
0x181: {  	v59 =	vmovc v17;
	v29 =	vmovc v30;
	v26 =	vmov v27;
	v19 =	vmov v15;
	v28 =	vmov v4;
	[hbm4b:s17+s3] =	stream.linear.scatter [tilespmem:s31], [sflag:$0x5], $0x80, $0x38;
	[tilespmem:$0x12800] =	vst v63  }
.Ltmp4:
0x182: {  	(pc) =	sbr.rel .LBB2_7-.Ltmp4, $4  }
0x183: {  	_ = 	snop  }
0x184: {  	_ =	swait.ge [sflag:s20], $0x2000  }
0x185: {  	[sflag:s20] =	ssyncset.done $0x0  }
0x186: {  	[sflag:s20] =	ssyncadd.s32 $0xFFFFE000  }
.LBB2_6:
0x187: {  	s17 =	sshrl.u32 s15, $0x2;
	s18 =	simm.s32 $0x80  }
.Ltmp5:
0x188: {  	s19 =	simm.s32 $0x6400;
	s17 =	sadd.s32 $0x200, s17;
	(pc) =	sbr.rel @p0 .LBB2_8-.Ltmp5, $4  }
0x189: {  	[tilespmem:s19], [sflag:$0x1] =	stream.indirect.gather [hbm4b:s4+s18], $0x40, s17, s18, $0xb8;
	[tilespmem:$0x12800] =	vst v63  }
0x18a: {  	_ =	swait.ge [sflag:s20], $0x2000  }
0x18b: {  	[sflag:s20] =	ssyncset.done $0x0  }
0x18c: {  	[sflag:s20] =	ssyncadd.s32 $0xFFFFE000  }
.LBB2_7:
0x18d: {  	_ =	swait.ge [sflag:s21], $0x400  }
0x18e: {  	[sflag:s21] =	ssyncset.done $0x0  }
0x18f: {  	[sflag:s21] =	ssyncadd.s32 $0xFFFFFC00  }
0x190: {  	_ =	swait.ge [sflag:s21], $0x400  }
0x191: {  	[sflag:s21] =	ssyncset.done $0x0  }
0x192: {  	[sflag:s21] =	ssyncadd.s32 $0xFFFFFC00  }
0x193: {  	_ =	swait.ge [sflag:s21], $0x400  }
0x194: {  	[sflag:s21] =	ssyncset.done $0x0  }
0x195: {  	[sflag:s21] =	ssyncadd.s32 $0xFFFFFC00  }
0x196: {  	_ =	swait.ge [sflag:s21], $0x400  }
0x197: {  	[sflag:s21] =	ssyncset.done $0x0  }
0x198: {  	[sflag:s21] =	ssyncadd.s32 $0xFFFFFC00  }
0x199: {  	_ =	swait.ge [sflag:s21], $0x400  }
0x19a: {  	[sflag:s21] =	ssyncset.done $0x0  }
0x19b: {  	[sflag:s21] =	ssyncadd.s32 $0xFFFFFC00  }
0x19c: {  	_ =	swait.ge [sflag:s21], $0x400  }
0x19d: {  	[sflag:s21] =	ssyncset.done $0x0  }
0x19e: {  	[sflag:s21] =	ssyncadd.s32 $0xFFFFFC00  }
0x19f: {  	_ =	swait.ge [sflag:s21], $0x400  }
0x1a0: {  	[sflag:s21] =	ssyncset.done $0x0  }
0x1a1: {  	[sflag:s21] =	ssyncadd.s32 $0xFFFFFC00  }
0x1a2: {  	_ =	swait.ge [sflag:s21], $0x400  }
0x1a3: {  	[sflag:s21] =	ssyncset.done $0x0  }
0x1a4: {  	[sflag:s21] =	ssyncadd.s32 $0xFFFFFC00  }
.LBB2_8:
0x1a5: {  	s17 =	simm.s32 $0x0;
	s6 =	simm.s32 $0x1  }
0x1a6: {  	s18 =	simm.s32 $0x2;
	s19 =	simm.s32 $0x3;
	s7 =	simm.s32 $0x4;
	v0 =	vmov s17;
	v2 =	vmov s6  }
0x1a7: {  	s8 =	simm.s32 $0x5;
	s9 =	simm.s32 $0x6;
	s23 =	simm.s32 $0x7;
	v33 =	vmov s18;
	v34 =	vmov s19;
	v35 =	vmov s7  }
0x1a8: {  	v36 =	vmov s8;
	v37 =	vmov s9;
	v38 =	vmov s23  }
0x1a9: {  	v0 =	vshrl.u32 v0, $0x3;
	v2 =	vshrl.u32 v2, $0x3;
	v33 =	vshrl.u32 v33, $0x3  }
0x1aa: {  	v34 =	vshrl.u32 v34, $0x3;
	v38 =	vshrl.u32 v38, $0x3;
	v35 =	vshrl.u32 v35, $0x3  }
0x1ab: {  	s17 =	simm.s32 $0x8500;
	v36 =	vshrl.u32 v36, $0x3;
	v0 =	vshll.u32 v0, v1;
	v38 =	vshll.u32 v38, v1  }
0x1ac: {  	v42 =	vshrl.u32 v37, $0x3;
	v39 =	vbroadcast v0, $0x0;
	v0 =	vld [tilespmem:s17+$0xC0];
	v41 =	vbroadcast v38, $0x0  }
0x1ad: {  	v52 =	vld [tilespmem:s17+$0xFFFFFF00];
	v2 =	vshll.u32 v2, v1;
	v33 =	vshll.u32 v33, v1;
	v34 =	vshll.u32 v34, v1  }
0x1ae: {  	v43 =	vld [tilespmem:s17+$0xFFFFFF40];
	v35 =	vshll.u32 v35, v1;
	v13 =	vbroadcast v2, $0x0;
	v2 =	vadd.s32 v60, v41  }
0x1af: {  	v46 =	vld [tilespmem:s17+$0xFFFFFF80];
	v44 =	vshll.u32 v36, v1;
	v37 =	vbroadcast v33, $0x0;
	v45 =	vadd.s32 v53, v39  }
0x1b0: {  	v48 =	vld [tilespmem:s17+$0xFFFFFFC0];
	v42 =	vshll.u32 v42, v1;
	v36 =	vbroadcast v34, $0x0;
	v47 =	vadd.s32 v6, v13  }
0x1b1: {  	v50 =	vld [tilespmem:s17+$0x0];
	v35 =	vbroadcast v35, $0x0;
	v49 =	vadd.s32 v55, v37;
	v0 =	vmul.f32 $8.000000000e+00, v0  }
0x1b2: {  	v33 =	vbroadcast v44, $0x0;
	v51 =	vadd.s32 v58, v36;
	v38 =	vmul.f32 $8.000000000e+00, v52;
	v52 =	vld [tilespmem:s17+$0x40]  }
0x1b3: {  	v9 =	vmovc v53;
	v34 =	vbroadcast v42, $0x0;
	v44 =	vadd.s32 v63, v35;
	v53 =	vld [tilespmem:s17+$0x80];
	v43 =	vmul.f32 $8.000000000e+00, v43;
	[tilespmem:v2+s22+$0x0] =	vst.idx.msk $0xffff, v0  }
0x1b4: {  	[tilespmem:v45+s22+$0x0] =	vst.idx.msk $0xffff, v38;
	v2 =	vmul.f32 $8.000000000e+00, v46;
	v38 =	vadd.s32 v61, v33;
	v63 =	vld [tilespmem:s17+$0xD0]  }
0x1b5: {  	v16 =	vmov v58;
	v58 =	vmul.f32 $8.000000000e+00, v48;
	[tilespmem:v47+s22+$0x0] =	vst.idx.msk $0xffff, v43;
	v46 =	vadd.s32 v25, v34;
	v45 =	vld [tilespmem:s17+$0xFFFFFF10]  }
0x1b6: {  	v32 =	vmov v60;
	v48 =	vld [tilespmem:s17+$0xFFFFFF50];
	[tilespmem:v49+s22+$0x0] =	vst.idx.msk $0xffff, v2;
	v2 =	vmul.f32 $8.000000000e+00, v50;
	v49 =	vadd.s32 v23, v41  }
0x1b7: {  	v12 =	vmovc v55;
	v20 =	vmov v54;
	v54 =	vadd.s32 v54, v39;
	[tilespmem:v51+s22+$0x0] =	vst.idx.msk $0xffff, v58;
	v60 =	vmul.f32 $8.000000000e+00, v52;
	v55 =	vld [tilespmem:s17+$0xFFFFFF90]  }
0x1b8: {  	v17 =	vmov v56;
	v52 =	vadd.s32 v56, v13;
	v56 =	vld [tilespmem:s17+$0xFFFFFFD0];
	[tilespmem:v44+s22+$0x0] =	vst.idx.msk $0xffff, v2;
	v2 =	vmul.f32 $8.000000000e+00, v53  }
0x1b9: {  	v7 =	vmov v57;
	v53 =	vadd.s32 v57, v37;
	v57 =	vld [tilespmem:s17+$0x10];
	[tilespmem:v38+s22+$0x0] =	vst.idx.msk $0xffff, v60;
	v38 =	vmul.f32 $8.000000000e+00, v63  }
0x1ba: {  	v63 =	vmul.f32 $8.000000000e+00, v45;
	v45 =	vadd.s32 v59, v36;
	v58 =	vld [tilespmem:s17+$0x50];
	[tilespmem:v46+s22+$0x0] =	vst.idx.msk $0xffff, v2  }
0x1bb: {  	v30 =	vmov v59;
	v60 =	vmul.f32 $8.000000000e+00, v48;
	v48 =	vadd.s32 v62, v35;
	v59 =	vld [tilespmem:s17+$0x90];
	[tilespmem:v49+s22+$0x0] =	vst.idx.msk $0xffff, v38  }
0x1bc: {  	v21 =	vmov v62;
	v43 =	vadd.s32 v29, v33;
	[tilespmem:v54+s22+$0x0] =	vst.idx.msk $0xffff, v63;
	v62 =	vmul.f32 $8.000000000e+00, v55  }
0x1bd: {  	[tilespmem:v52+s22+$0x0] =	vst.idx.msk $0xffff, v60;
	v63 =	vmul.f32 $8.000000000e+00, v56;
	v52 =	vadd.s32 v24, v34  }
0x1be: {  	v49 =	vld [tilespmem:s17+$0xE0];
	[tilespmem:v53+s22+$0x0] =	vst.idx.msk $0xffff, v62;
	v38 =	vmul.f32 $8.000000000e+00, v57  }
0x1bf: {  	s28 =	simm.s32 $0xB;
	v54 =	vld [tilespmem:s17+$0xFFFFFF20];
	[tilespmem:v45+s22+$0x0] =	vst.idx.msk $0xffff, v63;
	v40 =	vmul.f32 $8.000000000e+00, v58  }
0x1c0: {  	v4 =	vmovc v6;
	v6 =	vmov v5;
	v51 =	vmov s28;
	v14 =	vld [tilespmem:$0x1FFA0];
	[tilespmem:v48+s22+$0x0] =	vst.idx.msk $0xffff, v38;
	v38 =	vmul.f32 $8.000000000e+00, v59  }
0x1c1: {  	v53 =	vadd.s32 v31, v41;
	v57 =	vshrl.u32 v51, $0x3;
	v51 =	vadd.s32 v5, v39;
	v5 =	vld [tilespmem:$0x1FF60];
	[tilespmem:v43+s22+$0x0] =	vst.idx.msk $0xffff, v40  }
0x1c2: {  	v22 =	vld [tilespmem:$0x1FF10];
	[tilespmem:v52+s22+$0x0] =	vst.idx.msk $0xffff, v38  }
0x1c3: {  	s30 =	simm.s32 $0xD;
	s31 =	simm.s32 $0xE;
	v3 =	vld [tilespmem:$0x1FF20]  }
0x1c4: {  	v42 =	vmov s30;
	v2 =	vmov s31;
	v55 =	vld [tilespmem:s17+$0xFFFFFF60];
	v49 =	vmul.f32 $8.000000000e+00, v49  }
0x1c5: {  	s24 =	simm.s32 $0x8;
	v56 =	vld [tilespmem:s17+$0xFFFFFFA0];
	v59 =	vshrl.u32 v42, $0x3;
	v42 =	vshrl.u32 v2, $0x3;
	v2 =	vmul.f32 $8.000000000e+00, v54  }
0x1c6: {  	v0 =	vmov s24;
	v60 =	vld [tilespmem:s17+$0xFFFFFFE0];
	[tilespmem:v53+s22+$0x0] =	vst.idx.msk $0xffff, v49;
	v58 =	vadd.s32 v14, v13  }
0x1c7: {  	v0 =	vshrl.u32 v0, $0x3;
	v23 =	vmov v61;
	v61 =	vld [tilespmem:s17+$0x20];
	[tilespmem:v51+s22+$0x0] =	vst.idx.msk $0xffff, v2;
	v48 =	vadd.s32 v5, v37  }
0x1c8: {  	v0 =	vshll.u32 v0, v1;
	v54 =	vadd.s32 v22, v36;
	v11 =	vmovc v3;
	v63 =	vadd.s32 v3, v35;
	v3 =	vld [tilespmem:$0x1FF50]  }
0x1c9: {  	s26 =	simm.s32 $0xA;
	v62 =	vld [tilespmem:s17+$0x60];
	v38 =	vbroadcast v0, $0x0;
	v0 =	vmul.f32 $8.000000000e+00, v55  }
0x1ca: {  	s29 =	simm.s32 $0xC;
	v50 =	vmov s26;
	v40 =	vld [tilespmem:s17+$0xA0];
	v2 =	vmul.f32 $8.000000000e+00, v56  }
0x1cb: {  	v50 =	vshrl.u32 v50, $0x3;
	v44 =	vmov s29;
	v56 =	vld [tilespmem:s17+$0xF0];
	[tilespmem:v58+s22+$0x0] =	vst.idx.msk $0xffff, v0;
	v0 =	vmul.f32 $8.000000000e+00, v60  }
0x1cc: {  	v46 =	vshrl.u32 v44, $0x3;
	v44 =	vshll.u32 v50, v1;
	v50 =	vld [tilespmem:s17+$0xFFFFFF30];
	[tilespmem:v48+s22+$0x0] =	vst.idx.msk $0xffff, v2  }
0x1cd: {  	v10 =	vmovc v14;
	v14 =	vmov v5;
	v5 =	vmov v3;
	v55 =	vadd.s32 v3, v33;
	v3 =	vld [tilespmem:$0x1FE70];
	[tilespmem:v54+s22+$0x0] =	vst.idx.msk $0xffff, v0  }
0x1ce: {  	v0 =	vld [tilespmem:$0x1FEF0]  }
0x1cf: {  	v52 =	vld [tilespmem:s17+$0xFFFFFF70];
	v2 =	vmul.f32 $8.000000000e+00, v61  }
0x1d0: {  	s25 =	simm.s32 $0x9;
	v49 =	vld [tilespmem:s17+$0xFFFFFFB0]  }
0x1d1: {  	v47 =	vmov s25;
	v54 =	vld [tilespmem:s17+$0xFFFFFFF0];
	[tilespmem:v63+s22+$0x0] =	vst.idx.msk $0xffff, v2  }
0x1d2: {  	v47 =	vshrl.u32 v47, $0x3;
	v51 =	vadd.s32 v28, v34;
	v31 =	vld [tilespmem:$0x1FF00]  }
0x1d3: {  	v8 =	vmovc v24;
	v47 =	vshll.u32 v47, v1;
	v53 =	vadd.s32 v3, v41;
	v41 =	vadd.s32 v0, v13;
	v13 =	vld [tilespmem:$0x1FFB0]  }
0x1d4: {  	v46 =	vshll.u32 v46, v1;
	v45 =	vshll.u32 v57, v1;
	v43 =	vshll.u32 v59, v1;
	v18 =	vmovc v22;
	v24 =	vld [tilespmem:$0x1FF40]  }
0x1d5: {  	s19 =	simm.s32 $0xF;
	s18 =	simm.s32 $0x10;
	v40 =	vmul.f32 $8.000000000e+00, v40;
	v48 =	vadd.s32 v19, v39;
	v39 =	vmul.f32 $8.000000000e+00, v62;
	v15 =	vld [tilespmem:$0x1FF70];
	v27 =	vmovc v3;
	v22 =	vmovc v0  }
.LBB2_9:
0x1d6: {  	v59 =	vld [tilespmem:s17+$0x30]  }
0x1d7: {  	v0 =	vmov s19;
	v2 =	vadd.s32 v31, v37;
	v3 =	vld [tilespmem:$0x1FEC0];
	[tilespmem:v51+s22+$0x0] =	vst.idx.msk $0xffff, v40;
	v62 =	vmul.f32 $8.000000000e+00, v56  }
0x1d8: {  	v36 =	vadd.s32 v13, v36;
	[tilespmem:v55+s22+$0x0] =	vst.idx.msk $0xffff, v39;
	v0 =	vshrl.u32 v0, $0x3;
	v58 =	vld [tilespmem:s17+$0xB0];
	v63 =	vmul.f32 $8.000000000e+00, v50  }
0x1d9: {  	v35 =	vadd.s32 v24, v35;
	v0 =	vshll.u32 v0, v1;
	v56 =	vld [tilespmem:s17+$0x70];
	v57 =	vmul.f32 $8.000000000e+00, v52;
	s17 =	sadd.s32 $0x200, s17;
	[tilespmem:v53+s22+$0x0] =	vst.idx.msk $0xffff, v62  }
0x1da: {  	v40 =	vbroadcast v0, $0x0;
	v0 =	vmul.f32 $8.000000000e+00, v49;
	[tilespmem:v48+s22+$0x0] =	vst.idx.msk $0xffff, v63;
	v53 =	vld [tilespmem:s17+$0xC0]  }
0x1db: {  	v33 =	vadd.s32 v26, v33;
	v39 =	vmov v38;
	v60 =	vmul.f32 $8.000000000e+00, v54;
	[tilespmem:v41+s22+$0x0] =	vst.idx.msk $0xffff, v57;
	v38 =	vld [tilespmem:s17+$0xFFFFFF00]  }
0x1dc: {  	v34 =	vadd.s32 v15, v34;
	[tilespmem:v2+s22+$0x0] =	vst.idx.msk $0xffff, v0;
	v0 =	vmul.f32 $8.000000000e+00, v59;
	v49 =	vld [tilespmem:s17+$0xFFFFFF40]  }
0x1dd: {  	v37 =	vbroadcast v44, $0x0;
	v61 =	vadd.s32 v32, v40;
	v41 =	vbroadcast v47, $0x0;
	[tilespmem:v36+s22+$0x0] =	vst.idx.msk $0xffff, v60;
	v62 =	vld [tilespmem:s17+$0xFFFFFF80]  }
0x1de: {  	v2 =	vadd.s32 v9, v39;
	v63 =	vld [tilespmem:s17+$0xFFFFFFC0];
	[tilespmem:v35+s22+$0x0] =	vst.idx.msk $0xffff, v0;
	v35 =	vbroadcast v46, $0x0;
	v59 =	vmul.f32 $8.000000000e+00, v56  }
0x1df: {  	v36 =	vbroadcast v45, $0x0;
	v60 =	vadd.s32 v4, v41;
	v0 =	vmul.f32 $8.000000000e+00, v58;
	v56 =	vld [tilespmem:s17+$0x0]  }
0x1e0: {  	[tilespmem:v33+s22+$0x0] =	vst.idx.msk $0xffff, v59;
	v33 =	vbroadcast v43, $0x0;
	v43 =	vadd.s32 v3, v35;
	v3 =	vld [tilespmem:$0x1FF30];
	v57 =	vmul.f32 $8.000000000e+00, v53  }
0x1e1: {  	v45 =	vadd.s32 v12, v37;
	[tilespmem:v34+s22+$0x0] =	vst.idx.msk $0xffff, v0;
	v38 =	vmul.f32 $8.000000000e+00, v38;
	v59 =	vld [tilespmem:s17+$0x40]  }
0x1e2: {  	v42 =	vshll.u32 v42, v1;
	s28 =	sadd.s32 $0x3, s18;
	v58 =	vadd.s32 v16, v36;
	v0 =	vmul.f32 $8.000000000e+00, v49;
	v49 =	vld [tilespmem:s17+$0x80];
	[tilespmem:v61+s22+$0x0] =	vst.idx.msk $0xffff, v57  }
0x1e3: {  	s25 =	sadd.s32 $0x1, s18;
	v44 =	vmov s28;
	v34 =	vbroadcast v42, $0x0;
	[tilespmem:v2+s22+$0x0] =	vst.idx.msk $0xffff, v38;
	v46 =	vld [tilespmem:s17+$0xD0]  }
0x1e4: {  	s26 =	sadd.s32 $0x2, s18;
	v50 =	vmov s25;
	v2 =	vmul.f32 $8.000000000e+00, v62;
	v38 =	vadd.s32 v23, v33;
	[tilespmem:v60+s22+$0x0] =	vst.idx.msk $0xffff, v0;
	v62 =	vld [tilespmem:s17+$0xFFFFFF10]  }
0x1e5: {  	v52 =	vmov s26;
	v0 =	vmul.f32 $8.000000000e+00, v63;
	v63 =	vadd.s32 v25, v34;
	v60 =	vld [tilespmem:s17+$0xFFFFFF50]  }
0x1e6: {  	v61 =	vmov s18;
	[tilespmem:v45+s22+$0x0] =	vst.idx.msk $0xffff, v2;
	v2 =	vmul.f32 $8.000000000e+00, v56;
	v45 =	vadd.s32 v3, v40;
	v3 =	vld [tilespmem:$0x1FFC0]  }
0x1e7: {  	v54 =	vadd.s32 v20, v39;
	v42 =	vshrl.u32 v61, $0x3;
	[tilespmem:v58+s22+$0x0] =	vst.idx.msk $0xffff, v0;
	v61 =	vld [tilespmem:s17+$0xFFFFFF90];
	v0 =	vmul.f32 $8.000000000e+00, v59  }
0x1e8: {  	v50 =	vshrl.u32 v50, $0x3;
	v53 =	vadd.s32 v17, v41;
	v56 =	vld [tilespmem:s17+$0xFFFFFFD0];
	[tilespmem:v43+s22+$0x0] =	vst.idx.msk $0xffff, v2;
	v2 =	vmul.f32 $8.000000000e+00, v49  }
0x1e9: {  	v52 =	vshrl.u32 v52, $0x3;
	v49 =	vadd.s32 v7, v37;
	v57 =	vld [tilespmem:s17+$0x10];
	[tilespmem:v38+s22+$0x0] =	vst.idx.msk $0xffff, v0;
	v0 =	vmul.f32 $8.000000000e+00, v46  }
0x1ea: {  	v47 =	vadd.s32 v30, v36;
	v48 =	vadd.s32 v10, v41;
	v62 =	vmul.f32 $8.000000000e+00, v62;
	v58 =	vld [tilespmem:s17+$0x50];
	[tilespmem:v63+s22+$0x0] =	vst.idx.msk $0xffff, v2  }
0x1eb: {  	s29 =	sadd.s32 $0x4, s18;
	v41 =	vadd.s32 v22, v41;
	v63 =	vmul.f32 $8.000000000e+00, v60;
	v60 =	vadd.s32 v21, v35;
	v59 =	vld [tilespmem:s17+$0x90];
	[tilespmem:v45+s22+$0x0] =	vst.idx.msk $0xffff, v0  }
0x1ec: {  	s30 =	sadd.s32 $0x5, s18;
	v43 =	vmov s29;
	[tilespmem:v54+s22+$0x0] =	vst.idx.msk $0xffff, v62;
	v61 =	vmul.f32 $8.000000000e+00, v61;
	v45 =	vadd.s32 v29, v33;
	v46 =	vld [tilespmem:s17+$0xE0]  }
0x1ed: {  	v38 =	vmov s30;
	[tilespmem:v53+s22+$0x0] =	vst.idx.msk $0xffff, v63;
	v62 =	vmul.f32 $8.000000000e+00, v56;
	v53 =	vadd.s32 v8, v34;
	v54 =	vld [tilespmem:s17+$0xFFFFFF20]  }
0x1ee: {  	v43 =	vshrl.u32 v43, $0x3;
	v55 =	vld [tilespmem:s17+$0xFFFFFF60];
	[tilespmem:v49+s22+$0x0] =	vst.idx.msk $0xffff, v61;
	v63 =	vmul.f32 $8.000000000e+00, v57;
	v49 =	vadd.s32 v3, v40  }
0x1ef: {  	s31 =	sadd.s32 $0x6, s18;
	v57 =	vshrl.u32 v44, $0x3;
	v44 =	vadd.s32 v6, v39;
	[tilespmem:v47+s22+$0x0] =	vst.idx.msk $0xffff, v62;
	v56 =	vld [tilespmem:s17+$0xFFFFFFA0];
	v47 =	vmul.f32 $8.000000000e+00, v58  }
0x1f0: {  	v2 =	vmov s31;
	v0 =	vshll.u32 v42, v1;
	v58 =	vld [tilespmem:s17+$0xFFFFFFE0];
	[tilespmem:v60+s22+$0x0] =	vst.idx.msk $0xffff, v63;
	v51 =	vmul.f32 $8.000000000e+00, v59  }
0x1f1: {  	v42 =	vshrl.u32 v2, $0x3;
	v60 =	vadd.s32 v14, v37;
	v61 =	vld [tilespmem:s17+$0x20];
	[tilespmem:v45+s22+$0x0] =	vst.idx.msk $0xffff, v47;
	v45 =	vmul.f32 $8.000000000e+00, v46  }
0x1f2: {  	v59 =	vshrl.u32 v38, $0x3;
	v2 =	vmul.f32 $8.000000000e+00, v54;
	v54 =	vadd.s32 v18, v36;
	v62 =	vld [tilespmem:s17+$0x60];
	[tilespmem:v53+s22+$0x0] =	vst.idx.msk $0xffff, v51  }
0x1f3: {  	p0 =	slt.u32 s18, $0x78;
	v38 =	vbroadcast v0, $0x0;
	v63 =	vadd.s32 v11, v35;
	v0 =	vmul.f32 $8.000000000e+00, v55;
	v3 =	vld [tilespmem:s17+$0xA0];
	[tilespmem:v49+s22+$0x0] =	vst.idx.msk $0xffff, v45  }
.Ltmp6:
0x1f4: {  	v47 =	vshll.u32 v50, v1;
	v55 =	vadd.s32 v5, v33;
	[tilespmem:v44+s22+$0x0] =	vst.idx.msk $0xffff, v2;
	v2 =	vmul.f32 $8.000000000e+00, v56;
	v56 =	vld [tilespmem:s17+$0xF0];
	(pc) =	sbr.rel @p0 .LBB2_9-.Ltmp6, $4  }
0x1f5: {  	v51 =	vadd.s32 v28, v34;
	v53 =	vadd.s32 v27, v40;
	[tilespmem:v48+s22+$0x0] =	vst.idx.msk $0xffff, v0;
	v0 =	vmul.f32 $8.000000000e+00, v58;
	v50 =	vld [tilespmem:s17+$0xFFFFFF30]  }
0x1f6: {  	v46 =	vshll.u32 v43, v1;
	v44 =	vshll.u32 v52, v1;
	v52 =	vld [tilespmem:s17+$0xFFFFFF70];
	[tilespmem:v60+s22+$0x0] =	vst.idx.msk $0xffff, v2;
	v2 =	vmul.f32 $8.000000000e+00, v61  }
0x1f7: {  	v43 =	vshll.u32 v59, v1;
	v45 =	vshll.u32 v57, v1;
	v49 =	vld [tilespmem:s17+$0xFFFFFFB0];
	[tilespmem:v54+s22+$0x0] =	vst.idx.msk $0xffff, v0  }
0x1f8: {  	s19 =	sadd.s32 $0x7, s18;
	s18 =	sadd.s32 $0x8, s18;
	v48 =	vadd.s32 v19, v39;
	v39 =	vmul.f32 $8.000000000e+00, v62;
	v54 =	vld [tilespmem:s17+$0xFFFFFFF0];
	[tilespmem:v63+s22+$0x0] =	vst.idx.msk $0xffff, v2;
	v40 =	vmul.f32 $8.000000000e+00, v3  }
0x1f9: {  	_ =	sdelay $0x3  }
0x1fa: {  	v0 =	vmov s19;
	v2 =	vadd.s32 v31, v37;
	v3 =	vld [tilespmem:s17+$0x30];
	v62 =	vmul.f32 $8.000000000e+00, v56;
	[tilespmem:v55+s22+$0x0] =	vst.idx.msk $0xffff, v39  }
0x1fb: {  	v36 =	vadd.s32 v13, v36;
	v0 =	vshrl.u32 v0, $0x3;
	v63 =	vmul.f32 $8.000000000e+00, v50;
	[tilespmem:v51+s22+$0x0] =	vst.idx.msk $0xffff, v40;
	v50 =	vld [tilespmem:s17+$0x70]  }
0x1fc: {  	v35 =	vadd.s32 v24, v35;
	s0 =	sadd.s32 $0x200, s17;
	v0 =	vshll.u32 v0, v1;
	v58 =	vmul.f32 $8.000000000e+00, v52;
	v51 =	vld [tilespmem:s17+$0xB0];
	[tilespmem:v53+s22+$0x0] =	vst.idx.msk $0xffff, v62  }
0x1fd: {  	v33 =	vadd.s32 v26, v33;
	v37 =	vld [tilespmem:s0+$0xC0];
	v0 =	vbroadcast v0, $0x0;
	[tilespmem:v48+s22+$0x0] =	vst.idx.msk $0xffff, v63;
	v59 =	vmul.f32 $8.000000000e+00, v49  }
0x1fe: {  	v34 =	vadd.s32 v15, v34;
	v63 =	vld [tilespmem:s0+$0xFFFFFF00];
	[tilespmem:v41+s22+$0x0] =	vst.idx.msk $0xffff, v58;
	v56 =	vmul.f32 $8.000000000e+00, v54  }
0x1ff: {  	v47 =	vbroadcast v47, $0x0;
	v58 =	vld [tilespmem:s0+$0xFFFFFF40];
	v49 =	vadd.s32 v32, v0;
	[tilespmem:v2+s22+$0x0] =	vst.idx.msk $0xffff, v59;
	v2 =	vmul.f32 $8.000000000e+00, v3  }
0x200: {  	v44 =	vbroadcast v44, $0x0;
	v39 =	vld [tilespmem:s0+$0xFFFFFF80];
	v3 =	vadd.s32 v9, v38;
	[tilespmem:v36+s22+$0x0] =	vst.idx.msk $0xffff, v56;
	v59 =	vmul.f32 $8.000000000e+00, v50  }
0x201: {  	v60 =	vadd.s32 v4, v47;
	[tilespmem:v35+s22+$0x0] =	vst.idx.msk $0xffff, v2;
	v2 =	vmul.f32 $8.000000000e+00, v51  }
0x202: {  	v37 =	vmul.f32 $8.000000000e+00, v37;
	v35 =	vadd.s32 v12, v44;
	[tilespmem:v33+s22+$0x0] =	vst.idx.msk $0xffff, v59  }
0x203: {  	v63 =	vmul.f32 $8.000000000e+00, v63;
	[tilespmem:v34+s22+$0x0] =	vst.idx.msk $0xffff, v2  }
0x204: {  	v2 =	vmul.f32 $8.000000000e+00, v58;
	v56 =	vld [tilespmem:$0x1FEC0];
	[tilespmem:v49+s22+$0x0] =	vst.idx.msk $0xffff, v37  }
0x205: {  	v45 =	vbroadcast v45, $0x0;
	v61 =	vld [tilespmem:s0+$0xFFFFFFC0];
	[tilespmem:v3+s22+$0x0] =	vst.idx.msk $0xffff, v63;
	v3 =	vmul.f32 $8.000000000e+00, v39  }
0x206: {  	v48 =	vld [tilespmem:s0+$0x40];
	[tilespmem:v60+s22+$0x0] =	vst.idx.msk $0xffff, v2  }
0x207: {  	v43 =	vbroadcast v43, $0x0;
	v36 =	vadd.s32 v16, v45;
	v51 =	vld [tilespmem:s0+$0x0];
	[tilespmem:v35+s22+$0x0] =	vst.idx.msk $0xffff, v3  }
0x208: {  	v46 =	vbroadcast v46, $0x0;
	v53 =	vmov v15;
	v15 =	vld [tilespmem:$0x1FF30]  }
0x209: {  	v42 =	vshll.u32 v42, v1;
	v33 =	vadd.s32 v23, v43;
	v59 =	vld [tilespmem:s0+$0xFFFFFF10]  }
0x20a: {  	v42 =	vbroadcast v42, $0x0;
	v58 =	vld [tilespmem:s0+$0x80];
	v2 =	vmul.f32 $8.000000000e+00, v61;
	v34 =	vadd.s32 v56, v46  }
0x20b: {  	v50 =	vadd.s32 v20, v38;
	v37 =	vld [tilespmem:s0+$0xD0]  }
0x20c: {  	v40 =	vadd.s32 v25, v42;
	v49 =	vld [tilespmem:s0+$0xFFFFFF50];
	[tilespmem:v36+s22+$0x0] =	vst.idx.msk $0xffff, v2;
	v2 =	vmul.f32 $8.000000000e+00, v48  }
0x20d: {  	v3 =	vmul.f32 $8.000000000e+00, v51;
	v60 =	vld [tilespmem:s0+$0xFFFFFF90];
	v35 =	vadd.s32 v15, v0  }
0x20e: {  	v36 =	vadd.s32 v17, v47;
	[tilespmem:v33+s22+$0x0] =	vst.idx.msk $0xffff, v2;
	v59 =	vmul.f32 $8.000000000e+00, v59  }
0x20f: {  	[tilespmem:v34+s22+$0x0] =	vst.idx.msk $0xffff, v3;
	v3 =	vmul.f32 $8.000000000e+00, v58;
	v34 =	vadd.s32 v7, v44  }
0x210: {  	v2 =	vmul.f32 $8.000000000e+00, v37;
	[tilespmem:v50+s22+$0x0] =	vst.idx.msk $0xffff, v59  }
0x211: {  	[tilespmem:v40+s22+$0x0] =	vst.idx.msk $0xffff, v3;
	v3 =	vmul.f32 $8.000000000e+00, v49  }
0x212: {  	v48 =	vld [tilespmem:s0+$0xFFFFFFD0];
	[tilespmem:v35+s22+$0x0] =	vst.idx.msk $0xffff, v2;
	v2 =	vmul.f32 $8.000000000e+00, v60  }
0x213: {  	v39 =	vld [tilespmem:s0+$0x50];
	[tilespmem:v36+s22+$0x0] =	vst.idx.msk $0xffff, v3  }
0x214: {  	v58 =	vld [tilespmem:s0+$0x10];
	[tilespmem:v34+s22+$0x0] =	vst.idx.msk $0xffff, v2  }
0x215: {  	v37 =	vadd.s32 v30, v45;
	v59 =	vld [tilespmem:$0x1FFC0]  }
0x216: {  	v40 =	vadd.s32 v21, v46;
	v49 =	vld [tilespmem:s0+$0x90]  }
0x217: {  	v50 =	vld [tilespmem:s0+$0xFFFFFF20];
	v60 =	vadd.s32 v29, v43  }
0x218: {  	v35 =	vld [tilespmem:s0+$0xE0];
	v3 =	vmul.f32 $8.000000000e+00, v48;
	v36 =	vadd.s32 v8, v42  }
0x219: {  	v41 =	vadd.s32 v6, v38;
	v48 =	vld [tilespmem:s0+$0xFFFFFF60];
	v2 =	vmul.f32 $8.000000000e+00, v58  }
0x21a: {  	v51 =	vld [tilespmem:s0+$0xFFFFFFA0];
	[tilespmem:v37+s22+$0x0] =	vst.idx.msk $0xffff, v3;
	v3 =	vmul.f32 $8.000000000e+00, v39;
	v34 =	vadd.s32 v59, v0  }
0x21b: {  	v37 =	vadd.s32 v10, v47;
	v39 =	vld [tilespmem:s0+$0xFFFFFFE0];
	[tilespmem:v40+s22+$0x0] =	vst.idx.msk $0xffff, v2;
	v2 =	vmul.f32 $8.000000000e+00, v49  }
0x21c: {  	v40 =	vadd.s32 v14, v44;
	[tilespmem:v60+s22+$0x0] =	vst.idx.msk $0xffff, v3;
	v60 =	vmul.f32 $8.000000000e+00, v50;
	v49 =	vld [tilespmem:s0+$0x20]  }
0x21d: {  	v3 =	vmul.f32 $8.000000000e+00, v35;
	v35 =	vadd.s32 v18, v45;
	v50 =	vld [tilespmem:s0+$0x60];
	[tilespmem:v36+s22+$0x0] =	vst.idx.msk $0xffff, v2  }
0x21e: {  	v2 =	vmul.f32 $8.000000000e+00, v48;
	v36 =	vadd.s32 v11, v46;
	[tilespmem:v41+s22+$0x0] =	vst.idx.msk $0xffff, v60;
	v58 =	vld [tilespmem:s0+$0xA0]  }
0x21f: {  	v60 =	vadd.s32 v5, v43;
	v41 =	vld [tilespmem:s0+$0xFFFFFF30];
	[tilespmem:v34+s22+$0x0] =	vst.idx.msk $0xffff, v3;
	v3 =	vmul.f32 $8.000000000e+00, v51  }
0x220: {  	[tilespmem:v37+s22+$0x0] =	vst.idx.msk $0xffff, v2;
	v2 =	vmul.f32 $8.000000000e+00, v39;
	v37 =	vadd.s32 v28, v42;
	v34 =	vld [tilespmem:s0+$0xF0]  }
0x221: {  	v38 =	vadd.s32 v19, v38;
	v39 =	vld [tilespmem:s0+$0xFFFFFF70];
	[tilespmem:v40+s22+$0x0] =	vst.idx.msk $0xffff, v3;
	v3 =	vmul.f32 $8.000000000e+00, v49  }
0x222: {  	v0 =	vadd.s32 v27, v0;
	[tilespmem:v35+s22+$0x0] =	vst.idx.msk $0xffff, v2;
	v2 =	vmul.f32 $8.000000000e+00, v50;
	v40 =	vld [tilespmem:s0+$0xFFFFFFB0]  }
0x223: {  	v57 =	vmov v31;
	v35 =	vadd.s32 v22, v47;
	v49 =	vld [tilespmem:s0+$0xFFFFFFF0];
	[tilespmem:v36+s22+$0x0] =	vst.idx.msk $0xffff, v3;
	v3 =	vmul.f32 $8.000000000e+00, v58  }
0x224: {  	v55 =	vmov v13;
	v50 =	vadd.s32 v57, v44;
	[tilespmem:v60+s22+$0x0] =	vst.idx.msk $0xffff, v2;
	v57 =	vmul.f32 $8.000000000e+00, v41;
	v51 =	vld [tilespmem:s0+$0x30]  }
0x225: {  	v60 =	vld [tilespmem:s0+$0x70];
	v58 =	vadd.s32 v55, v45;
	v2 =	vmul.f32 $8.000000000e+00, v34;
	[tilespmem:v37+s22+$0x0] =	vst.idx.msk $0xffff, v3  }
0x226: {  	v62 =	vmov v26;
	[tilespmem:v38+s22+$0x0] =	vst.idx.msk $0xffff, v57;
	v45 =	vadd.s32 v24, v46;
	v3 =	vmul.f32 $8.000000000e+00, v39;
	v46 =	vld [tilespmem:s0+$0xB0]  }
0x227: {  	[tilespmem:v0+s22+$0x0] =	vst.idx.msk $0xffff, v2;
	v0 =	vmul.f32 $8.000000000e+00, v40;
	v2 =	vadd.s32 v62, v43  }
0x228: {  	v47 =	vadd.s32 v53, v42;
	[tilespmem:v35+s22+$0x0] =	vst.idx.msk $0xffff, v3;
	v3 =	vmul.f32 $8.000000000e+00, v49  }
0x229: {  	[tilespmem:v50+s22+$0x0] =	vst.idx.msk $0xffff, v0;
	v0 =	vmul.f32 $8.000000000e+00, v51  }
0x22a: {  	[tilespmem:v58+s22+$0x0] =	vst.idx.msk $0xffff, v3;
	v3 =	vmul.f32 $8.000000000e+00, v60  }
0x22b: {  	[tilespmem:v45+s22+$0x0] =	vst.idx.msk $0xffff, v0;
	v0 =	vmul.f32 $8.000000000e+00, v46  }
0x22c: {  	[tilespmem:v2+s22+$0x0] =	vst.idx.msk $0xffff, v3  }
0x22d: {  	[tilespmem:v47+s22+$0x0] =	vst.idx.msk $0xffff, v0  }
0x22e: {  	s1 =	rddreg [dreg:$0xc]  }
0x22f: {  	s17 =	sadd.s32 s16, s1  }
0x230: {  	[hbm4b:s17+s3] =	stream.linear.scatter [tilespmem:s22], [sflag:$0x6], $0x80, $0x38;
	[tilespmem:$0x12800] =	vst v63  }
0x231: {  	s0 =	simm.s32 $0x10688;
	s18 =	sadd.s32 $0x10, s17  }
0x232: {  	[hbm4b:s18+s3] =	stream.linear.scatter [tilespmem:s0], [sflag:$0x6], $0x80, $0x38;
	[tilespmem:$0x12800] =	vst v63  }
0x233: {  	s5 =	simm.s32 $0x10710;
	s2 =	sadd.s32 $0x20, s17  }
0x234: {  	[hbm4b:s2+s3] =	stream.linear.scatter [tilespmem:s5], [sflag:$0x6], $0x80, $0x38;
	[tilespmem:$0x12800] =	vst v63  }
0x235: {  	s7 =	simm.s32 $0x10798;
	s6 =	sadd.s32 $0x30, s17  }
0x236: {  	[hbm4b:s6+s3] =	stream.linear.scatter [tilespmem:s7], [sflag:$0x6], $0x80, $0x38;
	[tilespmem:$0x12800] =	vst v63  }
0x237: {  	s9 =	simm.s32 $0x10820;
	s8 =	sadd.s32 $0x40, s17  }
0x238: {  	[hbm4b:s8+s3] =	stream.linear.scatter [tilespmem:s9], [sflag:$0x6], $0x80, $0x38;
	[tilespmem:$0x12800] =	vst v63  }
0x239: {  	s23 =	simm.s32 $0x108A8;
	s19 =	sadd.s32 $0x50, s17  }
0x23a: {  	[hbm4b:s19+s3] =	stream.linear.scatter [tilespmem:s23], [sflag:$0x6], $0x80, $0x38;
	[tilespmem:$0x12800] =	vst v63  }
0x23b: {  	s25 =	simm.s32 $0x10930;
	s24 =	sadd.s32 $0x60, s17  }
0x23c: {  	[hbm4b:s24+s3] =	stream.linear.scatter [tilespmem:s25], [sflag:$0x6], $0x80, $0x38;
	[tilespmem:$0x12800] =	vst v63  }
0x23d: {  	s26 =	simm.s32 $0x109B8;
	s28 =	rddreg [dreg:$0xd];
	s17 =	sadd.s32 $0x70, s17  }
0x23e: {  	[hbm4b:s17+s3] =	stream.linear.scatter [tilespmem:s26], [sflag:$0x6], $0x80, $0x38;
	[tilespmem:$0x12800] =	vst v63  }
0x23f: {  	s29 =	simm.s32 $0x10A40;
	s17 =	sadd.s32 s16, s28  }
0x240: {  	[hbm4b:s17+s3] =	stream.linear.scatter [tilespmem:s29], [sflag:$0x6], $0x80, $0x38;
	[tilespmem:$0x12800] =	vst v63  }
0x241: {  	s31 =	simm.s32 $0x10AC8;
	s30 =	sadd.s32 $0x10, s17  }
0x242: {  	[hbm4b:s30+s3] =	stream.linear.scatter [tilespmem:s31], [sflag:$0x6], $0x80, $0x38;
	[tilespmem:$0x12800] =	vst v63  }
0x243: {  	s1 =	simm.s32 $0x10B50;
	s0 =	sadd.s32 $0x20, s17  }
0x244: {  	[hbm4b:s0+s3] =	stream.linear.scatter [tilespmem:s1], [sflag:$0x6], $0x80, $0x38;
	[tilespmem:$0x12800] =	vst v63  }
0x245: {  	s5 =	simm.s32 $0x10BD8;
	s2 =	sadd.s32 $0x30, s17  }
0x246: {  	[hbm4b:s2+s3] =	stream.linear.scatter [tilespmem:s5], [sflag:$0x6], $0x80, $0x38;
	[tilespmem:$0x12800] =	vst v63  }
0x247: {  	s7 =	simm.s32 $0x10C60;
	s6 =	sadd.s32 $0x40, s17  }
0x248: {  	[hbm4b:s6+s3] =	stream.linear.scatter [tilespmem:s7], [sflag:$0x6], $0x80, $0x38;
	[tilespmem:$0x12800] =	vst v63  }
0x249: {  	s9 =	simm.s32 $0x10CE8;
	s8 =	sadd.s32 $0x50, s17  }
0x24a: {  	[hbm4b:s8+s3] =	stream.linear.scatter [tilespmem:s9], [sflag:$0x6], $0x80, $0x38;
	[tilespmem:$0x12800] =	vst v63  }
0x24b: {  	s23 =	simm.s32 $0x10D70;
	s19 =	sadd.s32 $0x60, s17  }
0x24c: {  	[hbm4b:s19+s3] =	stream.linear.scatter [tilespmem:s23], [sflag:$0x6], $0x80, $0x38;
	[tilespmem:$0x12800] =	vst v63  }
0x24d: {  	s24 =	simm.s32 $0x10DF8;
	s25 =	rddreg [dreg:$0xe];
	s17 =	sadd.s32 $0x70, s17  }
0x24e: {  	[hbm4b:s17+s3] =	stream.linear.scatter [tilespmem:s24], [sflag:$0x6], $0x80, $0x38;
	[tilespmem:$0x12800] =	vst v63  }
0x24f: {  	s26 =	simm.s32 $0x10E80;
	s17 =	sadd.s32 s16, s25  }
0x250: {  	[hbm4b:s17+s3] =	stream.linear.scatter [tilespmem:s26], [sflag:$0x6], $0x80, $0x38;
	[tilespmem:$0x12800] =	vst v63  }
0x251: {  	s29 =	simm.s32 $0x10F08;
	s28 =	sadd.s32 $0x10, s17  }
0x252: {  	[hbm4b:s28+s3] =	stream.linear.scatter [tilespmem:s29], [sflag:$0x6], $0x80, $0x38;
	[tilespmem:$0x12800] =	vst v63  }
0x253: {  	s31 =	simm.s32 $0x10F90;
	s30 =	sadd.s32 $0x20, s17  }
0x254: {  	[hbm4b:s30+s3] =	stream.linear.scatter [tilespmem:s31], [sflag:$0x6], $0x80, $0x38;
	[tilespmem:$0x12800] =	vst v63  }
0x255: {  	s1 =	simm.s32 $0x11018;
	s0 =	sadd.s32 $0x30, s17  }
0x256: {  	[hbm4b:s0+s3] =	stream.linear.scatter [tilespmem:s1], [sflag:$0x6], $0x80, $0x38;
	[tilespmem:$0x12800] =	vst v63  }
0x257: {  	s5 =	simm.s32 $0x110A0;
	s2 =	sadd.s32 $0x40, s17  }
0x258: {  	[hbm4b:s2+s3] =	stream.linear.scatter [tilespmem:s5], [sflag:$0x6], $0x80, $0x38;
	[tilespmem:$0x12800] =	vst v63  }
0x259: {  	s7 =	simm.s32 $0x11128;
	s6 =	sadd.s32 $0x50, s17  }
0x25a: {  	[hbm4b:s6+s3] =	stream.linear.scatter [tilespmem:s7], [sflag:$0x6], $0x80, $0x38;
	[tilespmem:$0x12800] =	vst v63  }
0x25b: {  	s9 =	simm.s32 $0x111B0;
	s8 =	sadd.s32 $0x60, s17  }
0x25c: {  	[hbm4b:s8+s3] =	stream.linear.scatter [tilespmem:s9], [sflag:$0x6], $0x80, $0x38;
	[tilespmem:$0x12800] =	vst v63  }
0x25d: {  	s19 =	simm.s32 $0x11238;
	s23 =	rddreg [dreg:$0xf];
	s17 =	sadd.s32 $0x70, s17  }
0x25e: {  	[hbm4b:s17+s3] =	stream.linear.scatter [tilespmem:s19], [sflag:$0x6], $0x80, $0x38;
	[tilespmem:$0x12800] =	vst v63  }
0x25f: {  	s24 =	simm.s32 $0x112C0;
	s17 =	sadd.s32 s16, s23  }
0x260: {  	[hbm4b:s17+s3] =	stream.linear.scatter [tilespmem:s24], [sflag:$0x6], $0x80, $0x38;
	[tilespmem:$0x12800] =	vst v63  }
0x261: {  	s26 =	simm.s32 $0x11348;
	s25 =	sadd.s32 $0x10, s17  }
0x262: {  	[hbm4b:s25+s3] =	stream.linear.scatter [tilespmem:s26], [sflag:$0x6], $0x80, $0x38;
	[tilespmem:$0x12800] =	vst v63  }
0x263: {  	s29 =	simm.s32 $0x113D0;
	s28 =	sadd.s32 $0x20, s17  }
0x264: {  	[hbm4b:s28+s3] =	stream.linear.scatter [tilespmem:s29], [sflag:$0x6], $0x80, $0x38;
	[tilespmem:$0x12800] =	vst v63  }
0x265: {  	s31 =	simm.s32 $0x11458;
	s30 =	sadd.s32 $0x30, s17  }
0x266: {  	[hbm4b:s30+s3] =	stream.linear.scatter [tilespmem:s31], [sflag:$0x6], $0x80, $0x38;
	[tilespmem:$0x12800] =	vst v63  }
0x267: {  	s2 =	simm.s32 $0x114E0;
	s1 =	sadd.s32 $0x40, s17  }
0x268: {  	[hbm4b:s1+s3] =	stream.linear.scatter [tilespmem:s2], [sflag:$0x6], $0x80, $0x38;
	[tilespmem:$0x12800] =	vst v63  }
0x269: {  	s6 =	simm.s32 $0x11568;
	s5 =	sadd.s32 $0x50, s17  }
0x26a: {  	[hbm4b:s5+s3] =	stream.linear.scatter [tilespmem:s6], [sflag:$0x6], $0x80, $0x38;
	[tilespmem:$0x12800] =	vst v63  }
0x26b: {  	s8 =	simm.s32 $0x115F0;
	s7 =	sadd.s32 $0x60, s17  }
0x26c: {  	[hbm4b:s7+s3] =	stream.linear.scatter [tilespmem:s8], [sflag:$0x6], $0x80, $0x38;
	[tilespmem:$0x12800] =	vst v63  }
0x26d: {  	s18 =	rddreg [dreg:$0x10];
	s9 =	simm.s32 $0x11678;
	s17 =	sadd.s32 $0x70, s17  }
0x26e: {  	[hbm4b:s17+s3] =	stream.linear.scatter [tilespmem:s9], [sflag:$0x6], $0x80, $0x38;
	[tilespmem:$0x12800] =	vst v63  }
0x26f: {  	s19 =	simm.s32 $0x11700;
	s17 =	sadd.s32 s16, s18  }
0x270: {  	[hbm4b:s17+s3] =	stream.linear.scatter [tilespmem:s19], [sflag:$0x6], $0x80, $0x38;
	[tilespmem:$0x12800] =	vst v63  }
0x271: {  	s24 =	simm.s32 $0x11788;
	s23 =	sadd.s32 $0x10, s17  }
0x272: {  	[hbm4b:s23+s3] =	stream.linear.scatter [tilespmem:s24], [sflag:$0x6], $0x80, $0x38;
	[tilespmem:$0x12800] =	vst v63  }
0x273: {  	s26 =	simm.s32 $0x11810;
	s25 =	sadd.s32 $0x20, s17  }
0x274: {  	[hbm4b:s25+s3] =	stream.linear.scatter [tilespmem:s26], [sflag:$0x6], $0x80, $0x38;
	[tilespmem:$0x12800] =	vst v63  }
0x275: {  	s29 =	simm.s32 $0x11898;
	s28 =	sadd.s32 $0x30, s17  }
0x276: {  	[hbm4b:s28+s3] =	stream.linear.scatter [tilespmem:s29], [sflag:$0x6], $0x80, $0x38;
	[tilespmem:$0x12800] =	vst v63  }
0x277: {  	s31 =	simm.s32 $0x11920;
	s30 =	sadd.s32 $0x40, s17  }
0x278: {  	[hbm4b:s30+s3] =	stream.linear.scatter [tilespmem:s31], [sflag:$0x6], $0x80, $0x38;
	[tilespmem:$0x12800] =	vst v63  }
0x279: {  	s1 =	simm.s32 $0x119A8;
	s0 =	sadd.s32 $0x50, s17  }
0x27a: {  	[hbm4b:s0+s3] =	stream.linear.scatter [tilespmem:s1], [sflag:$0x6], $0x80, $0x38;
	[tilespmem:$0x12800] =	vst v63  }
0x27b: {  	s5 =	simm.s32 $0x11A30;
	s2 =	sadd.s32 $0x60, s17  }
0x27c: {  	[hbm4b:s2+s3] =	stream.linear.scatter [tilespmem:s5], [sflag:$0x6], $0x80, $0x38;
	[tilespmem:$0x12800] =	vst v63  }
0x27d: {  	s6 =	simm.s32 $0x11AB8;
	s7 =	rddreg [dreg:$0x11];
	s17 =	sadd.s32 $0x70, s17  }
0x27e: {  	[hbm4b:s17+s3] =	stream.linear.scatter [tilespmem:s6], [sflag:$0x6], $0x80, $0x38;
	[tilespmem:$0x12800] =	vst v63  }
0x27f: {  	s8 =	simm.s32 $0x11B40;
	s17 =	sadd.s32 s16, s7  }
0x280: {  	[hbm4b:s17+s3] =	stream.linear.scatter [tilespmem:s8], [sflag:$0x6], $0x80, $0x38;
	[tilespmem:$0x12800] =	vst v63  }
0x281: {  	s19 =	simm.s32 $0x11BC8;
	s9 =	sadd.s32 $0x10, s17  }
0x282: {  	[hbm4b:s9+s3] =	stream.linear.scatter [tilespmem:s19], [sflag:$0x6], $0x80, $0x38;
	[tilespmem:$0x12800] =	vst v63  }
0x283: {  	s24 =	simm.s32 $0x11C50;
	s23 =	sadd.s32 $0x20, s17  }
0x284: {  	[hbm4b:s23+s3] =	stream.linear.scatter [tilespmem:s24], [sflag:$0x6], $0x80, $0x38;
	[tilespmem:$0x12800] =	vst v63  }
0x285: {  	s26 =	simm.s32 $0x11CD8;
	s25 =	sadd.s32 $0x30, s17  }
0x286: {  	[hbm4b:s25+s3] =	stream.linear.scatter [tilespmem:s26], [sflag:$0x6], $0x80, $0x38;
	[tilespmem:$0x12800] =	vst v63  }
0x287: {  	s29 =	simm.s32 $0x11D60;
	s28 =	sadd.s32 $0x40, s17  }
0x288: {  	[hbm4b:s28+s3] =	stream.linear.scatter [tilespmem:s29], [sflag:$0x6], $0x80, $0x38;
	[tilespmem:$0x12800] =	vst v63  }
0x289: {  	s31 =	simm.s32 $0x11DE8;
	s30 =	sadd.s32 $0x50, s17  }
0x28a: {  	[hbm4b:s30+s3] =	stream.linear.scatter [tilespmem:s31], [sflag:$0x6], $0x80, $0x38;
	[tilespmem:$0x12800] =	vst v63  }
0x28b: {  	s1 =	simm.s32 $0x11E70;
	s0 =	sadd.s32 $0x60, s17  }
0x28c: {  	[hbm4b:s0+s3] =	stream.linear.scatter [tilespmem:s1], [sflag:$0x6], $0x80, $0x38;
	[tilespmem:$0x12800] =	vst v63  }
0x28d: {  	s2 =	simm.s32 $0x11EF8;
	s5 =	rddreg [dreg:$0x12];
	s17 =	sadd.s32 $0x70, s17  }
0x28e: {  	[hbm4b:s17+s3] =	stream.linear.scatter [tilespmem:s2], [sflag:$0x6], $0x80, $0x38;
	[tilespmem:$0x12800] =	vst v63  }
0x28f: {  	s6 =	simm.s32 $0x11F80;
	s17 =	sadd.s32 s16, s5  }
0x290: {  	[hbm4b:s17+s3] =	stream.linear.scatter [tilespmem:s6], [sflag:$0x6], $0x80, $0x38;
	[tilespmem:$0x12800] =	vst v63  }
0x291: {  	s8 =	simm.s32 $0x12008;
	s7 =	sadd.s32 $0x10, s17  }
0x292: {  	[hbm4b:s7+s3] =	stream.linear.scatter [tilespmem:s8], [sflag:$0x6], $0x80, $0x38;
	[tilespmem:$0x12800] =	vst v63  }
0x293: {  	s19 =	simm.s32 $0x12090;
	s9 =	sadd.s32 $0x20, s17  }
0x294: {  	[hbm4b:s9+s3] =	stream.linear.scatter [tilespmem:s19], [sflag:$0x6], $0x80, $0x38;
	[tilespmem:$0x12800] =	vst v63  }
0x295: {  	s24 =	simm.s32 $0x12118;
	s23 =	sadd.s32 $0x30, s17  }
0x296: {  	[hbm4b:s23+s3] =	stream.linear.scatter [tilespmem:s24], [sflag:$0x6], $0x80, $0x38;
	[tilespmem:$0x12800] =	vst v63  }
0x297: {  	s26 =	simm.s32 $0x121A0;
	s25 =	sadd.s32 $0x40, s17  }
0x298: {  	[hbm4b:s25+s3] =	stream.linear.scatter [tilespmem:s26], [sflag:$0x6], $0x80, $0x38;
	[tilespmem:$0x12800] =	vst v63  }
0x299: {  	s29 =	simm.s32 $0x12228;
	s28 =	sadd.s32 $0x50, s17  }
0x29a: {  	[hbm4b:s28+s3] =	stream.linear.scatter [tilespmem:s29], [sflag:$0x6], $0x80, $0x38;
	[tilespmem:$0x12800] =	vst v63  }
0x29b: {  	s31 =	simm.s32 $0x122B0;
	s30 =	sadd.s32 $0x60, s17  }
0x29c: {  	[hbm4b:s30+s3] =	stream.linear.scatter [tilespmem:s31], [sflag:$0x6], $0x80, $0x38;
	[tilespmem:$0x12800] =	vst v63  }
0x29d: {  	s1 =	simm.s32 $0x12338;
	s2 =	rddreg [dreg:$0x13];
	s17 =	sadd.s32 $0x70, s17  }
0x29e: {  	[hbm4b:s17+s3] =	stream.linear.scatter [tilespmem:s1], [sflag:$0x6], $0x80, $0x38;
	[tilespmem:$0x12800] =	vst v63  }
0x29f: {  	s5 =	simm.s32 $0x123C0;
	s17 =	sadd.s32 s16, s2  }
0x2a0: {  	[hbm4b:s17+s3] =	stream.linear.scatter [tilespmem:s5], [sflag:$0x6], $0x80, $0x38;
	[tilespmem:$0x12800] =	vst v63  }
0x2a1: {  	s7 =	simm.s32 $0x12448;
	s6 =	sadd.s32 $0x10, s17  }
0x2a2: {  	[hbm4b:s6+s3] =	stream.linear.scatter [tilespmem:s7], [sflag:$0x6], $0x80, $0x38;
	[tilespmem:$0x12800] =	vst v63  }
0x2a3: {  	s9 =	simm.s32 $0x124D0;
	s8 =	sadd.s32 $0x20, s17  }
0x2a4: {  	[hbm4b:s8+s3] =	stream.linear.scatter [tilespmem:s9], [sflag:$0x6], $0x80, $0x38;
	[tilespmem:$0x12800] =	vst v63  }
0x2a5: {  	s23 =	simm.s32 $0x12558;
	s19 =	sadd.s32 $0x30, s17  }
0x2a6: {  	[hbm4b:s19+s3] =	stream.linear.scatter [tilespmem:s23], [sflag:$0x6], $0x80, $0x38;
	[tilespmem:$0x12800] =	vst v63  }
0x2a7: {  	s25 =	simm.s32 $0x125E0;
	s24 =	sadd.s32 $0x40, s17  }
0x2a8: {  	[hbm4b:s24+s3] =	stream.linear.scatter [tilespmem:s25], [sflag:$0x6], $0x80, $0x38;
	[tilespmem:$0x12800] =	vst v63  }
0x2a9: {  	s28 =	simm.s32 $0x12668;
	s26 =	sadd.s32 $0x50, s17  }
0x2aa: {  	[hbm4b:s26+s3] =	stream.linear.scatter [tilespmem:s28], [sflag:$0x6], $0x80, $0x38;
	[tilespmem:$0x12800] =	vst v63  }
0x2ab: {  	s30 =	simm.s32 $0x126F0;
	s29 =	sadd.s32 $0x60, s17  }
0x2ac: {  	[hbm4b:s29+s3] =	stream.linear.scatter [tilespmem:s30], [sflag:$0x6], $0x80, $0x38;
	[tilespmem:$0x12800] =	vst v63  }
0x2ad: {  	p0 =	seq.s32 s14, $0x31;
	s31 =	simm.s32 $0x12778;
	s17 =	sadd.s32 $0x70, s17  }
0x2ae: {  	[hbm4b:s17+s3] =	stream.linear.scatter [tilespmem:s31], [sflag:$0x6], $0x80, $0x38;
	[tilespmem:$0x12800] =	vst v63  }
0x2af: {  	s17 =	sshrl.u32 @!p0 s15, $0x2  }
0x2b0: {  	s19 =	simm.s32 @!p0 $0x80;
	s23 =	simm.s32 @!p0 $0x8400;
	s18 =	sadd.s32 @!p0 $0x280, s17  }
0x2b1: {  	[tilespmem:s23], [sflag:$0x2] =	stream.indirect.gather @!p0 [hbm4b:s4+s19], $0x40, s18, s19, $0xb8;
	[tilespmem:$0x12800] =	vst v63  }
0x2b2: {  	_ =	swait.ge [sflag:s11], $0x2000  }
0x2b3: {  	[sflag:s11] =	ssyncset.done $0x0  }
0x2b4: {  	[sflag:s11] =	ssyncadd.s32 $0xFFFFE000  }
0x2b5: {  	_ =	swait.ge [sflag:s12], $0x400  }
0x2b6: {  	[sflag:s12] =	ssyncset.done $0x0  }
0x2b7: {  	[sflag:s12] =	ssyncadd.s32 $0xFFFFFC00  }
0x2b8: {  	_ =	swait.ge [sflag:s12], $0x400  }
0x2b9: {  	[sflag:s12] =	ssyncset.done $0x0  }
0x2ba: {  	[sflag:s12] =	ssyncadd.s32 $0xFFFFFC00  }
0x2bb: {  	_ =	swait.ge [sflag:s12], $0x400  }
0x2bc: {  	[sflag:s12] =	ssyncset.done $0x0  }
0x2bd: {  	[sflag:s12] =	ssyncadd.s32 $0xFFFFFC00  }
0x2be: {  	_ =	swait.ge [sflag:s12], $0x400  }
0x2bf: {  	[sflag:s12] =	ssyncset.done $0x0  }
0x2c0: {  	[sflag:s12] =	ssyncadd.s32 $0xFFFFFC00  }
0x2c1: {  	_ =	swait.ge [sflag:s12], $0x400  }
0x2c2: {  	[sflag:s12] =	ssyncset.done $0x0  }
0x2c3: {  	[sflag:s12] =	ssyncadd.s32 $0xFFFFFC00  }
0x2c4: {  	_ =	swait.ge [sflag:s12], $0x400  }
0x2c5: {  	[sflag:s12] =	ssyncset.done $0x0  }
0x2c6: {  	[sflag:s12] =	ssyncadd.s32 $0xFFFFFC00  }
0x2c7: {  	_ =	swait.ge [sflag:s12], $0x400  }
0x2c8: {  	s1 =	simm.s32 $0x0;
	s2 =	simm.s32 $0x1;
	[sflag:s12] =	ssyncset.done $0x0  }
0x2c9: {  	v61 =	vmov v25;
	v0 =	vmov s1;
	v2 =	vmov s2;
	s23 =	simm.s32 $0x7;
	[sflag:s12] =	ssyncadd.s32 $0xFFFFFC00  }
0x2ca: {  	v25 =	vmovc v29;
	v29 =	vmovc v53;
	v0 =	vshrl.u32 v0, $0x3;
	s5 =	simm.s32 $0x2;
	v2 =	vshrl.u32 v2, $0x3;
	v53 =	vmov s23;
	_ =	swait.ge [sflag:s12], $0x400  }
0x2cb: {  	v3 =	vmov s5;
	v0 =	vshll.u32 v0, v1;
	v37 =	vshrl.u32 v53, $0x3;
	[sflag:s12] =	ssyncset.done $0x0  }
0x2cc: {  	v2 =	vshll.u32 v2, v1;
	v39 =	vbroadcast v0, $0x0;
	s18 =	simm.s32 $0xA500;
	v37 =	vshll.u32 v37, v1;
	[sflag:s12] =	ssyncadd.s32 $0xFFFFFC00  }
0x2cd: {  	v13 =	vmovc v7;
	s6 =	simm.s32 $0x3;
	s7 =	simm.s32 $0x4;
	v3 =	vshrl.u32 v3, $0x3;
	v7 =	vbroadcast v2, $0x0;
	v41 =	vbroadcast v37, $0x0;
	v0 =	vld [tilespmem:s18+$0xC0]  }
0x2ce: {  	v52 =	vmovc v32;
	v48 =	vmov s6;
	v49 =	vmov s7;
	v3 =	vshll.u32 v3, v1;
	v55 =	vld [tilespmem:s18+$0xFFFFFF00]  }
0x2cf: {  	v54 =	vmovc v4;
	v33 =	vshrl.u32 v48, $0x3;
	v34 =	vshrl.u32 v49, $0x3;
	v2 =	vadd.s32 v52, v41;
	v57 =	vld [tilespmem:s18+$0xFFFFFF40]  }
0x2d0: {  	s8 =	simm.s32 $0x5;
	s9 =	simm.s32 $0x6;
	v44 =	vadd.s32 v9, v39;
	v60 =	vadd.s32 v54, v7;
	v37 =	vbroadcast v3, $0x0;
	v45 =	vld [tilespmem:s18+$0xFFFFFF80]  }
0x2d1: {  	v50 =	vmov s8;
	v51 =	vmov s9;
	v33 =	vshll.u32 v33, v1  }
0x2d2: {  	v34 =	vshll.u32 v34, v1;
	v48 =	vadd.s32 v12, v37;
	v0 =	vmul.f32 $8.000000000e+00, v0  }
0x2d3: {  	v35 =	vshrl.u32 v50, $0x3;
	v36 =	vshrl.u32 v51, $0x3;
	v62 =	vld [tilespmem:s18+$0xFFFFFFC0];
	v38 =	vmul.f32 $8.000000000e+00, v55  }
0x2d4: {  	v3 =	vshll.u32 v36, v1;
	v36 =	vbroadcast v33, $0x0;
	v49 =	vld [tilespmem:s18+$0x0];
	v42 =	vmul.f32 $8.000000000e+00, v57;
	[tilespmem:v2+s10+$0x0] =	vst.idx.msk $0xffff, v0  }
0x2d5: {  	v58 =	vshll.u32 v35, v1;
	v35 =	vbroadcast v34, $0x0;
	v51 =	vld [tilespmem:s18+$0x40];
	[tilespmem:v44+s10+$0x0] =	vst.idx.msk $0xffff, v38;
	v2 =	vmul.f32 $8.000000000e+00, v45  }
0x2d6: {  	v33 =	vbroadcast v58, $0x0;
	v50 =	vadd.s32 v16, v36;
	v58 =	vld [tilespmem:s18+$0x80];
	[tilespmem:v60+s10+$0x0] =	vst.idx.msk $0xffff, v42  }
0x2d7: {  	v63 =	vmov v23;
	v34 =	vbroadcast v3, $0x0;
	v57 =	vadd.s32 v56, v35;
	v38 =	vld [tilespmem:s18+$0xD0];
	[tilespmem:v48+s10+$0x0] =	vst.idx.msk $0xffff, v2  }
0x2d8: {  	v6 =	vmov v9;
	v9 =	vmov v7;
	v3 =	vadd.s32 v63, v33;
	v7 =	vld [tilespmem:$0x1FFF0]  }
0x2d9: {  	v60 =	vmul.f32 $8.000000000e+00, v62;
	v45 =	vadd.s32 v61, v34;
	v62 =	vld [tilespmem:s18+$0xFFFFFF50]  }
0x2da: {  	v26 =	vmovc v8;
	v8 =	vmov v54;
	v2 =	vmul.f32 $8.000000000e+00, v49;
	v48 =	vadd.s32 v15, v41;
	v54 =	vld [tilespmem:s18+$0xFFFFFF90]  }
0x2db: {  	v23 =	vmovc v24;
	v24 =	vmov v63;
	v63 =	vmul.f32 $8.000000000e+00, v51;
	v51 =	vadd.s32 v17, v9;
	v44 =	vld [tilespmem:s18+$0xFFFFFF10];
	[tilespmem:v50+s10+$0x0] =	vst.idx.msk $0xffff, v60  }
0x2dc: {  	v31 =	vmovc v27;
	v27 =	vmov v52;
	v52 =	vadd.s32 v13, v37;
	[tilespmem:v57+s10+$0x0] =	vst.idx.msk $0xffff, v2;
	v2 =	vmul.f32 $8.000000000e+00, v58  }
0x2dd: {  	[tilespmem:v3+s10+$0x0] =	vst.idx.msk $0xffff, v63;
	v3 =	vmul.f32 $8.000000000e+00, v38;
	v53 =	vadd.s32 v7, v39  }
0x2de: {  	[tilespmem:v45+s10+$0x0] =	vst.idx.msk $0xffff, v2;
	v62 =	vmul.f32 $8.000000000e+00, v62  }
0x2df: {  	v55 =	vld [tilespmem:s18+$0xFFFFFFD0];
	[tilespmem:v48+s10+$0x0] =	vst.idx.msk $0xffff, v3;
	v3 =	vmul.f32 $8.000000000e+00, v54  }
0x2e0: {  	v20 =	vmov v56;
	v56 =	vld [tilespmem:s18+$0x10];
	v42 =	vmul.f32 $8.000000000e+00, v44;
	[tilespmem:v51+s10+$0x0] =	vst.idx.msk $0xffff, v62  }
0x2e1: {  	v60 =	vadd.s32 v30, v36;
	v58 =	vld [tilespmem:s18+$0x90];
	[tilespmem:v52+s10+$0x0] =	vst.idx.msk $0xffff, v3  }
0x2e2: {  	s24 =	simm.s32 $0x8;
	v63 =	vadd.s32 v21, v35;
	v48 =	vld [tilespmem:s18+$0xE0];
	[tilespmem:v53+s10+$0x0] =	vst.idx.msk $0xffff, v42  }
0x2e3: {  	v32 =	vmov v11;
	v0 =	vmov s24;
	v11 =	vld [tilespmem:$0x1FFE0]  }
0x2e4: {  	v4 =	vmovc v28;
	v28 =	vmovc v61;
	v0 =	vshrl.u32 v0, $0x3;
	v61 =	vld [tilespmem:s18+$0x50];
	v51 =	vadd.s32 v26, v34;
	v40 =	vmul.f32 $8.000000000e+00, v55  }
0x2e5: {  	s28 =	simm.s32 $0xB;
	s30 =	simm.s32 $0xD;
	v0 =	vshll.u32 v0, v1;
	v54 =	vld [tilespmem:s18+$0xFFFFFF60];
	v3 =	vmul.f32 $8.000000000e+00, v56;
	v52 =	vadd.s32 v59, v41  }
0x2e6: {  	s31 =	simm.s32 $0xE;
	v50 =	vmov s28;
	v38 =	vmov s30;
	v42 =	vadd.s32 v25, v33;
	v53 =	vld [tilespmem:s18+$0xFFFFFF20];
	[tilespmem:v60+s10+$0x0] =	vst.idx.msk $0xffff, v40  }
0x2e7: {  	v2 =	vmov s31;
	v45 =	vadd.s32 v10, v9;
	[tilespmem:v63+s10+$0x0] =	vst.idx.msk $0xffff, v3;
	v3 =	vmul.f32 $8.000000000e+00, v58;
	v57 =	vld [tilespmem:s18+$0xFFFFFFE0]  }
0x2e8: {  	v59 =	vshrl.u32 v50, $0x3;
	v55 =	vld [tilespmem:s18+$0xFFFFFFA0];
	v56 =	vmul.f32 $8.000000000e+00, v48;
	v50 =	vadd.s32 v11, v39  }
0x2e9: {  	v62 =	vadd.s32 v18, v36;
	v44 =	vmul.f32 $8.000000000e+00, v61;
	v58 =	vshrl.u32 v38, $0x3;
	[tilespmem:v51+s10+$0x0] =	vst.idx.msk $0xffff, v3  }
0x2ea: {  	v60 =	vadd.s32 v14, v37;
	v38 =	vbroadcast v0, $0x0;
	v0 =	vmul.f32 $8.000000000e+00, v54;
	v61 =	vld [tilespmem:s18+$0x20];
	[tilespmem:v52+s10+$0x0] =	vst.idx.msk $0xffff, v56  }
0x2eb: {  	[tilespmem:v42+s10+$0x0] =	vst.idx.msk $0xffff, v44;
	v42 =	vshrl.u32 v2, $0x3;
	v2 =	vmul.f32 $8.000000000e+00, v53  }
0x2ec: {  	v3 =	vadd.s32 v32, v35;
	[tilespmem:v45+s10+$0x0] =	vst.idx.msk $0xffff, v0;
	v40 =	vld [tilespmem:s18+$0xA0];
	v0 =	vmul.f32 $8.000000000e+00, v57  }
0x2ed: {  	v56 =	vld [tilespmem:s18+$0xF0];
	[tilespmem:v50+s10+$0x0] =	vst.idx.msk $0xffff, v2;
	v2 =	vmul.f32 $8.000000000e+00, v55  }
0x2ee: {  	s25 =	simm.s32 $0x9;
	s29 =	simm.s32 $0xC;
	v52 =	vld [tilespmem:s18+$0xFFFFFF70];
	[tilespmem:v62+s10+$0x0] =	vst.idx.msk $0xffff, v0  }
0x2ef: {  	v46 =	vmov s25;
	v43 =	vmov s29;
	v63 =	vld [tilespmem:s18+$0x60];
	[tilespmem:v60+s10+$0x0] =	vst.idx.msk $0xffff, v2;
	v2 =	vmul.f32 $8.000000000e+00, v61  }
0x2f0: {  	s26 =	simm.s32 $0xA;
	v46 =	vshrl.u32 v46, $0x3;
	v43 =	vshrl.u32 v43, $0x3;
	v54 =	vld [tilespmem:s18+$0xFFFFFFF0]  }
0x2f1: {  	v47 =	vshll.u32 v46, v1;
	v46 =	vshll.u32 v43, v1;
	v49 =	vmov s26;
	v50 =	vld [tilespmem:s18+$0xFFFFFF30];
	[tilespmem:v3+s10+$0x0] =	vst.idx.msk $0xffff, v2  }
0x2f2: {  	v49 =	vshrl.u32 v49, $0x3;
	v48 =	vadd.s32 v19, v39;
	v43 =	vshll.u32 v58, v1;
	v15 =	vld [tilespmem:$0x1FF00]  }
0x2f3: {  	v51 =	vadd.s32 v4, v34;
	v45 =	vshll.u32 v59, v1;
	v55 =	vadd.s32 v5, v33;
	v19 =	vld [tilespmem:$0x1FFB0]  }
0x2f4: {  	v44 =	vshll.u32 v49, v1;
	v53 =	vadd.s32 v31, v41;
	v41 =	vadd.s32 v22, v9;
	v9 =	vmovc v17;
	v49 =	vld [tilespmem:s18+$0xFFFFFFB0]  }
0x2f5: {  	s19 =	simm.s32 $0x10;
	s23 =	simm.s32 $0xF;
	v17 =	vmovc v30;
	v22 =	vmovc v32;
	v32 =	vmov v27;
	v40 =	vmul.f32 $8.000000000e+00, v40;
	v39 =	vmul.f32 $8.000000000e+00, v63;
	v30 =	vld [tilespmem:$0x1FFD0]  }
.LBB2_11:
0x2f6: {  	_ = 	snop  }
0x2f7: {  	v3 =	vld [tilespmem:s18+$0x30]  }
0x2f8: {  	v0 =	vmov s23;
	v2 =	vadd.s32 v15, v37;
	v4 =	vld [tilespmem:$0x1FF30];
	[tilespmem:v55+s10+$0x0] =	vst.idx.msk $0xffff, v39;
	v63 =	vmul.f32 $8.000000000e+00, v56  }
0x2f9: {  	v36 =	vadd.s32 v19, v36;
	v0 =	vshrl.u32 v0, $0x3;
	[tilespmem:v51+s10+$0x0] =	vst.idx.msk $0xffff, v40;
	v57 =	vld [tilespmem:s18+$0x70];
	v56 =	vmul.f32 $8.000000000e+00, v50  }
0x2fa: {  	v35 =	vadd.s32 v23, v35;
	v0 =	vshll.u32 v0, v1;
	v59 =	vld [tilespmem:s18+$0xB0];
	s18 =	sadd.s32 $0x200, s18;
	v58 =	vmul.f32 $8.000000000e+00, v52;
	[tilespmem:v53+s10+$0x0] =	vst.idx.msk $0xffff, v63  }
0x2fb: {  	v33 =	vadd.s32 v30, v33;
	v40 =	vbroadcast v0, $0x0;
	v0 =	vmul.f32 $8.000000000e+00, v49;
	[tilespmem:v48+s10+$0x0] =	vst.idx.msk $0xffff, v56;
	v53 =	vld [tilespmem:s18+$0xC0]  }
0x2fc: {  	v34 =	vadd.s32 v29, v34;
	v39 =	vmov v38;
	v61 =	vmul.f32 $8.000000000e+00, v54;
	[tilespmem:v41+s10+$0x0] =	vst.idx.msk $0xffff, v58;
	v38 =	vld [tilespmem:s18+$0xFFFFFF00]  }
0x2fd: {  	v41 =	vbroadcast v47, $0x0;
	v63 =	vadd.s32 v32, v40;
	[tilespmem:v2+s10+$0x0] =	vst.idx.msk $0xffff, v0;
	v0 =	vmul.f32 $8.000000000e+00, v3;
	v62 =	vld [tilespmem:s18+$0xFFFFFF40]  }
0x2fe: {  	v2 =	vadd.s32 v6, v39;
	[tilespmem:v36+s10+$0x0] =	vst.idx.msk $0xffff, v61;
	v3 =	vld [tilespmem:s18+$0xFFFFFF80];
	v60 =	vmul.f32 $8.000000000e+00, v57  }
0x2ff: {  	v37 =	vbroadcast v44, $0x0;
	v61 =	vld [tilespmem:s18+$0xFFFFFFC0];
	v48 =	vadd.s32 v8, v41;
	[tilespmem:v35+s10+$0x0] =	vst.idx.msk $0xffff, v0;
	v0 =	vmul.f32 $8.000000000e+00, v59  }
0x300: {  	v42 =	vshll.u32 v42, v1;
	v36 =	vbroadcast v45, $0x0;
	v51 =	vld [tilespmem:s18+$0x0];
	[tilespmem:v33+s10+$0x0] =	vst.idx.msk $0xffff, v60;
	v56 =	vmul.f32 $8.000000000e+00, v53  }
0x301: {  	v45 =	vadd.s32 v12, v37;
	v35 =	vbroadcast v46, $0x0;
	v57 =	vld [tilespmem:s18+$0x40];
	[tilespmem:v34+s10+$0x0] =	vst.idx.msk $0xffff, v0;
	v38 =	vmul.f32 $8.000000000e+00, v38  }
0x302: {  	v44 =	vadd.s32 v16, v36;
	v33 =	vbroadcast v43, $0x0;
	v59 =	vld [tilespmem:s18+$0x80];
	v0 =	vmul.f32 $8.000000000e+00, v62;
	[tilespmem:v63+s10+$0x0] =	vst.idx.msk $0xffff, v56  }
0x303: {  	v58 =	vadd.s32 v20, v35;
	v34 =	vbroadcast v42, $0x0;
	[tilespmem:v2+s10+$0x0] =	vst.idx.msk $0xffff, v38;
	v63 =	vld [tilespmem:s18+$0xD0]  }
0x304: {  	v2 =	vmul.f32 $8.000000000e+00, v3;
	v3 =	vadd.s32 v24, v33;
	[tilespmem:v48+s10+$0x0] =	vst.idx.msk $0xffff, v0;
	v60 =	vld [tilespmem:s18+$0xFFFFFF10]  }
0x305: {  	v47 =	vadd.s32 v28, v34;
	v0 =	vmul.f32 $8.000000000e+00, v61;
	v61 =	vld [tilespmem:s18+$0xFFFFFF50]  }
0x306: {  	v62 =	vmov s19;
	[tilespmem:v45+s10+$0x0] =	vst.idx.msk $0xffff, v2;
	v2 =	vmul.f32 $8.000000000e+00, v51;
	v45 =	vadd.s32 v4, v40;
	v4 =	vld [tilespmem:$0x1FFC0]  }
0x307: {  	v53 =	vadd.s32 v7, v39;
	v42 =	vshrl.u32 v62, $0x3;
	[tilespmem:v44+s10+$0x0] =	vst.idx.msk $0xffff, v0;
	v0 =	vmul.f32 $8.000000000e+00, v57;
	v62 =	vld [tilespmem:s18+$0xFFFFFF90]  }
0x308: {  	v52 =	vadd.s32 v9, v41;
	v55 =	vld [tilespmem:s18+$0xFFFFFFD0];
	[tilespmem:v58+s10+$0x0] =	vst.idx.msk $0xffff, v2;
	v2 =	vmul.f32 $8.000000000e+00, v59  }
0x309: {  	v49 =	vadd.s32 v13, v37;
	v56 =	vld [tilespmem:s18+$0x10];
	[tilespmem:v3+s10+$0x0] =	vst.idx.msk $0xffff, v0;
	v0 =	vmul.f32 $8.000000000e+00, v63  }
0x30a: {  	v63 =	vmul.f32 $8.000000000e+00, v60;
	v60 =	vadd.s32 v17, v36;
	v57 =	vld [tilespmem:s18+$0x50];
	[tilespmem:v47+s10+$0x0] =	vst.idx.msk $0xffff, v2  }
0x30b: {  	v50 =	vadd.s32 v21, v35;
	v61 =	vmul.f32 $8.000000000e+00, v61;
	v58 =	vld [tilespmem:s18+$0x90];
	[tilespmem:v45+s10+$0x0] =	vst.idx.msk $0xffff, v0  }
0x30c: {  	v0 =	vshll.u32 v42, v1;
	[tilespmem:v53+s10+$0x0] =	vst.idx.msk $0xffff, v63;
	v62 =	vmul.f32 $8.000000000e+00, v62;
	v42 =	vadd.s32 v25, v33;
	v45 =	vld [tilespmem:s18+$0xE0]  }
0x30d: {  	s28 =	sadd.s32 $0x3, s19;
	[tilespmem:v52+s10+$0x0] =	vst.idx.msk $0xffff, v61;
	v63 =	vmul.f32 $8.000000000e+00, v55;
	v52 =	vadd.s32 v26, v34;
	v53 =	vld [tilespmem:s18+$0xFFFFFF20]  }
0x30e: {  	v44 =	vmov s28;
	v54 =	vld [tilespmem:s18+$0xFFFFFF60];
	[tilespmem:v49+s10+$0x0] =	vst.idx.msk $0xffff, v62;
	v38 =	vmul.f32 $8.000000000e+00, v56;
	v49 =	vadd.s32 v4, v40  }
0x30f: {  	v59 =	vshrl.u32 v44, $0x3;
	v44 =	vadd.s32 v11, v39;
	v55 =	vld [tilespmem:s18+$0xFFFFFFA0];
	[tilespmem:v60+s10+$0x0] =	vst.idx.msk $0xffff, v63;
	v46 =	vmul.f32 $8.000000000e+00, v57  }
0x310: {  	s31 =	sadd.s32 $0x6, s19;
	v57 =	vadd.s32 v10, v41;
	v60 =	vld [tilespmem:s18+$0xFFFFFFE0];
	[tilespmem:v50+s10+$0x0] =	vst.idx.msk $0xffff, v38;
	v50 =	vmul.f32 $8.000000000e+00, v58  }
0x311: {  	v2 =	vmov s31;
	v58 =	vadd.s32 v14, v37;
	v61 =	vld [tilespmem:s18+$0x20];
	[tilespmem:v42+s10+$0x0] =	vst.idx.msk $0xffff, v46;
	v45 =	vmul.f32 $8.000000000e+00, v45  }
0x312: {  	v62 =	vadd.s32 v18, v36;
	v56 =	vld [tilespmem:$0x1FF50];
	v42 =	vshrl.u32 v2, $0x3;
	v2 =	vmul.f32 $8.000000000e+00, v53;
	[tilespmem:v52+s10+$0x0] =	vst.idx.msk $0xffff, v50  }
0x313: {  	v38 =	vbroadcast v0, $0x0;
	v63 =	vld [tilespmem:s18+$0x60];
	v0 =	vmul.f32 $8.000000000e+00, v54;
	[tilespmem:v49+s10+$0x0] =	vst.idx.msk $0xffff, v45  }
0x314: {  	s29 =	sadd.s32 $0x4, s19;
	v5 =	vld [tilespmem:s18+$0xA0];
	[tilespmem:v44+s10+$0x0] =	vst.idx.msk $0xffff, v2;
	v2 =	vmul.f32 $8.000000000e+00, v55  }
0x315: {  	s25 =	sadd.s32 $0x1, s19;
	v43 =	vmov s29;
	[tilespmem:v57+s10+$0x0] =	vst.idx.msk $0xffff, v0;
	v0 =	vmul.f32 $8.000000000e+00, v60;
	v60 =	vld [tilespmem:$0x1FF90]  }
0x316: {  	s26 =	sadd.s32 $0x2, s19;
	v43 =	vshrl.u32 v43, $0x3;
	v48 =	vmov s25;
	[tilespmem:v58+s10+$0x0] =	vst.idx.msk $0xffff, v2;
	v2 =	vmul.f32 $8.000000000e+00, v61;
	v61 =	vld [tilespmem:$0x1FF80]  }
0x317: {  	p1 =	slt.u32 s19, $0x78;
	s30 =	sadd.s32 $0x5, s19;
	v48 =	vshrl.u32 v48, $0x3;
	v51 =	vmov s26;
	v4 =	vadd.s32 v22, v35;
	[tilespmem:v62+s10+$0x0] =	vst.idx.msk $0xffff, v0;
	v0 =	vld [tilespmem:$0x1FEF0]  }
.Ltmp7:
0x318: {  	v51 =	vshrl.u32 v51, $0x3;
	v3 =	vmov s30;
	v55 =	vadd.s32 v56, v33;
	v56 =	vld [tilespmem:s18+$0xF0];
	(pc) =	sbr.rel @p1 .LBB2_11-.Ltmp7, $4  }
0x319: {  	v3 =	vshrl.u32 v3, $0x3;
	v47 =	vshll.u32 v48, v1;
	v46 =	vshll.u32 v43, v1;
	v50 =	vld [tilespmem:s18+$0xFFFFFF30]  }
0x31a: {  	v43 =	vshll.u32 v3, v1;
	v53 =	vadd.s32 v31, v40;
	v44 =	vshll.u32 v51, v1;
	v52 =	vld [tilespmem:s18+$0xFFFFFF70]  }
0x31b: {  	v45 =	vshll.u32 v59, v1;
	v49 =	vld [tilespmem:s18+$0xFFFFFFB0];
	v40 =	vmul.f32 $8.000000000e+00, v5;
	v51 =	vadd.s32 v60, v34  }
0x31c: {  	s23 =	sadd.s32 $0x7, s19;
	s19 =	sadd.s32 $0x8, s19;
	v54 =	vld [tilespmem:s18+$0xFFFFFFF0];
	[tilespmem:v4+s10+$0x0] =	vst.idx.msk $0xffff, v2;
	v48 =	vadd.s32 v61, v39;
	v39 =	vmul.f32 $8.000000000e+00, v63;
	v41 =	vadd.s32 v0, v41  }
0x31d: {  	_ =	sdelay $0x3  }
0x31e: {  	v0 =	vmov s23;
	v2 =	vadd.s32 v15, v37;
	v3 =	vld [tilespmem:s18+$0x30];
	v4 =	vmul.f32 $8.000000000e+00, v56;
	[tilespmem:v55+s10+$0x0] =	vst.idx.msk $0xffff, v39  }
0x31f: {  	v36 =	vadd.s32 v19, v36;
	[tilespmem:v51+s10+$0x0] =	vst.idx.msk $0xffff, v40;
	v0 =	vshrl.u32 v0, $0x3;
	v5 =	vmul.f32 $8.000000000e+00, v50;
	v55 =	vld [tilespmem:s18+$0x70]  }
0x320: {  	v35 =	vadd.s32 v23, v35;
	s2 =	sadd.s32 $0x200, s18;
	v40 =	vld [tilespmem:s18+$0xB0];
	v0 =	vshll.u32 v0, v1;
	v56 =	vmul.f32 $8.000000000e+00, v52;
	[tilespmem:v53+s10+$0x0] =	vst.idx.msk $0xffff, v4  }
0x321: {  	v33 =	vadd.s32 v30, v33;
	v4 =	vld [tilespmem:s2+$0xC0];
	v0 =	vbroadcast v0, $0x0;
	[tilespmem:v48+s10+$0x0] =	vst.idx.msk $0xffff, v5;
	v5 =	vmul.f32 $8.000000000e+00, v49  }
0x322: {  	v34 =	vadd.s32 v29, v34;
	v57 =	vld [tilespmem:s2+$0xFFFFFF00];
	[tilespmem:v41+s10+$0x0] =	vst.idx.msk $0xffff, v56;
	v58 =	vmul.f32 $8.000000000e+00, v54  }
0x323: {  	v47 =	vbroadcast v47, $0x0;
	v59 =	vld [tilespmem:s2+$0xFFFFFF40];
	v60 =	vadd.s32 v32, v0;
	[tilespmem:v2+s10+$0x0] =	vst.idx.msk $0xffff, v5;
	v2 =	vmul.f32 $8.000000000e+00, v3  }
0x324: {  	v44 =	vbroadcast v44, $0x0;
	v3 =	vadd.s32 v6, v38;
	v5 =	vld [tilespmem:s2+$0xFFFFFF80];
	[tilespmem:v36+s10+$0x0] =	vst.idx.msk $0xffff, v58;
	v61 =	vmul.f32 $8.000000000e+00, v55  }
0x325: {  	v62 =	vadd.s32 v8, v47;
	[tilespmem:v35+s10+$0x0] =	vst.idx.msk $0xffff, v2;
	v2 =	vmul.f32 $8.000000000e+00, v40  }
0x326: {  	v52 =	vadd.s32 v12, v44;
	v4 =	vmul.f32 $8.000000000e+00, v4;
	[tilespmem:v33+s10+$0x0] =	vst.idx.msk $0xffff, v61  }
0x327: {  	v54 =	vmul.f32 $8.000000000e+00, v57;
	[tilespmem:v34+s10+$0x0] =	vst.idx.msk $0xffff, v2  }
0x328: {  	v2 =	vmul.f32 $8.000000000e+00, v59;
	[tilespmem:v60+s10+$0x0] =	vst.idx.msk $0xffff, v4  }
0x329: {  	v63 =	vld [tilespmem:s2+$0xFFFFFFC0];
	[tilespmem:v3+s10+$0x0] =	vst.idx.msk $0xffff, v54;
	v3 =	vmul.f32 $8.000000000e+00, v5  }
0x32a: {  	v45 =	vbroadcast v45, $0x0;
	v53 =	vld [tilespmem:s2+$0x0];
	[tilespmem:v62+s10+$0x0] =	vst.idx.msk $0xffff, v2  }
0x32b: {  	v46 =	vbroadcast v46, $0x0;
	v56 =	vld [tilespmem:s2+$0x40];
	[tilespmem:v52+s10+$0x0] =	vst.idx.msk $0xffff, v3  }
0x32c: {  	v42 =	vshll.u32 v42, v1;
	v43 =	vbroadcast v43, $0x0;
	v55 =	vadd.s32 v16, v45;
	v51 =	vld [tilespmem:$0x1FF30]  }
0x32d: {  	v42 =	vbroadcast v42, $0x0;
	v57 =	vadd.s32 v20, v46;
	v58 =	vld [tilespmem:s2+$0x80]  }
0x32e: {  	v4 =	vadd.s32 v24, v43;
	v33 =	vld [tilespmem:s2+$0xFFFFFF10]  }
0x32f: {  	v59 =	vadd.s32 v28, v42;
	v5 =	vld [tilespmem:s2+$0xD0];
	v2 =	vmul.f32 $8.000000000e+00, v63  }
0x330: {  	v62 =	vadd.s32 v7, v38;
	v60 =	vld [tilespmem:s2+$0xFFFFFF50];
	v3 =	vmul.f32 $8.000000000e+00, v53  }
0x331: {  	v63 =	vld [tilespmem:s2+$0xFFFFFF90];
	[tilespmem:v55+s10+$0x0] =	vst.idx.msk $0xffff, v2;
	v2 =	vmul.f32 $8.000000000e+00, v56;
	v61 =	vadd.s32 v51, v0  }
0x332: {  	v52 =	vadd.s32 v9, v47;
	[tilespmem:v57+s10+$0x0] =	vst.idx.msk $0xffff, v3;
	v3 =	vmul.f32 $8.000000000e+00, v58  }
0x333: {  	v54 =	vadd.s32 v13, v44;
	[tilespmem:v4+s10+$0x0] =	vst.idx.msk $0xffff, v2;
	v4 =	vmul.f32 $8.000000000e+00, v33  }
0x334: {  	v2 =	vmul.f32 $8.000000000e+00, v5;
	[tilespmem:v59+s10+$0x0] =	vst.idx.msk $0xffff, v3  }
0x335: {  	v3 =	vmul.f32 $8.000000000e+00, v60;
	[tilespmem:v62+s10+$0x0] =	vst.idx.msk $0xffff, v4  }
0x336: {  	v53 =	vld [tilespmem:s2+$0xFFFFFFD0];
	[tilespmem:v61+s10+$0x0] =	vst.idx.msk $0xffff, v2;
	v2 =	vmul.f32 $8.000000000e+00, v63  }
0x337: {  	v55 =	vld [tilespmem:s2+$0x10];
	[tilespmem:v52+s10+$0x0] =	vst.idx.msk $0xffff, v3  }
0x338: {  	v56 =	vld [tilespmem:s2+$0x50];
	[tilespmem:v54+s10+$0x0] =	vst.idx.msk $0xffff, v2  }
0x339: {  	v5 =	vadd.s32 v17, v45;
	v63 =	vld [tilespmem:$0x1FFC0]  }
0x33a: {  	v57 =	vadd.s32 v21, v46;
	v58 =	vld [tilespmem:s2+$0x90]  }
0x33b: {  	v4 =	vadd.s32 v25, v43;
	v40 =	vld [tilespmem:s2+$0xFFFFFF20]  }
0x33c: {  	v36 =	vadd.s32 v26, v42;
	v3 =	vmul.f32 $8.000000000e+00, v53;
	v35 =	vld [tilespmem:s2+$0xE0]  }
0x33d: {  	v52 =	vadd.s32 v11, v38;
	v59 =	vld [tilespmem:s2+$0xFFFFFF60];
	v2 =	vmul.f32 $8.000000000e+00, v55  }
0x33e: {  	[tilespmem:v5+s10+$0x0] =	vst.idx.msk $0xffff, v3;
	v3 =	vmul.f32 $8.000000000e+00, v56;
	v62 =	vadd.s32 v63, v0  }
0x33f: {  	v53 =	vld [tilespmem:s2+$0xFFFFFFA0];
	v5 =	vadd.s32 v10, v47;
	[tilespmem:v57+s10+$0x0] =	vst.idx.msk $0xffff, v2;
	v2 =	vmul.f32 $8.000000000e+00, v58  }
0x340: {  	v54 =	vld [tilespmem:s2+$0xFFFFFFE0];
	[tilespmem:v4+s10+$0x0] =	vst.idx.msk $0xffff, v3;
	v4 =	vmul.f32 $8.000000000e+00, v40  }
0x341: {  	v55 =	vadd.s32 v14, v44;
	v3 =	vmul.f32 $8.000000000e+00, v35;
	[tilespmem:v36+s10+$0x0] =	vst.idx.msk $0xffff, v2  }
0x342: {  	v57 =	vadd.s32 v18, v45;
	v56 =	vld [tilespmem:s2+$0x20];
	v2 =	vmul.f32 $8.000000000e+00, v59;
	[tilespmem:v52+s10+$0x0] =	vst.idx.msk $0xffff, v4  }
0x343: {  	v58 =	vld [tilespmem:s2+$0x60];
	[tilespmem:v62+s10+$0x0] =	vst.idx.msk $0xffff, v3  }
0x344: {  	v3 =	vmul.f32 $8.000000000e+00, v53;
	v4 =	vld [tilespmem:$0x1FF50];
	[tilespmem:v5+s10+$0x0] =	vst.idx.msk $0xffff, v2  }
0x345: {  	v2 =	vmul.f32 $8.000000000e+00, v54;
	v5 =	vld [tilespmem:$0x1FF90]  }
0x346: {  	v60 =	vld [tilespmem:s2+$0xA0];
	[tilespmem:v55+s10+$0x0] =	vst.idx.msk $0xffff, v3  }
0x347: {  	v37 =	vld [tilespmem:$0x1FF80];
	[tilespmem:v57+s10+$0x0] =	vst.idx.msk $0xffff, v2  }
0x348: {  	v59 =	vadd.s32 v22, v46;
	v35 =	vld [tilespmem:$0x1FEF0]  }
0x349: {  	v34 =	vld [tilespmem:s2+$0xF0];
	v4 =	vadd.s32 v4, v43  }
0x34a: {  	v41 =	vld [tilespmem:s2+$0xFFFFFF30];
	v5 =	vadd.s32 v5, v42  }
0x34b: {  	v0 =	vadd.s32 v31, v0;
	v61 =	vld [tilespmem:s2+$0xFFFFFF70];
	v3 =	vmul.f32 $8.000000000e+00, v56  }
0x34c: {  	v62 =	vld [tilespmem:s2+$0xFFFFFFB0];
	v2 =	vmul.f32 $8.000000000e+00, v58;
	v37 =	vadd.s32 v37, v38  }
0x34d: {  	[tilespmem:v59+s10+$0x0] =	vst.idx.msk $0xffff, v3;
	v3 =	vmul.f32 $8.000000000e+00, v60;
	v35 =	vadd.s32 v35, v47;
	v47 =	vld [tilespmem:s2+$0xFFFFFFF0]  }
0x34e: {  	v48 =	vadd.s32 v15, v44;
	v49 =	vld [tilespmem:s2+$0x30];
	[tilespmem:v4+s10+$0x0] =	vst.idx.msk $0xffff, v2;
	v2 =	vmul.f32 $8.000000000e+00, v34  }
0x34f: {  	v50 =	vadd.s32 v19, v45;
	v4 =	vmul.f32 $8.000000000e+00, v41;
	v52 =	vld [tilespmem:s2+$0x70];
	[tilespmem:v5+s10+$0x0] =	vst.idx.msk $0xffff, v3  }
0x350: {  	v3 =	vmul.f32 $8.000000000e+00, v61;
	v5 =	vadd.s32 v23, v46;
	v53 =	vld [tilespmem:s2+$0xB0];
	[tilespmem:v0+s10+$0x0] =	vst.idx.msk $0xffff, v2  }
0x351: {  	[tilespmem:v37+s10+$0x0] =	vst.idx.msk $0xffff, v4;
	v0 =	vmul.f32 $8.000000000e+00, v62;
	v2 =	vadd.s32 v30, v43  }
0x352: {  	v4 =	vadd.s32 v29, v42;
	[tilespmem:v35+s10+$0x0] =	vst.idx.msk $0xffff, v3;
	v3 =	vmul.f32 $8.000000000e+00, v47  }
0x353: {  	[tilespmem:v48+s10+$0x0] =	vst.idx.msk $0xffff, v0;
	v0 =	vmul.f32 $8.000000000e+00, v49  }
0x354: {  	[tilespmem:v50+s10+$0x0] =	vst.idx.msk $0xffff, v3;
	v3 =	vmul.f32 $8.000000000e+00, v52  }
0x355: {  	[tilespmem:v5+s10+$0x0] =	vst.idx.msk $0xffff, v0;
	v0 =	vmul.f32 $8.000000000e+00, v53  }
0x356: {  	[tilespmem:v2+s10+$0x0] =	vst.idx.msk $0xffff, v3  }
0x357: {  	[tilespmem:v4+s10+$0x0] =	vst.idx.msk $0xffff, v0  }
0x358: {  	s5 =	rddreg [dreg:$0x14]  }
0x359: {  	s18 =	sadd.s32 s16, s5  }
0x35a: {  	[hbm4b:s18+s3] =	stream.linear.scatter [tilespmem:s10], [sflag:$0x5], $0x80, $0x38;
	[tilespmem:$0x12800] =	vst v63  }
0x35b: {  	s23 =	simm.s32 $0xE488;
	s19 =	sadd.s32 $0x10, s18  }
0x35c: {  	[hbm4b:s19+s3] =	stream.linear.scatter [tilespmem:s23], [sflag:$0x5], $0x80, $0x38;
	[tilespmem:$0x12800] =	vst v63  }
0x35d: {  	s24 =	simm.s32 $0xE510;
	s6 =	sadd.s32 $0x20, s18  }
0x35e: {  	[hbm4b:s6+s3] =	stream.linear.scatter [tilespmem:s24], [sflag:$0x5], $0x80, $0x38;
	[tilespmem:$0x12800] =	vst v63  }
0x35f: {  	s7 =	sadd.s32 $0x30, s18;
	s24 =	simm.s32 $0xE598  }
0x360: {  	[hbm4b:s7+s3] =	stream.linear.scatter [tilespmem:s24], [sflag:$0x5], $0x80, $0x38;
	[tilespmem:$0x12800] =	vst v63  }
0x361: {  	s26 =	simm.s32 $0xE620;
	s8 =	sadd.s32 $0x40, s18  }
0x362: {  	[hbm4b:s8+s3] =	stream.linear.scatter [tilespmem:s26], [sflag:$0x5], $0x80, $0x38;
	[tilespmem:$0x12800] =	vst v63  }
0x363: {  	s9 =	sadd.s32 $0x50, s18;
	s26 =	simm.s32 $0xE6A8  }
0x364: {  	[hbm4b:s9+s3] =	stream.linear.scatter [tilespmem:s26], [sflag:$0x5], $0x80, $0x38;
	[tilespmem:$0x12800] =	vst v63  }
0x365: {  	s28 =	simm.s32 $0xE730;
	s25 =	sadd.s32 $0x60, s18  }
0x366: {  	[hbm4b:s25+s3] =	stream.linear.scatter [tilespmem:s28], [sflag:$0x5], $0x80, $0x38;
	[tilespmem:$0x12800] =	vst v63  }
0x367: {  	s0 =	rddreg [dreg:$0x15];
	s18 =	sadd.s32 $0x70, s18;
	s28 =	simm.s32 $0xE7B8  }
0x368: {  	[hbm4b:s18+s3] =	stream.linear.scatter [tilespmem:s28], [sflag:$0x5], $0x80, $0x38;
	[tilespmem:$0x12800] =	vst v63  }
0x369: {  	s1 =	simm.s32 $0xE840;
	s18 =	sadd.s32 s16, s0  }
0x36a: {  	[hbm4b:s18+s3] =	stream.linear.scatter [tilespmem:s1], [sflag:$0x5], $0x80, $0x38;
	[tilespmem:$0x12800] =	vst v63  }
0x36b: {  	s29 =	simm.s32 $0xE8C8;
	s2 =	sadd.s32 $0x10, s18  }
0x36c: {  	[hbm4b:s2+s3] =	stream.linear.scatter [tilespmem:s29], [sflag:$0x5], $0x80, $0x38;
	[tilespmem:$0x12800] =	vst v63  }
0x36d: {  	s5 =	sadd.s32 $0x20, s18;
	s29 =	simm.s32 $0xE950  }
0x36e: {  	[hbm4b:s5+s3] =	stream.linear.scatter [tilespmem:s29], [sflag:$0x5], $0x80, $0x38;
	[tilespmem:$0x12800] =	vst v63  }
0x36f: {  	s30 =	simm.s32 $0xE9D8;
	s6 =	sadd.s32 $0x30, s18  }
0x370: {  	[hbm4b:s6+s3] =	stream.linear.scatter [tilespmem:s30], [sflag:$0x5], $0x80, $0x38;
	[tilespmem:$0x12800] =	vst v63  }
0x371: {  	s7 =	sadd.s32 $0x40, s18;
	s30 =	simm.s32 $0xEA60  }
0x372: {  	[hbm4b:s7+s3] =	stream.linear.scatter [tilespmem:s30], [sflag:$0x5], $0x80, $0x38;
	[tilespmem:$0x12800] =	vst v63  }
0x373: {  	s31 =	simm.s32 $0xEAE8;
	s8 =	sadd.s32 $0x50, s18  }
0x374: {  	[hbm4b:s8+s3] =	stream.linear.scatter [tilespmem:s31], [sflag:$0x5], $0x80, $0x38;
	[tilespmem:$0x12800] =	vst v63  }
0x375: {  	s9 =	sadd.s32 $0x60, s18;
	s31 =	simm.s32 $0xEB70  }
0x376: {  	[hbm4b:s9+s3] =	stream.linear.scatter [tilespmem:s31], [sflag:$0x5], $0x80, $0x38;
	[tilespmem:$0x12800] =	vst v63  }
0x377: {  	s25 =	simm.s32 $0xEBF8;
	s0 =	rddreg [dreg:$0x16];
	s18 =	sadd.s32 $0x70, s18  }
0x378: {  	[hbm4b:s18+s3] =	stream.linear.scatter [tilespmem:s25], [sflag:$0x5], $0x80, $0x38;
	[tilespmem:$0x12800] =	vst v63  }
0x379: {  	s1 =	simm.s32 $0xEC80;
	s18 =	sadd.s32 s16, s0  }
0x37a: {  	[hbm4b:s18+s3] =	stream.linear.scatter [tilespmem:s1], [sflag:$0x5], $0x80, $0x38;
	[tilespmem:$0x12800] =	vst v63  }
0x37b: {  	s2 =	sadd.s32 $0x10, s18;
	s1 =	simm.s32 $0xED08  }
0x37c: {  	[hbm4b:s2+s3] =	stream.linear.scatter [tilespmem:s1], [sflag:$0x5], $0x80, $0x38;
	[tilespmem:$0x12800] =	vst v63  }
0x37d: {  	s5 =	sadd.s32 $0x20, s18;
	s1 =	simm.s32 $0xED90  }
0x37e: {  	[hbm4b:s5+s3] =	stream.linear.scatter [tilespmem:s1], [sflag:$0x5], $0x80, $0x38;
	[tilespmem:$0x12800] =	vst v63  }
0x37f: {  	s0 =	simm.s32 $0xEE18;
	s6 =	sadd.s32 $0x30, s18  }
0x380: {  	[hbm4b:s6+s3] =	stream.linear.scatter [tilespmem:s0], [sflag:$0x5], $0x80, $0x38;
	[tilespmem:$0x12800] =	vst v63  }
0x381: {  	s7 =	sadd.s32 $0x40, s18;
	s0 =	simm.s32 $0xEEA0  }
0x382: {  	[hbm4b:s7+s3] =	stream.linear.scatter [tilespmem:s0], [sflag:$0x5], $0x80, $0x38;
	[tilespmem:$0x12800] =	vst v63  }
0x383: {  	s8 =	sadd.s32 $0x50, s18;
	s5 =	simm.s32 $0xEF28  }
0x384: {  	[hbm4b:s8+s3] =	stream.linear.scatter [tilespmem:s5], [sflag:$0x5], $0x80, $0x38;
	[tilespmem:$0x12800] =	vst v63  }
0x385: {  	s9 =	sadd.s32 $0x60, s18;
	s5 =	simm.s32 $0xEFB0  }
0x386: {  	[hbm4b:s9+s3] =	stream.linear.scatter [tilespmem:s5], [sflag:$0x5], $0x80, $0x38;
	[tilespmem:$0x12800] =	vst v63  }
0x387: {  	s25 =	simm.s32 $0xF038;
	s18 =	sadd.s32 $0x70, s18;
	s2 =	rddreg [dreg:$0x18]  }
0x388: {  	[hbm4b:s18+s3] =	stream.linear.scatter [tilespmem:s25], [sflag:$0x5], $0x80, $0x38;
	[tilespmem:$0x12800] =	vst v63  }
0x389: {  	s6 =	simm.s32 $0xF0C0;
	s18 =	sadd.s32 s16, s2  }
0x38a: {  	[hbm4b:s18+s3] =	stream.linear.scatter [tilespmem:s6], [sflag:$0x5], $0x80, $0x38;
	[tilespmem:$0x12800] =	vst v63  }
0x38b: {  	s25 =	simm.s32 $0xF148;
	s7 =	sadd.s32 $0x10, s18  }
0x38c: {  	[hbm4b:s7+s3] =	stream.linear.scatter [tilespmem:s25], [sflag:$0x5], $0x80, $0x38;
	[tilespmem:$0x12800] =	vst v63  }
0x38d: {  	s8 =	sadd.s32 $0x20, s18;
	s25 =	simm.s32 $0xF1D0  }
0x38e: {  	[hbm4b:s8+s3] =	stream.linear.scatter [tilespmem:s25], [sflag:$0x5], $0x80, $0x38;
	[tilespmem:$0x12800] =	vst v63  }
0x38f: {  	s2 =	simm.s32 $0xF258;
	s9 =	sadd.s32 $0x30, s18  }
0x390: {  	[hbm4b:s9+s3] =	stream.linear.scatter [tilespmem:s2], [sflag:$0x5], $0x80, $0x38;
	[tilespmem:$0x12800] =	vst v63  }
0x391: {  	s6 =	sadd.s32 $0x40, s18;
	s2 =	simm.s32 $0xF2E0  }
0x392: {  	[hbm4b:s6+s3] =	stream.linear.scatter [tilespmem:s2], [sflag:$0x5], $0x80, $0x38;
	[tilespmem:$0x12800] =	vst v63  }
0x393: {  	s7 =	sadd.s32 $0x50, s18;
	s6 =	simm.s32 $0xF368  }
0x394: {  	[hbm4b:s7+s3] =	stream.linear.scatter [tilespmem:s6], [sflag:$0x5], $0x80, $0x38;
	[tilespmem:$0x12800] =	vst v63  }
0x395: {  	s8 =	sadd.s32 $0x60, s18;
	s6 =	simm.s32 $0xF3F0  }
0x396: {  	[hbm4b:s8+s3] =	stream.linear.scatter [tilespmem:s6], [sflag:$0x5], $0x80, $0x38;
	[tilespmem:$0x12800] =	vst v63  }
0x397: {  	s18 =	sadd.s32 $0x70, s18;
	s9 =	simm.s32 $0xF478;
	s7 =	rddreg [dreg:$0x19]  }
0x398: {  	[hbm4b:s18+s3] =	stream.linear.scatter [tilespmem:s9], [sflag:$0x5], $0x80, $0x38;
	[tilespmem:$0x12800] =	vst v63  }
0x399: {  	s8 =	simm.s32 $0xF500;
	s18 =	sadd.s32 s16, s7  }
0x39a: {  	[hbm4b:s18+s3] =	stream.linear.scatter [tilespmem:s8], [sflag:$0x5], $0x80, $0x38;
	[tilespmem:$0x12800] =	vst v63  }
0x39b: {  	s7 =	simm.s32 $0xF588;
	s9 =	sadd.s32 $0x10, s18  }
0x39c: {  	[hbm4b:s9+s3] =	stream.linear.scatter [tilespmem:s7], [sflag:$0x5], $0x80, $0x38;
	[tilespmem:$0x12800] =	vst v63  }
0x39d: {  	s8 =	sadd.s32 $0x20, s18;
	s7 =	simm.s32 $0xF610  }
0x39e: {  	[hbm4b:s8+s3] =	stream.linear.scatter [tilespmem:s7], [sflag:$0x5], $0x80, $0x38;
	[tilespmem:$0x12800] =	vst v63  }
0x39f: {  	s9 =	sadd.s32 $0x30, s18;
	s8 =	simm.s32 $0xF698  }
0x3a0: {  	[hbm4b:s9+s3] =	stream.linear.scatter [tilespmem:s8], [sflag:$0x5], $0x80, $0x38;
	[tilespmem:$0x12800] =	vst v63  }
0x3a1: {  	s9 =	sadd.s32 $0x40, s18;
	s8 =	simm.s32 $0xF720  }
0x3a2: {  	[hbm4b:s9+s3] =	stream.linear.scatter [tilespmem:s8], [sflag:$0x5], $0x80, $0x38;
	[tilespmem:$0x12800] =	vst v63  }
0x3a3: {  	s19 =	sadd.s32 $0x50, s18;
	s9 =	simm.s32 $0xF7A8  }
0x3a4: {  	[hbm4b:s19+s3] =	stream.linear.scatter [tilespmem:s9], [sflag:$0x5], $0x80, $0x38;
	[tilespmem:$0x12800] =	vst v63  }
0x3a5: {  	s19 =	sadd.s32 $0x60, s18;
	s9 =	simm.s32 $0xF830  }
0x3a6: {  	[hbm4b:s19+s3] =	stream.linear.scatter [tilespmem:s9], [sflag:$0x5], $0x80, $0x38;
	[tilespmem:$0x12800] =	vst v63  }
0x3a7: {  	s18 =	sadd.s32 $0x70, s18;
	s19 =	simm.s32 $0xF8B8;
	s9 =	rddreg [dreg:$0x1a]  }
0x3a8: {  	[hbm4b:s18+s3] =	stream.linear.scatter [tilespmem:s19], [sflag:$0x5], $0x80, $0x38;
	[tilespmem:$0x12800] =	vst v63  }
0x3a9: {  	s18 =	sadd.s32 s16, s9;
	s19 =	simm.s32 $0xF940  }
0x3aa: {  	[hbm4b:s18+s3] =	stream.linear.scatter [tilespmem:s19], [sflag:$0x5], $0x80, $0x38;
	[tilespmem:$0x12800] =	vst v63  }
0x3ab: {  	s9 =	simm.s32 $0xF9C8;
	s19 =	sadd.s32 $0x10, s18  }
0x3ac: {  	[hbm4b:s19+s3] =	stream.linear.scatter [tilespmem:s9], [sflag:$0x5], $0x80, $0x38;
	[tilespmem:$0x12800] =	vst v63  }
0x3ad: {  	s19 =	sadd.s32 $0x20, s18;
	s9 =	simm.s32 $0xFA50  }
0x3ae: {  	[hbm4b:s19+s3] =	stream.linear.scatter [tilespmem:s9], [sflag:$0x5], $0x80, $0x38;
	[tilespmem:$0x12800] =	vst v63  }
0x3af: {  	s19 =	sadd.s32 $0x30, s18;
	s9 =	simm.s32 $0xFAD8  }
0x3b0: {  	[hbm4b:s19+s3] =	stream.linear.scatter [tilespmem:s9], [sflag:$0x5], $0x80, $0x38;
	[tilespmem:$0x12800] =	vst v63  }
0x3b1: {  	s19 =	sadd.s32 $0x40, s18;
	s9 =	simm.s32 $0xFB60  }
0x3b2: {  	[hbm4b:s19+s3] =	stream.linear.scatter [tilespmem:s9], [sflag:$0x5], $0x80, $0x38;
	[tilespmem:$0x12800] =	vst v63  }
0x3b3: {  	s19 =	sadd.s32 $0x50, s18;
	s9 =	simm.s32 $0xFBE8  }
0x3b4: {  	[hbm4b:s19+s3] =	stream.linear.scatter [tilespmem:s9], [sflag:$0x5], $0x80, $0x38;
	[tilespmem:$0x12800] =	vst v63  }
0x3b5: {  	s19 =	sadd.s32 $0x60, s18;
	s9 =	simm.s32 $0xFC70  }
0x3b6: {  	[hbm4b:s19+s3] =	stream.linear.scatter [tilespmem:s9], [sflag:$0x5], $0x80, $0x38;
	[tilespmem:$0x12800] =	vst v63  }
0x3b7: {  	s18 =	sadd.s32 $0x70, s18;
	s19 =	simm.s32 $0xFCF8;
	s9 =	rddreg [dreg:$0x1b]  }
0x3b8: {  	[hbm4b:s18+s3] =	stream.linear.scatter [tilespmem:s19], [sflag:$0x5], $0x80, $0x38;
	[tilespmem:$0x12800] =	vst v63  }
0x3b9: {  	s18 =	sadd.s32 s16, s9;
	s19 =	simm.s32 $0xFD80  }
0x3ba: {  	[hbm4b:s18+s3] =	stream.linear.scatter [tilespmem:s19], [sflag:$0x5], $0x80, $0x38;
	[tilespmem:$0x12800] =	vst v63  }
0x3bb: {  	s9 =	simm.s32 $0xFE08;
	s19 =	sadd.s32 $0x10, s18  }
0x3bc: {  	[hbm4b:s19+s3] =	stream.linear.scatter [tilespmem:s9], [sflag:$0x5], $0x80, $0x38;
	[tilespmem:$0x12800] =	vst v63  }
0x3bd: {  	s19 =	sadd.s32 $0x20, s18;
	s9 =	simm.s32 $0xFE90  }
0x3be: {  	[hbm4b:s19+s3] =	stream.linear.scatter [tilespmem:s9], [sflag:$0x5], $0x80, $0x38;
	[tilespmem:$0x12800] =	vst v63  }
0x3bf: {  	s19 =	sadd.s32 $0x30, s18;
	s9 =	simm.s32 $0xFF18  }
0x3c0: {  	[hbm4b:s19+s3] =	stream.linear.scatter [tilespmem:s9], [sflag:$0x5], $0x80, $0x38;
	[tilespmem:$0x12800] =	vst v63  }
0x3c1: {  	s19 =	sadd.s32 $0x40, s18;
	s9 =	simm.s32 $0xFFA0  }
0x3c2: {  	[hbm4b:s19+s3] =	stream.linear.scatter [tilespmem:s9], [sflag:$0x5], $0x80, $0x38;
	[tilespmem:$0x12800] =	vst v63  }
0x3c3: {  	s19 =	sadd.s32 $0x50, s18;
	s9 =	simm.s32 $0x10028  }
0x3c4: {  	[hbm4b:s19+s3] =	stream.linear.scatter [tilespmem:s9], [sflag:$0x5], $0x80, $0x38;
	[tilespmem:$0x12800] =	vst v63  }
0x3c5: {  	s19 =	sadd.s32 $0x60, s18;
	s9 =	simm.s32 $0x100B0  }
0x3c6: {  	[hbm4b:s19+s3] =	stream.linear.scatter [tilespmem:s9], [sflag:$0x5], $0x80, $0x38;
	[tilespmem:$0x12800] =	vst v63  }
0x3c7: {  	s18 =	sadd.s32 $0x70, s18;
	s19 =	simm.s32 $0x10138;
	s9 =	rddreg [dreg:$0x1c]  }
0x3c8: {  	[hbm4b:s18+s3] =	stream.linear.scatter [tilespmem:s19], [sflag:$0x5], $0x80, $0x38;
	[tilespmem:$0x12800] =	vst v63  }
0x3c9: {  	s18 =	sadd.s32 s16, s9;
	s19 =	simm.s32 $0x101C0  }
0x3ca: {  	[hbm4b:s18+s3] =	stream.linear.scatter [tilespmem:s19], [sflag:$0x5], $0x80, $0x38;
	[tilespmem:$0x12800] =	vst v63  }
0x3cb: {  	s9 =	simm.s32 $0x10248;
	s19 =	sadd.s32 $0x10, s18  }
0x3cc: {  	[hbm4b:s19+s3] =	stream.linear.scatter [tilespmem:s9], [sflag:$0x5], $0x80, $0x38;
	[tilespmem:$0x12800] =	vst v63  }
0x3cd: {  	s19 =	sadd.s32 $0x20, s18;
	s9 =	simm.s32 $0x102D0  }
0x3ce: {  	[hbm4b:s19+s3] =	stream.linear.scatter [tilespmem:s9], [sflag:$0x5], $0x80, $0x38;
	[tilespmem:$0x12800] =	vst v63  }
0x3cf: {  	s19 =	sadd.s32 $0x30, s18;
	s9 =	simm.s32 $0x10358  }
0x3d0: {  	[hbm4b:s19+s3] =	stream.linear.scatter [tilespmem:s9], [sflag:$0x5], $0x80, $0x38;
	[tilespmem:$0x12800] =	vst v63  }
0x3d1: {  	s19 =	sadd.s32 $0x40, s18;
	s9 =	simm.s32 $0x103E0  }
0x3d2: {  	[hbm4b:s19+s3] =	stream.linear.scatter [tilespmem:s9], [sflag:$0x5], $0x80, $0x38;
	[tilespmem:$0x12800] =	vst v63  }
0x3d3: {  	s19 =	sadd.s32 $0x50, s18;
	s9 =	simm.s32 $0x10468  }
0x3d4: {  	[hbm4b:s19+s3] =	stream.linear.scatter [tilespmem:s9], [sflag:$0x5], $0x80, $0x38;
	[tilespmem:$0x12800] =	vst v63  }
0x3d5: {  	s19 =	sadd.s32 $0x60, s18;
	s9 =	simm.s32 $0x104F0  }
0x3d6: {  	[hbm4b:s19+s3] =	stream.linear.scatter [tilespmem:s9], [sflag:$0x5], $0x80, $0x38;
	[tilespmem:$0x12800] =	vst v63  }
0x3d7: {  	s18 =	sadd.s32 $0x70, s18;
	s19 =	simm.s32 $0x10578  }
0x3d8: {  	[hbm4b:s18+s3] =	stream.linear.scatter [tilespmem:s19], [sflag:$0x5], $0x80, $0x38;
	[tilespmem:$0x12800] =	vst v63  }
0x3d9: {  	s17 =	sadd.s32 @!p0 $0x300, s17;
	s18 =	simm.s32 @!p0 $0x80;
	s19 =	simm.s32 @!p0 $0xA400  }
0x3da: {  	[tilespmem:s19], [sflag:$0x3] =	stream.indirect.gather @!p0 [hbm4b:s4+s18], $0x40, s17, s18, $0xb8;
	[tilespmem:$0x12800] =	vst v63  }
0x3db: {  	_ =	swait.ge [sflag:s13], $0x2000  }
0x3dc: {  	[sflag:s13] =	ssyncset.done $0x0  }
0x3dd: {  	[sflag:s13] =	ssyncadd.s32 $0xFFFFE000  }
0x3de: {  	_ =	swait.ge [sflag:s21], $0x400  }
0x3df: {  	[sflag:s21] =	ssyncset.done $0x0  }
0x3e0: {  	[sflag:s21] =	ssyncadd.s32 $0xFFFFFC00  }
0x3e1: {  	_ =	swait.ge [sflag:s21], $0x400  }
0x3e2: {  	[sflag:s21] =	ssyncset.done $0x0  }
0x3e3: {  	[sflag:s21] =	ssyncadd.s32 $0xFFFFFC00  }
0x3e4: {  	_ =	swait.ge [sflag:s21], $0x400  }
0x3e5: {  	[sflag:s21] =	ssyncset.done $0x0  }
0x3e6: {  	[sflag:s21] =	ssyncadd.s32 $0xFFFFFC00  }
0x3e7: {  	_ =	swait.ge [sflag:s21], $0x400  }
0x3e8: {  	[sflag:s21] =	ssyncset.done $0x0  }
0x3e9: {  	[sflag:s21] =	ssyncadd.s32 $0xFFFFFC00  }
0x3ea: {  	_ =	swait.ge [sflag:s21], $0x400  }
0x3eb: {  	[sflag:s21] =	ssyncset.done $0x0  }
0x3ec: {  	[sflag:s21] =	ssyncadd.s32 $0xFFFFFC00  }
0x3ed: {  	_ =	swait.ge [sflag:s21], $0x400  }
0x3ee: {  	s9 =	simm.s32 $0x0;
	[sflag:s21] =	ssyncset.done $0x0  }
0x3ef: {  	v0 =	vmov s9;
	s9 =	simm.s32 $0x3;
	[sflag:s21] =	ssyncadd.s32 $0xFFFFFC00  }
0x3f0: {  	v4 =	vmov s9;
	s9 =	simm.s32 $0x6;
	s18 =	simm.s32 $0x1;
	_ =	swait.ge [sflag:s21], $0x400  }
0x3f1: {  	v0 =	vshrl.u32 v0, $0x3;
	v55 =	vmov s9;
	v2 =	vmov s18;
	s18 =	simm.s32 $0x4;
	[sflag:s21] =	ssyncset.done $0x0  }
0x3f2: {  	v0 =	vshll.u32 v0, v1;
	v4 =	vshrl.u32 v4, $0x3;
	v5 =	vmov s18;
	s18 =	simm.s32 $0x7;
	[sflag:s21] =	ssyncadd.s32 $0xFFFFFC00  }
0x3f3: {  	s19 =	simm.s32 $0x2;
	v34 =	vshrl.u32 v55, $0x3;
	v39 =	vbroadcast v0, $0x0;
	v56 =	vmov s18;
	_ =	swait.ge [sflag:s21], $0x400  }
0x3f4: {  	v4 =	vshll.u32 v4, v1;
	v3 =	vmov s19;
	s19 =	simm.s32 $0x5;
	v35 =	vshrl.u32 v56, $0x3;
	[sflag:s21] =	ssyncset.done $0x0  }
0x3f5: {  	s17 =	simm.s32 $0xC500;
	v36 =	vbroadcast v4, $0x0;
	v54 =	vmov s19;
	v35 =	vshll.u32 v35, v1;
	[sflag:s21] =	ssyncadd.s32 $0xFFFFFC00  }
0x3f6: {  	v2 =	vshrl.u32 v2, $0x3;
	v3 =	vshrl.u32 v3, $0x3;
	v41 =	vbroadcast v35, $0x0;
	v0 =	vld [tilespmem:s17+$0xC0]  }
0x3f7: {  	v59 =	vadd.s32 v6, v39;
	v5 =	vshrl.u32 v5, $0x3;
	v2 =	vshll.u32 v2, v1;
	v57 =	vld [tilespmem:s17+$0xFFFFFF00]  }
0x3f8: {  	v3 =	vshll.u32 v3, v1;
	v40 =	vbroadcast v2, $0x0;
	v2 =	vadd.s32 v32, v41;
	v58 =	vld [tilespmem:s17+$0xFFFFFF40]  }
0x3f9: {  	v33 =	vshrl.u32 v54, $0x3;
	v60 =	vadd.s32 v16, v36;
	v37 =	vbroadcast v3, $0x0;
	v52 =	vld [tilespmem:s17+$0xFFFFFF80]  }
0x3fa: {  	v5 =	vshll.u32 v5, v1;
	v33 =	vshll.u32 v33, v1;
	v53 =	vadd.s32 v8, v40;
	v54 =	vld [tilespmem:s17+$0xFFFFFFC0]  }
0x3fb: {  	v4 =	vadd.s32 v12, v37;
	v35 =	vbroadcast v5, $0x0;
	v55 =	vld [tilespmem:s17+$0x0];
	v0 =	vmul.f32 $8.000000000e+00, v0  }
0x3fc: {  	v3 =	vshll.u32 v34, v1;
	v33 =	vbroadcast v33, $0x0;
	v61 =	vld [tilespmem:s17+$0x40];
	v5 =	vmul.f32 $8.000000000e+00, v57  }
0x3fd: {  	v34 =	vbroadcast v3, $0x0;
	v62 =	vadd.s32 v20, v35;
	v56 =	vld [tilespmem:s17+$0x80];
	v42 =	vmul.f32 $8.000000000e+00, v58;
	[tilespmem:v2+s22+$0x0] =	vst.idx.msk $0xffff, v0  }
0x3fe: {  	v3 =	vadd.s32 v24, v33;
	[tilespmem:v59+s22+$0x0] =	vst.idx.msk $0xffff, v5;
	v2 =	vmul.f32 $8.000000000e+00, v52;
	v5 =	vld [tilespmem:s17+$0xD0]  }
0x3ff: {  	v57 =	vmul.f32 $8.000000000e+00, v54;
	v58 =	vadd.s32 v28, v34;
	[tilespmem:v53+s22+$0x0] =	vst.idx.msk $0xffff, v42;
	v43 =	vld [tilespmem:s17+$0xFFFFFF10]  }
0x400: {  	v59 =	vld [tilespmem:s17+$0xFFFFFF50];
	[tilespmem:v4+s22+$0x0] =	vst.idx.msk $0xffff, v2;
	v2 =	vmul.f32 $8.000000000e+00, v55;
	v4 =	vadd.s32 v51, v41  }
0x401: {  	[tilespmem:v60+s22+$0x0] =	vst.idx.msk $0xffff, v57;
	v60 =	vmul.f32 $8.000000000e+00, v61;
	v51 =	vadd.s32 v7, v39;
	v52 =	vld [tilespmem:s17+$0xFFFFFF90]  }
0x402: {  	v48 =	vadd.s32 v9, v40;
	v53 =	vld [tilespmem:s17+$0xFFFFFFD0];
	[tilespmem:v62+s22+$0x0] =	vst.idx.msk $0xffff, v2;
	v2 =	vmul.f32 $8.000000000e+00, v56  }
0x403: {  	v50 =	vadd.s32 v13, v37;
	[tilespmem:v3+s22+$0x0] =	vst.idx.msk $0xffff, v60;
	v54 =	vld [tilespmem:s17+$0x10];
	v3 =	vmul.f32 $8.000000000e+00, v5  }
0x404: {  	v55 =	vld [tilespmem:s17+$0x50];
	v61 =	vmul.f32 $8.000000000e+00, v43;
	v43 =	vadd.s32 v17, v36;
	[tilespmem:v58+s22+$0x0] =	vst.idx.msk $0xffff, v2  }
0x405: {  	v46 =	vadd.s32 v21, v35;
	v62 =	vmul.f32 $8.000000000e+00, v59;
	v56 =	vld [tilespmem:s17+$0x90];
	[tilespmem:v4+s22+$0x0] =	vst.idx.msk $0xffff, v3  }
0x406: {  	s9 =	simm.s32 $0x9;
	[tilespmem:v51+s22+$0x0] =	vst.idx.msk $0xffff, v61;
	v3 =	vmul.f32 $8.000000000e+00, v52;
	v4 =	vadd.s32 v25, v33;
	v60 =	vld [tilespmem:s17+$0xE0]  }
0x407: {  	v45 =	vmov s9;
	s19 =	simm.s32 $0x8;
	[tilespmem:v48+s22+$0x0] =	vst.idx.msk $0xffff, v62;
	v61 =	vmul.f32 $8.000000000e+00, v53;
	v48 =	vadd.s32 v26, v34;
	v51 =	vld [tilespmem:s17+$0xFFFFFF20]  }
0x408: {  	v0 =	vmov s19;
	s19 =	simm.s32 $0xA;
	[tilespmem:v50+s22+$0x0] =	vst.idx.msk $0xffff, v3;
	v3 =	vmul.f32 $8.000000000e+00, v54;
	v50 =	vadd.s32 v63, v41  }
0x409: {  	s9 =	simm.s32 $0xB;
	v47 =	vmov s19;
	s19 =	simm.s32 $0xC;
	v62 =	vmul.f32 $8.000000000e+00, v55;
	v54 =	vadd.s32 v11, v39;
	[tilespmem:v43+s22+$0x0] =	vst.idx.msk $0xffff, v61  }
0x40a: {  	v42 =	vmov s9;
	v49 =	vmov s19;
	s19 =	simm.s32 $0xE;
	[tilespmem:v46+s22+$0x0] =	vst.idx.msk $0xffff, v3;
	v3 =	vmul.f32 $8.000000000e+00, v56  }
0x40b: {  	v2 =	vmov s19;
	v52 =	vshrl.u32 v47, $0x3;
	[tilespmem:v4+s22+$0x0] =	vst.idx.msk $0xffff, v62;
	v4 =	vmul.f32 $8.000000000e+00, v60  }
0x40c: {  	v53 =	vshrl.u32 v42, $0x3;
	v42 =	vshrl.u32 v2, $0x3;
	v47 =	vld [tilespmem:s17+$0xFFFFFF60];
	v2 =	vmul.f32 $8.000000000e+00, v51;
	[tilespmem:v48+s22+$0x0] =	vst.idx.msk $0xffff, v3  }
0x40d: {  	[tilespmem:v50+s22+$0x0] =	vst.idx.msk $0xffff, v4  }
0x40e: {  	v43 =	vshrl.u32 v49, $0x3;
	v49 =	vadd.s32 v10, v40;
	[tilespmem:v54+s22+$0x0] =	vst.idx.msk $0xffff, v2  }
0x40f: {  	v0 =	vshrl.u32 v0, $0x3;
	v4 =	vld [tilespmem:$0x1FF50]  }
0x410: {  	v0 =	vshll.u32 v0, v1  }
0x411: {  	v38 =	vbroadcast v0, $0x0;
	v57 =	vld [tilespmem:s17+$0xFFFFFFA0];
	v0 =	vmul.f32 $8.000000000e+00, v47  }
0x412: {  	v58 =	vld [tilespmem:s17+$0xFFFFFFE0]  }
0x413: {  	v46 =	vadd.s32 v14, v37;
	[tilespmem:v49+s22+$0x0] =	vst.idx.msk $0xffff, v0  }
0x414: {  	v60 =	vadd.s32 v18, v36;
	v55 =	vadd.s32 v4, v33;
	v4 =	vld [tilespmem:$0x1FF90];
	_ =	sdelay $0x1  }
0x415: {  	v59 =	vld [tilespmem:s17+$0x20];
	v2 =	vmul.f32 $8.000000000e+00, v57  }
0x416: {  	v61 =	vld [tilespmem:s17+$0x60];
	v0 =	vmul.f32 $8.000000000e+00, v58  }
0x417: {  	v62 =	vld [tilespmem:s17+$0xA0];
	[tilespmem:v46+s22+$0x0] =	vst.idx.msk $0xffff, v2  }
0x418: {  	v51 =	vadd.s32 v4, v34;
	v4 =	vld [tilespmem:$0x1FF80];
	[tilespmem:v60+s22+$0x0] =	vst.idx.msk $0xffff, v0  }
0x419: {  	s9 =	simm.s32 $0xD;
	v3 =	vadd.s32 v22, v35;
	v0 =	vld [tilespmem:$0x1FEF0]  }
0x41a: {  	v45 =	vshrl.u32 v45, $0x3;
	v5 =	vmov s9;
	v56 =	vld [tilespmem:s17+$0xF0]  }
0x41b: {  	v5 =	vshrl.u32 v5, $0x3;
	v44 =	vshll.u32 v52, v1;
	v47 =	vshll.u32 v45, v1;
	v50 =	vld [tilespmem:s17+$0xFFFFFF30]  }
0x41c: {  	v45 =	vshll.u32 v53, v1;
	v53 =	vadd.s32 v31, v41;
	v52 =	vld [tilespmem:s17+$0xFFFFFF70];
	v2 =	vmul.f32 $8.000000000e+00, v59  }
0x41d: {  	v46 =	vshll.u32 v43, v1;
	v43 =	vshll.u32 v5, v1;
	v49 =	vld [tilespmem:s17+$0xFFFFFFB0];
	v48 =	vadd.s32 v4, v39  }
0x41e: {  	v27 =	vmovc v31;
	s18 =	simm.s32 $0x10;
	s19 =	simm.s32 $0xF;
	v54 =	vld [tilespmem:s17+$0xFFFFFFF0];
	[tilespmem:v3+s22+$0x0] =	vst.idx.msk $0xffff, v2;
	v39 =	vmul.f32 $8.000000000e+00, v61;
	v41 =	vadd.s32 v0, v40;
	v40 =	vmul.f32 $8.000000000e+00, v62  }
.LBB2_13:
0x41f: {  	_ = 	snop  }
0x420: {  	v0 =	vmov s19;
	v2 =	vadd.s32 v15, v37;
	v3 =	vld [tilespmem:s17+$0x30];
	[tilespmem:v55+s22+$0x0] =	vst.idx.msk $0xffff, v39;
	v4 =	vmul.f32 $8.000000000e+00, v56  }
0x421: {  	v36 =	vadd.s32 v19, v36;
	v0 =	vshrl.u32 v0, $0x3;
	[tilespmem:v51+s22+$0x0] =	vst.idx.msk $0xffff, v40;
	v5 =	vmul.f32 $8.000000000e+00, v50;
	v56 =	vld [tilespmem:s17+$0x70]  }
0x422: {  	v35 =	vadd.s32 v23, v35;
	v0 =	vshll.u32 v0, v1;
	v58 =	vld [tilespmem:s17+$0xB0];
	v57 =	vmul.f32 $8.000000000e+00, v52;
	s17 =	sadd.s32 $0x200, s17;
	[tilespmem:v53+s22+$0x0] =	vst.idx.msk $0xffff, v4  }
0x423: {  	v40 =	vbroadcast v0, $0x0;
	v0 =	vmul.f32 $8.000000000e+00, v49;
	[tilespmem:v48+s22+$0x0] =	vst.idx.msk $0xffff, v5;
	v5 =	vadd.s32 v30, v33;
	v4 =	vld [tilespmem:s17+$0xC0]  }
0x424: {  	v34 =	vadd.s32 v29, v34;
	v60 =	vmul.f32 $8.000000000e+00, v54;
	[tilespmem:v41+s22+$0x0] =	vst.idx.msk $0xffff, v57;
	v59 =	vld [tilespmem:s17+$0xFFFFFF00]  }
0x425: {  	v39 =	vmovc v38;
	v52 =	vadd.s32 v32, v40;
	v41 =	vbroadcast v47, $0x0;
	[tilespmem:v2+s22+$0x0] =	vst.idx.msk $0xffff, v0;
	v0 =	vmul.f32 $8.000000000e+00, v3;
	v61 =	vld [tilespmem:s17+$0xFFFFFF40]  }
0x426: {  	v37 =	vbroadcast v44, $0x0;
	v2 =	vadd.s32 v6, v39;
	[tilespmem:v36+s22+$0x0] =	vst.idx.msk $0xffff, v60;
	v3 =	vld [tilespmem:s17+$0xFFFFFF80];
	v38 =	vmul.f32 $8.000000000e+00, v56  }
0x427: {  	v36 =	vbroadcast v45, $0x0;
	v48 =	vld [tilespmem:s17+$0xFFFFFFC0];
	v53 =	vadd.s32 v8, v41;
	[tilespmem:v35+s22+$0x0] =	vst.idx.msk $0xffff, v0;
	v0 =	vmul.f32 $8.000000000e+00, v58  }
0x428: {  	v31 =	vld [tilespmem:$0x1FF30];
	v54 =	vadd.s32 v12, v37;
	[tilespmem:v5+s22+$0x0] =	vst.idx.msk $0xffff, v38;
	v4 =	vmul.f32 $8.000000000e+00, v4  }
0x429: {  	v33 =	vbroadcast v43, $0x0;
	v62 =	vadd.s32 v16, v36;
	[tilespmem:v34+s22+$0x0] =	vst.idx.msk $0xffff, v0;
	v5 =	vmul.f32 $8.000000000e+00, v59;
	v56 =	vld [tilespmem:s17+$0x40]  }
0x42a: {  	v55 =	vld [tilespmem:s17+$0x0];
	v0 =	vmul.f32 $8.000000000e+00, v61;
	[tilespmem:v52+s22+$0x0] =	vst.idx.msk $0xffff, v4  }
0x42b: {  	[tilespmem:v2+s22+$0x0] =	vst.idx.msk $0xffff, v5;
	v2 =	vmul.f32 $8.000000000e+00, v3;
	v3 =	vadd.s32 v24, v33;
	v5 =	vld [tilespmem:s17+$0xD0]  }
0x42c: {  	[tilespmem:v53+s22+$0x0] =	vst.idx.msk $0xffff, v0;
	v0 =	vmul.f32 $8.000000000e+00, v48;
	v59 =	vld [tilespmem:s17+$0xFFFFFF10]  }
0x42d: {  	v42 =	vshll.u32 v42, v1;
	v45 =	vadd.s32 v31, v40;
	v35 =	vbroadcast v46, $0x0;
	[tilespmem:v54+s22+$0x0] =	vst.idx.msk $0xffff, v2  }
0x42e: {  	v51 =	vadd.s32 v7, v39;
	v34 =	vbroadcast v42, $0x0;
	[tilespmem:v62+s22+$0x0] =	vst.idx.msk $0xffff, v0;
	v52 =	vld [tilespmem:s17+$0xFFFFFF90];
	v0 =	vmul.f32 $8.000000000e+00, v56  }
0x42f: {  	v57 =	vadd.s32 v20, v35;
	v58 =	vld [tilespmem:s17+$0x80]  }
0x430: {  	v49 =	vadd.s32 v13, v37;
	v60 =	vadd.s32 v28, v34;
	v61 =	vld [tilespmem:s17+$0xFFFFFF50];
	[tilespmem:v3+s22+$0x0] =	vst.idx.msk $0xffff, v0;
	v0 =	vmul.f32 $8.000000000e+00, v5  }
0x431: {  	v4 =	vmov s18;
	v2 =	vmul.f32 $8.000000000e+00, v55;
	v5 =	vmul.f32 $8.000000000e+00, v59;
	v55 =	vld [tilespmem:s17+$0x50]  }
0x432: {  	v46 =	vadd.s32 v9, v41;
	v4 =	vshrl.u32 v4, $0x3;
	[tilespmem:v45+s22+$0x0] =	vst.idx.msk $0xffff, v0  }
0x433: {  	v0 =	vshll.u32 v4, v1;
	[tilespmem:v51+s22+$0x0] =	vst.idx.msk $0xffff, v5;
	v4 =	vmul.f32 $8.000000000e+00, v52;
	v5 =	vadd.s32 v25, v33;
	v45 =	vld [tilespmem:s17+$0xE0]  }
0x434: {  	v53 =	vld [tilespmem:s17+$0xFFFFFFD0];
	[tilespmem:v57+s22+$0x0] =	vst.idx.msk $0xffff, v2;
	v2 =	vmul.f32 $8.000000000e+00, v58  }
0x435: {  	v62 =	vmul.f32 $8.000000000e+00, v61;
	[tilespmem:v49+s22+$0x0] =	vst.idx.msk $0xffff, v4;
	v49 =	vadd.s32 v63, v40  }
0x436: {  	v42 =	vadd.s32 v17, v36;
	[tilespmem:v60+s22+$0x0] =	vst.idx.msk $0xffff, v2;
	v55 =	vmul.f32 $8.000000000e+00, v55  }
0x437: {  	v54 =	vld [tilespmem:s17+$0x10];
	[tilespmem:v46+s22+$0x0] =	vst.idx.msk $0xffff, v62  }
0x438: {  	v61 =	vld [tilespmem:s17+$0x90];
	[tilespmem:v5+s22+$0x0] =	vst.idx.msk $0xffff, v55;
	v5 =	vmul.f32 $8.000000000e+00, v45  }
0x439: {  	s9 =	sadd.s32 $0x1, s18;
	v60 =	vadd.s32 v21, v35;
	v62 =	vmul.f32 $8.000000000e+00, v53;
	v52 =	vld [tilespmem:s17+$0xFFFFFF60]  }
0x43a: {  	v47 =	vmov s9;
	s9 =	sadd.s32 $0x2, s18;
	[tilespmem:v49+s22+$0x0] =	vst.idx.msk $0xffff, v5;
	v5 =	vld [tilespmem:$0x1FF50]  }
0x43b: {  	v50 =	vmov s9;
	s9 =	sadd.s32 $0x3, s18;
	v46 =	vadd.s32 v26, v34;
	[tilespmem:v42+s22+$0x0] =	vst.idx.msk $0xffff, v62  }
0x43c: {  	v38 =	vmov s9;
	s9 =	sadd.s32 $0x4, s18;
	v58 =	vadd.s32 v10, v41;
	v4 =	vmul.f32 $8.000000000e+00, v54;
	v59 =	vld [tilespmem:s17+$0xFFFFFFE0]  }
0x43d: {  	v43 =	vmov s9;
	v53 =	vshrl.u32 v38, $0x3;
	v51 =	vld [tilespmem:s17+$0xFFFFFF20]  }
0x43e: {  	v38 =	vbroadcast v0, $0x0;
	v57 =	vld [tilespmem:s17+$0xFFFFFFA0];
	[tilespmem:v60+s22+$0x0] =	vst.idx.msk $0xffff, v4;
	v4 =	vmul.f32 $8.000000000e+00, v61;
	v61 =	vadd.s32 v18, v36  }
0x43f: {  	s9 =	sadd.s32 $0x5, s18;
	v54 =	vadd.s32 v11, v39;
	v0 =	vmul.f32 $8.000000000e+00, v52;
	v55 =	vadd.s32 v5, v33;
	v5 =	vld [tilespmem:$0x1FF90]  }
0x440: {  	v3 =	vmov s9;
	s9 =	sadd.s32 $0x6, s18;
	v60 =	vld [tilespmem:s17+$0x20];
	[tilespmem:v46+s22+$0x0] =	vst.idx.msk $0xffff, v4  }
0x441: {  	v48 =	vadd.s32 v14, v37;
	v2 =	vmov s9;
	v62 =	vld [tilespmem:s17+$0x60];
	[tilespmem:v58+s22+$0x0] =	vst.idx.msk $0xffff, v0;
	v0 =	vmul.f32 $8.000000000e+00, v59  }
0x442: {  	v31 =	vmov v63;
	v42 =	vshrl.u32 v2, $0x3;
	v2 =	vmul.f32 $8.000000000e+00, v51;
	v63 =	vld [tilespmem:s17+$0xA0]  }
0x443: {  	v4 =	vadd.s32 v22, v35;
	[tilespmem:v61+s22+$0x0] =	vst.idx.msk $0xffff, v0;
	v0 =	vld [tilespmem:$0x1FEF0]  }
0x444: {  	p1 =	slt.u32 s18, $0x78;
	v47 =	vshrl.u32 v47, $0x3;
	[tilespmem:v54+s22+$0x0] =	vst.idx.msk $0xffff, v2;
	v2 =	vmul.f32 $8.000000000e+00, v57;
	v51 =	vadd.s32 v5, v34;
	v5 =	vld [tilespmem:$0x1FF80]  }
.Ltmp8:
0x445: {  	v50 =	vshrl.u32 v50, $0x3;
	v47 =	vshll.u32 v47, v1;
	v56 =	vld [tilespmem:s17+$0xF0];
	(pc) =	sbr.rel @p1 .LBB2_13-.Ltmp8, $4  }
0x446: {  	v44 =	vshll.u32 v50, v1;
	v43 =	vshrl.u32 v43, $0x3;
	v50 =	vld [tilespmem:s17+$0xFFFFFF30];
	[tilespmem:v48+s22+$0x0] =	vst.idx.msk $0xffff, v2;
	v2 =	vmul.f32 $8.000000000e+00, v60  }
0x447: {  	v3 =	vshrl.u32 v3, $0x3;
	v45 =	vshll.u32 v53, v1;
	v53 =	vadd.s32 v27, v40;
	v52 =	vld [tilespmem:s17+$0xFFFFFF70]  }
0x448: {  	v46 =	vshll.u32 v43, v1;
	v43 =	vshll.u32 v3, v1;
	v49 =	vld [tilespmem:s17+$0xFFFFFFB0];
	[tilespmem:v4+s22+$0x0] =	vst.idx.msk $0xffff, v2;
	v40 =	vmul.f32 $8.000000000e+00, v63  }
0x449: {  	s19 =	sadd.s32 $0x7, s18;
	s18 =	sadd.s32 $0x8, s18;
	v54 =	vld [tilespmem:s17+$0xFFFFFFF0];
	v63 =	vmovc v31;
	v41 =	vadd.s32 v0, v41;
	v48 =	vadd.s32 v5, v39;
	v39 =	vmul.f32 $8.000000000e+00, v62  }
0x44a: {  	_ =	sdelay $0x3  }
0x44b: {  	v0 =	vmov s19;
	v2 =	vadd.s32 v15, v37;
	v3 =	vld [tilespmem:s17+$0x30];
	v4 =	vmul.f32 $8.000000000e+00, v56;
	[tilespmem:v55+s22+$0x0] =	vst.idx.msk $0xffff, v39  }
0x44c: {  	v36 =	vadd.s32 v19, v36;
	[tilespmem:v51+s22+$0x0] =	vst.idx.msk $0xffff, v40;
	v0 =	vshrl.u32 v0, $0x3;
	v5 =	vmul.f32 $8.000000000e+00, v50;
	v56 =	vld [tilespmem:s17+$0x70]  }
0x44d: {  	v35 =	vadd.s32 v23, v35;
	s18 =	sadd.s32 $0x200, s17;
	v40 =	vld [tilespmem:s17+$0xB0];
	v0 =	vshll.u32 v0, v1;
	v57 =	vmul.f32 $8.000000000e+00, v52;
	[tilespmem:v53+s22+$0x0] =	vst.idx.msk $0xffff, v4  }
0x44e: {  	v33 =	vadd.s32 v30, v33;
	v4 =	vld [tilespmem:s18+$0xC0];
	v0 =	vbroadcast v0, $0x0;
	[tilespmem:v48+s22+$0x0] =	vst.idx.msk $0xffff, v5;
	v5 =	vmul.f32 $8.000000000e+00, v49  }
0x44f: {  	v34 =	vadd.s32 v29, v34;
	v58 =	vld [tilespmem:s18+$0xFFFFFF00];
	[tilespmem:v41+s22+$0x0] =	vst.idx.msk $0xffff, v57;
	v59 =	vmul.f32 $8.000000000e+00, v54  }
0x450: {  	v47 =	vbroadcast v47, $0x0;
	v60 =	vld [tilespmem:s18+$0xFFFFFF40];
	v61 =	vadd.s32 v32, v0;
	[tilespmem:v2+s22+$0x0] =	vst.idx.msk $0xffff, v5;
	v2 =	vmul.f32 $8.000000000e+00, v3  }
0x451: {  	v44 =	vbroadcast v44, $0x0;
	v3 =	vadd.s32 v6, v38;
	v5 =	vld [tilespmem:s18+$0xFFFFFF80];
	[tilespmem:v36+s22+$0x0] =	vst.idx.msk $0xffff, v59;
	v62 =	vmul.f32 $8.000000000e+00, v56  }
0x452: {  	v8 =	vadd.s32 v8, v47;
	[tilespmem:v35+s22+$0x0] =	vst.idx.msk $0xffff, v2;
	v2 =	vmul.f32 $8.000000000e+00, v40  }
0x453: {  	v53 =	vadd.s32 v12, v44;
	v4 =	vmul.f32 $8.000000000e+00, v4;
	[tilespmem:v33+s22+$0x0] =	vst.idx.msk $0xffff, v62  }
0x454: {  	v52 =	vld [tilespmem:s18+$0xFFFFFFC0];
	v55 =	vmul.f32 $8.000000000e+00, v58;
	[tilespmem:v34+s22+$0x0] =	vst.idx.msk $0xffff, v2  }
0x455: {  	v45 =	vbroadcast v45, $0x0;
	v54 =	vld [tilespmem:s18+$0x0];
	v2 =	vmul.f32 $8.000000000e+00, v60;
	[tilespmem:v61+s22+$0x0] =	vst.idx.msk $0xffff, v4  }
0x456: {  	v57 =	vld [tilespmem:s18+$0x40];
	[tilespmem:v3+s22+$0x0] =	vst.idx.msk $0xffff, v55;
	v3 =	vmul.f32 $8.000000000e+00, v5  }
0x457: {  	v46 =	vbroadcast v46, $0x0;
	v59 =	vld [tilespmem:s18+$0x80];
	v56 =	vadd.s32 v16, v45;
	[tilespmem:v8+s22+$0x0] =	vst.idx.msk $0xffff, v2  }
0x458: {  	v42 =	vshll.u32 v42, v1;
	v43 =	vbroadcast v43, $0x0;
	v5 =	vld [tilespmem:s18+$0xD0];
	[tilespmem:v53+s22+$0x0] =	vst.idx.msk $0xffff, v3  }
0x459: {  	v42 =	vbroadcast v42, $0x0;
	v58 =	vadd.s32 v20, v46;
	v6 =	vld [tilespmem:$0x1FF30]  }
0x45a: {  	v4 =	vadd.s32 v24, v43;
	v33 =	vld [tilespmem:s18+$0xFFFFFF10];
	v2 =	vmul.f32 $8.000000000e+00, v52  }
0x45b: {  	v37 =	vadd.s32 v28, v42;
	v39 =	vld [tilespmem:s18+$0xFFFFFF50]  }
0x45c: {  	v61 =	vadd.s32 v7, v38;
	v3 =	vmul.f32 $8.000000000e+00, v54;
	[tilespmem:v56+s22+$0x0] =	vst.idx.msk $0xffff, v2  }
0x45d: {  	v12 =	vadd.s32 v9, v47;
	v2 =	vmul.f32 $8.000000000e+00, v57;
	v16 =	vld [tilespmem:s18+$0xFFFFFFD0]  }
0x45e: {  	v62 =	vld [tilespmem:s18+$0xFFFFFF90];
	[tilespmem:v58+s22+$0x0] =	vst.idx.msk $0xffff, v3;
	v3 =	vmul.f32 $8.000000000e+00, v59;
	v60 =	vadd.s32 v6, v0  }
0x45f: {  	[tilespmem:v4+s22+$0x0] =	vst.idx.msk $0xffff, v2;
	v2 =	vmul.f32 $8.000000000e+00, v5;
	v4 =	vmul.f32 $8.000000000e+00, v33;
	v5 =	vadd.s32 v17, v45  }
0x460: {  	v54 =	vadd.s32 v13, v44;
	v58 =	vld [tilespmem:s18+$0x50];
	[tilespmem:v37+s22+$0x0] =	vst.idx.msk $0xffff, v3;
	v3 =	vmul.f32 $8.000000000e+00, v39  }
0x461: {  	v55 =	vld [tilespmem:s18+$0x10];
	[tilespmem:v61+s22+$0x0] =	vst.idx.msk $0xffff, v4  }
0x462: {  	v4 =	vadd.s32 v25, v43;
	v40 =	vld [tilespmem:s18+$0xFFFFFF20];
	[tilespmem:v12+s22+$0x0] =	vst.idx.msk $0xffff, v3;
	v3 =	vmul.f32 $8.000000000e+00, v16  }
0x463: {  	v52 =	vmov v9;
	v8 =	vadd.s32 v21, v46;
	v9 =	vld [tilespmem:s18+$0x90];
	[tilespmem:v60+s22+$0x0] =	vst.idx.msk $0xffff, v2;
	v2 =	vmul.f32 $8.000000000e+00, v62  }
0x464: {  	v16 =	vadd.s32 v11, v38;
	[tilespmem:v5+s22+$0x0] =	vst.idx.msk $0xffff, v3;
	v35 =	vld [tilespmem:s18+$0xE0]  }
0x465: {  	v56 =	vmov v13;
	v12 =	vadd.s32 v26, v42;
	v13 =	vld [tilespmem:s18+$0xFFFFFF60];
	v3 =	vmul.f32 $8.000000000e+00, v58;
	[tilespmem:v54+s22+$0x0] =	vst.idx.msk $0xffff, v2  }
0x466: {  	v34 =	vadd.s32 v63, v0;
	v59 =	vmov v17;
	v2 =	vmul.f32 $8.000000000e+00, v55;
	v17 =	vld [tilespmem:s18+$0xFFFFFFA0]  }
0x467: {  	v5 =	vadd.s32 v10, v47;
	[tilespmem:v4+s22+$0x0] =	vst.idx.msk $0xffff, v3;
	v4 =	vmul.f32 $8.000000000e+00, v40  }
0x468: {  	v58 =	vadd.s32 v14, v44;
	[tilespmem:v8+s22+$0x0] =	vst.idx.msk $0xffff, v2;
	v2 =	vmul.f32 $8.000000000e+00, v9  }
0x469: {  	[tilespmem:v16+s22+$0x0] =	vst.idx.msk $0xffff, v4;
	v3 =	vmul.f32 $8.000000000e+00, v35  }
0x46a: {  	[tilespmem:v12+s22+$0x0] =	vst.idx.msk $0xffff, v2;
	v2 =	vmul.f32 $8.000000000e+00, v13  }
0x46b: {  	v55 =	vld [tilespmem:s18+$0xFFFFFFE0];
	[tilespmem:v34+s22+$0x0] =	vst.idx.msk $0xffff, v3;
	v3 =	vmul.f32 $8.000000000e+00, v17  }
0x46c: {  	v4 =	vld [tilespmem:$0x1FF50];
	[tilespmem:v5+s22+$0x0] =	vst.idx.msk $0xffff, v2  }
0x46d: {  	v9 =	vadd.s32 v18, v45;
	v5 =	vld [tilespmem:$0x1FF90];
	[tilespmem:v58+s22+$0x0] =	vst.idx.msk $0xffff, v3  }
0x46e: {  	v32 =	vmov v28;
	v28 =	vmov v6;
	v6 =	vld [tilespmem:$0x1FF80]  }
0x46f: {  	v8 =	vld [tilespmem:s18+$0x20]  }
0x470: {  	v53 =	vmov v10;
	v10 =	vld [tilespmem:s18+$0x60];
	v2 =	vmul.f32 $8.000000000e+00, v55  }
0x471: {  	v12 =	vadd.s32 v22, v46;
	v13 =	vld [tilespmem:s18+$0xA0]  }
0x472: {  	v61 =	vmov v26;
	v34 =	vld [tilespmem:s18+$0xF0];
	[tilespmem:v9+s22+$0x0] =	vst.idx.msk $0xffff, v2;
	v26 =	vmov v4;
	v4 =	vadd.s32 v4, v43  }
0x473: {  	v5 =	vadd.s32 v5, v42;
	v49 =	vmov v6;
	v16 =	vadd.s32 v6, v38;
	v6 =	vld [tilespmem:$0x1FEF0]  }
0x474: {  	v41 =	vld [tilespmem:s18+$0xFFFFFF30];
	v3 =	vmul.f32 $8.000000000e+00, v8  }
0x475: {  	v0 =	vadd.s32 v27, v0;
	v17 =	vld [tilespmem:s18+$0xFFFFFFB0];
	v2 =	vmul.f32 $8.000000000e+00, v10  }
0x476: {  	v57 =	vmov v14;
	v14 =	vld [tilespmem:s18+$0xFFFFFF70];
	[tilespmem:v12+s22+$0x0] =	vst.idx.msk $0xffff, v3;
	v3 =	vmul.f32 $8.000000000e+00, v13  }
0x477: {  	v50 =	vadd.s32 v15, v44;
	v55 =	vld [tilespmem:s18+$0x30];
	[tilespmem:v4+s22+$0x0] =	vst.idx.msk $0xffff, v2  }
0x478: {  	v60 =	vmov v18;
	v2 =	vmul.f32 $8.000000000e+00, v34;
	[tilespmem:v5+s22+$0x0] =	vst.idx.msk $0xffff, v3;
	v18 =	vadd.s32 v6, v47;
	v47 =	vld [tilespmem:s18+$0xFFFFFFF0]  }
0x479: {  	v4 =	vmul.f32 $8.000000000e+00, v41;
	v5 =	vadd.s32 v23, v46;
	v63 =	vld [tilespmem:s18+$0xB0]  }
0x47a: {  	v58 =	vadd.s32 v19, v45;
	v62 =	vld [tilespmem:s18+$0x70];
	[tilespmem:v0+s22+$0x0] =	vst.idx.msk $0xffff, v2;
	v0 =	vmul.f32 $8.000000000e+00, v17  }
0x47b: {  	v3 =	vmul.f32 $8.000000000e+00, v14;
	[tilespmem:v16+s22+$0x0] =	vst.idx.msk $0xffff, v4;
	v4 =	vadd.s32 v29, v42  }
0x47c: {  	v2 =	vadd.s32 v30, v43;
	[tilespmem:v50+s22+$0x0] =	vst.idx.msk $0xffff, v0;
	v0 =	vmul.f32 $8.000000000e+00, v55  }
0x47d: {  	[tilespmem:v18+s22+$0x0] =	vst.idx.msk $0xffff, v3;
	v3 =	vmul.f32 $8.000000000e+00, v47  }
0x47e: {  	[tilespmem:v5+s22+$0x0] =	vst.idx.msk $0xffff, v0;
	v0 =	vmul.f32 $8.000000000e+00, v63  }
0x47f: {  	[tilespmem:v58+s22+$0x0] =	vst.idx.msk $0xffff, v3;
	v3 =	vmul.f32 $8.000000000e+00, v62  }
0x480: {  	[tilespmem:v4+s22+$0x0] =	vst.idx.msk $0xffff, v0  }
0x481: {  	[tilespmem:v2+s22+$0x0] =	vst.idx.msk $0xffff, v3  }
0x482: {  	s19 =	rddreg [dreg:$0x1d]  }
0x483: {  	s17 =	sadd.s32 s16, s19  }
0x484: {  	[hbm4b:s17+s3] =	stream.linear.scatter [tilespmem:s22], [sflag:$0x6], $0x80, $0x38;
	[tilespmem:$0x12800] =	vst v63  }
0x485: {  	s9 =	simm.s32 $0x10688;
	s18 =	sadd.s32 $0x10, s17  }
0x486: {  	[hbm4b:s18+s3] =	stream.linear.scatter [tilespmem:s9], [sflag:$0x6], $0x80, $0x38;
	[tilespmem:$0x12800] =	vst v63  }
0x487: {  	s19 =	simm.s32 $0x10710;
	s9 =	sadd.s32 $0x20, s17  }
0x488: {  	[hbm4b:s9+s3] =	stream.linear.scatter [tilespmem:s19], [sflag:$0x6], $0x80, $0x38;
	[tilespmem:$0x12800] =	vst v63  }
0x489: {  	s9 =	sadd.s32 $0x30, s17;
	s19 =	simm.s32 $0x10798  }
0x48a: {  	[hbm4b:s9+s3] =	stream.linear.scatter [tilespmem:s19], [sflag:$0x6], $0x80, $0x38;
	[tilespmem:$0x12800] =	vst v63  }
0x48b: {  	s9 =	sadd.s32 $0x40, s17;
	s19 =	simm.s32 $0x10820  }
0x48c: {  	[hbm4b:s9+s3] =	stream.linear.scatter [tilespmem:s19], [sflag:$0x6], $0x80, $0x38;
	[tilespmem:$0x12800] =	vst v63  }
0x48d: {  	s9 =	sadd.s32 $0x50, s17;
	s19 =	simm.s32 $0x108A8  }
0x48e: {  	[hbm4b:s9+s3] =	stream.linear.scatter [tilespmem:s19], [sflag:$0x6], $0x80, $0x38;
	[tilespmem:$0x12800] =	vst v63  }
0x48f: {  	s9 =	sadd.s32 $0x60, s17;
	s19 =	simm.s32 $0x10930  }
0x490: {  	[hbm4b:s9+s3] =	stream.linear.scatter [tilespmem:s19], [sflag:$0x6], $0x80, $0x38;
	[tilespmem:$0x12800] =	vst v63  }
0x491: {  	s18 =	rddreg [dreg:$0x1e];
	s17 =	sadd.s32 $0x70, s17;
	s19 =	simm.s32 $0x109B8  }
0x492: {  	[hbm4b:s17+s3] =	stream.linear.scatter [tilespmem:s19], [sflag:$0x6], $0x80, $0x38;
	[tilespmem:$0x12800] =	vst v63  }
0x493: {  	s17 =	sadd.s32 s16, s18;
	s19 =	simm.s32 $0x10A40  }
0x494: {  	[hbm4b:s17+s3] =	stream.linear.scatter [tilespmem:s19], [sflag:$0x6], $0x80, $0x38;
	[tilespmem:$0x12800] =	vst v63  }
0x495: {  	s9 =	sadd.s32 $0x10, s17;
	s19 =	simm.s32 $0x10AC8  }
0x496: {  	[hbm4b:s9+s3] =	stream.linear.scatter [tilespmem:s19], [sflag:$0x6], $0x80, $0x38;
	[tilespmem:$0x12800] =	vst v63  }
0x497: {  	s9 =	sadd.s32 $0x20, s17;
	s19 =	simm.s32 $0x10B50  }
0x498: {  	[hbm4b:s9+s3] =	stream.linear.scatter [tilespmem:s19], [sflag:$0x6], $0x80, $0x38;
	[tilespmem:$0x12800] =	vst v63  }
0x499: {  	s9 =	sadd.s32 $0x30, s17;
	s19 =	simm.s32 $0x10BD8  }
0x49a: {  	[hbm4b:s9+s3] =	stream.linear.scatter [tilespmem:s19], [sflag:$0x6], $0x80, $0x38;
	[tilespmem:$0x12800] =	vst v63  }
0x49b: {  	s9 =	sadd.s32 $0x40, s17;
	s19 =	simm.s32 $0x10C60  }
0x49c: {  	[hbm4b:s9+s3] =	stream.linear.scatter [tilespmem:s19], [sflag:$0x6], $0x80, $0x38;
	[tilespmem:$0x12800] =	vst v63  }
0x49d: {  	s9 =	sadd.s32 $0x50, s17;
	s19 =	simm.s32 $0x10CE8  }
0x49e: {  	[hbm4b:s9+s3] =	stream.linear.scatter [tilespmem:s19], [sflag:$0x6], $0x80, $0x38;
	[tilespmem:$0x12800] =	vst v63  }
0x49f: {  	s9 =	sadd.s32 $0x60, s17;
	s19 =	simm.s32 $0x10D70  }
0x4a0: {  	[hbm4b:s9+s3] =	stream.linear.scatter [tilespmem:s19], [sflag:$0x6], $0x80, $0x38;
	[tilespmem:$0x12800] =	vst v63  }
0x4a1: {  	s18 =	rddreg [dreg:$0x1f];
	s17 =	sadd.s32 $0x70, s17;
	s19 =	simm.s32 $0x10DF8  }
0x4a2: {  	[hbm4b:s17+s3] =	stream.linear.scatter [tilespmem:s19], [sflag:$0x6], $0x80, $0x38;
	[tilespmem:$0x12800] =	vst v63  }
0x4a3: {  	s17 =	sadd.s32 s16, s18;
	s19 =	simm.s32 $0x10E80  }
0x4a4: {  	[hbm4b:s17+s3] =	stream.linear.scatter [tilespmem:s19], [sflag:$0x6], $0x80, $0x38;
	[tilespmem:$0x12800] =	vst v63  }
0x4a5: {  	s9 =	sadd.s32 $0x10, s17;
	s19 =	simm.s32 $0x10F08  }
0x4a6: {  	[hbm4b:s9+s3] =	stream.linear.scatter [tilespmem:s19], [sflag:$0x6], $0x80, $0x38;
	[tilespmem:$0x12800] =	vst v63  }
0x4a7: {  	s9 =	sadd.s32 $0x20, s17;
	s19 =	simm.s32 $0x10F90  }
0x4a8: {  	[hbm4b:s9+s3] =	stream.linear.scatter [tilespmem:s19], [sflag:$0x6], $0x80, $0x38;
	[tilespmem:$0x12800] =	vst v63  }
0x4a9: {  	s9 =	sadd.s32 $0x30, s17;
	s19 =	simm.s32 $0x11018  }
0x4aa: {  	[hbm4b:s9+s3] =	stream.linear.scatter [tilespmem:s19], [sflag:$0x6], $0x80, $0x38;
	[tilespmem:$0x12800] =	vst v63  }
0x4ab: {  	s9 =	sadd.s32 $0x40, s17;
	s19 =	simm.s32 $0x110A0  }
0x4ac: {  	[hbm4b:s9+s3] =	stream.linear.scatter [tilespmem:s19], [sflag:$0x6], $0x80, $0x38;
	[tilespmem:$0x12800] =	vst v63  }
0x4ad: {  	s9 =	sadd.s32 $0x50, s17;
	s19 =	simm.s32 $0x11128  }
0x4ae: {  	[hbm4b:s9+s3] =	stream.linear.scatter [tilespmem:s19], [sflag:$0x6], $0x80, $0x38;
	[tilespmem:$0x12800] =	vst v63  }
0x4af: {  	s18 =	sld [smem:$0x7F9];
	s9 =	sadd.s32 $0x60, s17;
	s19 =	simm.s32 $0x111B0  }
0x4b0: {  	[hbm4b:s9+s3] =	stream.linear.scatter [tilespmem:s19], [sflag:$0x6], $0x80, $0x38;
	[tilespmem:$0x12800] =	vst v63  }
0x4b1: {  	s17 =	sadd.s32 $0x70, s17;
	s19 =	simm.s32 $0x11238  }
0x4b2: {  	[hbm4b:s17+s3] =	stream.linear.scatter [tilespmem:s19], [sflag:$0x6], $0x80, $0x38;
	[tilespmem:$0x12800] =	vst v63  }
0x4b3: {  	s17 =	sadd.s32 s16, s18;
	s19 =	simm.s32 $0x112C0  }
0x4b4: {  	[hbm4b:s17+s3] =	stream.linear.scatter [tilespmem:s19], [sflag:$0x6], $0x80, $0x38;
	[tilespmem:$0x12800] =	vst v63  }
0x4b5: {  	s9 =	sadd.s32 $0x10, s17;
	s19 =	simm.s32 $0x11348  }
0x4b6: {  	[hbm4b:s9+s3] =	stream.linear.scatter [tilespmem:s19], [sflag:$0x6], $0x80, $0x38;
	[tilespmem:$0x12800] =	vst v63  }
0x4b7: {  	s9 =	sadd.s32 $0x20, s17;
	s19 =	simm.s32 $0x113D0  }
0x4b8: {  	[hbm4b:s9+s3] =	stream.linear.scatter [tilespmem:s19], [sflag:$0x6], $0x80, $0x38;
	[tilespmem:$0x12800] =	vst v63  }
0x4b9: {  	s9 =	sadd.s32 $0x30, s17;
	s19 =	simm.s32 $0x11458  }
0x4ba: {  	[hbm4b:s9+s3] =	stream.linear.scatter [tilespmem:s19], [sflag:$0x6], $0x80, $0x38;
	[tilespmem:$0x12800] =	vst v63  }
0x4bb: {  	s9 =	sadd.s32 $0x40, s17;
	s19 =	simm.s32 $0x114E0  }
0x4bc: {  	[hbm4b:s9+s3] =	stream.linear.scatter [tilespmem:s19], [sflag:$0x6], $0x80, $0x38;
	[tilespmem:$0x12800] =	vst v63  }
0x4bd: {  	s9 =	sadd.s32 $0x50, s17;
	s19 =	simm.s32 $0x11568  }
0x4be: {  	[hbm4b:s9+s3] =	stream.linear.scatter [tilespmem:s19], [sflag:$0x6], $0x80, $0x38;
	[tilespmem:$0x12800] =	vst v63  }
0x4bf: {  	s18 =	sld [smem:$0x7FA];
	s9 =	sadd.s32 $0x60, s17;
	s19 =	simm.s32 $0x115F0  }
0x4c0: {  	[hbm4b:s9+s3] =	stream.linear.scatter [tilespmem:s19], [sflag:$0x6], $0x80, $0x38;
	[tilespmem:$0x12800] =	vst v63  }
0x4c1: {  	s17 =	sadd.s32 $0x70, s17;
	s19 =	simm.s32 $0x11678  }
0x4c2: {  	[hbm4b:s17+s3] =	stream.linear.scatter [tilespmem:s19], [sflag:$0x6], $0x80, $0x38;
	[tilespmem:$0x12800] =	vst v63  }
0x4c3: {  	s17 =	sadd.s32 s16, s18;
	s19 =	simm.s32 $0x11700  }
0x4c4: {  	[hbm4b:s17+s3] =	stream.linear.scatter [tilespmem:s19], [sflag:$0x6], $0x80, $0x38;
	[tilespmem:$0x12800] =	vst v63  }
0x4c5: {  	s9 =	sadd.s32 $0x10, s17;
	s19 =	simm.s32 $0x11788  }
0x4c6: {  	[hbm4b:s9+s3] =	stream.linear.scatter [tilespmem:s19], [sflag:$0x6], $0x80, $0x38;
	[tilespmem:$0x12800] =	vst v63  }
0x4c7: {  	s9 =	sadd.s32 $0x20, s17;
	s19 =	simm.s32 $0x11810  }
0x4c8: {  	[hbm4b:s9+s3] =	stream.linear.scatter [tilespmem:s19], [sflag:$0x6], $0x80, $0x38;
	[tilespmem:$0x12800] =	vst v63  }
0x4c9: {  	s9 =	sadd.s32 $0x30, s17;
	s19 =	simm.s32 $0x11898  }
0x4ca: {  	[hbm4b:s9+s3] =	stream.linear.scatter [tilespmem:s19], [sflag:$0x6], $0x80, $0x38;
	[tilespmem:$0x12800] =	vst v63  }
0x4cb: {  	s9 =	sadd.s32 $0x40, s17;
	s19 =	simm.s32 $0x11920  }
0x4cc: {  	[hbm4b:s9+s3] =	stream.linear.scatter [tilespmem:s19], [sflag:$0x6], $0x80, $0x38;
	[tilespmem:$0x12800] =	vst v63  }
0x4cd: {  	s9 =	sadd.s32 $0x50, s17;
	s19 =	simm.s32 $0x119A8  }
0x4ce: {  	[hbm4b:s9+s3] =	stream.linear.scatter [tilespmem:s19], [sflag:$0x6], $0x80, $0x38;
	[tilespmem:$0x12800] =	vst v63  }
0x4cf: {  	s18 =	sld [smem:$0x7FB];
	s9 =	sadd.s32 $0x60, s17;
	s19 =	simm.s32 $0x11A30  }
0x4d0: {  	[hbm4b:s9+s3] =	stream.linear.scatter [tilespmem:s19], [sflag:$0x6], $0x80, $0x38;
	[tilespmem:$0x12800] =	vst v63  }
0x4d1: {  	s17 =	sadd.s32 $0x70, s17;
	s19 =	simm.s32 $0x11AB8  }
0x4d2: {  	[hbm4b:s17+s3] =	stream.linear.scatter [tilespmem:s19], [sflag:$0x6], $0x80, $0x38;
	[tilespmem:$0x12800] =	vst v63  }
0x4d3: {  	s17 =	sadd.s32 s16, s18;
	s19 =	simm.s32 $0x11B40  }
0x4d4: {  	[hbm4b:s17+s3] =	stream.linear.scatter [tilespmem:s19], [sflag:$0x6], $0x80, $0x38;
	[tilespmem:$0x12800] =	vst v63  }
0x4d5: {  	s9 =	sadd.s32 $0x10, s17;
	s19 =	simm.s32 $0x11BC8  }
0x4d6: {  	[hbm4b:s9+s3] =	stream.linear.scatter [tilespmem:s19], [sflag:$0x6], $0x80, $0x38;
	[tilespmem:$0x12800] =	vst v63  }
0x4d7: {  	s9 =	sadd.s32 $0x20, s17;
	s19 =	simm.s32 $0x11C50  }
0x4d8: {  	[hbm4b:s9+s3] =	stream.linear.scatter [tilespmem:s19], [sflag:$0x6], $0x80, $0x38;
	[tilespmem:$0x12800] =	vst v63  }
0x4d9: {  	s9 =	sadd.s32 $0x30, s17;
	s19 =	simm.s32 $0x11CD8  }
0x4da: {  	[hbm4b:s9+s3] =	stream.linear.scatter [tilespmem:s19], [sflag:$0x6], $0x80, $0x38;
	[tilespmem:$0x12800] =	vst v63  }
0x4db: {  	s9 =	sadd.s32 $0x40, s17;
	s19 =	simm.s32 $0x11D60  }
0x4dc: {  	[hbm4b:s9+s3] =	stream.linear.scatter [tilespmem:s19], [sflag:$0x6], $0x80, $0x38;
	[tilespmem:$0x12800] =	vst v63  }
0x4dd: {  	s9 =	sadd.s32 $0x50, s17;
	s19 =	simm.s32 $0x11DE8  }
0x4de: {  	[hbm4b:s9+s3] =	stream.linear.scatter [tilespmem:s19], [sflag:$0x6], $0x80, $0x38;
	[tilespmem:$0x12800] =	vst v63  }
0x4df: {  	s18 =	sld [smem:$0x7FC];
	s9 =	sadd.s32 $0x60, s17;
	s19 =	simm.s32 $0x11E70  }
0x4e0: {  	[hbm4b:s9+s3] =	stream.linear.scatter [tilespmem:s19], [sflag:$0x6], $0x80, $0x38;
	[tilespmem:$0x12800] =	vst v63  }
0x4e1: {  	s17 =	sadd.s32 $0x70, s17;
	s19 =	simm.s32 $0x11EF8  }
0x4e2: {  	[hbm4b:s17+s3] =	stream.linear.scatter [tilespmem:s19], [sflag:$0x6], $0x80, $0x38;
	[tilespmem:$0x12800] =	vst v63  }
0x4e3: {  	s17 =	sadd.s32 s16, s18;
	s19 =	simm.s32 $0x11F80  }
0x4e4: {  	[hbm4b:s17+s3] =	stream.linear.scatter [tilespmem:s19], [sflag:$0x6], $0x80, $0x38;
	[tilespmem:$0x12800] =	vst v63  }
0x4e5: {  	s9 =	sadd.s32 $0x10, s17;
	s19 =	simm.s32 $0x12008  }
0x4e6: {  	[hbm4b:s9+s3] =	stream.linear.scatter [tilespmem:s19], [sflag:$0x6], $0x80, $0x38;
	[tilespmem:$0x12800] =	vst v63  }
0x4e7: {  	s9 =	sadd.s32 $0x20, s17;
	s19 =	simm.s32 $0x12090  }
0x4e8: {  	[hbm4b:s9+s3] =	stream.linear.scatter [tilespmem:s19], [sflag:$0x6], $0x80, $0x38;
	[tilespmem:$0x12800] =	vst v63  }
0x4e9: {  	s9 =	sadd.s32 $0x30, s17;
	s19 =	simm.s32 $0x12118  }
0x4ea: {  	[hbm4b:s9+s3] =	stream.linear.scatter [tilespmem:s19], [sflag:$0x6], $0x80, $0x38;
	[tilespmem:$0x12800] =	vst v63  }
0x4eb: {  	s9 =	sadd.s32 $0x40, s17;
	s19 =	simm.s32 $0x121A0  }
0x4ec: {  	[hbm4b:s9+s3] =	stream.linear.scatter [tilespmem:s19], [sflag:$0x6], $0x80, $0x38;
	[tilespmem:$0x12800] =	vst v63  }
0x4ed: {  	s9 =	sadd.s32 $0x50, s17;
	s19 =	simm.s32 $0x12228  }
0x4ee: {  	[hbm4b:s9+s3] =	stream.linear.scatter [tilespmem:s19], [sflag:$0x6], $0x80, $0x38;
	[tilespmem:$0x12800] =	vst v63  }
0x4ef: {  	s9 =	sadd.s32 $0x60, s17;
	s19 =	simm.s32 $0x122B0  }
0x4f0: {  	[hbm4b:s9+s3] =	stream.linear.scatter [tilespmem:s19], [sflag:$0x6], $0x80, $0x38;
	[tilespmem:$0x12800] =	vst v63  }
0x4f1: {  	s9 =	sld [smem:$0x7FD]  }
0x4f2: {  	s17 =	sadd.s32 $0x70, s17;
	s19 =	simm.s32 $0x12338  }
0x4f3: {  	[hbm4b:s17+s3] =	stream.linear.scatter [tilespmem:s19], [sflag:$0x6], $0x80, $0x38;
	[tilespmem:$0x12800] =	vst v63  }
0x4f4: {  	s18 =	simm.s32 $0x123C0;
	s16 =	sadd.s32 s16, s9  }
0x4f5: {  	[hbm4b:s16+s3] =	stream.linear.scatter [tilespmem:s18], [sflag:$0x6], $0x80, $0x38;
	[tilespmem:$0x12800] =	vst v63  }
0x4f6: {  	s19 =	simm.s32 $0x12448;
	s17 =	sadd.s32 $0x10, s16  }
0x4f7: {  	[hbm4b:s17+s3] =	stream.linear.scatter [tilespmem:s19], [sflag:$0x6], $0x80, $0x38;
	[tilespmem:$0x12800] =	vst v63  }
0x4f8: {  	s18 =	sadd.s32 $0x20, s16;
	s19 =	simm.s32 $0x124D0  }
0x4f9: {  	[hbm4b:s18+s3] =	stream.linear.scatter [tilespmem:s19], [sflag:$0x6], $0x80, $0x38;
	[tilespmem:$0x12800] =	vst v63  }
0x4fa: {  	s18 =	sadd.s32 $0x30, s16;
	s19 =	simm.s32 $0x12558  }
0x4fb: {  	[hbm4b:s18+s3] =	stream.linear.scatter [tilespmem:s19], [sflag:$0x6], $0x80, $0x38;
	[tilespmem:$0x12800] =	vst v63  }
0x4fc: {  	s18 =	sadd.s32 $0x40, s16;
	s19 =	simm.s32 $0x125E0  }
0x4fd: {  	[hbm4b:s18+s3] =	stream.linear.scatter [tilespmem:s19], [sflag:$0x6], $0x80, $0x38;
	[tilespmem:$0x12800] =	vst v63  }
0x4fe: {  	s18 =	sadd.s32 $0x50, s16;
	s19 =	simm.s32 $0x12668  }
0x4ff: {  	[hbm4b:s18+s3] =	stream.linear.scatter [tilespmem:s19], [sflag:$0x6], $0x80, $0x38;
	[tilespmem:$0x12800] =	vst v63  }
.Ltmp9:
0x500: {  	_ = 	snop;
	(pc) =	sbr.rel @p0 .LBB2_16-.Ltmp9, $4  }
0x501: {  	s9 =	sadd.s32 $0x60, s16;
	s18 =	simm.s32 $0x126F0  }
0x502: {  	[hbm4b:s9+s3] =	stream.linear.scatter [tilespmem:s18], [sflag:$0x6], $0x80, $0x38;
	[tilespmem:$0x12800] =	vst v63  }
0x503: {  	v51 =	vmov v25;
	v24 =	vmov v21;
	s16 =	sadd.s32 $0x70, s16;
	s19 =	simm.s32 $0x12778  }
0x504: {  	v27 =	vmovc v30;
	v22 =	vmovc v19;
	v54 =	vmov v6;
	v4 =	vmov v11;
	v2 =	vmov v7;
	[hbm4b:s16+s3] =	stream.linear.scatter [tilespmem:s19], [sflag:$0x6], $0x80, $0x38;
	[tilespmem:$0x12800] =	vst v63  }
0x505: {  	v6 =	vld [tilespmem:$0x1FE80]  }
0x506: {  	v8 =	vld [tilespmem:$0x1FE90]  }
.Ltmp10:
0x507: {  	v12 =	vld [tilespmem:$0x1FEA0];
	(pc) =	sbr.rel .LBB2_2-.Ltmp10, $4  }
0x508: {  	v16 =	vld [tilespmem:$0x1FEB0]  }
0x509: {  	s15 =	sshrl.u32 s15, $0x2;
	s16 =	simm.s32 $0x80;
	v7 =	vmov v49;
	v20 =	vld [tilespmem:$0x1FEC0]  }
0x50a: {  	s17 =	simm.s32 $0xC400;
	s14 =	sadd.s32 $0x1, s14;
	v9 =	vmovc v52;
	v10 =	vmovc v53;
	v11 =	vmov v54;
	v13 =	vmov v56;
	v14 =	vmov v57;
	v25 =	vld [tilespmem:$0x1FED0];
	s15 =	sadd.s32 $0x380, s15  }
0x50b: {  	v17 =	vmovc v59;
	v18 =	vmovc v60;
	v30 =	vmov v51;
	v5 =	vmov v61;
	v3 =	vld [tilespmem:$0x1FEE0];
	v29 =	vmov v28;
	[tilespmem:s17], [sflag:$0x4] =	stream.indirect.gather [hbm4b:s4+s16], $0x40, s15, s16, $0xb8  }
.LBB2_17:
0x50c: {  	_ =	sfence.sel $0x180000  }
0x50d: {  	[bflag:$0x0] =	sbarrier.arrive $0xFFFF  }
0x50e: {  	_ =	strace $0x90000047  }
0x50f: {  	s0 =	stileid.u32;
	[bflag:$0x2] =	sbarrier.arrive $0xFFFF  }
0x510: {  	p0 =	sne.s32 s0, $0x0;
	s0 =	rddreg [dreg:$0x2]  }
0x511: {  	s0 =	sadd.s32 @!p0 $0x100000, s0  }
0x512: {  	[sflag:s0] =	ssyncadd.tile.s32 @!p0 $0x1;
	_ =	shalt  }
.Lfunc_end2:
_tile_overlayer_lowered:
.L_overlay_start_2:
0x513: {  	(tag) =	ssettag $0x2  }
0x514: {  	s0 =	rddreg [dreg:$0x0];
	s2 =	stileid.u32  }
0x515: {  	s1 =	rddreg [dreg:$0x1];
	p0 =	sne.s32 s2, $0x0  }
0x516: {  	s3 =	rddreg [dreg:$0x2];
	[bflag:$0x3] =	sbarrier.arrive $0xFFFF;
	s2 =	simm.s32 @!p0 $0x1C07  }
0x517: {  	[timem:s3], [sflag:s2] =	dma.local @!p0 [hbm:s0], s1  }
0x518: {  	s0 =	simm.s32 @!p0 $0x7  }
0x519: {  	_ =	swait.ge @!p0 [sflag:s0], s1  }
0x51a: {  	s1 =	ssub.s32 @!p0 $0x0, s1;
	[sflag:s0] =	ssyncset.done @!p0 $0x0  }
0x51b: {  	[sflag:s0] =	ssyncadd.s32 @!p0 s1  }
0x51c: {  	[bflag:$0x3] =	sbarrier.arrive $0xFFFF  }
0x51d: {  	_ =	shalt  }

</sc_bundles>
